<compile_context>
chip_gen: v7x
topology: tpu7x:2x2x1
jax: 0.10.2.dev20260603
libtpu: 0.0.44.dev20260713+nightly
codegen_flags: <defaults>
</compile_context>

<pallas_src>
import jax
import jax.numpy as jnp
from jax import lax
from jax.experimental import pallas as pl
from jax.experimental.pallas import tpu as pltpu
from jax.experimental.pallas import tpu_sc as plsc

VOCAB = 1000000
BATCH = 16384
NFEAT = 100

NC = 2
NS = 16
L = 16
NW = NC * NS

ROWS_W = BATCH // NW
ELEMS_W = ROWS_W * NFEAT
CHUNK_ELEMS = 6400
NCHUNK = ELEMS_W // CHUNK_ELEMS
EX_CHUNK = CHUNK_ELEMS // NFEAT
NGRP = EX_CHUNK // L

STAGE_SUB = 8000
STAGE_TOT = VOCAB // STAGE_SUB
STAGE_PER = -(-STAGE_TOT // NS)


def _wide_sc(emb, idx2, val, bias16, out, tab_sh, idx_v, val_v, gat_v, stg_v,
             bias_v, out_v, sem0, sem1, sem2, sem3, sem4):
    c = lax.axis_index("c")
    s = lax.axis_index("s")
    w = s * NC + c
    sems = (sem0, sem1)
    ssems = (sem2, sem3)

    def load_descs(ch):
        b = ch % 2
        e0 = w * ELEMS_W + ch * CHUNK_ELEMS
        d = pl.ds(b * CHUNK_ELEMS, CHUNK_ELEMS)
        return (
            pltpu.make_async_copy(idx2.at[pl.ds(e0, CHUNK_ELEMS)],
                                  idx_v.at[d], sem4),
            pltpu.make_async_copy(val.at[pl.ds(e0, CHUNK_ELEMS)],
                                  val_v.at[d], sem4),
        )

    def load(ch):
        for dsc in load_descs(ch):
            dsc.start()
            dsc.wait()

    def xfer(ch):
        b = ch % 2
        d = pl.ds(b * CHUNK_ELEMS, CHUNK_ELEMS)
        return pltpu.make_async_copy(tab_sh.at[idx_v.at[d]], gat_v.at[d],
                                     sems[b])

    def strd(q):
        g = q * NS + s
        o = pl.multiple_of(g * STAGE_SUB, 8)
        d = pl.ds((q % 2) * STAGE_SUB, STAGE_SUB)
        return pltpu.make_async_copy(emb.at[pl.ds(o, STAGE_SUB)],
                                     stg_v.at[d], ssems[q % 2])

    def _if_staging(q, fn):
        if q * NS >= STAGE_TOT:
            return

        @pl.when(q * NS + s < STAGE_TOT)
        def _():
            fn()

    pre0, pre1 = load_descs(0)
    pre0.start()
    pre1.start()

    _if_staging(0, lambda: strd(0).start())
    _if_staging(1, lambda: strd(1).start())
    for q in range(STAGE_PER):
        g = q * NS + s

        def _step(q=q, g=g):
            strd(q).wait()
            o = pl.multiple_of(g * STAGE_SUB, 8)
            d = pl.ds((q % 2) * STAGE_SUB, STAGE_SUB)
            pltpu.sync_copy(stg_v.at[d], tab_sh.at[pl.ds(o, STAGE_SUB)])

        _if_staging(q, _step)
        if q + 2 < STAGE_PER:
            _if_staging(q + 2, lambda q=q: strd(q + 2).start())

    pltpu.sync_copy(bias16, bias_v)
    plsc.subcore_barrier()

    bias_vec = bias_v[...]
    iota = lax.iota(jnp.int32, L)

    pre0.wait()
    pre1.wait()
    xfer(0).start()
    for ch in range(NCHUNK):
        b = ch % 2
        if ch + 1 < NCHUNK:
            load(ch + 1)
            xfer(ch + 1).start()
        xfer(ch).wait()

        for g in range(NGRP):
            ibase = iota * NFEAT + (g * L * NFEAT) + b * CHUNK_ELEMS

            def body(f, acc, ibase=ibase):
                iv = ibase + f
                gv = plsc.load_gather(gat_v, [iv])
                vv = plsc.load_gather(val_v, [iv])
                return acc + gv * vv

            acc = lax.fori_loop(0, NFEAT, body, bias_vec, unroll=5)
            out_v[pl.ds((ch * NGRP + g) * L, L)] = acc

    pltpu.sync_copy(out_v, out.at[pl.ds(w * ROWS_W, ROWS_W)])


def kernel(index, field, value, emb_table, bias):
    del field
    idx2 = index.reshape(BATCH * NFEAT)
    valf = value.reshape(BATCH * NFEAT)
    embf = emb_table.reshape(VOCAB)
    bias16 = jnp.broadcast_to(bias, (L,))

    mesh = plsc.VectorSubcoreMesh(core_axis_name="c", subcore_axis_name="s")
    k = pl.kernel(
        _wide_sc,
        out_type=jax.ShapeDtypeStruct((BATCH,), jnp.float32),
        mesh=mesh,
        compiler_params=pltpu.CompilerParams(needs_layout_passes=False),
        scratch_types=[
            pltpu.VMEM_SHARED((VOCAB,), jnp.float32),
            pltpu.VMEM((2 * CHUNK_ELEMS,), jnp.int32),
            pltpu.VMEM((2 * CHUNK_ELEMS,), jnp.float32),
            pltpu.VMEM((2 * CHUNK_ELEMS,), jnp.float32),
            pltpu.VMEM((2 * STAGE_SUB,), jnp.float32),
            pltpu.VMEM((L,), jnp.float32),
            pltpu.VMEM((ROWS_W,), jnp.float32),
            pltpu.SemaphoreType.DMA,
            pltpu.SemaphoreType.DMA,
            pltpu.SemaphoreType.DMA,
            pltpu.SemaphoreType.DMA,
            pltpu.SemaphoreType.DMA,
        ],
    )
    outf = k(embf, idx2, valf, bias16)
    return outf.reshape(BATCH, 1)

# --- scband reference (transcript-rebuilt; emitter-appended) ---
"""Pipeline reference for scband-wide-72404558676740 (READ-ONLY COPY).

The authoritative reference and input builder live on the scoring server;
editing this copy changes nothing except your own understanding.
"""

import jax, jax.numpy as jnp
import numpy as np

VOCAB = 1000000
BATCH = 16384
NFEAT = 100
NUM_FIELDS = 100

def setup_inputs(seed: int = 0) -> dict:
    key = jax.random.key(seed)
    k1, k2, k3, k4 = jax.random.split(key, 4)
    index = jax.random.randint(k1, (BATCH, NFEAT), 0, VOCAB, dtype=jnp.int64 if jax.config.jax_enable_x64 else jnp.int32).astype(jnp.int32)
    field = jax.random.randint(k2, (BATCH, NFEAT), 0, NUM_FIELDS, dtype=jnp.int32)
    value = jax.random.uniform(k3, (BATCH, NFEAT), dtype=jnp.float32)
    emb_table = jax.random.normal(k4, (VOCAB, 1), dtype=jnp.float32) * 0.01
    bias = jnp.zeros((1,), dtype=jnp.float32)
    return {"index": index, "field": field, "value": value, "emb_table": emb_table, "bias": bias}

def reference(index, field, value, emb_table, bias):
    # Wide.call with sparse_to_dense=True, use_fm_first_order=False, use_wide_val=True
    # x = self.emb(indexes) -> [B, F, 1]; hash embedding with need_mod -> mod indices into table
    idx = jnp.mod(index, emb_table.shape[0])
    x = jnp.take(emb_table, idx, axis=0)          # gather: [B, F, 1]
    x = jnp.squeeze(x, -1)                         # [B, F]
    x = x * value                                  # weight by feature values
    x = jnp.sum(x, axis=1, keepdims=True)          # [B, 1]
    x = x + bias                                   # add scalar bias
    return x

if __name__ == "__main__":
    import jax
    _d = setup_inputs()
    print(jax.jit(kernel)(*tuple(_d.values())))

</pallas_src>

<mosaic_0001>
#map = affine_map<(d0, d1) -> (0)>
module attributes {stable_mosaic.version = 14 : i64} {
  func.func @_wide_sc(%arg0: i32, %arg1: i32, %arg2: memref<1000000xf32, #tpu.memory_space<hbm>>, %arg3: memref<1638400xi32, #tpu.memory_space<hbm>>, %arg4: memref<1638400xf32, #tpu.memory_space<hbm>>, %arg5: memref<16xf32, #tpu.memory_space<hbm>>, %arg6: memref<16384xf32, #tpu.memory_space<hbm>>, %arg7: memref<1000000xf32, #tpu.memory_space<vmem_shared>>, %arg8: memref<12800xi32, #tpu.memory_space<vmem>>, %arg9: memref<12800xf32, #tpu.memory_space<vmem>>, %arg10: memref<12800xf32, #tpu.memory_space<vmem>>, %arg11: memref<16000xf32, #tpu.memory_space<vmem>>, %arg12: memref<16xf32, #tpu.memory_space<vmem>>, %arg13: memref<512xf32, #tpu.memory_space<vmem>>, %arg14: memref<!tpu.dma_semaphore, #tpu.memory_space<semaphore_mem>>, %arg15: memref<!tpu.dma_semaphore, #tpu.memory_space<semaphore_mem>>, %arg16: memref<!tpu.dma_semaphore, #tpu.memory_space<semaphore_mem>>, %arg17: memref<!tpu.dma_semaphore, #tpu.memory_space<semaphore_mem>>, %arg18: memref<!tpu.dma_semaphore, #tpu.memory_space<semaphore_mem>>) attributes {dimension_semantics = [#tpu.dimension_semantics<core_parallel>, #tpu.dimension_semantics<subcore_parallel>], iteration_bounds = array<i64: 2, 16>, scalar_prefetch = 0 : i64, scratch_operands = 12 : i64, tpu.core_type = #tpu.core_type<sc_vector_subcore>, window_params = [{transform_indices = #map}, {transform_indices = #map}, {transform_indices = #map}, {transform_indices = #map}, {transform_indices = #map}]} {
    %mul3A = arith.constant 2 : i32
    %mul3A_0 = arith.muli %arg1, %mul3A : i32
    %add3A = arith.addi %mul3A_0, %arg0 : i32
    %mul3A_1 = arith.constant 51200 : i32
    %mul3A_2 = arith.muli %add3A, %mul3A_1 : i32
    %add3A_3 = arith.constant 0 : i32
    %add3A_4 = arith.addi %mul3A_2, %add3A_3 : i32
    %dma_start3A = arith.constant 0 : i32
    %dma_start3A_5 = tpu.memref_slice %arg8[%dma_start3A] : memref<12800xi32, #tpu.memory_space<vmem>> -> memref<6400xi32, #tpu.memory_space<vmem>>
    %dma_start3A_6 = tpu.memref_slice %arg3[%add3A_4] : memref<1638400xi32, #tpu.memory_space<hbm>> -> memref<6400xi32, #tpu.memory_space<hbm>>
    %dma_start3A_7 = arith.constant 0 : i32
    %dma_start3A_8 = tpu.memref_slice %arg8[%dma_start3A_7] : memref<12800xi32, #tpu.memory_space<vmem>> -> memref<6400xi32, #tpu.memory_space<vmem>>
    %dma_start3A_9 = tpu.memref_slice %arg3[%add3A_4] : memref<1638400xi32, #tpu.memory_space<hbm>> -> memref<6400xi32, #tpu.memory_space<hbm>>
    tpu.enqueue_dma source(%dma_start3A_9 : memref<6400xi32, #tpu.memory_space<hbm>>) target(%dma_start3A_8 : memref<6400xi32, #tpu.memory_space<vmem>>) target_semaphore(%arg18 : memref<!tpu.dma_semaphore, #tpu.memory_space<semaphore_mem>>)
    %dma_start3A_10 = arith.constant 0 : i32
    %dma_start3A_11 = tpu.memref_slice %arg9[%dma_start3A_10] : memref<12800xf32, #tpu.memory_space<vmem>> -> memref<6400xf32, #tpu.memory_space<vmem>>
    %dma_start3A_12 = tpu.memref_slice %arg4[%add3A_4] : memref<1638400xf32, #tpu.memory_space<hbm>> -> memref<6400xf32, #tpu.memory_space<hbm>>
    %dma_start3A_13 = arith.constant 0 : i32
    %dma_start3A_14 = tpu.memref_slice %arg9[%dma_start3A_13] : memref<12800xf32, #tpu.memory_space<vmem>> -> memref<6400xf32, #tpu.memory_space<vmem>>
    %dma_start3A_15 = tpu.memref_slice %arg4[%add3A_4] : memref<1638400xf32, #tpu.memory_space<hbm>> -> memref<6400xf32, #tpu.memory_space<hbm>>
    tpu.enqueue_dma source(%dma_start3A_15 : memref<6400xf32, #tpu.memory_space<hbm>>) target(%dma_start3A_14 : memref<6400xf32, #tpu.memory_space<vmem>>) target_semaphore(%arg18 : memref<!tpu.dma_semaphore, #tpu.memory_space<semaphore_mem>>)
    %add3A_16 = arith.constant 0 : i32
    %add3A_17 = arith.addi %add3A_16, %arg1 : i32
    %lt3A = arith.constant 125 : i32
    %lt3A_18 = arith.cmpi slt, %add3A_17, %lt3A : i32
    %convert_element_type3A = arith.extui %lt3A_18 : i1 to i32
    %cond3A = arith.constant 0 : i32
    %cond3A_19 = arith.cmpi ne, %convert_element_type3A, %cond3A : i32
    scf.if %cond3A_19 {
      %add3A_989 = arith.constant 0 : i32
      %add3A_990 = arith.addi %add3A_989, %arg1 : i32
      %mul3A_991 = arith.constant 8000 : i32
      %mul3A_992 = arith.muli %add3A_990, %mul3A_991 : i32
      %multiple_of3A = tpu.assume_multiple %mul3A_992, 8 : i32
      %dma_start3A_993 = arith.constant 0 : i32
      %dma_start3A_994 = tpu.memref_slice %arg11[%dma_start3A_993] : memref<16000xf32, #tpu.memory_space<vmem>> -> memref<8000xf32, #tpu.memory_space<vmem>>
      %dma_start3A_995 = tpu.memref_slice %arg2[%multiple_of3A] : memref<1000000xf32, #tpu.memory_space<hbm>> -> memref<8000xf32, #tpu.memory_space<hbm>>
      %dma_start3A_996 = arith.constant 0 : i32
      %dma_start3A_997 = tpu.memref_slice %arg11[%dma_start3A_996] : memref<16000xf32, #tpu.memory_space<vmem>> -> memref<8000xf32, #tpu.memory_space<vmem>>
      %dma_start3A_998 = tpu.memref_slice %arg2[%multiple_of3A] : memref<1000000xf32, #tpu.memory_space<hbm>> -> memref<8000xf32, #tpu.memory_space<hbm>>
      tpu.enqueue_dma source(%dma_start3A_998 : memref<8000xf32, #tpu.memory_space<hbm>>) target(%dma_start3A_997 : memref<8000xf32, #tpu.memory_space<vmem>>) target_semaphore(%arg16 : memref<!tpu.dma_semaphore, #tpu.memory_space<semaphore_mem>>)
    } else {
    }
    %add3A_20 = arith.constant 16 : i32
    %add3A_21 = arith.addi %add3A_20, %arg1 : i32
    %lt3A_22 = arith.constant 125 : i32
    %lt3A_23 = arith.cmpi slt, %add3A_21, %lt3A_22 : i32
    %convert_element_type3A_24 = arith.extui %lt3A_23 : i1 to i32
    %cond3A_25 = arith.constant 0 : i32
    %cond3A_26 = arith.cmpi ne, %convert_element_type3A_24, %cond3A_25 : i32
    scf.if %cond3A_26 {
      %add3A_989 = arith.constant 16 : i32
      %add3A_990 = arith.addi %add3A_989, %arg1 : i32
      %mul3A_991 = arith.constant 8000 : i32
      %mul3A_992 = arith.muli %add3A_990, %mul3A_991 : i32
      %multiple_of3A = tpu.assume_multiple %mul3A_992, 8 : i32
      %dma_start3A_993 = arith.constant 8000 : i32
      %dma_start3A_994 = tpu.memref_slice %arg11[%dma_start3A_993] : memref<16000xf32, #tpu.memory_space<vmem>> -> memref<8000xf32, #tpu.memory_space<vmem>>
      %dma_start3A_995 = tpu.memref_slice %arg2[%multiple_of3A] : memref<1000000xf32, #tpu.memory_space<hbm>> -> memref<8000xf32, #tpu.memory_space<hbm>>
      %dma_start3A_996 = arith.constant 8000 : i32
      %dma_start3A_997 = tpu.memref_slice %arg11[%dma_start3A_996] : memref<16000xf32, #tpu.memory_space<vmem>> -> memref<8000xf32, #tpu.memory_space<vmem>>
      %dma_start3A_998 = tpu.memref_slice %arg2[%multiple_of3A] : memref<1000000xf32, #tpu.memory_space<hbm>> -> memref<8000xf32, #tpu.memory_space<hbm>>
      tpu.enqueue_dma source(%dma_start3A_998 : memref<8000xf32, #tpu.memory_space<hbm>>) target(%dma_start3A_997 : memref<8000xf32, #tpu.memory_space<vmem>>) target_semaphore(%arg17 : memref<!tpu.dma_semaphore, #tpu.memory_space<semaphore_mem>>)
    } else {
    }
    %add3A_27 = arith.constant 0 : i32
    %add3A_28 = arith.addi %add3A_27, %arg1 : i32
    %add3A_29 = arith.constant 0 : i32
    %add3A_30 = arith.addi %add3A_29, %arg1 : i32
    %lt3A_31 = arith.constant 125 : i32
    %lt3A_32 = arith.cmpi slt, %add3A_30, %lt3A_31 : i32
    %convert_element_type3A_33 = arith.extui %lt3A_32 : i1 to i32
    %cond3A_34 = arith.constant 0 : i32
    %cond3A_35 = arith.cmpi ne, %convert_element_type3A_33, %cond3A_34 : i32
    scf.if %cond3A_35 {
      %add3A_989 = arith.constant 0 : i32
      %add3A_990 = arith.addi %add3A_989, %arg1 : i32
      %mul3A_991 = arith.constant 8000 : i32
      %mul3A_992 = arith.muli %add3A_990, %mul3A_991 : i32
      %multiple_of3A = tpu.assume_multiple %mul3A_992, 8 : i32
      %dma_wait3A_993 = arith.constant 0 : i32
      %dma_wait3A_994 = tpu.memref_slice %arg11[%dma_wait3A_993] : memref<16000xf32, #tpu.memory_space<vmem>> -> memref<8000xf32, #tpu.memory_space<vmem>>
      %dma_wait3A_995 = tpu.memref_slice %arg2[%multiple_of3A] : memref<1000000xf32, #tpu.memory_space<hbm>> -> memref<8000xf32, #tpu.memory_space<hbm>>
      %dma_wait3A_996 = arith.constant 0 : i32
      %dma_wait3A_997 = tpu.memref_slice %arg11[%dma_wait3A_996] : memref<16000xf32, #tpu.memory_space<vmem>> -> memref<8000xf32, #tpu.memory_space<vmem>>
      %dma_wait3A_998 = tpu.memref_slice %arg2[%multiple_of3A] : memref<1000000xf32, #tpu.memory_space<hbm>> -> memref<8000xf32, #tpu.memory_space<hbm>>
      tpu.wait_dma2 semaphore(%arg16 : memref<!tpu.dma_semaphore, #tpu.memory_space<semaphore_mem>>) src(%dma_wait3A_998 : memref<8000xf32, #tpu.memory_space<hbm>>) dst(%dma_wait3A_997 : memref<8000xf32, #tpu.memory_space<vmem>>)
      %mul3A_999 = arith.constant 8000 : i32
      %mul3A_1000 = arith.muli %add3A_28, %mul3A_999 : i32
      %multiple_of3A_1001 = tpu.assume_multiple %mul3A_1000, 8 : i32
      "tpu.region"() ({
        %run_scoped3A = tpu.sem_alloc : memref<!tpu.dma_semaphore, #tpu.memory_space<semaphore_mem>>
        %dma_start3A_1002 = arith.constant 0 : i32
        %dma_start3A_1003 = tpu.memref_slice %arg11[%dma_start3A_1002] : memref<16000xf32, #tpu.memory_space<vmem>> -> memref<8000xf32, #tpu.memory_space<vmem>>
        %dma_start3A_1004 = tpu.memref_slice %arg7[%multiple_of3A_1001] : memref<1000000xf32, #tpu.memory_space<vmem_shared>> -> memref<8000xf32, #tpu.memory_space<vmem_shared>>
        %dma_start3A_1005 = tpu.memref_slice %arg7[%multiple_of3A_1001] : memref<1000000xf32, #tpu.memory_space<vmem_shared>> -> memref<8000xf32, #tpu.memory_space<vmem_shared>>
        %dma_start3A_1006 = arith.constant 0 : i32
        %dma_start3A_1007 = tpu.memref_slice %arg11[%dma_start3A_1006] : memref<16000xf32, #tpu.memory_space<vmem>> -> memref<8000xf32, #tpu.memory_space<vmem>>
        tpu.enqueue_dma source(%dma_start3A_1007 : memref<8000xf32, #tpu.memory_space<vmem>>) target(%dma_start3A_1005 : memref<8000xf32, #tpu.memory_space<vmem_shared>>) target_semaphore(%run_scoped3A : memref<!tpu.dma_semaphore, #tpu.memory_space<semaphore_mem>>)
        %dma_wait3A_1008 = arith.constant 0 : i32
        %dma_wait3A_1009 = tpu.memref_slice %arg11[%dma_wait3A_1008] : memref<16000xf32, #tpu.memory_space<vmem>> -> memref<8000xf32, #tpu.memory_space<vmem>>
        %dma_wait3A_1010 = tpu.memref_slice %arg7[%multiple_of3A_1001] : memref<1000000xf32, #tpu.memory_space<vmem_shared>> -> memref<8000xf32, #tpu.memory_space<vmem_shared>>
        %dma_wait3A_1011 = tpu.memref_slice %arg7[%multiple_of3A_1001] : memref<1000000xf32, #tpu.memory_space<vmem_shared>> -> memref<8000xf32, #tpu.memory_space<vmem_shared>>
        %dma_wait3A_1012 = arith.constant 0 : i32
        %dma_wait3A_1013 = tpu.memref_slice %arg11[%dma_wait3A_1012] : memref<16000xf32, #tpu.memory_space<vmem>> -> memref<8000xf32, #tpu.memory_space<vmem>>
        tpu.wait_dma2 semaphore(%run_scoped3A : memref<!tpu.dma_semaphore, #tpu.memory_space<semaphore_mem>>) src(%dma_wait3A_1013 : memref<8000xf32, #tpu.memory_space<vmem>>) dst(%dma_wait3A_1011 : memref<8000xf32, #tpu.memory_space<vmem_shared>>)
        tpu.yield
      }) : () -> ()
    } else {
    }
    %add3A_36 = arith.constant 32 : i32
    %add3A_37 = arith.addi %add3A_36, %arg1 : i32
    %lt3A_38 = arith.constant 125 : i32
    %lt3A_39 = arith.cmpi slt, %add3A_37, %lt3A_38 : i32
    %convert_element_type3A_40 = arith.extui %lt3A_39 : i1 to i32
    %cond3A_41 = arith.constant 0 : i32
    %cond3A_42 = arith.cmpi ne, %convert_element_type3A_40, %cond3A_41 : i32
    scf.if %cond3A_42 {
      %add3A_989 = arith.constant 32 : i32
      %add3A_990 = arith.addi %add3A_989, %arg1 : i32
      %mul3A_991 = arith.constant 8000 : i32
      %mul3A_992 = arith.muli %add3A_990, %mul3A_991 : i32
      %multiple_of3A = tpu.assume_multiple %mul3A_992, 8 : i32
      %dma_start3A_993 = arith.constant 0 : i32
      %dma_start3A_994 = tpu.memref_slice %arg11[%dma_start3A_993] : memref<16000xf32, #tpu.memory_space<vmem>> -> memref<8000xf32, #tpu.memory_space<vmem>>
      %dma_start3A_995 = tpu.memref_slice %arg2[%multiple_of3A] : memref<1000000xf32, #tpu.memory_space<hbm>> -> memref<8000xf32, #tpu.memory_space<hbm>>
      %dma_start3A_996 = arith.constant 0 : i32
      %dma_start3A_997 = tpu.memref_slice %arg11[%dma_start3A_996] : memref<16000xf32, #tpu.memory_space<vmem>> -> memref<8000xf32, #tpu.memory_space<vmem>>
      %dma_start3A_998 = tpu.memref_slice %arg2[%multiple_of3A] : memref<1000000xf32, #tpu.memory_space<hbm>> -> memref<8000xf32, #tpu.memory_space<hbm>>
      tpu.enqueue_dma source(%dma_start3A_998 : memref<8000xf32, #tpu.memory_space<hbm>>) target(%dma_start3A_997 : memref<8000xf32, #tpu.memory_space<vmem>>) target_semaphore(%arg16 : memref<!tpu.dma_semaphore, #tpu.memory_space<semaphore_mem>>)
    } else {
    }
    %add3A_43 = arith.constant 16 : i32
    %add3A_44 = arith.addi %add3A_43, %arg1 : i32
    %add3A_45 = arith.constant 16 : i32
    %add3A_46 = arith.addi %add3A_45, %arg1 : i32
    %lt3A_47 = arith.constant 125 : i32
    %lt3A_48 = arith.cmpi slt, %add3A_46, %lt3A_47 : i32
    %convert_element_type3A_49 = arith.extui %lt3A_48 : i1 to i32
    %cond3A_50 = arith.constant 0 : i32
    %cond3A_51 = arith.cmpi ne, %convert_element_type3A_49, %cond3A_50 : i32
    scf.if %cond3A_51 {
      %add3A_989 = arith.constant 16 : i32
      %add3A_990 = arith.addi %add3A_989, %arg1 : i32
      %mul3A_991 = arith.constant 8000 : i32
      %mul3A_992 = arith.muli %add3A_990, %mul3A_991 : i32
      %multiple_of3A = tpu.assume_multiple %mul3A_992, 8 : i32
      %dma_wait3A_993 = arith.constant 8000 : i32
      %dma_wait3A_994 = tpu.memref_slice %arg11[%dma_wait3A_993] : memref<16000xf32, #tpu.memory_space<vmem>> -> memref<8000xf32, #tpu.memory_space<vmem>>
      %dma_wait3A_995 = tpu.memref_slice %arg2[%multiple_of3A] : memref<1000000xf32, #tpu.memory_space<hbm>> -> memref<8000xf32, #tpu.memory_space<hbm>>
      %dma_wait3A_996 = arith.constant 8000 : i32
      %dma_wait3A_997 = tpu.memref_slice %arg11[%dma_wait3A_996] : memref<16000xf32, #tpu.memory_space<vmem>> -> memref<8000xf32, #tpu.memory_space<vmem>>
      %dma_wait3A_998 = tpu.memref_slice %arg2[%multiple_of3A] : memref<1000000xf32, #tpu.memory_space<hbm>> -> memref<8000xf32, #tpu.memory_space<hbm>>
      tpu.wait_dma2 semaphore(%arg17 : memref<!tpu.dma_semaphore, #tpu.memory_space<semaphore_mem>>) src(%dma_wait3A_998 : memref<8000xf32, #tpu.memory_space<hbm>>) dst(%dma_wait3A_997 : memref<8000xf32, #tpu.memory_space<vmem>>)
      %mul3A_999 = arith.constant 8000 : i32
      %mul3A_1000 = arith.muli %add3A_44, %mul3A_999 : i32
      %multiple_of3A_1001 = tpu.assume_multiple %mul3A_1000, 8 : i32
      "tpu.region"() ({
        %run_scoped3A = tpu.sem_alloc : memref<!tpu.dma_semaphore, #tpu.memory_space<semaphore_mem>>
        %dma_start3A_1002 = arith.constant 8000 : i32
        %dma_start3A_1003 = tpu.memref_slice %arg11[%dma_start3A_1002] : memref<16000xf32, #tpu.memory_space<vmem>> -> memref<8000xf32, #tpu.memory_space<vmem>>
        %dma_start3A_1004 = tpu.memref_slice %arg7[%multiple_of3A_1001] : memref<1000000xf32, #tpu.memory_space<vmem_shared>> -> memref<8000xf32, #tpu.memory_space<vmem_shared>>
        %dma_start3A_1005 = tpu.memref_slice %arg7[%multiple_of3A_1001] : memref<1000000xf32, #tpu.memory_space<vmem_shared>> -> memref<8000xf32, #tpu.memory_space<vmem_shared>>
        %dma_start3A_1006 = arith.constant 8000 : i32
        %dma_start3A_1007 = tpu.memref_slice %arg11[%dma_start3A_1006] : memref<16000xf32, #tpu.memory_space<vmem>> -> memref<8000xf32, #tpu.memory_space<vmem>>
        tpu.enqueue_dma source(%dma_start3A_1007 : memref<8000xf32, #tpu.memory_space<vmem>>) target(%dma_start3A_1005 : memref<8000xf32, #tpu.memory_space<vmem_shared>>) target_semaphore(%run_scoped3A : memref<!tpu.dma_semaphore, #tpu.memory_space<semaphore_mem>>)
        %dma_wait3A_1008 = arith.constant 8000 : i32
        %dma_wait3A_1009 = tpu.memref_slice %arg11[%dma_wait3A_1008] : memref<16000xf32, #tpu.memory_space<vmem>> -> memref<8000xf32, #tpu.memory_space<vmem>>
        %dma_wait3A_1010 = tpu.memref_slice %arg7[%multiple_of3A_1001] : memref<1000000xf32, #tpu.memory_space<vmem_shared>> -> memref<8000xf32, #tpu.memory_space<vmem_shared>>
        %dma_wait3A_1011 = tpu.memref_slice %arg7[%multiple_of3A_1001] : memref<1000000xf32, #tpu.memory_space<vmem_shared>> -> memref<8000xf32, #tpu.memory_space<vmem_shared>>
        %dma_wait3A_1012 = arith.constant 8000 : i32
        %dma_wait3A_1013 = tpu.memref_slice %arg11[%dma_wait3A_1012] : memref<16000xf32, #tpu.memory_space<vmem>> -> memref<8000xf32, #tpu.memory_space<vmem>>
        tpu.wait_dma2 semaphore(%run_scoped3A : memref<!tpu.dma_semaphore, #tpu.memory_space<semaphore_mem>>) src(%dma_wait3A_1013 : memref<8000xf32, #tpu.memory_space<vmem>>) dst(%dma_wait3A_1011 : memref<8000xf32, #tpu.memory_space<vmem_shared>>)
        tpu.yield
      }) : () -> ()
    } else {
    }
    %add3A_52 = arith.constant 48 : i32
    %add3A_53 = arith.addi %add3A_52, %arg1 : i32
    %lt3A_54 = arith.constant 125 : i32
    %lt3A_55 = arith.cmpi slt, %add3A_53, %lt3A_54 : i32
    %convert_element_type3A_56 = arith.extui %lt3A_55 : i1 to i32
    %cond3A_57 = arith.constant 0 : i32
    %cond3A_58 = arith.cmpi ne, %convert_element_type3A_56, %cond3A_57 : i32
    scf.if %cond3A_58 {
      %add3A_989 = arith.constant 48 : i32
      %add3A_990 = arith.addi %add3A_989, %arg1 : i32
      %mul3A_991 = arith.constant 8000 : i32
      %mul3A_992 = arith.muli %add3A_990, %mul3A_991 : i32
      %multiple_of3A = tpu.assume_multiple %mul3A_992, 8 : i32
      %dma_start3A_993 = arith.constant 8000 : i32
      %dma_start3A_994 = tpu.memref_slice %arg11[%dma_start3A_993] : memref<16000xf32, #tpu.memory_space<vmem>> -> memref<8000xf32, #tpu.memory_space<vmem>>
      %dma_start3A_995 = tpu.memref_slice %arg2[%multiple_of3A] : memref<1000000xf32, #tpu.memory_space<hbm>> -> memref<8000xf32, #tpu.memory_space<hbm>>
      %dma_start3A_996 = arith.constant 8000 : i32
      %dma_start3A_997 = tpu.memref_slice %arg11[%dma_start3A_996] : memref<16000xf32, #tpu.memory_space<vmem>> -> memref<8000xf32, #tpu.memory_space<vmem>>
      %dma_start3A_998 = tpu.memref_slice %arg2[%multiple_of3A] : memref<1000000xf32, #tpu.memory_space<hbm>> -> memref<8000xf32, #tpu.memory_space<hbm>>
      tpu.enqueue_dma source(%dma_start3A_998 : memref<8000xf32, #tpu.memory_space<hbm>>) target(%dma_start3A_997 : memref<8000xf32, #tpu.memory_space<vmem>>) target_semaphore(%arg17 : memref<!tpu.dma_semaphore, #tpu.memory_space<semaphore_mem>>)
    } else {
    }
    %add3A_59 = arith.constant 32 : i32
    %add3A_60 = arith.addi %add3A_59, %arg1 : i32
    %add3A_61 = arith.constant 32 : i32
    %add3A_62 = arith.addi %add3A_61, %arg1 : i32
    %lt3A_63 = arith.constant 125 : i32
    %lt3A_64 = arith.cmpi slt, %add3A_62, %lt3A_63 : i32
    %convert_element_type3A_65 = arith.extui %lt3A_64 : i1 to i32
    %cond3A_66 = arith.constant 0 : i32
    %cond3A_67 = arith.cmpi ne, %convert_element_type3A_65, %cond3A_66 : i32
    scf.if %cond3A_67 {
      %add3A_989 = arith.constant 32 : i32
      %add3A_990 = arith.addi %add3A_989, %arg1 : i32
      %mul3A_991 = arith.constant 8000 : i32
      %mul3A_992 = arith.muli %add3A_990, %mul3A_991 : i32
      %multiple_of3A = tpu.assume_multiple %mul3A_992, 8 : i32
      %dma_wait3A_993 = arith.constant 0 : i32
      %dma_wait3A_994 = tpu.memref_slice %arg11[%dma_wait3A_993] : memref<16000xf32, #tpu.memory_space<vmem>> -> memref<8000xf32, #tpu.memory_space<vmem>>
      %dma_wait3A_995 = tpu.memref_slice %arg2[%multiple_of3A] : memref<1000000xf32, #tpu.memory_space<hbm>> -> memref<8000xf32, #tpu.memory_space<hbm>>
      %dma_wait3A_996 = arith.constant 0 : i32
      %dma_wait3A_997 = tpu.memref_slice %arg11[%dma_wait3A_996] : memref<16000xf32, #tpu.memory_space<vmem>> -> memref<8000xf32, #tpu.memory_space<vmem>>
      %dma_wait3A_998 = tpu.memref_slice %arg2[%multiple_of3A] : memref<1000000xf32, #tpu.memory_space<hbm>> -> memref<8000xf32, #tpu.memory_space<hbm>>
      tpu.wait_dma2 semaphore(%arg16 : memref<!tpu.dma_semaphore, #tpu.memory_space<semaphore_mem>>) src(%dma_wait3A_998 : memref<8000xf32, #tpu.memory_space<hbm>>) dst(%dma_wait3A_997 : memref<8000xf32, #tpu.memory_space<vmem>>)
      %mul3A_999 = arith.constant 8000 : i32
      %mul3A_1000 = arith.muli %add3A_60, %mul3A_999 : i32
      %multiple_of3A_1001 = tpu.assume_multiple %mul3A_1000, 8 : i32
      "tpu.region"() ({
        %run_scoped3A = tpu.sem_alloc : memref<!tpu.dma_semaphore, #tpu.memory_space<semaphore_mem>>
        %dma_start3A_1002 = arith.constant 0 : i32
        %dma_start3A_1003 = tpu.memref_slice %arg11[%dma_start3A_1002] : memref<16000xf32, #tpu.memory_space<vmem>> -> memref<8000xf32, #tpu.memory_space<vmem>>
        %dma_start3A_1004 = tpu.memref_slice %arg7[%multiple_of3A_1001] : memref<1000000xf32, #tpu.memory_space<vmem_shared>> -> memref<8000xf32, #tpu.memory_space<vmem_shared>>
        %dma_start3A_1005 = tpu.memref_slice %arg7[%multiple_of3A_1001] : memref<1000000xf32, #tpu.memory_space<vmem_shared>> -> memref<8000xf32, #tpu.memory_space<vmem_shared>>
        %dma_start3A_1006 = arith.constant 0 : i32
        %dma_start3A_1007 = tpu.memref_slice %arg11[%dma_start3A_1006] : memref<16000xf32, #tpu.memory_space<vmem>> -> memref<8000xf32, #tpu.memory_space<vmem>>
        tpu.enqueue_dma source(%dma_start3A_1007 : memref<8000xf32, #tpu.memory_space<vmem>>) target(%dma_start3A_1005 : memref<8000xf32, #tpu.memory_space<vmem_shared>>) target_semaphore(%run_scoped3A : memref<!tpu.dma_semaphore, #tpu.memory_space<semaphore_mem>>)
        %dma_wait3A_1008 = arith.constant 0 : i32
        %dma_wait3A_1009 = tpu.memref_slice %arg11[%dma_wait3A_1008] : memref<16000xf32, #tpu.memory_space<vmem>> -> memref<8000xf32, #tpu.memory_space<vmem>>
        %dma_wait3A_1010 = tpu.memref_slice %arg7[%multiple_of3A_1001] : memref<1000000xf32, #tpu.memory_space<vmem_shared>> -> memref<8000xf32, #tpu.memory_space<vmem_shared>>
        %dma_wait3A_1011 = tpu.memref_slice %arg7[%multiple_of3A_1001] : memref<1000000xf32, #tpu.memory_space<vmem_shared>> -> memref<8000xf32, #tpu.memory_space<vmem_shared>>
        %dma_wait3A_1012 = arith.constant 0 : i32
        %dma_wait3A_1013 = tpu.memref_slice %arg11[%dma_wait3A_1012] : memref<16000xf32, #tpu.memory_space<vmem>> -> memref<8000xf32, #tpu.memory_space<vmem>>
        tpu.wait_dma2 semaphore(%run_scoped3A : memref<!tpu.dma_semaphore, #tpu.memory_space<semaphore_mem>>) src(%dma_wait3A_1013 : memref<8000xf32, #tpu.memory_space<vmem>>) dst(%dma_wait3A_1011 : memref<8000xf32, #tpu.memory_space<vmem_shared>>)
        tpu.yield
      }) : () -> ()
    } else {
    }
    %add3A_68 = arith.constant 64 : i32
    %add3A_69 = arith.addi %add3A_68, %arg1 : i32
    %lt3A_70 = arith.constant 125 : i32
    %lt3A_71 = arith.cmpi slt, %add3A_69, %lt3A_70 : i32
    %convert_element_type3A_72 = arith.extui %lt3A_71 : i1 to i32
    %cond3A_73 = arith.constant 0 : i32
    %cond3A_74 = arith.cmpi ne, %convert_element_type3A_72, %cond3A_73 : i32
    scf.if %cond3A_74 {
      %add3A_989 = arith.constant 64 : i32
      %add3A_990 = arith.addi %add3A_989, %arg1 : i32
      %mul3A_991 = arith.constant 8000 : i32
      %mul3A_992 = arith.muli %add3A_990, %mul3A_991 : i32
      %multiple_of3A = tpu.assume_multiple %mul3A_992, 8 : i32
      %dma_start3A_993 = arith.constant 0 : i32
      %dma_start3A_994 = tpu.memref_slice %arg11[%dma_start3A_993] : memref<16000xf32, #tpu.memory_space<vmem>> -> memref<8000xf32, #tpu.memory_space<vmem>>
      %dma_start3A_995 = tpu.memref_slice %arg2[%multiple_of3A] : memref<1000000xf32, #tpu.memory_space<hbm>> -> memref<8000xf32, #tpu.memory_space<hbm>>
      %dma_start3A_996 = arith.constant 0 : i32
      %dma_start3A_997 = tpu.memref_slice %arg11[%dma_start3A_996] : memref<16000xf32, #tpu.memory_space<vmem>> -> memref<8000xf32, #tpu.memory_space<vmem>>
      %dma_start3A_998 = tpu.memref_slice %arg2[%multiple_of3A] : memref<1000000xf32, #tpu.memory_space<hbm>> -> memref<8000xf32, #tpu.memory_space<hbm>>
      tpu.enqueue_dma source(%dma_start3A_998 : memref<8000xf32, #tpu.memory_space<hbm>>) target(%dma_start3A_997 : memref<8000xf32, #tpu.memory_space<vmem>>) target_semaphore(%arg16 : memref<!tpu.dma_semaphore, #tpu.memory_space<semaphore_mem>>)
    } else {
    }
    %add3A_75 = arith.constant 48 : i32
    %add3A_76 = arith.addi %add3A_75, %arg1 : i32
    %add3A_77 = arith.constant 48 : i32
    %add3A_78 = arith.addi %add3A_77, %arg1 : i32
    %lt3A_79 = arith.constant 125 : i32
    %lt3A_80 = arith.cmpi slt, %add3A_78, %lt3A_79 : i32
    %convert_element_type3A_81 = arith.extui %lt3A_80 : i1 to i32
    %cond3A_82 = arith.constant 0 : i32
    %cond3A_83 = arith.cmpi ne, %convert_element_type3A_81, %cond3A_82 : i32
    scf.if %cond3A_83 {
      %add3A_989 = arith.constant 48 : i32
      %add3A_990 = arith.addi %add3A_989, %arg1 : i32
      %mul3A_991 = arith.constant 8000 : i32
      %mul3A_992 = arith.muli %add3A_990, %mul3A_991 : i32
      %multiple_of3A = tpu.assume_multiple %mul3A_992, 8 : i32
      %dma_wait3A_993 = arith.constant 8000 : i32
      %dma_wait3A_994 = tpu.memref_slice %arg11[%dma_wait3A_993] : memref<16000xf32, #tpu.memory_space<vmem>> -> memref<8000xf32, #tpu.memory_space<vmem>>
      %dma_wait3A_995 = tpu.memref_slice %arg2[%multiple_of3A] : memref<1000000xf32, #tpu.memory_space<hbm>> -> memref<8000xf32, #tpu.memory_space<hbm>>
      %dma_wait3A_996 = arith.constant 8000 : i32
      %dma_wait3A_997 = tpu.memref_slice %arg11[%dma_wait3A_996] : memref<16000xf32, #tpu.memory_space<vmem>> -> memref<8000xf32, #tpu.memory_space<vmem>>
      %dma_wait3A_998 = tpu.memref_slice %arg2[%multiple_of3A] : memref<1000000xf32, #tpu.memory_space<hbm>> -> memref<8000xf32, #tpu.memory_space<hbm>>
      tpu.wait_dma2 semaphore(%arg17 : memref<!tpu.dma_semaphore, #tpu.memory_space<semaphore_mem>>) src(%dma_wait3A_998 : memref<8000xf32, #tpu.memory_space<hbm>>) dst(%dma_wait3A_997 : memref<8000xf32, #tpu.memory_space<vmem>>)
      %mul3A_999 = arith.constant 8000 : i32
      %mul3A_1000 = arith.muli %add3A_76, %mul3A_999 : i32
      %multiple_of3A_1001 = tpu.assume_multiple %mul3A_1000, 8 : i32
      "tpu.region"() ({
        %run_scoped3A = tpu.sem_alloc : memref<!tpu.dma_semaphore, #tpu.memory_space<semaphore_mem>>
        %dma_start3A_1002 = arith.constant 8000 : i32
        %dma_start3A_1003 = tpu.memref_slice %arg11[%dma_start3A_1002] : memref<16000xf32, #tpu.memory_space<vmem>> -> memref<8000xf32, #tpu.memory_space<vmem>>
        %dma_start3A_1004 = tpu.memref_slice %arg7[%multiple_of3A_1001] : memref<1000000xf32, #tpu.memory_space<vmem_shared>> -> memref<8000xf32, #tpu.memory_space<vmem_shared>>
        %dma_start3A_1005 = tpu.memref_slice %arg7[%multiple_of3A_1001] : memref<1000000xf32, #tpu.memory_space<vmem_shared>> -> memref<8000xf32, #tpu.memory_space<vmem_shared>>
        %dma_start3A_1006 = arith.constant 8000 : i32
        %dma_start3A_1007 = tpu.memref_slice %arg11[%dma_start3A_1006] : memref<16000xf32, #tpu.memory_space<vmem>> -> memref<8000xf32, #tpu.memory_space<vmem>>
        tpu.enqueue_dma source(%dma_start3A_1007 : memref<8000xf32, #tpu.memory_space<vmem>>) target(%dma_start3A_1005 : memref<8000xf32, #tpu.memory_space<vmem_shared>>) target_semaphore(%run_scoped3A : memref<!tpu.dma_semaphore, #tpu.memory_space<semaphore_mem>>)
        %dma_wait3A_1008 = arith.constant 8000 : i32
        %dma_wait3A_1009 = tpu.memref_slice %arg11[%dma_wait3A_1008] : memref<16000xf32, #tpu.memory_space<vmem>> -> memref<8000xf32, #tpu.memory_space<vmem>>
        %dma_wait3A_1010 = tpu.memref_slice %arg7[%multiple_of3A_1001] : memref<1000000xf32, #tpu.memory_space<vmem_shared>> -> memref<8000xf32, #tpu.memory_space<vmem_shared>>
        %dma_wait3A_1011 = tpu.memref_slice %arg7[%multiple_of3A_1001] : memref<1000000xf32, #tpu.memory_space<vmem_shared>> -> memref<8000xf32, #tpu.memory_space<vmem_shared>>
        %dma_wait3A_1012 = arith.constant 8000 : i32
        %dma_wait3A_1013 = tpu.memref_slice %arg11[%dma_wait3A_1012] : memref<16000xf32, #tpu.memory_space<vmem>> -> memref<8000xf32, #tpu.memory_space<vmem>>
        tpu.wait_dma2 semaphore(%run_scoped3A : memref<!tpu.dma_semaphore, #tpu.memory_space<semaphore_mem>>) src(%dma_wait3A_1013 : memref<8000xf32, #tpu.memory_space<vmem>>) dst(%dma_wait3A_1011 : memref<8000xf32, #tpu.memory_space<vmem_shared>>)
        tpu.yield
      }) : () -> ()
    } else {
    }
    %add3A_84 = arith.constant 80 : i32
    %add3A_85 = arith.addi %add3A_84, %arg1 : i32
    %lt3A_86 = arith.constant 125 : i32
    %lt3A_87 = arith.cmpi slt, %add3A_85, %lt3A_86 : i32
    %convert_element_type3A_88 = arith.extui %lt3A_87 : i1 to i32
    %cond3A_89 = arith.constant 0 : i32
    %cond3A_90 = arith.cmpi ne, %convert_element_type3A_88, %cond3A_89 : i32
    scf.if %cond3A_90 {
      %add3A_989 = arith.constant 80 : i32
      %add3A_990 = arith.addi %add3A_989, %arg1 : i32
      %mul3A_991 = arith.constant 8000 : i32
      %mul3A_992 = arith.muli %add3A_990, %mul3A_991 : i32
      %multiple_of3A = tpu.assume_multiple %mul3A_992, 8 : i32
      %dma_start3A_993 = arith.constant 8000 : i32
      %dma_start3A_994 = tpu.memref_slice %arg11[%dma_start3A_993] : memref<16000xf32, #tpu.memory_space<vmem>> -> memref<8000xf32, #tpu.memory_space<vmem>>
      %dma_start3A_995 = tpu.memref_slice %arg2[%multiple_of3A] : memref<1000000xf32, #tpu.memory_space<hbm>> -> memref<8000xf32, #tpu.memory_space<hbm>>
      %dma_start3A_996 = arith.constant 8000 : i32
      %dma_start3A_997 = tpu.memref_slice %arg11[%dma_start3A_996] : memref<16000xf32, #tpu.memory_space<vmem>> -> memref<8000xf32, #tpu.memory_space<vmem>>
      %dma_start3A_998 = tpu.memref_slice %arg2[%multiple_of3A] : memref<1000000xf32, #tpu.memory_space<hbm>> -> memref<8000xf32, #tpu.memory_space<hbm>>
      tpu.enqueue_dma source(%dma_start3A_998 : memref<8000xf32, #tpu.memory_space<hbm>>) target(%dma_start3A_997 : memref<8000xf32, #tpu.memory_space<vmem>>) target_semaphore(%arg17 : memref<!tpu.dma_semaphore, #tpu.memory_space<semaphore_mem>>)
    } else {
    }
    %add3A_91 = arith.constant 64 : i32
    %add3A_92 = arith.addi %add3A_91, %arg1 : i32
    %add3A_93 = arith.constant 64 : i32
    %add3A_94 = arith.addi %add3A_93, %arg1 : i32
    %lt3A_95 = arith.constant 125 : i32
    %lt3A_96 = arith.cmpi slt, %add3A_94, %lt3A_95 : i32
    %convert_element_type3A_97 = arith.extui %lt3A_96 : i1 to i32
    %cond3A_98 = arith.constant 0 : i32
    %cond3A_99 = arith.cmpi ne, %convert_element_type3A_97, %cond3A_98 : i32
    scf.if %cond3A_99 {
      %add3A_989 = arith.constant 64 : i32
      %add3A_990 = arith.addi %add3A_989, %arg1 : i32
      %mul3A_991 = arith.constant 8000 : i32
      %mul3A_992 = arith.muli %add3A_990, %mul3A_991 : i32
      %multiple_of3A = tpu.assume_multiple %mul3A_992, 8 : i32
      %dma_wait3A_993 = arith.constant 0 : i32
      %dma_wait3A_994 = tpu.memref_slice %arg11[%dma_wait3A_993] : memref<16000xf32, #tpu.memory_space<vmem>> -> memref<8000xf32, #tpu.memory_space<vmem>>
      %dma_wait3A_995 = tpu.memref_slice %arg2[%multiple_of3A] : memref<1000000xf32, #tpu.memory_space<hbm>> -> memref<8000xf32, #tpu.memory_space<hbm>>
      %dma_wait3A_996 = arith.constant 0 : i32
      %dma_wait3A_997 = tpu.memref_slice %arg11[%dma_wait3A_996] : memref<16000xf32, #tpu.memory_space<vmem>> -> memref<8000xf32, #tpu.memory_space<vmem>>
      %dma_wait3A_998 = tpu.memref_slice %arg2[%multiple_of3A] : memref<1000000xf32, #tpu.memory_space<hbm>> -> memref<8000xf32, #tpu.memory_space<hbm>>
      tpu.wait_dma2 semaphore(%arg16 : memref<!tpu.dma_semaphore, #tpu.memory_space<semaphore_mem>>) src(%dma_wait3A_998 : memref<8000xf32, #tpu.memory_space<hbm>>) dst(%dma_wait3A_997 : memref<8000xf32, #tpu.memory_space<vmem>>)
      %mul3A_999 = arith.constant 8000 : i32
      %mul3A_1000 = arith.muli %add3A_92, %mul3A_999 : i32
      %multiple_of3A_1001 = tpu.assume_multiple %mul3A_1000, 8 : i32
      "tpu.region"() ({
        %run_scoped3A = tpu.sem_alloc : memref<!tpu.dma_semaphore, #tpu.memory_space<semaphore_mem>>
        %dma_start3A_1002 = arith.constant 0 : i32
        %dma_start3A_1003 = tpu.memref_slice %arg11[%dma_start3A_1002] : memref<16000xf32, #tpu.memory_space<vmem>> -> memref<8000xf32, #tpu.memory_space<vmem>>
        %dma_start3A_1004 = tpu.memref_slice %arg7[%multiple_of3A_1001] : memref<1000000xf32, #tpu.memory_space<vmem_shared>> -> memref<8000xf32, #tpu.memory_space<vmem_shared>>
        %dma_start3A_1005 = tpu.memref_slice %arg7[%multiple_of3A_1001] : memref<1000000xf32, #tpu.memory_space<vmem_shared>> -> memref<8000xf32, #tpu.memory_space<vmem_shared>>
        %dma_start3A_1006 = arith.constant 0 : i32
        %dma_start3A_1007 = tpu.memref_slice %arg11[%dma_start3A_1006] : memref<16000xf32, #tpu.memory_space<vmem>> -> memref<8000xf32, #tpu.memory_space<vmem>>
        tpu.enqueue_dma source(%dma_start3A_1007 : memref<8000xf32, #tpu.memory_space<vmem>>) target(%dma_start3A_1005 : memref<8000xf32, #tpu.memory_space<vmem_shared>>) target_semaphore(%run_scoped3A : memref<!tpu.dma_semaphore, #tpu.memory_space<semaphore_mem>>)
        %dma_wait3A_1008 = arith.constant 0 : i32
        %dma_wait3A_1009 = tpu.memref_slice %arg11[%dma_wait3A_1008] : memref<16000xf32, #tpu.memory_space<vmem>> -> memref<8000xf32, #tpu.memory_space<vmem>>
        %dma_wait3A_1010 = tpu.memref_slice %arg7[%multiple_of3A_1001] : memref<1000000xf32, #tpu.memory_space<vmem_shared>> -> memref<8000xf32, #tpu.memory_space<vmem_shared>>
        %dma_wait3A_1011 = tpu.memref_slice %arg7[%multiple_of3A_1001] : memref<1000000xf32, #tpu.memory_space<vmem_shared>> -> memref<8000xf32, #tpu.memory_space<vmem_shared>>
        %dma_wait3A_1012 = arith.constant 0 : i32
        %dma_wait3A_1013 = tpu.memref_slice %arg11[%dma_wait3A_1012] : memref<16000xf32, #tpu.memory_space<vmem>> -> memref<8000xf32, #tpu.memory_space<vmem>>
        tpu.wait_dma2 semaphore(%run_scoped3A : memref<!tpu.dma_semaphore, #tpu.memory_space<semaphore_mem>>) src(%dma_wait3A_1013 : memref<8000xf32, #tpu.memory_space<vmem>>) dst(%dma_wait3A_1011 : memref<8000xf32, #tpu.memory_space<vmem_shared>>)
        tpu.yield
      }) : () -> ()
    } else {
    }
    %add3A_100 = arith.constant 96 : i32
    %add3A_101 = arith.addi %add3A_100, %arg1 : i32
    %lt3A_102 = arith.constant 125 : i32
    %lt3A_103 = arith.cmpi slt, %add3A_101, %lt3A_102 : i32
    %convert_element_type3A_104 = arith.extui %lt3A_103 : i1 to i32
    %cond3A_105 = arith.constant 0 : i32
    %cond3A_106 = arith.cmpi ne, %convert_element_type3A_104, %cond3A_105 : i32
    scf.if %cond3A_106 {
      %add3A_989 = arith.constant 96 : i32
      %add3A_990 = arith.addi %add3A_989, %arg1 : i32
      %mul3A_991 = arith.constant 8000 : i32
      %mul3A_992 = arith.muli %add3A_990, %mul3A_991 : i32
      %multiple_of3A = tpu.assume_multiple %mul3A_992, 8 : i32
      %dma_start3A_993 = arith.constant 0 : i32
      %dma_start3A_994 = tpu.memref_slice %arg11[%dma_start3A_993] : memref<16000xf32, #tpu.memory_space<vmem>> -> memref<8000xf32, #tpu.memory_space<vmem>>
      %dma_start3A_995 = tpu.memref_slice %arg2[%multiple_of3A] : memref<1000000xf32, #tpu.memory_space<hbm>> -> memref<8000xf32, #tpu.memory_space<hbm>>
      %dma_start3A_996 = arith.constant 0 : i32
      %dma_start3A_997 = tpu.memref_slice %arg11[%dma_start3A_996] : memref<16000xf32, #tpu.memory_space<vmem>> -> memref<8000xf32, #tpu.memory_space<vmem>>
      %dma_start3A_998 = tpu.memref_slice %arg2[%multiple_of3A] : memref<1000000xf32, #tpu.memory_space<hbm>> -> memref<8000xf32, #tpu.memory_space<hbm>>
      tpu.enqueue_dma source(%dma_start3A_998 : memref<8000xf32, #tpu.memory_space<hbm>>) target(%dma_start3A_997 : memref<8000xf32, #tpu.memory_space<vmem>>) target_semaphore(%arg16 : memref<!tpu.dma_semaphore, #tpu.memory_space<semaphore_mem>>)
    } else {
    }
    %add3A_107 = arith.constant 80 : i32
    %add3A_108 = arith.addi %add3A_107, %arg1 : i32
    %add3A_109 = arith.constant 80 : i32
    %add3A_110 = arith.addi %add3A_109, %arg1 : i32
    %lt3A_111 = arith.constant 125 : i32
    %lt3A_112 = arith.cmpi slt, %add3A_110, %lt3A_111 : i32
    %convert_element_type3A_113 = arith.extui %lt3A_112 : i1 to i32
    %cond3A_114 = arith.constant 0 : i32
    %cond3A_115 = arith.cmpi ne, %convert_element_type3A_113, %cond3A_114 : i32
    scf.if %cond3A_115 {
      %add3A_989 = arith.constant 80 : i32
      %add3A_990 = arith.addi %add3A_989, %arg1 : i32
      %mul3A_991 = arith.constant 8000 : i32
      %mul3A_992 = arith.muli %add3A_990, %mul3A_991 : i32
      %multiple_of3A = tpu.assume_multiple %mul3A_992, 8 : i32
      %dma_wait3A_993 = arith.constant 8000 : i32
      %dma_wait3A_994 = tpu.memref_slice %arg11[%dma_wait3A_993] : memref<16000xf32, #tpu.memory_space<vmem>> -> memref<8000xf32, #tpu.memory_space<vmem>>
      %dma_wait3A_995 = tpu.memref_slice %arg2[%multiple_of3A] : memref<1000000xf32, #tpu.memory_space<hbm>> -> memref<8000xf32, #tpu.memory_space<hbm>>
      %dma_wait3A_996 = arith.constant 8000 : i32
      %dma_wait3A_997 = tpu.memref_slice %arg11[%dma_wait3A_996] : memref<16000xf32, #tpu.memory_space<vmem>> -> memref<8000xf32, #tpu.memory_space<vmem>>
      %dma_wait3A_998 = tpu.memref_slice %arg2[%multiple_of3A] : memref<1000000xf32, #tpu.memory_space<hbm>> -> memref<8000xf32, #tpu.memory_space<hbm>>
      tpu.wait_dma2 semaphore(%arg17 : memref<!tpu.dma_semaphore, #tpu.memory_space<semaphore_mem>>) src(%dma_wait3A_998 : memref<8000xf32, #tpu.memory_space<hbm>>) dst(%dma_wait3A_997 : memref<8000xf32, #tpu.memory_space<vmem>>)
      %mul3A_999 = arith.constant 8000 : i32
      %mul3A_1000 = arith.muli %add3A_108, %mul3A_999 : i32
      %multiple_of3A_1001 = tpu.assume_multiple %mul3A_1000, 8 : i32
      "tpu.region"() ({
        %run_scoped3A = tpu.sem_alloc : memref<!tpu.dma_semaphore, #tpu.memory_space<semaphore_mem>>
        %dma_start3A_1002 = arith.constant 8000 : i32
        %dma_start3A_1003 = tpu.memref_slice %arg11[%dma_start3A_1002] : memref<16000xf32, #tpu.memory_space<vmem>> -> memref<8000xf32, #tpu.memory_space<vmem>>
        %dma_start3A_1004 = tpu.memref_slice %arg7[%multiple_of3A_1001] : memref<1000000xf32, #tpu.memory_space<vmem_shared>> -> memref<8000xf32, #tpu.memory_space<vmem_shared>>
        %dma_start3A_1005 = tpu.memref_slice %arg7[%multiple_of3A_1001] : memref<1000000xf32, #tpu.memory_space<vmem_shared>> -> memref<8000xf32, #tpu.memory_space<vmem_shared>>
        %dma_start3A_1006 = arith.constant 8000 : i32
        %dma_start3A_1007 = tpu.memref_slice %arg11[%dma_start3A_1006] : memref<16000xf32, #tpu.memory_space<vmem>> -> memref<8000xf32, #tpu.memory_space<vmem>>
        tpu.enqueue_dma source(%dma_start3A_1007 : memref<8000xf32, #tpu.memory_space<vmem>>) target(%dma_start3A_1005 : memref<8000xf32, #tpu.memory_space<vmem_shared>>) target_semaphore(%run_scoped3A : memref<!tpu.dma_semaphore, #tpu.memory_space<semaphore_mem>>)
        %dma_wait3A_1008 = arith.constant 8000 : i32
        %dma_wait3A_1009 = tpu.memref_slice %arg11[%dma_wait3A_1008] : memref<16000xf32, #tpu.memory_space<vmem>> -> memref<8000xf32, #tpu.memory_space<vmem>>
        %dma_wait3A_1010 = tpu.memref_slice %arg7[%multiple_of3A_1001] : memref<1000000xf32, #tpu.memory_space<vmem_shared>> -> memref<8000xf32, #tpu.memory_space<vmem_shared>>
        %dma_wait3A_1011 = tpu.memref_slice %arg7[%multiple_of3A_1001] : memref<1000000xf32, #tpu.memory_space<vmem_shared>> -> memref<8000xf32, #tpu.memory_space<vmem_shared>>
        %dma_wait3A_1012 = arith.constant 8000 : i32
        %dma_wait3A_1013 = tpu.memref_slice %arg11[%dma_wait3A_1012] : memref<16000xf32, #tpu.memory_space<vmem>> -> memref<8000xf32, #tpu.memory_space<vmem>>
        tpu.wait_dma2 semaphore(%run_scoped3A : memref<!tpu.dma_semaphore, #tpu.memory_space<semaphore_mem>>) src(%dma_wait3A_1013 : memref<8000xf32, #tpu.memory_space<vmem>>) dst(%dma_wait3A_1011 : memref<8000xf32, #tpu.memory_space<vmem_shared>>)
        tpu.yield
      }) : () -> ()
    } else {
    }
    %add3A_116 = arith.constant 112 : i32
    %add3A_117 = arith.addi %add3A_116, %arg1 : i32
    %lt3A_118 = arith.constant 125 : i32
    %lt3A_119 = arith.cmpi slt, %add3A_117, %lt3A_118 : i32
    %convert_element_type3A_120 = arith.extui %lt3A_119 : i1 to i32
    %cond3A_121 = arith.constant 0 : i32
    %cond3A_122 = arith.cmpi ne, %convert_element_type3A_120, %cond3A_121 : i32
    scf.if %cond3A_122 {
      %add3A_989 = arith.constant 112 : i32
      %add3A_990 = arith.addi %add3A_989, %arg1 : i32
      %mul3A_991 = arith.constant 8000 : i32
      %mul3A_992 = arith.muli %add3A_990, %mul3A_991 : i32
      %multiple_of3A = tpu.assume_multiple %mul3A_992, 8 : i32
      %dma_start3A_993 = arith.constant 8000 : i32
      %dma_start3A_994 = tpu.memref_slice %arg11[%dma_start3A_993] : memref<16000xf32, #tpu.memory_space<vmem>> -> memref<8000xf32, #tpu.memory_space<vmem>>
      %dma_start3A_995 = tpu.memref_slice %arg2[%multiple_of3A] : memref<1000000xf32, #tpu.memory_space<hbm>> -> memref<8000xf32, #tpu.memory_space<hbm>>
      %dma_start3A_996 = arith.constant 8000 : i32
      %dma_start3A_997 = tpu.memref_slice %arg11[%dma_start3A_996] : memref<16000xf32, #tpu.memory_space<vmem>> -> memref<8000xf32, #tpu.memory_space<vmem>>
      %dma_start3A_998 = tpu.memref_slice %arg2[%multiple_of3A] : memref<1000000xf32, #tpu.memory_space<hbm>> -> memref<8000xf32, #tpu.memory_space<hbm>>
      tpu.enqueue_dma source(%dma_start3A_998 : memref<8000xf32, #tpu.memory_space<hbm>>) target(%dma_start3A_997 : memref<8000xf32, #tpu.memory_space<vmem>>) target_semaphore(%arg17 : memref<!tpu.dma_semaphore, #tpu.memory_space<semaphore_mem>>)
    } else {
    }
    %add3A_123 = arith.constant 96 : i32
    %add3A_124 = arith.addi %add3A_123, %arg1 : i32
    %add3A_125 = arith.constant 96 : i32
    %add3A_126 = arith.addi %add3A_125, %arg1 : i32
    %lt3A_127 = arith.constant 125 : i32
    %lt3A_128 = arith.cmpi slt, %add3A_126, %lt3A_127 : i32
    %convert_element_type3A_129 = arith.extui %lt3A_128 : i1 to i32
    %cond3A_130 = arith.constant 0 : i32
    %cond3A_131 = arith.cmpi ne, %convert_element_type3A_129, %cond3A_130 : i32
    scf.if %cond3A_131 {
      %add3A_989 = arith.constant 96 : i32
      %add3A_990 = arith.addi %add3A_989, %arg1 : i32
      %mul3A_991 = arith.constant 8000 : i32
      %mul3A_992 = arith.muli %add3A_990, %mul3A_991 : i32
      %multiple_of3A = tpu.assume_multiple %mul3A_992, 8 : i32
      %dma_wait3A_993 = arith.constant 0 : i32
      %dma_wait3A_994 = tpu.memref_slice %arg11[%dma_wait3A_993] : memref<16000xf32, #tpu.memory_space<vmem>> -> memref<8000xf32, #tpu.memory_space<vmem>>
      %dma_wait3A_995 = tpu.memref_slice %arg2[%multiple_of3A] : memref<1000000xf32, #tpu.memory_space<hbm>> -> memref<8000xf32, #tpu.memory_space<hbm>>
      %dma_wait3A_996 = arith.constant 0 : i32
      %dma_wait3A_997 = tpu.memref_slice %arg11[%dma_wait3A_996] : memref<16000xf32, #tpu.memory_space<vmem>> -> memref<8000xf32, #tpu.memory_space<vmem>>
      %dma_wait3A_998 = tpu.memref_slice %arg2[%multiple_of3A] : memref<1000000xf32, #tpu.memory_space<hbm>> -> memref<8000xf32, #tpu.memory_space<hbm>>
      tpu.wait_dma2 semaphore(%arg16 : memref<!tpu.dma_semaphore, #tpu.memory_space<semaphore_mem>>) src(%dma_wait3A_998 : memref<8000xf32, #tpu.memory_space<hbm>>) dst(%dma_wait3A_997 : memref<8000xf32, #tpu.memory_space<vmem>>)
      %mul3A_999 = arith.constant 8000 : i32
      %mul3A_1000 = arith.muli %add3A_124, %mul3A_999 : i32
      %multiple_of3A_1001 = tpu.assume_multiple %mul3A_1000, 8 : i32
      "tpu.region"() ({
        %run_scoped3A = tpu.sem_alloc : memref<!tpu.dma_semaphore, #tpu.memory_space<semaphore_mem>>
        %dma_start3A_1002 = arith.constant 0 : i32
        %dma_start3A_1003 = tpu.memref_slice %arg11[%dma_start3A_1002] : memref<16000xf32, #tpu.memory_space<vmem>> -> memref<8000xf32, #tpu.memory_space<vmem>>
        %dma_start3A_1004 = tpu.memref_slice %arg7[%multiple_of3A_1001] : memref<1000000xf32, #tpu.memory_space<vmem_shared>> -> memref<8000xf32, #tpu.memory_space<vmem_shared>>
        %dma_start3A_1005 = tpu.memref_slice %arg7[%multiple_of3A_1001] : memref<1000000xf32, #tpu.memory_space<vmem_shared>> -> memref<8000xf32, #tpu.memory_space<vmem_shared>>
        %dma_start3A_1006 = arith.constant 0 : i32
        %dma_start3A_1007 = tpu.memref_slice %arg11[%dma_start3A_1006] : memref<16000xf32, #tpu.memory_space<vmem>> -> memref<8000xf32, #tpu.memory_space<vmem>>
        tpu.enqueue_dma source(%dma_start3A_1007 : memref<8000xf32, #tpu.memory_space<vmem>>) target(%dma_start3A_1005 : memref<8000xf32, #tpu.memory_space<vmem_shared>>) target_semaphore(%run_scoped3A : memref<!tpu.dma_semaphore, #tpu.memory_space<semaphore_mem>>)
        %dma_wait3A_1008 = arith.constant 0 : i32
        %dma_wait3A_1009 = tpu.memref_slice %arg11[%dma_wait3A_1008] : memref<16000xf32, #tpu.memory_space<vmem>> -> memref<8000xf32, #tpu.memory_space<vmem>>
        %dma_wait3A_1010 = tpu.memref_slice %arg7[%multiple_of3A_1001] : memref<1000000xf32, #tpu.memory_space<vmem_shared>> -> memref<8000xf32, #tpu.memory_space<vmem_shared>>
        %dma_wait3A_1011 = tpu.memref_slice %arg7[%multiple_of3A_1001] : memref<1000000xf32, #tpu.memory_space<vmem_shared>> -> memref<8000xf32, #tpu.memory_space<vmem_shared>>
        %dma_wait3A_1012 = arith.constant 0 : i32
        %dma_wait3A_1013 = tpu.memref_slice %arg11[%dma_wait3A_1012] : memref<16000xf32, #tpu.memory_space<vmem>> -> memref<8000xf32, #tpu.memory_space<vmem>>
        tpu.wait_dma2 semaphore(%run_scoped3A : memref<!tpu.dma_semaphore, #tpu.memory_space<semaphore_mem>>) src(%dma_wait3A_1013 : memref<8000xf32, #tpu.memory_space<vmem>>) dst(%dma_wait3A_1011 : memref<8000xf32, #tpu.memory_space<vmem_shared>>)
        tpu.yield
      }) : () -> ()
    } else {
    }
    %add3A_132 = arith.constant 112 : i32
    %add3A_133 = arith.addi %add3A_132, %arg1 : i32
    %add3A_134 = arith.constant 112 : i32
    %add3A_135 = arith.addi %add3A_134, %arg1 : i32
    %lt3A_136 = arith.constant 125 : i32
    %lt3A_137 = arith.cmpi slt, %add3A_135, %lt3A_136 : i32
    %convert_element_type3A_138 = arith.extui %lt3A_137 : i1 to i32
    %cond3A_139 = arith.constant 0 : i32
    %cond3A_140 = arith.cmpi ne, %convert_element_type3A_138, %cond3A_139 : i32
    scf.if %cond3A_140 {
      %add3A_989 = arith.constant 112 : i32
      %add3A_990 = arith.addi %add3A_989, %arg1 : i32
      %mul3A_991 = arith.constant 8000 : i32
      %mul3A_992 = arith.muli %add3A_990, %mul3A_991 : i32
      %multiple_of3A = tpu.assume_multiple %mul3A_992, 8 : i32
      %dma_wait3A_993 = arith.constant 8000 : i32
      %dma_wait3A_994 = tpu.memref_slice %arg11[%dma_wait3A_993] : memref<16000xf32, #tpu.memory_space<vmem>> -> memref<8000xf32, #tpu.memory_space<vmem>>
      %dma_wait3A_995 = tpu.memref_slice %arg2[%multiple_of3A] : memref<1000000xf32, #tpu.memory_space<hbm>> -> memref<8000xf32, #tpu.memory_space<hbm>>
      %dma_wait3A_996 = arith.constant 8000 : i32
      %dma_wait3A_997 = tpu.memref_slice %arg11[%dma_wait3A_996] : memref<16000xf32, #tpu.memory_space<vmem>> -> memref<8000xf32, #tpu.memory_space<vmem>>
      %dma_wait3A_998 = tpu.memref_slice %arg2[%multiple_of3A] : memref<1000000xf32, #tpu.memory_space<hbm>> -> memref<8000xf32, #tpu.memory_space<hbm>>
      tpu.wait_dma2 semaphore(%arg17 : memref<!tpu.dma_semaphore, #tpu.memory_space<semaphore_mem>>) src(%dma_wait3A_998 : memref<8000xf32, #tpu.memory_space<hbm>>) dst(%dma_wait3A_997 : memref<8000xf32, #tpu.memory_space<vmem>>)
      %mul3A_999 = arith.constant 8000 : i32
      %mul3A_1000 = arith.muli %add3A_133, %mul3A_999 : i32
      %multiple_of3A_1001 = tpu.assume_multiple %mul3A_1000, 8 : i32
      "tpu.region"() ({
        %run_scoped3A = tpu.sem_alloc : memref<!tpu.dma_semaphore, #tpu.memory_space<semaphore_mem>>
        %dma_start3A_1002 = arith.constant 8000 : i32
        %dma_start3A_1003 = tpu.memref_slice %arg11[%dma_start3A_1002] : memref<16000xf32, #tpu.memory_space<vmem>> -> memref<8000xf32, #tpu.memory_space<vmem>>
        %dma_start3A_1004 = tpu.memref_slice %arg7[%multiple_of3A_1001] : memref<1000000xf32, #tpu.memory_space<vmem_shared>> -> memref<8000xf32, #tpu.memory_space<vmem_shared>>
        %dma_start3A_1005 = tpu.memref_slice %arg7[%multiple_of3A_1001] : memref<1000000xf32, #tpu.memory_space<vmem_shared>> -> memref<8000xf32, #tpu.memory_space<vmem_shared>>
        %dma_start3A_1006 = arith.constant 8000 : i32
        %dma_start3A_1007 = tpu.memref_slice %arg11[%dma_start3A_1006] : memref<16000xf32, #tpu.memory_space<vmem>> -> memref<8000xf32, #tpu.memory_space<vmem>>
        tpu.enqueue_dma source(%dma_start3A_1007 : memref<8000xf32, #tpu.memory_space<vmem>>) target(%dma_start3A_1005 : memref<8000xf32, #tpu.memory_space<vmem_shared>>) target_semaphore(%run_scoped3A : memref<!tpu.dma_semaphore, #tpu.memory_space<semaphore_mem>>)
        %dma_wait3A_1008 = arith.constant 8000 : i32
        %dma_wait3A_1009 = tpu.memref_slice %arg11[%dma_wait3A_1008] : memref<16000xf32, #tpu.memory_space<vmem>> -> memref<8000xf32, #tpu.memory_space<vmem>>
        %dma_wait3A_1010 = tpu.memref_slice %arg7[%multiple_of3A_1001] : memref<1000000xf32, #tpu.memory_space<vmem_shared>> -> memref<8000xf32, #tpu.memory_space<vmem_shared>>
        %dma_wait3A_1011 = tpu.memref_slice %arg7[%multiple_of3A_1001] : memref<1000000xf32, #tpu.memory_space<vmem_shared>> -> memref<8000xf32, #tpu.memory_space<vmem_shared>>
        %dma_wait3A_1012 = arith.constant 8000 : i32
        %dma_wait3A_1013 = tpu.memref_slice %arg11[%dma_wait3A_1012] : memref<16000xf32, #tpu.memory_space<vmem>> -> memref<8000xf32, #tpu.memory_space<vmem>>
        tpu.wait_dma2 semaphore(%run_scoped3A : memref<!tpu.dma_semaphore, #tpu.memory_space<semaphore_mem>>) src(%dma_wait3A_1013 : memref<8000xf32, #tpu.memory_space<vmem>>) dst(%dma_wait3A_1011 : memref<8000xf32, #tpu.memory_space<vmem_shared>>)
        tpu.yield
      }) : () -> ()
    } else {
    }
    "tpu.region"() ({
      %run_scoped3A = tpu.sem_alloc : memref<!tpu.dma_semaphore, #tpu.memory_space<semaphore_mem>>
      tpu.enqueue_dma source(%arg5 : memref<16xf32, #tpu.memory_space<hbm>>) target(%arg12 : memref<16xf32, #tpu.memory_space<vmem>>) target_semaphore(%run_scoped3A : memref<!tpu.dma_semaphore, #tpu.memory_space<semaphore_mem>>)
      tpu.wait_dma2 semaphore(%run_scoped3A : memref<!tpu.dma_semaphore, #tpu.memory_space<semaphore_mem>>) src(%arg5 : memref<16xf32, #tpu.memory_space<hbm>>) dst(%arg12 : memref<16xf32, #tpu.memory_space<vmem>>)
      tpu.yield
    }) : () -> ()
    %barrier3A = arith.constant 0 : index
    tpu.barrier barrier_id(%barrier3A)
    %get3A = arith.constant 0 : index
    %get3A_141 = tpu.vector_load %arg12[%get3A] {strides = array<i32>} : memref<16xf32, #tpu.memory_space<vmem>>, vector<16xf32>,
    %iota3A = tpu.iota {dimensions = array<i32: 0>} : vector<16xi32>
    %dma_wait3A = arith.constant 0 : i32
    %dma_wait3A_142 = tpu.memref_slice %arg8[%dma_wait3A] : memref<12800xi32, #tpu.memory_space<vmem>> -> memref<6400xi32, #tpu.memory_space<vmem>>
    %dma_wait3A_143 = tpu.memref_slice %arg3[%add3A_4] : memref<1638400xi32, #tpu.memory_space<hbm>> -> memref<6400xi32, #tpu.memory_space<hbm>>
    %dma_wait3A_144 = arith.constant 0 : i32
    %dma_wait3A_145 = tpu.memref_slice %arg8[%dma_wait3A_144] : memref<12800xi32, #tpu.memory_space<vmem>> -> memref<6400xi32, #tpu.memory_space<vmem>>
    %dma_wait3A_146 = tpu.memref_slice %arg3[%add3A_4] : memref<1638400xi32, #tpu.memory_space<hbm>> -> memref<6400xi32, #tpu.memory_space<hbm>>
    tpu.wait_dma2 semaphore(%arg18 : memref<!tpu.dma_semaphore, #tpu.memory_space<semaphore_mem>>) src(%dma_wait3A_146 : memref<6400xi32, #tpu.memory_space<hbm>>) dst(%dma_wait3A_145 : memref<6400xi32, #tpu.memory_space<vmem>>)
    %dma_wait3A_147 = arith.constant 0 : i32
    %dma_wait3A_148 = tpu.memref_slice %arg9[%dma_wait3A_147] : memref<12800xf32, #tpu.memory_space<vmem>> -> memref<6400xf32, #tpu.memory_space<vmem>>
    %dma_wait3A_149 = tpu.memref_slice %arg4[%add3A_4] : memref<1638400xf32, #tpu.memory_space<hbm>> -> memref<6400xf32, #tpu.memory_space<hbm>>
    %dma_wait3A_150 = arith.constant 0 : i32
    %dma_wait3A_151 = tpu.memref_slice %arg9[%dma_wait3A_150] : memref<12800xf32, #tpu.memory_space<vmem>> -> memref<6400xf32, #tpu.memory_space<vmem>>
    %dma_wait3A_152 = tpu.memref_slice %arg4[%add3A_4] : memref<1638400xf32, #tpu.memory_space<hbm>> -> memref<6400xf32, #tpu.memory_space<hbm>>
    tpu.wait_dma2 semaphore(%arg18 : memref<!tpu.dma_semaphore, #tpu.memory_space<semaphore_mem>>) src(%dma_wait3A_152 : memref<6400xf32, #tpu.memory_space<hbm>>) dst(%dma_wait3A_151 : memref<6400xf32, #tpu.memory_space<vmem>>)
    %dma_start3A_153 = arith.constant 0 : i32
    %dma_start3A_154 = tpu.memref_slice %arg10[%dma_start3A_153] : memref<12800xf32, #tpu.memory_space<vmem>> -> memref<6400xf32, #tpu.memory_space<vmem>>
    %dma_start3A_155 = arith.constant 0 : i32
    %dma_start3A_156 = tpu.memref_slice %arg8[%dma_start3A_155] : memref<12800xi32, #tpu.memory_space<vmem>> -> memref<6400xi32, #tpu.memory_space<vmem>>
    %dma_start3A_157 = arith.constant 0 : i32
    %dma_start3A_158 = tpu.memref_slice %arg7[%dma_start3A_157] : memref<1000000xf32, #tpu.memory_space<vmem_shared>> -> memref<1000000xf32, #tpu.memory_space<vmem_shared>>
    tpu.enqueue_indirect_dma source(%dma_start3A_158 : memref<1000000xf32, #tpu.memory_space<vmem_shared>>) target(%dma_start3A_154 : memref<6400xf32, #tpu.memory_space<vmem>>) offsets(%dma_start3A_156 : memref<6400xi32, #tpu.memory_space<vmem>>) semaphore(%arg14 : memref<!tpu.dma_semaphore, #tpu.memory_space<semaphore_mem>>)
    %mul3A_159 = arith.constant 51200 : i32
    %mul3A_160 = arith.muli %add3A, %mul3A_159 : i32
    %add3A_161 = arith.constant 6400 : i32
    %add3A_162 = arith.addi %mul3A_160, %add3A_161 : i32
    %dma_start3A_163 = arith.constant 6400 : i32
    %dma_start3A_164 = tpu.memref_slice %arg8[%dma_start3A_163] : memref<12800xi32, #tpu.memory_space<vmem>> -> memref<6400xi32, #tpu.memory_space<vmem>>
    %dma_start3A_165 = tpu.memref_slice %arg3[%add3A_162] : memref<1638400xi32, #tpu.memory_space<hbm>> -> memref<6400xi32, #tpu.memory_space<hbm>>
    %dma_start3A_166 = arith.constant 6400 : i32
    %dma_start3A_167 = tpu.memref_slice %arg8[%dma_start3A_166] : memref<12800xi32, #tpu.memory_space<vmem>> -> memref<6400xi32, #tpu.memory_space<vmem>>
    %dma_start3A_168 = tpu.memref_slice %arg3[%add3A_162] : memref<1638400xi32, #tpu.memory_space<hbm>> -> memref<6400xi32, #tpu.memory_space<hbm>>
    tpu.enqueue_dma source(%dma_start3A_168 : memref<6400xi32, #tpu.memory_space<hbm>>) target(%dma_start3A_167 : memref<6400xi32, #tpu.memory_space<vmem>>) target_semaphore(%arg18 : memref<!tpu.dma_semaphore, #tpu.memory_space<semaphore_mem>>)
    %dma_wait3A_169 = arith.constant 6400 : i32
    %dma_wait3A_170 = tpu.memref_slice %arg8[%dma_wait3A_169] : memref<12800xi32, #tpu.memory_space<vmem>> -> memref<6400xi32, #tpu.memory_space<vmem>>
    %dma_wait3A_171 = tpu.memref_slice %arg3[%add3A_162] : memref<1638400xi32, #tpu.memory_space<hbm>> -> memref<6400xi32, #tpu.memory_space<hbm>>
    %dma_wait3A_172 = arith.constant 6400 : i32
    %dma_wait3A_173 = tpu.memref_slice %arg8[%dma_wait3A_172] : memref<12800xi32, #tpu.memory_space<vmem>> -> memref<6400xi32, #tpu.memory_space<vmem>>
    %dma_wait3A_174 = tpu.memref_slice %arg3[%add3A_162] : memref<1638400xi32, #tpu.memory_space<hbm>> -> memref<6400xi32, #tpu.memory_space<hbm>>
    tpu.wait_dma2 semaphore(%arg18 : memref<!tpu.dma_semaphore, #tpu.memory_space<semaphore_mem>>) src(%dma_wait3A_174 : memref<6400xi32, #tpu.memory_space<hbm>>) dst(%dma_wait3A_173 : memref<6400xi32, #tpu.memory_space<vmem>>)
    %dma_start3A_175 = arith.constant 6400 : i32
    %dma_start3A_176 = tpu.memref_slice %arg9[%dma_start3A_175] : memref<12800xf32, #tpu.memory_space<vmem>> -> memref<6400xf32, #tpu.memory_space<vmem>>
    %dma_start3A_177 = tpu.memref_slice %arg4[%add3A_162] : memref<1638400xf32, #tpu.memory_space<hbm>> -> memref<6400xf32, #tpu.memory_space<hbm>>
    %dma_start3A_178 = arith.constant 6400 : i32
    %dma_start3A_179 = tpu.memref_slice %arg9[%dma_start3A_178] : memref<12800xf32, #tpu.memory_space<vmem>> -> memref<6400xf32, #tpu.memory_space<vmem>>
    %dma_start3A_180 = tpu.memref_slice %arg4[%add3A_162] : memref<1638400xf32, #tpu.memory_space<hbm>> -> memref<6400xf32, #tpu.memory_space<hbm>>
    tpu.enqueue_dma source(%dma_start3A_180 : memref<6400xf32, #tpu.memory_space<hbm>>) target(%dma_start3A_179 : memref<6400xf32, #tpu.memory_space<vmem>>) target_semaphore(%arg18 : memref<!tpu.dma_semaphore, #tpu.memory_space<semaphore_mem>>)
    %dma_wait3A_181 = arith.constant 6400 : i32
    %dma_wait3A_182 = tpu.memref_slice %arg9[%dma_wait3A_181] : memref<12800xf32, #tpu.memory_space<vmem>> -> memref<6400xf32, #tpu.memory_space<vmem>>
    %dma_wait3A_183 = tpu.memref_slice %arg4[%add3A_162] : memref<1638400xf32, #tpu.memory_space<hbm>> -> memref<6400xf32, #tpu.memory_space<hbm>>
    %dma_wait3A_184 = arith.constant 6400 : i32
    %dma_wait3A_185 = tpu.memref_slice %arg9[%dma_wait3A_184] : memref<12800xf32, #tpu.memory_space<vmem>> -> memref<6400xf32, #tpu.memory_space<vmem>>
    %dma_wait3A_186 = tpu.memref_slice %arg4[%add3A_162] : memref<1638400xf32, #tpu.memory_space<hbm>> -> memref<6400xf32, #tpu.memory_space<hbm>>
    tpu.wait_dma2 semaphore(%arg18 : memref<!tpu.dma_semaphore, #tpu.memory_space<semaphore_mem>>) src(%dma_wait3A_186 : memref<6400xf32, #tpu.memory_space<hbm>>) dst(%dma_wait3A_185 : memref<6400xf32, #tpu.memory_space<vmem>>)
    %dma_start3A_187 = arith.constant 6400 : i32
    %dma_start3A_188 = tpu.memref_slice %arg10[%dma_start3A_187] : memref<12800xf32, #tpu.memory_space<vmem>> -> memref<6400xf32, #tpu.memory_space<vmem>>
    %dma_start3A_189 = arith.constant 6400 : i32
    %dma_start3A_190 = tpu.memref_slice %arg8[%dma_start3A_189] : memref<12800xi32, #tpu.memory_space<vmem>> -> memref<6400xi32, #tpu.memory_space<vmem>>
    %dma_start3A_191 = arith.constant 0 : i32
    %dma_start3A_192 = tpu.memref_slice %arg7[%dma_start3A_191] : memref<1000000xf32, #tpu.memory_space<vmem_shared>> -> memref<1000000xf32, #tpu.memory_space<vmem_shared>>
    tpu.enqueue_indirect_dma source(%dma_start3A_192 : memref<1000000xf32, #tpu.memory_space<vmem_shared>>) target(%dma_start3A_188 : memref<6400xf32, #tpu.memory_space<vmem>>) offsets(%dma_start3A_190 : memref<6400xi32, #tpu.memory_space<vmem>>) semaphore(%arg15 : memref<!tpu.dma_semaphore, #tpu.memory_space<semaphore_mem>>)
    %dma_wait3A_193 = arith.constant 0 : i32
    %dma_wait3A_194 = tpu.memref_slice %arg10[%dma_wait3A_193] : memref<12800xf32, #tpu.memory_space<vmem>> -> memref<6400xf32, #tpu.memory_space<vmem>>
    %dma_wait3A_195 = arith.constant 0 : i32
    %dma_wait3A_196 = tpu.memref_slice %arg8[%dma_wait3A_195] : memref<12800xi32, #tpu.memory_space<vmem>> -> memref<6400xi32, #tpu.memory_space<vmem>>
    %dma_wait3A_197 = arith.constant 0 : i32
    %dma_wait3A_198 = tpu.memref_slice %arg7[%dma_wait3A_197] : memref<1000000xf32, #tpu.memory_space<vmem_shared>> -> memref<1000000xf32, #tpu.memory_space<vmem_shared>>
    tpu.wait_indirect_dma semaphore(%arg14 : memref<!tpu.dma_semaphore, #tpu.memory_space<semaphore_mem>>) src(%dma_wait3A_198 : memref<1000000xf32, #tpu.memory_space<vmem_shared>>) dst(%dma_wait3A_194 : memref<6400xf32, #tpu.memory_space<vmem>>)
    %mul3A_199 = arith.constant 100 : i32
    %mul3A_200 = vector.broadcast %mul3A_199 : i32 to vector<16xi32>
    %mul3A_201 = arith.muli %iota3A, %mul3A_200 : vector<16xi32>
    %add3A_202 = arith.constant 0 : i32
    %add3A_203 = vector.broadcast %add3A_202 : i32 to vector<16xi32>
    %add3A_204 = arith.addi %mul3A_201, %add3A_203 : vector<16xi32>
    %add3A_205 = arith.constant 0 : i32
    %add3A_206 = vector.broadcast %add3A_205 : i32 to vector<16xi32>
    %add3A_207 = arith.addi %add3A_204, %add3A_206 : vector<16xi32>
    %scan3A = arith.constant 0 : i32
    %scan3A_208 = arith.constant 100 : i32
    %scan3A_209 = arith.addi %scan3A, %scan3A_208 : i32
    %scan3A_210 = arith.constant 5 : i32
    %scan3A_211 = scf.for %scan3A_989 = %scan3A to %scan3A_209 step %scan3A_210 iter_args(%scan3A_990 = %get3A_141) -> (vector<16xf32>)  : i32 {
      %add3A_991 = vector.broadcast %scan3A_989 : i32 to vector<16xi32>
      %add3A_992 = arith.addi %add3A_207, %add3A_991 : vector<16xi32>
      %gather3A = tpu.vector_load_idx %arg10[%add3A_992] : memref<12800xf32, #tpu.memory_space<vmem>>[vector<16xi32>], vector<16xf32>,
      %gather3A_993 = tpu.vector_load_idx %arg9[%add3A_992] : memref<12800xf32, #tpu.memory_space<vmem>>[vector<16xi32>], vector<16xf32>,
      %mul3A_994 = arith.mulf %gather3A, %gather3A_993 : vector<16xf32>
      %add3A_995 = arith.addf %scan3A_990, %mul3A_994 : vector<16xf32>
      %scan3A_996 = arith.constant 1 : i32
      %scan3A_997 = arith.addi %scan3A_989, %scan3A_996 : i32
      %add3A_998 = vector.broadcast %scan3A_997 : i32 to vector<16xi32>
      %add3A_999 = arith.addi %add3A_207, %add3A_998 : vector<16xi32>
      %gather3A_1000 = tpu.vector_load_idx %arg10[%add3A_999] : memref<12800xf32, #tpu.memory_space<vmem>>[vector<16xi32>], vector<16xf32>,
      %gather3A_1001 = tpu.vector_load_idx %arg9[%add3A_999] : memref<12800xf32, #tpu.memory_space<vmem>>[vector<16xi32>], vector<16xf32>,
      %mul3A_1002 = arith.mulf %gather3A_1000, %gather3A_1001 : vector<16xf32>
      %add3A_1003 = arith.addf %add3A_995, %mul3A_1002 : vector<16xf32>
      %scan3A_1004 = arith.constant 2 : i32
      %scan3A_1005 = arith.addi %scan3A_989, %scan3A_1004 : i32
      %add3A_1006 = vector.broadcast %scan3A_1005 : i32 to vector<16xi32>
      %add3A_1007 = arith.addi %add3A_207, %add3A_1006 : vector<16xi32>
      %gather3A_1008 = tpu.vector_load_idx %arg10[%add3A_1007] : memref<12800xf32, #tpu.memory_space<vmem>>[vector<16xi32>], vector<16xf32>,
      %gather3A_1009 = tpu.vector_load_idx %arg9[%add3A_1007] : memref<12800xf32, #tpu.memory_space<vmem>>[vector<16xi32>], vector<16xf32>,
      %mul3A_1010 = arith.mulf %gather3A_1008, %gather3A_1009 : vector<16xf32>
      %add3A_1011 = arith.addf %add3A_1003, %mul3A_1010 : vector<16xf32>
      %scan3A_1012 = arith.constant 3 : i32
      %scan3A_1013 = arith.addi %scan3A_989, %scan3A_1012 : i32
      %add3A_1014 = vector.broadcast %scan3A_1013 : i32 to vector<16xi32>
      %add3A_1015 = arith.addi %add3A_207, %add3A_1014 : vector<16xi32>
      %gather3A_1016 = tpu.vector_load_idx %arg10[%add3A_1015] : memref<12800xf32, #tpu.memory_space<vmem>>[vector<16xi32>], vector<16xf32>,
      %gather3A_1017 = tpu.vector_load_idx %arg9[%add3A_1015] : memref<12800xf32, #tpu.memory_space<vmem>>[vector<16xi32>], vector<16xf32>,
      %mul3A_1018 = arith.mulf %gather3A_1016, %gather3A_1017 : vector<16xf32>
      %add3A_1019 = arith.addf %add3A_1011, %mul3A_1018 : vector<16xf32>
      %scan3A_1020 = arith.constant 4 : i32
      %scan3A_1021 = arith.addi %scan3A_989, %scan3A_1020 : i32
      %add3A_1022 = vector.broadcast %scan3A_1021 : i32 to vector<16xi32>
      %add3A_1023 = arith.addi %add3A_207, %add3A_1022 : vector<16xi32>
      %gather3A_1024 = tpu.vector_load_idx %arg10[%add3A_1023] : memref<12800xf32, #tpu.memory_space<vmem>>[vector<16xi32>], vector<16xf32>,
      %gather3A_1025 = tpu.vector_load_idx %arg9[%add3A_1023] : memref<12800xf32, #tpu.memory_space<vmem>>[vector<16xi32>], vector<16xf32>,
      %mul3A_1026 = arith.mulf %gather3A_1024, %gather3A_1025 : vector<16xf32>
      %add3A_1027 = arith.addf %add3A_1019, %mul3A_1026 : vector<16xf32>
      scf.yield %add3A_1027 : vector<16xf32>
    }
    %scan3A_212 = arith.constant 100 : i32
    %swap3A = arith.constant 0 : index
    %swap3A_213 = tpu.vector_load %arg13[%swap3A] {strides = array<i32>} : memref<512xf32, #tpu.memory_space<vmem>>, vector<16xf32>,
    tpu.vector_store %arg13[%swap3A], %scan3A_211 {strides = array<i32>} : memref<512xf32, #tpu.memory_space<vmem>>, vector<16xf32>,
    %mul3A_214 = arith.constant 100 : i32
    %mul3A_215 = vector.broadcast %mul3A_214 : i32 to vector<16xi32>
    %mul3A_216 = arith.muli %iota3A, %mul3A_215 : vector<16xi32>
    %add3A_217 = arith.constant 1600 : i32
    %add3A_218 = vector.broadcast %add3A_217 : i32 to vector<16xi32>
    %add3A_219 = arith.addi %mul3A_216, %add3A_218 : vector<16xi32>
    %add3A_220 = arith.constant 0 : i32
    %add3A_221 = vector.broadcast %add3A_220 : i32 to vector<16xi32>
    %add3A_222 = arith.addi %add3A_219, %add3A_221 : vector<16xi32>
    %scan3A_223 = arith.constant 0 : i32
    %scan3A_224 = arith.constant 100 : i32
    %scan3A_225 = arith.addi %scan3A_223, %scan3A_224 : i32
    %scan3A_226 = arith.constant 5 : i32
    %scan3A_227 = scf.for %scan3A_989 = %scan3A_223 to %scan3A_225 step %scan3A_226 iter_args(%scan3A_990 = %get3A_141) -> (vector<16xf32>)  : i32 {
      %add3A_991 = vector.broadcast %scan3A_989 : i32 to vector<16xi32>
      %add3A_992 = arith.addi %add3A_222, %add3A_991 : vector<16xi32>
      %gather3A = tpu.vector_load_idx %arg10[%add3A_992] : memref<12800xf32, #tpu.memory_space<vmem>>[vector<16xi32>], vector<16xf32>,
      %gather3A_993 = tpu.vector_load_idx %arg9[%add3A_992] : memref<12800xf32, #tpu.memory_space<vmem>>[vector<16xi32>], vector<16xf32>,
      %mul3A_994 = arith.mulf %gather3A, %gather3A_993 : vector<16xf32>
      %add3A_995 = arith.addf %scan3A_990, %mul3A_994 : vector<16xf32>
      %scan3A_996 = arith.constant 1 : i32
      %scan3A_997 = arith.addi %scan3A_989, %scan3A_996 : i32
      %add3A_998 = vector.broadcast %scan3A_997 : i32 to vector<16xi32>
      %add3A_999 = arith.addi %add3A_222, %add3A_998 : vector<16xi32>
      %gather3A_1000 = tpu.vector_load_idx %arg10[%add3A_999] : memref<12800xf32, #tpu.memory_space<vmem>>[vector<16xi32>], vector<16xf32>,
      %gather3A_1001 = tpu.vector_load_idx %arg9[%add3A_999] : memref<12800xf32, #tpu.memory_space<vmem>>[vector<16xi32>], vector<16xf32>,
      %mul3A_1002 = arith.mulf %gather3A_1000, %gather3A_1001 : vector<16xf32>
      %add3A_1003 = arith.addf %add3A_995, %mul3A_1002 : vector<16xf32>
      %scan3A_1004 = arith.constant 2 : i32
      %scan3A_1005 = arith.addi %scan3A_989, %scan3A_1004 : i32
      %add3A_1006 = vector.broadcast %scan3A_1005 : i32 to vector<16xi32>
      %add3A_1007 = arith.addi %add3A_222, %add3A_1006 : vector<16xi32>
      %gather3A_1008 = tpu.vector_load_idx %arg10[%add3A_1007] : memref<12800xf32, #tpu.memory_space<vmem>>[vector<16xi32>], vector<16xf32>,
      %gather3A_1009 = tpu.vector_load_idx %arg9[%add3A_1007] : memref<12800xf32, #tpu.memory_space<vmem>>[vector<16xi32>], vector<16xf32>,
      %mul3A_1010 = arith.mulf %gather3A_1008, %gather3A_1009 : vector<16xf32>
      %add3A_1011 = arith.addf %add3A_1003, %mul3A_1010 : vector<16xf32>
      %scan3A_1012 = arith.constant 3 : i32
      %scan3A_1013 = arith.addi %scan3A_989, %scan3A_1012 : i32
      %add3A_1014 = vector.broadcast %scan3A_1013 : i32 to vector<16xi32>
      %add3A_1015 = arith.addi %add3A_222, %add3A_1014 : vector<16xi32>
      %gather3A_1016 = tpu.vector_load_idx %arg10[%add3A_1015] : memref<12800xf32, #tpu.memory_space<vmem>>[vector<16xi32>], vector<16xf32>,
      %gather3A_1017 = tpu.vector_load_idx %arg9[%add3A_1015] : memref<12800xf32, #tpu.memory_space<vmem>>[vector<16xi32>], vector<16xf32>,
      %mul3A_1018 = arith.mulf %gather3A_1016, %gather3A_1017 : vector<16xf32>
      %add3A_1019 = arith.addf %add3A_1011, %mul3A_1018 : vector<16xf32>
      %scan3A_1020 = arith.constant 4 : i32
      %scan3A_1021 = arith.addi %scan3A_989, %scan3A_1020 : i32
      %add3A_1022 = vector.broadcast %scan3A_1021 : i32 to vector<16xi32>
      %add3A_1023 = arith.addi %add3A_222, %add3A_1022 : vector<16xi32>
      %gather3A_1024 = tpu.vector_load_idx %arg10[%add3A_1023] : memref<12800xf32, #tpu.memory_space<vmem>>[vector<16xi32>], vector<16xf32>,
      %gather3A_1025 = tpu.vector_load_idx %arg9[%add3A_1023] : memref<12800xf32, #tpu.memory_space<vmem>>[vector<16xi32>], vector<16xf32>,
      %mul3A_1026 = arith.mulf %gather3A_1024, %gather3A_1025 : vector<16xf32>
      %add3A_1027 = arith.addf %add3A_1019, %mul3A_1026 : vector<16xf32>
      scf.yield %add3A_1027 : vector<16xf32>
    }
    %scan3A_228 = arith.constant 100 : i32
    %swap3A_229 = arith.constant 16 : index
    %swap3A_230 = tpu.vector_load %arg13[%swap3A_229] {strides = array<i32>} : memref<512xf32, #tpu.memory_space<vmem>>, vector<16xf32>,
    tpu.vector_store %arg13[%swap3A_229], %scan3A_227 {strides = array<i32>} : memref<512xf32, #tpu.memory_space<vmem>>, vector<16xf32>,
    %mul3A_231 = arith.constant 100 : i32
    %mul3A_232 = vector.broadcast %mul3A_231 : i32 to vector<16xi32>
    %mul3A_233 = arith.muli %iota3A, %mul3A_232 : vector<16xi32>
    %add3A_234 = arith.constant 3200 : i32
    %add3A_235 = vector.broadcast %add3A_234 : i32 to vector<16xi32>
    %add3A_236 = arith.addi %mul3A_233, %add3A_235 : vector<16xi32>
    %add3A_237 = arith.constant 0 : i32
    %add3A_238 = vector.broadcast %add3A_237 : i32 to vector<16xi32>
    %add3A_239 = arith.addi %add3A_236, %add3A_238 : vector<16xi32>
    %scan3A_240 = arith.constant 0 : i32
    %scan3A_241 = arith.constant 100 : i32
    %scan3A_242 = arith.addi %scan3A_240, %scan3A_241 : i32
    %scan3A_243 = arith.constant 5 : i32
    %scan3A_244 = scf.for %scan3A_989 = %scan3A_240 to %scan3A_242 step %scan3A_243 iter_args(%scan3A_990 = %get3A_141) -> (vector<16xf32>)  : i32 {
      %add3A_991 = vector.broadcast %scan3A_989 : i32 to vector<16xi32>
      %add3A_992 = arith.addi %add3A_239, %add3A_991 : vector<16xi32>
      %gather3A = tpu.vector_load_idx %arg10[%add3A_992] : memref<12800xf32, #tpu.memory_space<vmem>>[vector<16xi32>], vector<16xf32>,
      %gather3A_993 = tpu.vector_load_idx %arg9[%add3A_992] : memref<12800xf32, #tpu.memory_space<vmem>>[vector<16xi32>], vector<16xf32>,
      %mul3A_994 = arith.mulf %gather3A, %gather3A_993 : vector<16xf32>
      %add3A_995 = arith.addf %scan3A_990, %mul3A_994 : vector<16xf32>
      %scan3A_996 = arith.constant 1 : i32
      %scan3A_997 = arith.addi %scan3A_989, %scan3A_996 : i32
      %add3A_998 = vector.broadcast %scan3A_997 : i32 to vector<16xi32>
      %add3A_999 = arith.addi %add3A_239, %add3A_998 : vector<16xi32>
      %gather3A_1000 = tpu.vector_load_idx %arg10[%add3A_999] : memref<12800xf32, #tpu.memory_space<vmem>>[vector<16xi32>], vector<16xf32>,
      %gather3A_1001 = tpu.vector_load_idx %arg9[%add3A_999] : memref<12800xf32, #tpu.memory_space<vmem>>[vector<16xi32>], vector<16xf32>,
      %mul3A_1002 = arith.mulf %gather3A_1000, %gather3A_1001 : vector<16xf32>
      %add3A_1003 = arith.addf %add3A_995, %mul3A_1002 : vector<16xf32>
      %scan3A_1004 = arith.constant 2 : i32
      %scan3A_1005 = arith.addi %scan3A_989, %scan3A_1004 : i32
      %add3A_1006 = vector.broadcast %scan3A_1005 : i32 to vector<16xi32>
      %add3A_1007 = arith.addi %add3A_239, %add3A_1006 : vector<16xi32>
      %gather3A_1008 = tpu.vector_load_idx %arg10[%add3A_1007] : memref<12800xf32, #tpu.memory_space<vmem>>[vector<16xi32>], vector<16xf32>,
      %gather3A_1009 = tpu.vector_load_idx %arg9[%add3A_1007] : memref<12800xf32, #tpu.memory_space<vmem>>[vector<16xi32>], vector<16xf32>,
      %mul3A_1010 = arith.mulf %gather3A_1008, %gather3A_1009 : vector<16xf32>
      %add3A_1011 = arith.addf %add3A_1003, %mul3A_1010 : vector<16xf32>
      %scan3A_1012 = arith.constant 3 : i32
      %scan3A_1013 = arith.addi %scan3A_989, %scan3A_1012 : i32
      %add3A_1014 = vector.broadcast %scan3A_1013 : i32 to vector<16xi32>
      %add3A_1015 = arith.addi %add3A_239, %add3A_1014 : vector<16xi32>
      %gather3A_1016 = tpu.vector_load_idx %arg10[%add3A_1015] : memref<12800xf32, #tpu.memory_space<vmem>>[vector<16xi32>], vector<16xf32>,
      %gather3A_1017 = tpu.vector_load_idx %arg9[%add3A_1015] : memref<12800xf32, #tpu.memory_space<vmem>>[vector<16xi32>], vector<16xf32>,
      %mul3A_1018 = arith.mulf %gather3A_1016, %gather3A_1017 : vector<16xf32>
      %add3A_1019 = arith.addf %add3A_1011, %mul3A_1018 : vector<16xf32>
      %scan3A_1020 = arith.constant 4 : i32
      %scan3A_1021 = arith.addi %scan3A_989, %scan3A_1020 : i32
      %add3A_1022 = vector.broadcast %scan3A_1021 : i32 to vector<16xi32>
      %add3A_1023 = arith.addi %add3A_239, %add3A_1022 : vector<16xi32>
      %gather3A_1024 = tpu.vector_load_idx %arg10[%add3A_1023] : memref<12800xf32, #tpu.memory_space<vmem>>[vector<16xi32>], vector<16xf32>,
      %gather3A_1025 = tpu.vector_load_idx %arg9[%add3A_1023] : memref<12800xf32, #tpu.memory_space<vmem>>[vector<16xi32>], vector<16xf32>,
      %mul3A_1026 = arith.mulf %gather3A_1024, %gather3A_1025 : vector<16xf32>
      %add3A_1027 = arith.addf %add3A_1019, %mul3A_1026 : vector<16xf32>
      scf.yield %add3A_1027 : vector<16xf32>
    }
    %scan3A_245 = arith.constant 100 : i32
    %swap3A_246 = arith.constant 32 : index
    %swap3A_247 = tpu.vector_load %arg13[%swap3A_246] {strides = array<i32>} : memref<512xf32, #tpu.memory_space<vmem>>, vector<16xf32>,
    tpu.vector_store %arg13[%swap3A_246], %scan3A_244 {strides = array<i32>} : memref<512xf32, #tpu.memory_space<vmem>>, vector<16xf32>,
    %mul3A_248 = arith.constant 100 : i32
    %mul3A_249 = vector.broadcast %mul3A_248 : i32 to vector<16xi32>
    %mul3A_250 = arith.muli %iota3A, %mul3A_249 : vector<16xi32>
    %add3A_251 = arith.constant 4800 : i32
    %add3A_252 = vector.broadcast %add3A_251 : i32 to vector<16xi32>
    %add3A_253 = arith.addi %mul3A_250, %add3A_252 : vector<16xi32>
    %add3A_254 = arith.constant 0 : i32
    %add3A_255 = vector.broadcast %add3A_254 : i32 to vector<16xi32>
    %add3A_256 = arith.addi %add3A_253, %add3A_255 : vector<16xi32>
    %scan3A_257 = arith.constant 0 : i32
    %scan3A_258 = arith.constant 100 : i32
    %scan3A_259 = arith.addi %scan3A_257, %scan3A_258 : i32
    %scan3A_260 = arith.constant 5 : i32
    %scan3A_261 = scf.for %scan3A_989 = %scan3A_257 to %scan3A_259 step %scan3A_260 iter_args(%scan3A_990 = %get3A_141) -> (vector<16xf32>)  : i32 {
      %add3A_991 = vector.broadcast %scan3A_989 : i32 to vector<16xi32>
      %add3A_992 = arith.addi %add3A_256, %add3A_991 : vector<16xi32>
      %gather3A = tpu.vector_load_idx %arg10[%add3A_992] : memref<12800xf32, #tpu.memory_space<vmem>>[vector<16xi32>], vector<16xf32>,
      %gather3A_993 = tpu.vector_load_idx %arg9[%add3A_992] : memref<12800xf32, #tpu.memory_space<vmem>>[vector<16xi32>], vector<16xf32>,
      %mul3A_994 = arith.mulf %gather3A, %gather3A_993 : vector<16xf32>
      %add3A_995 = arith.addf %scan3A_990, %mul3A_994 : vector<16xf32>
      %scan3A_996 = arith.constant 1 : i32
      %scan3A_997 = arith.addi %scan3A_989, %scan3A_996 : i32
      %add3A_998 = vector.broadcast %scan3A_997 : i32 to vector<16xi32>
      %add3A_999 = arith.addi %add3A_256, %add3A_998 : vector<16xi32>
      %gather3A_1000 = tpu.vector_load_idx %arg10[%add3A_999] : memref<12800xf32, #tpu.memory_space<vmem>>[vector<16xi32>], vector<16xf32>,
      %gather3A_1001 = tpu.vector_load_idx %arg9[%add3A_999] : memref<12800xf32, #tpu.memory_space<vmem>>[vector<16xi32>], vector<16xf32>,
      %mul3A_1002 = arith.mulf %gather3A_1000, %gather3A_1001 : vector<16xf32>
      %add3A_1003 = arith.addf %add3A_995, %mul3A_1002 : vector<16xf32>
      %scan3A_1004 = arith.constant 2 : i32
      %scan3A_1005 = arith.addi %scan3A_989, %scan3A_1004 : i32
      %add3A_1006 = vector.broadcast %scan3A_1005 : i32 to vector<16xi32>
      %add3A_1007 = arith.addi %add3A_256, %add3A_1006 : vector<16xi32>
      %gather3A_1008 = tpu.vector_load_idx %arg10[%add3A_1007] : memref<12800xf32, #tpu.memory_space<vmem>>[vector<16xi32>], vector<16xf32>,
      %gather3A_1009 = tpu.vector_load_idx %arg9[%add3A_1007] : memref<12800xf32, #tpu.memory_space<vmem>>[vector<16xi32>], vector<16xf32>,
      %mul3A_1010 = arith.mulf %gather3A_1008, %gather3A_1009 : vector<16xf32>
      %add3A_1011 = arith.addf %add3A_1003, %mul3A_1010 : vector<16xf32>
      %scan3A_1012 = arith.constant 3 : i32
      %scan3A_1013 = arith.addi %scan3A_989, %scan3A_1012 : i32
      %add3A_1014 = vector.broadcast %scan3A_1013 : i32 to vector<16xi32>
      %add3A_1015 = arith.addi %add3A_256, %add3A_1014 : vector<16xi32>
      %gather3A_1016 = tpu.vector_load_idx %arg10[%add3A_1015] : memref<12800xf32, #tpu.memory_space<vmem>>[vector<16xi32>], vector<16xf32>,
      %gather3A_1017 = tpu.vector_load_idx %arg9[%add3A_1015] : memref<12800xf32, #tpu.memory_space<vmem>>[vector<16xi32>], vector<16xf32>,
      %mul3A_1018 = arith.mulf %gather3A_1016, %gather3A_1017 : vector<16xf32>
      %add3A_1019 = arith.addf %add3A_1011, %mul3A_1018 : vector<16xf32>
      %scan3A_1020 = arith.constant 4 : i32
      %scan3A_1021 = arith.addi %scan3A_989, %scan3A_1020 : i32
      %add3A_1022 = vector.broadcast %scan3A_1021 : i32 to vector<16xi32>
      %add3A_1023 = arith.addi %add3A_256, %add3A_1022 : vector<16xi32>
      %gather3A_1024 = tpu.vector_load_idx %arg10[%add3A_1023] : memref<12800xf32, #tpu.memory_space<vmem>>[vector<16xi32>], vector<16xf32>,
      %gather3A_1025 = tpu.vector_load_idx %arg9[%add3A_1023] : memref<12800xf32, #tpu.memory_space<vmem>>[vector<16xi32>], vector<16xf32>,
      %mul3A_1026 = arith.mulf %gather3A_1024, %gather3A_1025 : vector<16xf32>
      %add3A_1027 = arith.addf %add3A_1019, %mul3A_1026 : vector<16xf32>
      scf.yield %add3A_1027 : vector<16xf32>
    }
    %scan3A_262 = arith.constant 100 : i32
    %swap3A_263 = arith.constant 48 : index
    %swap3A_264 = tpu.vector_load %arg13[%swap3A_263] {strides = array<i32>} : memref<512xf32, #tpu.memory_space<vmem>>, vector<16xf32>,
    tpu.vector_store %arg13[%swap3A_263], %scan3A_261 {strides = array<i32>} : memref<512xf32, #tpu.memory_space<vmem>>, vector<16xf32>,
    %mul3A_265 = arith.constant 51200 : i32
    %mul3A_266 = arith.muli %add3A, %mul3A_265 : i32
    %add3A_267 = arith.constant 12800 : i32
    %add3A_268 = arith.addi %mul3A_266, %add3A_267 : i32
    %dma_start3A_269 = arith.constant 0 : i32
    %dma_start3A_270 = tpu.memref_slice %arg8[%dma_start3A_269] : memref<12800xi32, #tpu.memory_space<vmem>> -> memref<6400xi32, #tpu.memory_space<vmem>>
    %dma_start3A_271 = tpu.memref_slice %arg3[%add3A_268] : memref<1638400xi32, #tpu.memory_space<hbm>> -> memref<6400xi32, #tpu.memory_space<hbm>>
    %dma_start3A_272 = arith.constant 0 : i32
    %dma_start3A_273 = tpu.memref_slice %arg8[%dma_start3A_272] : memref<12800xi32, #tpu.memory_space<vmem>> -> memref<6400xi32, #tpu.memory_space<vmem>>
    %dma_start3A_274 = tpu.memref_slice %arg3[%add3A_268] : memref<1638400xi32, #tpu.memory_space<hbm>> -> memref<6400xi32, #tpu.memory_space<hbm>>
    tpu.enqueue_dma source(%dma_start3A_274 : memref<6400xi32, #tpu.memory_space<hbm>>) target(%dma_start3A_273 : memref<6400xi32, #tpu.memory_space<vmem>>) target_semaphore(%arg18 : memref<!tpu.dma_semaphore, #tpu.memory_space<semaphore_mem>>)
    %dma_wait3A_275 = arith.constant 0 : i32
    %dma_wait3A_276 = tpu.memref_slice %arg8[%dma_wait3A_275] : memref<12800xi32, #tpu.memory_space<vmem>> -> memref<6400xi32, #tpu.memory_space<vmem>>
    %dma_wait3A_277 = tpu.memref_slice %arg3[%add3A_268] : memref<1638400xi32, #tpu.memory_space<hbm>> -> memref<6400xi32, #tpu.memory_space<hbm>>
    %dma_wait3A_278 = arith.constant 0 : i32
    %dma_wait3A_279 = tpu.memref_slice %arg8[%dma_wait3A_278] : memref<12800xi32, #tpu.memory_space<vmem>> -> memref<6400xi32, #tpu.memory_space<vmem>>
    %dma_wait3A_280 = tpu.memref_slice %arg3[%add3A_268] : memref<1638400xi32, #tpu.memory_space<hbm>> -> memref<6400xi32, #tpu.memory_space<hbm>>
    tpu.wait_dma2 semaphore(%arg18 : memref<!tpu.dma_semaphore, #tpu.memory_space<semaphore_mem>>) src(%dma_wait3A_280 : memref<6400xi32, #tpu.memory_space<hbm>>) dst(%dma_wait3A_279 : memref<6400xi32, #tpu.memory_space<vmem>>)
    %dma_start3A_281 = arith.constant 0 : i32
    %dma_start3A_282 = tpu.memref_slice %arg9[%dma_start3A_281] : memref<12800xf32, #tpu.memory_space<vmem>> -> memref<6400xf32, #tpu.memory_space<vmem>>
    %dma_start3A_283 = tpu.memref_slice %arg4[%add3A_268] : memref<1638400xf32, #tpu.memory_space<hbm>> -> memref<6400xf32, #tpu.memory_space<hbm>>
    %dma_start3A_284 = arith.constant 0 : i32
    %dma_start3A_285 = tpu.memref_slice %arg9[%dma_start3A_284] : memref<12800xf32, #tpu.memory_space<vmem>> -> memref<6400xf32, #tpu.memory_space<vmem>>
    %dma_start3A_286 = tpu.memref_slice %arg4[%add3A_268] : memref<1638400xf32, #tpu.memory_space<hbm>> -> memref<6400xf32, #tpu.memory_space<hbm>>
    tpu.enqueue_dma source(%dma_start3A_286 : memref<6400xf32, #tpu.memory_space<hbm>>) target(%dma_start3A_285 : memref<6400xf32, #tpu.memory_space<vmem>>) target_semaphore(%arg18 : memref<!tpu.dma_semaphore, #tpu.memory_space<semaphore_mem>>)
    %dma_wait3A_287 = arith.constant 0 : i32
    %dma_wait3A_288 = tpu.memref_slice %arg9[%dma_wait3A_287] : memref<12800xf32, #tpu.memory_space<vmem>> -> memref<6400xf32, #tpu.memory_space<vmem>>
    %dma_wait3A_289 = tpu.memref_slice %arg4[%add3A_268] : memref<1638400xf32, #tpu.memory_space<hbm>> -> memref<6400xf32, #tpu.memory_space<hbm>>
    %dma_wait3A_290 = arith.constant 0 : i32
    %dma_wait3A_291 = tpu.memref_slice %arg9[%dma_wait3A_290] : memref<12800xf32, #tpu.memory_space<vmem>> -> memref<6400xf32, #tpu.memory_space<vmem>>
    %dma_wait3A_292 = tpu.memref_slice %arg4[%add3A_268] : memref<1638400xf32, #tpu.memory_space<hbm>> -> memref<6400xf32, #tpu.memory_space<hbm>>
    tpu.wait_dma2 semaphore(%arg18 : memref<!tpu.dma_semaphore, #tpu.memory_space<semaphore_mem>>) src(%dma_wait3A_292 : memref<6400xf32, #tpu.memory_space<hbm>>) dst(%dma_wait3A_291 : memref<6400xf32, #tpu.memory_space<vmem>>)
    %dma_start3A_293 = arith.constant 0 : i32
    %dma_start3A_294 = tpu.memref_slice %arg10[%dma_start3A_293] : memref<12800xf32, #tpu.memory_space<vmem>> -> memref<6400xf32, #tpu.memory_space<vmem>>
    %dma_start3A_295 = arith.constant 0 : i32
    %dma_start3A_296 = tpu.memref_slice %arg8[%dma_start3A_295] : memref<12800xi32, #tpu.memory_space<vmem>> -> memref<6400xi32, #tpu.memory_space<vmem>>
    %dma_start3A_297 = arith.constant 0 : i32
    %dma_start3A_298 = tpu.memref_slice %arg7[%dma_start3A_297] : memref<1000000xf32, #tpu.memory_space<vmem_shared>> -> memref<1000000xf32, #tpu.memory_space<vmem_shared>>
    tpu.enqueue_indirect_dma source(%dma_start3A_298 : memref<1000000xf32, #tpu.memory_space<vmem_shared>>) target(%dma_start3A_294 : memref<6400xf32, #tpu.memory_space<vmem>>) offsets(%dma_start3A_296 : memref<6400xi32, #tpu.memory_space<vmem>>) semaphore(%arg14 : memref<!tpu.dma_semaphore, #tpu.memory_space<semaphore_mem>>)
    %dma_wait3A_299 = arith.constant 6400 : i32
    %dma_wait3A_300 = tpu.memref_slice %arg10[%dma_wait3A_299] : memref<12800xf32, #tpu.memory_space<vmem>> -> memref<6400xf32, #tpu.memory_space<vmem>>
    %dma_wait3A_301 = arith.constant 6400 : i32
    %dma_wait3A_302 = tpu.memref_slice %arg8[%dma_wait3A_301] : memref<12800xi32, #tpu.memory_space<vmem>> -> memref<6400xi32, #tpu.memory_space<vmem>>
    %dma_wait3A_303 = arith.constant 0 : i32
    %dma_wait3A_304 = tpu.memref_slice %arg7[%dma_wait3A_303] : memref<1000000xf32, #tpu.memory_space<vmem_shared>> -> memref<1000000xf32, #tpu.memory_space<vmem_shared>>
    tpu.wait_indirect_dma semaphore(%arg15 : memref<!tpu.dma_semaphore, #tpu.memory_space<semaphore_mem>>) src(%dma_wait3A_304 : memref<1000000xf32, #tpu.memory_space<vmem_shared>>) dst(%dma_wait3A_300 : memref<6400xf32, #tpu.memory_space<vmem>>)
    %mul3A_305 = arith.constant 100 : i32
    %mul3A_306 = vector.broadcast %mul3A_305 : i32 to vector<16xi32>
    %mul3A_307 = arith.muli %iota3A, %mul3A_306 : vector<16xi32>
    %add3A_308 = arith.constant 0 : i32
    %add3A_309 = vector.broadcast %add3A_308 : i32 to vector<16xi32>
    %add3A_310 = arith.addi %mul3A_307, %add3A_309 : vector<16xi32>
    %add3A_311 = arith.constant 6400 : i32
    %add3A_312 = vector.broadcast %add3A_311 : i32 to vector<16xi32>
    %add3A_313 = arith.addi %add3A_310, %add3A_312 : vector<16xi32>
    %scan3A_314 = arith.constant 0 : i32
    %scan3A_315 = arith.constant 100 : i32
    %scan3A_316 = arith.addi %scan3A_314, %scan3A_315 : i32
    %scan3A_317 = arith.constant 5 : i32
    %scan3A_318 = scf.for %scan3A_989 = %scan3A_314 to %scan3A_316 step %scan3A_317 iter_args(%scan3A_990 = %get3A_141) -> (vector<16xf32>)  : i32 {
      %add3A_991 = vector.broadcast %scan3A_989 : i32 to vector<16xi32>
      %add3A_992 = arith.addi %add3A_313, %add3A_991 : vector<16xi32>
      %gather3A = tpu.vector_load_idx %arg10[%add3A_992] : memref<12800xf32, #tpu.memory_space<vmem>>[vector<16xi32>], vector<16xf32>,
      %gather3A_993 = tpu.vector_load_idx %arg9[%add3A_992] : memref<12800xf32, #tpu.memory_space<vmem>>[vector<16xi32>], vector<16xf32>,
      %mul3A_994 = arith.mulf %gather3A, %gather3A_993 : vector<16xf32>
      %add3A_995 = arith.addf %scan3A_990, %mul3A_994 : vector<16xf32>
      %scan3A_996 = arith.constant 1 : i32
      %scan3A_997 = arith.addi %scan3A_989, %scan3A_996 : i32
      %add3A_998 = vector.broadcast %scan3A_997 : i32 to vector<16xi32>
      %add3A_999 = arith.addi %add3A_313, %add3A_998 : vector<16xi32>
      %gather3A_1000 = tpu.vector_load_idx %arg10[%add3A_999] : memref<12800xf32, #tpu.memory_space<vmem>>[vector<16xi32>], vector<16xf32>,
      %gather3A_1001 = tpu.vector_load_idx %arg9[%add3A_999] : memref<12800xf32, #tpu.memory_space<vmem>>[vector<16xi32>], vector<16xf32>,
      %mul3A_1002 = arith.mulf %gather3A_1000, %gather3A_1001 : vector<16xf32>
      %add3A_1003 = arith.addf %add3A_995, %mul3A_1002 : vector<16xf32>
      %scan3A_1004 = arith.constant 2 : i32
      %scan3A_1005 = arith.addi %scan3A_989, %scan3A_1004 : i32
      %add3A_1006 = vector.broadcast %scan3A_1005 : i32 to vector<16xi32>
      %add3A_1007 = arith.addi %add3A_313, %add3A_1006 : vector<16xi32>
      %gather3A_1008 = tpu.vector_load_idx %arg10[%add3A_1007] : memref<12800xf32, #tpu.memory_space<vmem>>[vector<16xi32>], vector<16xf32>,
      %gather3A_1009 = tpu.vector_load_idx %arg9[%add3A_1007] : memref<12800xf32, #tpu.memory_space<vmem>>[vector<16xi32>], vector<16xf32>,
      %mul3A_1010 = arith.mulf %gather3A_1008, %gather3A_1009 : vector<16xf32>
      %add3A_1011 = arith.addf %add3A_1003, %mul3A_1010 : vector<16xf32>
      %scan3A_1012 = arith.constant 3 : i32
      %scan3A_1013 = arith.addi %scan3A_989, %scan3A_1012 : i32
      %add3A_1014 = vector.broadcast %scan3A_1013 : i32 to vector<16xi32>
      %add3A_1015 = arith.addi %add3A_313, %add3A_1014 : vector<16xi32>
      %gather3A_1016 = tpu.vector_load_idx %arg10[%add3A_1015] : memref<12800xf32, #tpu.memory_space<vmem>>[vector<16xi32>], vector<16xf32>,
      %gather3A_1017 = tpu.vector_load_idx %arg9[%add3A_1015] : memref<12800xf32, #tpu.memory_space<vmem>>[vector<16xi32>], vector<16xf32>,
      %mul3A_1018 = arith.mulf %gather3A_1016, %gather3A_1017 : vector<16xf32>
      %add3A_1019 = arith.addf %add3A_1011, %mul3A_1018 : vector<16xf32>
      %scan3A_1020 = arith.constant 4 : i32
      %scan3A_1021 = arith.addi %scan3A_989, %scan3A_1020 : i32
      %add3A_1022 = vector.broadcast %scan3A_1021 : i32 to vector<16xi32>
      %add3A_1023 = arith.addi %add3A_313, %add3A_1022 : vector<16xi32>
      %gather3A_1024 = tpu.vector_load_idx %arg10[%add3A_1023] : memref<12800xf32, #tpu.memory_space<vmem>>[vector<16xi32>], vector<16xf32>,
      %gather3A_1025 = tpu.vector_load_idx %arg9[%add3A_1023] : memref<12800xf32, #tpu.memory_space<vmem>>[vector<16xi32>], vector<16xf32>,
      %mul3A_1026 = arith.mulf %gather3A_1024, %gather3A_1025 : vector<16xf32>
      %add3A_1027 = arith.addf %add3A_1019, %mul3A_1026 : vector<16xf32>
      scf.yield %add3A_1027 : vector<16xf32>
    }
    %scan3A_319 = arith.constant 100 : i32
    %swap3A_320 = arith.constant 64 : index
    %swap3A_321 = tpu.vector_load %arg13[%swap3A_320] {strides = array<i32>} : memref<512xf32, #tpu.memory_space<vmem>>, vector<16xf32>,
    tpu.vector_store %arg13[%swap3A_320], %scan3A_318 {strides = array<i32>} : memref<512xf32, #tpu.memory_space<vmem>>, vector<16xf32>,
    %mul3A_322 = arith.constant 100 : i32
    %mul3A_323 = vector.broadcast %mul3A_322 : i32 to vector<16xi32>
    %mul3A_324 = arith.muli %iota3A, %mul3A_323 : vector<16xi32>
    %add3A_325 = arith.constant 1600 : i32
    %add3A_326 = vector.broadcast %add3A_325 : i32 to vector<16xi32>
    %add3A_327 = arith.addi %mul3A_324, %add3A_326 : vector<16xi32>
    %add3A_328 = arith.constant 6400 : i32
    %add3A_329 = vector.broadcast %add3A_328 : i32 to vector<16xi32>
    %add3A_330 = arith.addi %add3A_327, %add3A_329 : vector<16xi32>
    %scan3A_331 = arith.constant 0 : i32
    %scan3A_332 = arith.constant 100 : i32
    %scan3A_333 = arith.addi %scan3A_331, %scan3A_332 : i32
    %scan3A_334 = arith.constant 5 : i32
    %scan3A_335 = scf.for %scan3A_989 = %scan3A_331 to %scan3A_333 step %scan3A_334 iter_args(%scan3A_990 = %get3A_141) -> (vector<16xf32>)  : i32 {
      %add3A_991 = vector.broadcast %scan3A_989 : i32 to vector<16xi32>
      %add3A_992 = arith.addi %add3A_330, %add3A_991 : vector<16xi32>
      %gather3A = tpu.vector_load_idx %arg10[%add3A_992] : memref<12800xf32, #tpu.memory_space<vmem>>[vector<16xi32>], vector<16xf32>,
      %gather3A_993 = tpu.vector_load_idx %arg9[%add3A_992] : memref<12800xf32, #tpu.memory_space<vmem>>[vector<16xi32>], vector<16xf32>,
      %mul3A_994 = arith.mulf %gather3A, %gather3A_993 : vector<16xf32>
      %add3A_995 = arith.addf %scan3A_990, %mul3A_994 : vector<16xf32>
      %scan3A_996 = arith.constant 1 : i32
      %scan3A_997 = arith.addi %scan3A_989, %scan3A_996 : i32
      %add3A_998 = vector.broadcast %scan3A_997 : i32 to vector<16xi32>
      %add3A_999 = arith.addi %add3A_330, %add3A_998 : vector<16xi32>
      %gather3A_1000 = tpu.vector_load_idx %arg10[%add3A_999] : memref<12800xf32, #tpu.memory_space<vmem>>[vector<16xi32>], vector<16xf32>,
      %gather3A_1001 = tpu.vector_load_idx %arg9[%add3A_999] : memref<12800xf32, #tpu.memory_space<vmem>>[vector<16xi32>], vector<16xf32>,
      %mul3A_1002 = arith.mulf %gather3A_1000, %gather3A_1001 : vector<16xf32>
      %add3A_1003 = arith.addf %add3A_995, %mul3A_1002 : vector<16xf32>
      %scan3A_1004 = arith.constant 2 : i32
      %scan3A_1005 = arith.addi %scan3A_989, %scan3A_1004 : i32
      %add3A_1006 = vector.broadcast %scan3A_1005 : i32 to vector<16xi32>
      %add3A_1007 = arith.addi %add3A_330, %add3A_1006 : vector<16xi32>
      %gather3A_1008 = tpu.vector_load_idx %arg10[%add3A_1007] : memref<12800xf32, #tpu.memory_space<vmem>>[vector<16xi32>], vector<16xf32>,
      %gather3A_1009 = tpu.vector_load_idx %arg9[%add3A_1007] : memref<12800xf32, #tpu.memory_space<vmem>>[vector<16xi32>], vector<16xf32>,
      %mul3A_1010 = arith.mulf %gather3A_1008, %gather3A_1009 : vector<16xf32>
      %add3A_1011 = arith.addf %add3A_1003, %mul3A_1010 : vector<16xf32>
      %scan3A_1012 = arith.constant 3 : i32
      %scan3A_1013 = arith.addi %scan3A_989, %scan3A_1012 : i32
      %add3A_1014 = vector.broadcast %scan3A_1013 : i32 to vector<16xi32>
      %add3A_1015 = arith.addi %add3A_330, %add3A_1014 : vector<16xi32>
      %gather3A_1016 = tpu.vector_load_idx %arg10[%add3A_1015] : memref<12800xf32, #tpu.memory_space<vmem>>[vector<16xi32>], vector<16xf32>,
      %gather3A_1017 = tpu.vector_load_idx %arg9[%add3A_1015] : memref<12800xf32, #tpu.memory_space<vmem>>[vector<16xi32>], vector<16xf32>,
      %mul3A_1018 = arith.mulf %gather3A_1016, %gather3A_1017 : vector<16xf32>
      %add3A_1019 = arith.addf %add3A_1011, %mul3A_1018 : vector<16xf32>
      %scan3A_1020 = arith.constant 4 : i32
      %scan3A_1021 = arith.addi %scan3A_989, %scan3A_1020 : i32
      %add3A_1022 = vector.broadcast %scan3A_1021 : i32 to vector<16xi32>
      %add3A_1023 = arith.addi %add3A_330, %add3A_1022 : vector<16xi32>
      %gather3A_1024 = tpu.vector_load_idx %arg10[%add3A_1023] : memref<12800xf32, #tpu.memory_space<vmem>>[vector<16xi32>], vector<16xf32>,
      %gather3A_1025 = tpu.vector_load_idx %arg9[%add3A_1023] : memref<12800xf32, #tpu.memory_space<vmem>>[vector<16xi32>], vector<16xf32>,
      %mul3A_1026 = arith.mulf %gather3A_1024, %gather3A_1025 : vector<16xf32>
      %add3A_1027 = arith.addf %add3A_1019, %mul3A_1026 : vector<16xf32>
      scf.yield %add3A_1027 : vector<16xf32>
    }
    %scan3A_336 = arith.constant 100 : i32
    %swap3A_337 = arith.constant 80 : index
    %swap3A_338 = tpu.vector_load %arg13[%swap3A_337] {strides = array<i32>} : memref<512xf32, #tpu.memory_space<vmem>>, vector<16xf32>,
    tpu.vector_store %arg13[%swap3A_337], %scan3A_335 {strides = array<i32>} : memref<512xf32, #tpu.memory_space<vmem>>, vector<16xf32>,
    %mul3A_339 = arith.constant 100 : i32
    %mul3A_340 = vector.broadcast %mul3A_339 : i32 to vector<16xi32>
    %mul3A_341 = arith.muli %iota3A, %mul3A_340 : vector<16xi32>
    %add3A_342 = arith.constant 3200 : i32
    %add3A_343 = vector.broadcast %add3A_342 : i32 to vector<16xi32>
    %add3A_344 = arith.addi %mul3A_341, %add3A_343 : vector<16xi32>
    %add3A_345 = arith.constant 6400 : i32
    %add3A_346 = vector.broadcast %add3A_345 : i32 to vector<16xi32>
    %add3A_347 = arith.addi %add3A_344, %add3A_346 : vector<16xi32>
    %scan3A_348 = arith.constant 0 : i32
    %scan3A_349 = arith.constant 100 : i32
    %scan3A_350 = arith.addi %scan3A_348, %scan3A_349 : i32
    %scan3A_351 = arith.constant 5 : i32
    %scan3A_352 = scf.for %scan3A_989 = %scan3A_348 to %scan3A_350 step %scan3A_351 iter_args(%scan3A_990 = %get3A_141) -> (vector<16xf32>)  : i32 {
      %add3A_991 = vector.broadcast %scan3A_989 : i32 to vector<16xi32>
      %add3A_992 = arith.addi %add3A_347, %add3A_991 : vector<16xi32>
      %gather3A = tpu.vector_load_idx %arg10[%add3A_992] : memref<12800xf32, #tpu.memory_space<vmem>>[vector<16xi32>], vector<16xf32>,
      %gather3A_993 = tpu.vector_load_idx %arg9[%add3A_992] : memref<12800xf32, #tpu.memory_space<vmem>>[vector<16xi32>], vector<16xf32>,
      %mul3A_994 = arith.mulf %gather3A, %gather3A_993 : vector<16xf32>
      %add3A_995 = arith.addf %scan3A_990, %mul3A_994 : vector<16xf32>
      %scan3A_996 = arith.constant 1 : i32
      %scan3A_997 = arith.addi %scan3A_989, %scan3A_996 : i32
      %add3A_998 = vector.broadcast %scan3A_997 : i32 to vector<16xi32>
      %add3A_999 = arith.addi %add3A_347, %add3A_998 : vector<16xi32>
      %gather3A_1000 = tpu.vector_load_idx %arg10[%add3A_999] : memref<12800xf32, #tpu.memory_space<vmem>>[vector<16xi32>], vector<16xf32>,
      %gather3A_1001 = tpu.vector_load_idx %arg9[%add3A_999] : memref<12800xf32, #tpu.memory_space<vmem>>[vector<16xi32>], vector<16xf32>,
      %mul3A_1002 = arith.mulf %gather3A_1000, %gather3A_1001 : vector<16xf32>
      %add3A_1003 = arith.addf %add3A_995, %mul3A_1002 : vector<16xf32>
      %scan3A_1004 = arith.constant 2 : i32
      %scan3A_1005 = arith.addi %scan3A_989, %scan3A_1004 : i32
      %add3A_1006 = vector.broadcast %scan3A_1005 : i32 to vector<16xi32>
      %add3A_1007 = arith.addi %add3A_347, %add3A_1006 : vector<16xi32>
      %gather3A_1008 = tpu.vector_load_idx %arg10[%add3A_1007] : memref<12800xf32, #tpu.memory_space<vmem>>[vector<16xi32>], vector<16xf32>,
      %gather3A_1009 = tpu.vector_load_idx %arg9[%add3A_1007] : memref<12800xf32, #tpu.memory_space<vmem>>[vector<16xi32>], vector<16xf32>,
      %mul3A_1010 = arith.mulf %gather3A_1008, %gather3A_1009 : vector<16xf32>
      %add3A_1011 = arith.addf %add3A_1003, %mul3A_1010 : vector<16xf32>
      %scan3A_1012 = arith.constant 3 : i32
      %scan3A_1013 = arith.addi %scan3A_989, %scan3A_1012 : i32
      %add3A_1014 = vector.broadcast %scan3A_1013 : i32 to vector<16xi32>
      %add3A_1015 = arith.addi %add3A_347, %add3A_1014 : vector<16xi32>
      %gather3A_1016 = tpu.vector_load_idx %arg10[%add3A_1015] : memref<12800xf32, #tpu.memory_space<vmem>>[vector<16xi32>], vector<16xf32>,
      %gather3A_1017 = tpu.vector_load_idx %arg9[%add3A_1015] : memref<12800xf32, #tpu.memory_space<vmem>>[vector<16xi32>], vector<16xf32>,
      %mul3A_1018 = arith.mulf %gather3A_1016, %gather3A_1017 : vector<16xf32>
      %add3A_1019 = arith.addf %add3A_1011, %mul3A_1018 : vector<16xf32>
      %scan3A_1020 = arith.constant 4 : i32
      %scan3A_1021 = arith.addi %scan3A_989, %scan3A_1020 : i32
      %add3A_1022 = vector.broadcast %scan3A_1021 : i32 to vector<16xi32>
      %add3A_1023 = arith.addi %add3A_347, %add3A_1022 : vector<16xi32>
      %gather3A_1024 = tpu.vector_load_idx %arg10[%add3A_1023] : memref<12800xf32, #tpu.memory_space<vmem>>[vector<16xi32>], vector<16xf32>,
      %gather3A_1025 = tpu.vector_load_idx %arg9[%add3A_1023] : memref<12800xf32, #tpu.memory_space<vmem>>[vector<16xi32>], vector<16xf32>,
      %mul3A_1026 = arith.mulf %gather3A_1024, %gather3A_1025 : vector<16xf32>
      %add3A_1027 = arith.addf %add3A_1019, %mul3A_1026 : vector<16xf32>
      scf.yield %add3A_1027 : vector<16xf32>
    }
    %scan3A_353 = arith.constant 100 : i32
    %swap3A_354 = arith.constant 96 : index
    %swap3A_355 = tpu.vector_load %arg13[%swap3A_354] {strides = array<i32>} : memref<512xf32, #tpu.memory_space<vmem>>, vector<16xf32>,
    tpu.vector_store %arg13[%swap3A_354], %scan3A_352 {strides = array<i32>} : memref<512xf32, #tpu.memory_space<vmem>>, vector<16xf32>,
    %mul3A_356 = arith.constant 100 : i32
    %mul3A_357 = vector.broadcast %mul3A_356 : i32 to vector<16xi32>
    %mul3A_358 = arith.muli %iota3A, %mul3A_357 : vector<16xi32>
    %add3A_359 = arith.constant 4800 : i32
    %add3A_360 = vector.broadcast %add3A_359 : i32 to vector<16xi32>
    %add3A_361 = arith.addi %mul3A_358, %add3A_360 : vector<16xi32>
    %add3A_362 = arith.constant 6400 : i32
    %add3A_363 = vector.broadcast %add3A_362 : i32 to vector<16xi32>
    %add3A_364 = arith.addi %add3A_361, %add3A_363 : vector<16xi32>
    %scan3A_365 = arith.constant 0 : i32
    %scan3A_366 = arith.constant 100 : i32
    %scan3A_367 = arith.addi %scan3A_365, %scan3A_366 : i32
    %scan3A_368 = arith.constant 5 : i32
    %scan3A_369 = scf.for %scan3A_989 = %scan3A_365 to %scan3A_367 step %scan3A_368 iter_args(%scan3A_990 = %get3A_141) -> (vector<16xf32>)  : i32 {
      %add3A_991 = vector.broadcast %scan3A_989 : i32 to vector<16xi32>
      %add3A_992 = arith.addi %add3A_364, %add3A_991 : vector<16xi32>
      %gather3A = tpu.vector_load_idx %arg10[%add3A_992] : memref<12800xf32, #tpu.memory_space<vmem>>[vector<16xi32>], vector<16xf32>,
      %gather3A_993 = tpu.vector_load_idx %arg9[%add3A_992] : memref<12800xf32, #tpu.memory_space<vmem>>[vector<16xi32>], vector<16xf32>,
      %mul3A_994 = arith.mulf %gather3A, %gather3A_993 : vector<16xf32>
      %add3A_995 = arith.addf %scan3A_990, %mul3A_994 : vector<16xf32>
      %scan3A_996 = arith.constant 1 : i32
      %scan3A_997 = arith.addi %scan3A_989, %scan3A_996 : i32
      %add3A_998 = vector.broadcast %scan3A_997 : i32 to vector<16xi32>
      %add3A_999 = arith.addi %add3A_364, %add3A_998 : vector<16xi32>
      %gather3A_1000 = tpu.vector_load_idx %arg10[%add3A_999] : memref<12800xf32, #tpu.memory_space<vmem>>[vector<16xi32>], vector<16xf32>,
      %gather3A_1001 = tpu.vector_load_idx %arg9[%add3A_999] : memref<12800xf32, #tpu.memory_space<vmem>>[vector<16xi32>], vector<16xf32>,
      %mul3A_1002 = arith.mulf %gather3A_1000, %gather3A_1001 : vector<16xf32>
      %add3A_1003 = arith.addf %add3A_995, %mul3A_1002 : vector<16xf32>
      %scan3A_1004 = arith.constant 2 : i32
      %scan3A_1005 = arith.addi %scan3A_989, %scan3A_1004 : i32
      %add3A_1006 = vector.broadcast %scan3A_1005 : i32 to vector<16xi32>
      %add3A_1007 = arith.addi %add3A_364, %add3A_1006 : vector<16xi32>
      %gather3A_1008 = tpu.vector_load_idx %arg10[%add3A_1007] : memref<12800xf32, #tpu.memory_space<vmem>>[vector<16xi32>], vector<16xf32>,
      %gather3A_1009 = tpu.vector_load_idx %arg9[%add3A_1007] : memref<12800xf32, #tpu.memory_space<vmem>>[vector<16xi32>], vector<16xf32>,
      %mul3A_1010 = arith.mulf %gather3A_1008, %gather3A_1009 : vector<16xf32>
      %add3A_1011 = arith.addf %add3A_1003, %mul3A_1010 : vector<16xf32>
      %scan3A_1012 = arith.constant 3 : i32
      %scan3A_1013 = arith.addi %scan3A_989, %scan3A_1012 : i32
      %add3A_1014 = vector.broadcast %scan3A_1013 : i32 to vector<16xi32>
      %add3A_1015 = arith.addi %add3A_364, %add3A_1014 : vector<16xi32>
      %gather3A_1016 = tpu.vector_load_idx %arg10[%add3A_1015] : memref<12800xf32, #tpu.memory_space<vmem>>[vector<16xi32>], vector<16xf32>,
      %gather3A_1017 = tpu.vector_load_idx %arg9[%add3A_1015] : memref<12800xf32, #tpu.memory_space<vmem>>[vector<16xi32>], vector<16xf32>,
      %mul3A_1018 = arith.mulf %gather3A_1016, %gather3A_1017 : vector<16xf32>
      %add3A_1019 = arith.addf %add3A_1011, %mul3A_1018 : vector<16xf32>
      %scan3A_1020 = arith.constant 4 : i32
      %scan3A_1021 = arith.addi %scan3A_989, %scan3A_1020 : i32
      %add3A_1022 = vector.broadcast %scan3A_1021 : i32 to vector<16xi32>
      %add3A_1023 = arith.addi %add3A_364, %add3A_1022 : vector<16xi32>
      %gather3A_1024 = tpu.vector_load_idx %arg10[%add3A_1023] : memref<12800xf32, #tpu.memory_space<vmem>>[vector<16xi32>], vector<16xf32>,
      %gather3A_1025 = tpu.vector_load_idx %arg9[%add3A_1023] : memref<12800xf32, #tpu.memory_space<vmem>>[vector<16xi32>], vector<16xf32>,
      %mul3A_1026 = arith.mulf %gather3A_1024, %gather3A_1025 : vector<16xf32>
      %add3A_1027 = arith.addf %add3A_1019, %mul3A_1026 : vector<16xf32>
      scf.yield %add3A_1027 : vector<16xf32>
    }
    %scan3A_370 = arith.constant 100 : i32
    %swap3A_371 = arith.constant 112 : index
    %swap3A_372 = tpu.vector_load %arg13[%swap3A_371] {strides = array<i32>} : memref<512xf32, #tpu.memory_space<vmem>>, vector<16xf32>,
    tpu.vector_store %arg13[%swap3A_371], %scan3A_369 {strides = array<i32>} : memref<512xf32, #tpu.memory_space<vmem>>, vector<16xf32>,
    %mul3A_373 = arith.constant 51200 : i32
    %mul3A_374 = arith.muli %add3A, %mul3A_373 : i32
    %add3A_375 = arith.constant 19200 : i32
    %add3A_376 = arith.addi %mul3A_374, %add3A_375 : i32
    %dma_start3A_377 = arith.constant 6400 : i32
    %dma_start3A_378 = tpu.memref_slice %arg8[%dma_start3A_377] : memref<12800xi32, #tpu.memory_space<vmem>> -> memref<6400xi32, #tpu.memory_space<vmem>>
    %dma_start3A_379 = tpu.memref_slice %arg3[%add3A_376] : memref<1638400xi32, #tpu.memory_space<hbm>> -> memref<6400xi32, #tpu.memory_space<hbm>>
    %dma_start3A_380 = arith.constant 6400 : i32
    %dma_start3A_381 = tpu.memref_slice %arg8[%dma_start3A_380] : memref<12800xi32, #tpu.memory_space<vmem>> -> memref<6400xi32, #tpu.memory_space<vmem>>
    %dma_start3A_382 = tpu.memref_slice %arg3[%add3A_376] : memref<1638400xi32, #tpu.memory_space<hbm>> -> memref<6400xi32, #tpu.memory_space<hbm>>
    tpu.enqueue_dma source(%dma_start3A_382 : memref<6400xi32, #tpu.memory_space<hbm>>) target(%dma_start3A_381 : memref<6400xi32, #tpu.memory_space<vmem>>) target_semaphore(%arg18 : memref<!tpu.dma_semaphore, #tpu.memory_space<semaphore_mem>>)
    %dma_wait3A_383 = arith.constant 6400 : i32
    %dma_wait3A_384 = tpu.memref_slice %arg8[%dma_wait3A_383] : memref<12800xi32, #tpu.memory_space<vmem>> -> memref<6400xi32, #tpu.memory_space<vmem>>
    %dma_wait3A_385 = tpu.memref_slice %arg3[%add3A_376] : memref<1638400xi32, #tpu.memory_space<hbm>> -> memref<6400xi32, #tpu.memory_space<hbm>>
    %dma_wait3A_386 = arith.constant 6400 : i32
    %dma_wait3A_387 = tpu.memref_slice %arg8[%dma_wait3A_386] : memref<12800xi32, #tpu.memory_space<vmem>> -> memref<6400xi32, #tpu.memory_space<vmem>>
    %dma_wait3A_388 = tpu.memref_slice %arg3[%add3A_376] : memref<1638400xi32, #tpu.memory_space<hbm>> -> memref<6400xi32, #tpu.memory_space<hbm>>
    tpu.wait_dma2 semaphore(%arg18 : memref<!tpu.dma_semaphore, #tpu.memory_space<semaphore_mem>>) src(%dma_wait3A_388 : memref<6400xi32, #tpu.memory_space<hbm>>) dst(%dma_wait3A_387 : memref<6400xi32, #tpu.memory_space<vmem>>)
    %dma_start3A_389 = arith.constant 6400 : i32
    %dma_start3A_390 = tpu.memref_slice %arg9[%dma_start3A_389] : memref<12800xf32, #tpu.memory_space<vmem>> -> memref<6400xf32, #tpu.memory_space<vmem>>
    %dma_start3A_391 = tpu.memref_slice %arg4[%add3A_376] : memref<1638400xf32, #tpu.memory_space<hbm>> -> memref<6400xf32, #tpu.memory_space<hbm>>
    %dma_start3A_392 = arith.constant 6400 : i32
    %dma_start3A_393 = tpu.memref_slice %arg9[%dma_start3A_392] : memref<12800xf32, #tpu.memory_space<vmem>> -> memref<6400xf32, #tpu.memory_space<vmem>>
    %dma_start3A_394 = tpu.memref_slice %arg4[%add3A_376] : memref<1638400xf32, #tpu.memory_space<hbm>> -> memref<6400xf32, #tpu.memory_space<hbm>>
    tpu.enqueue_dma source(%dma_start3A_394 : memref<6400xf32, #tpu.memory_space<hbm>>) target(%dma_start3A_393 : memref<6400xf32, #tpu.memory_space<vmem>>) target_semaphore(%arg18 : memref<!tpu.dma_semaphore, #tpu.memory_space<semaphore_mem>>)
    %dma_wait3A_395 = arith.constant 6400 : i32
    %dma_wait3A_396 = tpu.memref_slice %arg9[%dma_wait3A_395] : memref<12800xf32, #tpu.memory_space<vmem>> -> memref<6400xf32, #tpu.memory_space<vmem>>
    %dma_wait3A_397 = tpu.memref_slice %arg4[%add3A_376] : memref<1638400xf32, #tpu.memory_space<hbm>> -> memref<6400xf32, #tpu.memory_space<hbm>>
    %dma_wait3A_398 = arith.constant 6400 : i32
    %dma_wait3A_399 = tpu.memref_slice %arg9[%dma_wait3A_398] : memref<12800xf32, #tpu.memory_space<vmem>> -> memref<6400xf32, #tpu.memory_space<vmem>>
    %dma_wait3A_400 = tpu.memref_slice %arg4[%add3A_376] : memref<1638400xf32, #tpu.memory_space<hbm>> -> memref<6400xf32, #tpu.memory_space<hbm>>
    tpu.wait_dma2 semaphore(%arg18 : memref<!tpu.dma_semaphore, #tpu.memory_space<semaphore_mem>>) src(%dma_wait3A_400 : memref<6400xf32, #tpu.memory_space<hbm>>) dst(%dma_wait3A_399 : memref<6400xf32, #tpu.memory_space<vmem>>)
    %dma_start3A_401 = arith.constant 6400 : i32
    %dma_start3A_402 = tpu.memref_slice %arg10[%dma_start3A_401] : memref<12800xf32, #tpu.memory_space<vmem>> -> memref<6400xf32, #tpu.memory_space<vmem>>
    %dma_start3A_403 = arith.constant 6400 : i32
    %dma_start3A_404 = tpu.memref_slice %arg8[%dma_start3A_403] : memref<12800xi32, #tpu.memory_space<vmem>> -> memref<6400xi32, #tpu.memory_space<vmem>>
    %dma_start3A_405 = arith.constant 0 : i32
    %dma_start3A_406 = tpu.memref_slice %arg7[%dma_start3A_405] : memref<1000000xf32, #tpu.memory_space<vmem_shared>> -> memref<1000000xf32, #tpu.memory_space<vmem_shared>>
    tpu.enqueue_indirect_dma source(%dma_start3A_406 : memref<1000000xf32, #tpu.memory_space<vmem_shared>>) target(%dma_start3A_402 : memref<6400xf32, #tpu.memory_space<vmem>>) offsets(%dma_start3A_404 : memref<6400xi32, #tpu.memory_space<vmem>>) semaphore(%arg15 : memref<!tpu.dma_semaphore, #tpu.memory_space<semaphore_mem>>)
    %dma_wait3A_407 = arith.constant 0 : i32
    %dma_wait3A_408 = tpu.memref_slice %arg10[%dma_wait3A_407] : memref<12800xf32, #tpu.memory_space<vmem>> -> memref<6400xf32, #tpu.memory_space<vmem>>
    %dma_wait3A_409 = arith.constant 0 : i32
    %dma_wait3A_410 = tpu.memref_slice %arg8[%dma_wait3A_409] : memref<12800xi32, #tpu.memory_space<vmem>> -> memref<6400xi32, #tpu.memory_space<vmem>>
    %dma_wait3A_411 = arith.constant 0 : i32
    %dma_wait3A_412 = tpu.memref_slice %arg7[%dma_wait3A_411] : memref<1000000xf32, #tpu.memory_space<vmem_shared>> -> memref<1000000xf32, #tpu.memory_space<vmem_shared>>
    tpu.wait_indirect_dma semaphore(%arg14 : memref<!tpu.dma_semaphore, #tpu.memory_space<semaphore_mem>>) src(%dma_wait3A_412 : memref<1000000xf32, #tpu.memory_space<vmem_shared>>) dst(%dma_wait3A_408 : memref<6400xf32, #tpu.memory_space<vmem>>)
    %mul3A_413 = arith.constant 100 : i32
    %mul3A_414 = vector.broadcast %mul3A_413 : i32 to vector<16xi32>
    %mul3A_415 = arith.muli %iota3A, %mul3A_414 : vector<16xi32>
    %add3A_416 = arith.constant 0 : i32
    %add3A_417 = vector.broadcast %add3A_416 : i32 to vector<16xi32>
    %add3A_418 = arith.addi %mul3A_415, %add3A_417 : vector<16xi32>
    %add3A_419 = arith.constant 0 : i32
    %add3A_420 = vector.broadcast %add3A_419 : i32 to vector<16xi32>
    %add3A_421 = arith.addi %add3A_418, %add3A_420 : vector<16xi32>
    %scan3A_422 = arith.constant 0 : i32
    %scan3A_423 = arith.constant 100 : i32
    %scan3A_424 = arith.addi %scan3A_422, %scan3A_423 : i32
    %scan3A_425 = arith.constant 5 : i32
    %scan3A_426 = scf.for %scan3A_989 = %scan3A_422 to %scan3A_424 step %scan3A_425 iter_args(%scan3A_990 = %get3A_141) -> (vector<16xf32>)  : i32 {
      %add3A_991 = vector.broadcast %scan3A_989 : i32 to vector<16xi32>
      %add3A_992 = arith.addi %add3A_421, %add3A_991 : vector<16xi32>
      %gather3A = tpu.vector_load_idx %arg10[%add3A_992] : memref<12800xf32, #tpu.memory_space<vmem>>[vector<16xi32>], vector<16xf32>,
      %gather3A_993 = tpu.vector_load_idx %arg9[%add3A_992] : memref<12800xf32, #tpu.memory_space<vmem>>[vector<16xi32>], vector<16xf32>,
      %mul3A_994 = arith.mulf %gather3A, %gather3A_993 : vector<16xf32>
      %add3A_995 = arith.addf %scan3A_990, %mul3A_994 : vector<16xf32>
      %scan3A_996 = arith.constant 1 : i32
      %scan3A_997 = arith.addi %scan3A_989, %scan3A_996 : i32
      %add3A_998 = vector.broadcast %scan3A_997 : i32 to vector<16xi32>
      %add3A_999 = arith.addi %add3A_421, %add3A_998 : vector<16xi32>
      %gather3A_1000 = tpu.vector_load_idx %arg10[%add3A_999] : memref<12800xf32, #tpu.memory_space<vmem>>[vector<16xi32>], vector<16xf32>,
      %gather3A_1001 = tpu.vector_load_idx %arg9[%add3A_999] : memref<12800xf32, #tpu.memory_space<vmem>>[vector<16xi32>], vector<16xf32>,
      %mul3A_1002 = arith.mulf %gather3A_1000, %gather3A_1001 : vector<16xf32>
      %add3A_1003 = arith.addf %add3A_995, %mul3A_1002 : vector<16xf32>
      %scan3A_1004 = arith.constant 2 : i32
      %scan3A_1005 = arith.addi %scan3A_989, %scan3A_1004 : i32
      %add3A_1006 = vector.broadcast %scan3A_1005 : i32 to vector<16xi32>
      %add3A_1007 = arith.addi %add3A_421, %add3A_1006 : vector<16xi32>
      %gather3A_1008 = tpu.vector_load_idx %arg10[%add3A_1007] : memref<12800xf32, #tpu.memory_space<vmem>>[vector<16xi32>], vector<16xf32>,
      %gather3A_1009 = tpu.vector_load_idx %arg9[%add3A_1007] : memref<12800xf32, #tpu.memory_space<vmem>>[vector<16xi32>], vector<16xf32>,
      %mul3A_1010 = arith.mulf %gather3A_1008, %gather3A_1009 : vector<16xf32>
      %add3A_1011 = arith.addf %add3A_1003, %mul3A_1010 : vector<16xf32>
      %scan3A_1012 = arith.constant 3 : i32
      %scan3A_1013 = arith.addi %scan3A_989, %scan3A_1012 : i32
      %add3A_1014 = vector.broadcast %scan3A_1013 : i32 to vector<16xi32>
      %add3A_1015 = arith.addi %add3A_421, %add3A_1014 : vector<16xi32>
      %gather3A_1016 = tpu.vector_load_idx %arg10[%add3A_1015] : memref<12800xf32, #tpu.memory_space<vmem>>[vector<16xi32>], vector<16xf32>,
      %gather3A_1017 = tpu.vector_load_idx %arg9[%add3A_1015] : memref<12800xf32, #tpu.memory_space<vmem>>[vector<16xi32>], vector<16xf32>,
      %mul3A_1018 = arith.mulf %gather3A_1016, %gather3A_1017 : vector<16xf32>
      %add3A_1019 = arith.addf %add3A_1011, %mul3A_1018 : vector<16xf32>
      %scan3A_1020 = arith.constant 4 : i32
      %scan3A_1021 = arith.addi %scan3A_989, %scan3A_1020 : i32
      %add3A_1022 = vector.broadcast %scan3A_1021 : i32 to vector<16xi32>
      %add3A_1023 = arith.addi %add3A_421, %add3A_1022 : vector<16xi32>
      %gather3A_1024 = tpu.vector_load_idx %arg10[%add3A_1023] : memref<12800xf32, #tpu.memory_space<vmem>>[vector<16xi32>], vector<16xf32>,
      %gather3A_1025 = tpu.vector_load_idx %arg9[%add3A_1023] : memref<12800xf32, #tpu.memory_space<vmem>>[vector<16xi32>], vector<16xf32>,
      %mul3A_1026 = arith.mulf %gather3A_1024, %gather3A_1025 : vector<16xf32>
      %add3A_1027 = arith.addf %add3A_1019, %mul3A_1026 : vector<16xf32>
      scf.yield %add3A_1027 : vector<16xf32>
    }
    %scan3A_427 = arith.constant 100 : i32
    %swap3A_428 = arith.constant 128 : index
    %swap3A_429 = tpu.vector_load %arg13[%swap3A_428] {strides = array<i32>} : memref<512xf32, #tpu.memory_space<vmem>>, vector<16xf32>,
    tpu.vector_store %arg13[%swap3A_428], %scan3A_426 {strides = array<i32>} : memref<512xf32, #tpu.memory_space<vmem>>, vector<16xf32>,
    %mul3A_430 = arith.constant 100 : i32
    %mul3A_431 = vector.broadcast %mul3A_430 : i32 to vector<16xi32>
    %mul3A_432 = arith.muli %iota3A, %mul3A_431 : vector<16xi32>
    %add3A_433 = arith.constant 1600 : i32
    %add3A_434 = vector.broadcast %add3A_433 : i32 to vector<16xi32>
    %add3A_435 = arith.addi %mul3A_432, %add3A_434 : vector<16xi32>
    %add3A_436 = arith.constant 0 : i32
    %add3A_437 = vector.broadcast %add3A_436 : i32 to vector<16xi32>
    %add3A_438 = arith.addi %add3A_435, %add3A_437 : vector<16xi32>
    %scan3A_439 = arith.constant 0 : i32
    %scan3A_440 = arith.constant 100 : i32
    %scan3A_441 = arith.addi %scan3A_439, %scan3A_440 : i32
    %scan3A_442 = arith.constant 5 : i32
    %scan3A_443 = scf.for %scan3A_989 = %scan3A_439 to %scan3A_441 step %scan3A_442 iter_args(%scan3A_990 = %get3A_141) -> (vector<16xf32>)  : i32 {
      %add3A_991 = vector.broadcast %scan3A_989 : i32 to vector<16xi32>
      %add3A_992 = arith.addi %add3A_438, %add3A_991 : vector<16xi32>
      %gather3A = tpu.vector_load_idx %arg10[%add3A_992] : memref<12800xf32, #tpu.memory_space<vmem>>[vector<16xi32>], vector<16xf32>,
      %gather3A_993 = tpu.vector_load_idx %arg9[%add3A_992] : memref<12800xf32, #tpu.memory_space<vmem>>[vector<16xi32>], vector<16xf32>,
      %mul3A_994 = arith.mulf %gather3A, %gather3A_993 : vector<16xf32>
      %add3A_995 = arith.addf %scan3A_990, %mul3A_994 : vector<16xf32>
      %scan3A_996 = arith.constant 1 : i32
      %scan3A_997 = arith.addi %scan3A_989, %scan3A_996 : i32
      %add3A_998 = vector.broadcast %scan3A_997 : i32 to vector<16xi32>
      %add3A_999 = arith.addi %add3A_438, %add3A_998 : vector<16xi32>
      %gather3A_1000 = tpu.vector_load_idx %arg10[%add3A_999] : memref<12800xf32, #tpu.memory_space<vmem>>[vector<16xi32>], vector<16xf32>,
      %gather3A_1001 = tpu.vector_load_idx %arg9[%add3A_999] : memref<12800xf32, #tpu.memory_space<vmem>>[vector<16xi32>], vector<16xf32>,
      %mul3A_1002 = arith.mulf %gather3A_1000, %gather3A_1001 : vector<16xf32>
      %add3A_1003 = arith.addf %add3A_995, %mul3A_1002 : vector<16xf32>
      %scan3A_1004 = arith.constant 2 : i32
      %scan3A_1005 = arith.addi %scan3A_989, %scan3A_1004 : i32
      %add3A_1006 = vector.broadcast %scan3A_1005 : i32 to vector<16xi32>
      %add3A_1007 = arith.addi %add3A_438, %add3A_1006 : vector<16xi32>
      %gather3A_1008 = tpu.vector_load_idx %arg10[%add3A_1007] : memref<12800xf32, #tpu.memory_space<vmem>>[vector<16xi32>], vector<16xf32>,
      %gather3A_1009 = tpu.vector_load_idx %arg9[%add3A_1007] : memref<12800xf32, #tpu.memory_space<vmem>>[vector<16xi32>], vector<16xf32>,
      %mul3A_1010 = arith.mulf %gather3A_1008, %gather3A_1009 : vector<16xf32>
      %add3A_1011 = arith.addf %add3A_1003, %mul3A_1010 : vector<16xf32>
      %scan3A_1012 = arith.constant 3 : i32
      %scan3A_1013 = arith.addi %scan3A_989, %scan3A_1012 : i32
      %add3A_1014 = vector.broadcast %scan3A_1013 : i32 to vector<16xi32>
      %add3A_1015 = arith.addi %add3A_438, %add3A_1014 : vector<16xi32>
      %gather3A_1016 = tpu.vector_load_idx %arg10[%add3A_1015] : memref<12800xf32, #tpu.memory_space<vmem>>[vector<16xi32>], vector<16xf32>,
      %gather3A_1017 = tpu.vector_load_idx %arg9[%add3A_1015] : memref<12800xf32, #tpu.memory_space<vmem>>[vector<16xi32>], vector<16xf32>,
      %mul3A_1018 = arith.mulf %gather3A_1016, %gather3A_1017 : vector<16xf32>
      %add3A_1019 = arith.addf %add3A_1011, %mul3A_1018 : vector<16xf32>
      %scan3A_1020 = arith.constant 4 : i32
      %scan3A_1021 = arith.addi %scan3A_989, %scan3A_1020 : i32
      %add3A_1022 = vector.broadcast %scan3A_1021 : i32 to vector<16xi32>
      %add3A_1023 = arith.addi %add3A_438, %add3A_1022 : vector<16xi32>
      %gather3A_1024 = tpu.vector_load_idx %arg10[%add3A_1023] : memref<12800xf32, #tpu.memory_space<vmem>>[vector<16xi32>], vector<16xf32>,
      %gather3A_1025 = tpu.vector_load_idx %arg9[%add3A_1023] : memref<12800xf32, #tpu.memory_space<vmem>>[vector<16xi32>], vector<16xf32>,
      %mul3A_1026 = arith.mulf %gather3A_1024, %gather3A_1025 : vector<16xf32>
      %add3A_1027 = arith.addf %add3A_1019, %mul3A_1026 : vector<16xf32>
      scf.yield %add3A_1027 : vector<16xf32>
    }
    %scan3A_444 = arith.constant 100 : i32
    %swap3A_445 = arith.constant 144 : index
    %swap3A_446 = tpu.vector_load %arg13[%swap3A_445] {strides = array<i32>} : memref<512xf32, #tpu.memory_space<vmem>>, vector<16xf32>,
    tpu.vector_store %arg13[%swap3A_445], %scan3A_443 {strides = array<i32>} : memref<512xf32, #tpu.memory_space<vmem>>, vector<16xf32>,
    %mul3A_447 = arith.constant 100 : i32
    %mul3A_448 = vector.broadcast %mul3A_447 : i32 to vector<16xi32>
    %mul3A_449 = arith.muli %iota3A, %mul3A_448 : vector<16xi32>
    %add3A_450 = arith.constant 3200 : i32
    %add3A_451 = vector.broadcast %add3A_450 : i32 to vector<16xi32>
    %add3A_452 = arith.addi %mul3A_449, %add3A_451 : vector<16xi32>
    %add3A_453 = arith.constant 0 : i32
    %add3A_454 = vector.broadcast %add3A_453 : i32 to vector<16xi32>
    %add3A_455 = arith.addi %add3A_452, %add3A_454 : vector<16xi32>
    %scan3A_456 = arith.constant 0 : i32
    %scan3A_457 = arith.constant 100 : i32
    %scan3A_458 = arith.addi %scan3A_456, %scan3A_457 : i32
    %scan3A_459 = arith.constant 5 : i32
    %scan3A_460 = scf.for %scan3A_989 = %scan3A_456 to %scan3A_458 step %scan3A_459 iter_args(%scan3A_990 = %get3A_141) -> (vector<16xf32>)  : i32 {
      %add3A_991 = vector.broadcast %scan3A_989 : i32 to vector<16xi32>
      %add3A_992 = arith.addi %add3A_455, %add3A_991 : vector<16xi32>
      %gather3A = tpu.vector_load_idx %arg10[%add3A_992] : memref<12800xf32, #tpu.memory_space<vmem>>[vector<16xi32>], vector<16xf32>,
      %gather3A_993 = tpu.vector_load_idx %arg9[%add3A_992] : memref<12800xf32, #tpu.memory_space<vmem>>[vector<16xi32>], vector<16xf32>,
      %mul3A_994 = arith.mulf %gather3A, %gather3A_993 : vector<16xf32>
      %add3A_995 = arith.addf %scan3A_990, %mul3A_994 : vector<16xf32>
      %scan3A_996 = arith.constant 1 : i32
      %scan3A_997 = arith.addi %scan3A_989, %scan3A_996 : i32
      %add3A_998 = vector.broadcast %scan3A_997 : i32 to vector<16xi32>
      %add3A_999 = arith.addi %add3A_455, %add3A_998 : vector<16xi32>
      %gather3A_1000 = tpu.vector_load_idx %arg10[%add3A_999] : memref<12800xf32, #tpu.memory_space<vmem>>[vector<16xi32>], vector<16xf32>,
      %gather3A_1001 = tpu.vector_load_idx %arg9[%add3A_999] : memref<12800xf32, #tpu.memory_space<vmem>>[vector<16xi32>], vector<16xf32>,
      %mul3A_1002 = arith.mulf %gather3A_1000, %gather3A_1001 : vector<16xf32>
      %add3A_1003 = arith.addf %add3A_995, %mul3A_1002 : vector<16xf32>
      %scan3A_1004 = arith.constant 2 : i32
      %scan3A_1005 = arith.addi %scan3A_989, %scan3A_1004 : i32
      %add3A_1006 = vector.broadcast %scan3A_1005 : i32 to vector<16xi32>
      %add3A_1007 = arith.addi %add3A_455, %add3A_1006 : vector<16xi32>
      %gather3A_1008 = tpu.vector_load_idx %arg10[%add3A_1007] : memref<12800xf32, #tpu.memory_space<vmem>>[vector<16xi32>], vector<16xf32>,
      %gather3A_1009 = tpu.vector_load_idx %arg9[%add3A_1007] : memref<12800xf32, #tpu.memory_space<vmem>>[vector<16xi32>], vector<16xf32>,
      %mul3A_1010 = arith.mulf %gather3A_1008, %gather3A_1009 : vector<16xf32>
      %add3A_1011 = arith.addf %add3A_1003, %mul3A_1010 : vector<16xf32>
      %scan3A_1012 = arith.constant 3 : i32
      %scan3A_1013 = arith.addi %scan3A_989, %scan3A_1012 : i32
      %add3A_1014 = vector.broadcast %scan3A_1013 : i32 to vector<16xi32>
      %add3A_1015 = arith.addi %add3A_455, %add3A_1014 : vector<16xi32>
      %gather3A_1016 = tpu.vector_load_idx %arg10[%add3A_1015] : memref<12800xf32, #tpu.memory_space<vmem>>[vector<16xi32>], vector<16xf32>,
      %gather3A_1017 = tpu.vector_load_idx %arg9[%add3A_1015] : memref<12800xf32, #tpu.memory_space<vmem>>[vector<16xi32>], vector<16xf32>,
      %mul3A_1018 = arith.mulf %gather3A_1016, %gather3A_1017 : vector<16xf32>
      %add3A_1019 = arith.addf %add3A_1011, %mul3A_1018 : vector<16xf32>
      %scan3A_1020 = arith.constant 4 : i32
      %scan3A_1021 = arith.addi %scan3A_989, %scan3A_1020 : i32
      %add3A_1022 = vector.broadcast %scan3A_1021 : i32 to vector<16xi32>
      %add3A_1023 = arith.addi %add3A_455, %add3A_1022 : vector<16xi32>
      %gather3A_1024 = tpu.vector_load_idx %arg10[%add3A_1023] : memref<12800xf32, #tpu.memory_space<vmem>>[vector<16xi32>], vector<16xf32>,
      %gather3A_1025 = tpu.vector_load_idx %arg9[%add3A_1023] : memref<12800xf32, #tpu.memory_space<vmem>>[vector<16xi32>], vector<16xf32>,
      %mul3A_1026 = arith.mulf %gather3A_1024, %gather3A_1025 : vector<16xf32>
      %add3A_1027 = arith.addf %add3A_1019, %mul3A_1026 : vector<16xf32>
      scf.yield %add3A_1027 : vector<16xf32>
    }
    %scan3A_461 = arith.constant 100 : i32
    %swap3A_462 = arith.constant 160 : index
    %swap3A_463 = tpu.vector_load %arg13[%swap3A_462] {strides = array<i32>} : memref<512xf32, #tpu.memory_space<vmem>>, vector<16xf32>,
    tpu.vector_store %arg13[%swap3A_462], %scan3A_460 {strides = array<i32>} : memref<512xf32, #tpu.memory_space<vmem>>, vector<16xf32>,
    %mul3A_464 = arith.constant 100 : i32
    %mul3A_465 = vector.broadcast %mul3A_464 : i32 to vector<16xi32>
    %mul3A_466 = arith.muli %iota3A, %mul3A_465 : vector<16xi32>
    %add3A_467 = arith.constant 4800 : i32
    %add3A_468 = vector.broadcast %add3A_467 : i32 to vector<16xi32>
    %add3A_469 = arith.addi %mul3A_466, %add3A_468 : vector<16xi32>
    %add3A_470 = arith.constant 0 : i32
    %add3A_471 = vector.broadcast %add3A_470 : i32 to vector<16xi32>
    %add3A_472 = arith.addi %add3A_469, %add3A_471 : vector<16xi32>
    %scan3A_473 = arith.constant 0 : i32
    %scan3A_474 = arith.constant 100 : i32
    %scan3A_475 = arith.addi %scan3A_473, %scan3A_474 : i32
    %scan3A_476 = arith.constant 5 : i32
    %scan3A_477 = scf.for %scan3A_989 = %scan3A_473 to %scan3A_475 step %scan3A_476 iter_args(%scan3A_990 = %get3A_141) -> (vector<16xf32>)  : i32 {
      %add3A_991 = vector.broadcast %scan3A_989 : i32 to vector<16xi32>
      %add3A_992 = arith.addi %add3A_472, %add3A_991 : vector<16xi32>
      %gather3A = tpu.vector_load_idx %arg10[%add3A_992] : memref<12800xf32, #tpu.memory_space<vmem>>[vector<16xi32>], vector<16xf32>,
      %gather3A_993 = tpu.vector_load_idx %arg9[%add3A_992] : memref<12800xf32, #tpu.memory_space<vmem>>[vector<16xi32>], vector<16xf32>,
      %mul3A_994 = arith.mulf %gather3A, %gather3A_993 : vector<16xf32>
      %add3A_995 = arith.addf %scan3A_990, %mul3A_994 : vector<16xf32>
      %scan3A_996 = arith.constant 1 : i32
      %scan3A_997 = arith.addi %scan3A_989, %scan3A_996 : i32
      %add3A_998 = vector.broadcast %scan3A_997 : i32 to vector<16xi32>
      %add3A_999 = arith.addi %add3A_472, %add3A_998 : vector<16xi32>
      %gather3A_1000 = tpu.vector_load_idx %arg10[%add3A_999] : memref<12800xf32, #tpu.memory_space<vmem>>[vector<16xi32>], vector<16xf32>,
      %gather3A_1001 = tpu.vector_load_idx %arg9[%add3A_999] : memref<12800xf32, #tpu.memory_space<vmem>>[vector<16xi32>], vector<16xf32>,
      %mul3A_1002 = arith.mulf %gather3A_1000, %gather3A_1001 : vector<16xf32>
      %add3A_1003 = arith.addf %add3A_995, %mul3A_1002 : vector<16xf32>
      %scan3A_1004 = arith.constant 2 : i32
      %scan3A_1005 = arith.addi %scan3A_989, %scan3A_1004 : i32
      %add3A_1006 = vector.broadcast %scan3A_1005 : i32 to vector<16xi32>
      %add3A_1007 = arith.addi %add3A_472, %add3A_1006 : vector<16xi32>
      %gather3A_1008 = tpu.vector_load_idx %arg10[%add3A_1007] : memref<12800xf32, #tpu.memory_space<vmem>>[vector<16xi32>], vector<16xf32>,
      %gather3A_1009 = tpu.vector_load_idx %arg9[%add3A_1007] : memref<12800xf32, #tpu.memory_space<vmem>>[vector<16xi32>], vector<16xf32>,
      %mul3A_1010 = arith.mulf %gather3A_1008, %gather3A_1009 : vector<16xf32>
      %add3A_1011 = arith.addf %add3A_1003, %mul3A_1010 : vector<16xf32>
      %scan3A_1012 = arith.constant 3 : i32
      %scan3A_1013 = arith.addi %scan3A_989, %scan3A_1012 : i32
      %add3A_1014 = vector.broadcast %scan3A_1013 : i32 to vector<16xi32>
      %add3A_1015 = arith.addi %add3A_472, %add3A_1014 : vector<16xi32>
      %gather3A_1016 = tpu.vector_load_idx %arg10[%add3A_1015] : memref<12800xf32, #tpu.memory_space<vmem>>[vector<16xi32>], vector<16xf32>,
      %gather3A_1017 = tpu.vector_load_idx %arg9[%add3A_1015] : memref<12800xf32, #tpu.memory_space<vmem>>[vector<16xi32>], vector<16xf32>,
      %mul3A_1018 = arith.mulf %gather3A_1016, %gather3A_1017 : vector<16xf32>
      %add3A_1019 = arith.addf %add3A_1011, %mul3A_1018 : vector<16xf32>
      %scan3A_1020 = arith.constant 4 : i32
      %scan3A_1021 = arith.addi %scan3A_989, %scan3A_1020 : i32
      %add3A_1022 = vector.broadcast %scan3A_1021 : i32 to vector<16xi32>
      %add3A_1023 = arith.addi %add3A_472, %add3A_1022 : vector<16xi32>
      %gather3A_1024 = tpu.vector_load_idx %arg10[%add3A_1023] : memref<12800xf32, #tpu.memory_space<vmem>>[vector<16xi32>], vector<16xf32>,
      %gather3A_1025 = tpu.vector_load_idx %arg9[%add3A_1023] : memref<12800xf32, #tpu.memory_space<vmem>>[vector<16xi32>], vector<16xf32>,
      %mul3A_1026 = arith.mulf %gather3A_1024, %gather3A_1025 : vector<16xf32>
      %add3A_1027 = arith.addf %add3A_1019, %mul3A_1026 : vector<16xf32>
      scf.yield %add3A_1027 : vector<16xf32>
    }
    %scan3A_478 = arith.constant 100 : i32
    %swap3A_479 = arith.constant 176 : index
    %swap3A_480 = tpu.vector_load %arg13[%swap3A_479] {strides = array<i32>} : memref<512xf32, #tpu.memory_space<vmem>>, vector<16xf32>,
    tpu.vector_store %arg13[%swap3A_479], %scan3A_477 {strides = array<i32>} : memref<512xf32, #tpu.memory_space<vmem>>, vector<16xf32>,
    %mul3A_481 = arith.constant 51200 : i32
    %mul3A_482 = arith.muli %add3A, %mul3A_481 : i32
    %add3A_483 = arith.constant 25600 : i32
    %add3A_484 = arith.addi %mul3A_482, %add3A_483 : i32
    %dma_start3A_485 = arith.constant 0 : i32
    %dma_start3A_486 = tpu.memref_slice %arg8[%dma_start3A_485] : memref<12800xi32, #tpu.memory_space<vmem>> -> memref<6400xi32, #tpu.memory_space<vmem>>
    %dma_start3A_487 = tpu.memref_slice %arg3[%add3A_484] : memref<1638400xi32, #tpu.memory_space<hbm>> -> memref<6400xi32, #tpu.memory_space<hbm>>
    %dma_start3A_488 = arith.constant 0 : i32
    %dma_start3A_489 = tpu.memref_slice %arg8[%dma_start3A_488] : memref<12800xi32, #tpu.memory_space<vmem>> -> memref<6400xi32, #tpu.memory_space<vmem>>
    %dma_start3A_490 = tpu.memref_slice %arg3[%add3A_484] : memref<1638400xi32, #tpu.memory_space<hbm>> -> memref<6400xi32, #tpu.memory_space<hbm>>
    tpu.enqueue_dma source(%dma_start3A_490 : memref<6400xi32, #tpu.memory_space<hbm>>) target(%dma_start3A_489 : memref<6400xi32, #tpu.memory_space<vmem>>) target_semaphore(%arg18 : memref<!tpu.dma_semaphore, #tpu.memory_space<semaphore_mem>>)
    %dma_wait3A_491 = arith.constant 0 : i32
    %dma_wait3A_492 = tpu.memref_slice %arg8[%dma_wait3A_491] : memref<12800xi32, #tpu.memory_space<vmem>> -> memref<6400xi32, #tpu.memory_space<vmem>>
    %dma_wait3A_493 = tpu.memref_slice %arg3[%add3A_484] : memref<1638400xi32, #tpu.memory_space<hbm>> -> memref<6400xi32, #tpu.memory_space<hbm>>
    %dma_wait3A_494 = arith.constant 0 : i32
    %dma_wait3A_495 = tpu.memref_slice %arg8[%dma_wait3A_494] : memref<12800xi32, #tpu.memory_space<vmem>> -> memref<6400xi32, #tpu.memory_space<vmem>>
    %dma_wait3A_496 = tpu.memref_slice %arg3[%add3A_484] : memref<1638400xi32, #tpu.memory_space<hbm>> -> memref<6400xi32, #tpu.memory_space<hbm>>
    tpu.wait_dma2 semaphore(%arg18 : memref<!tpu.dma_semaphore, #tpu.memory_space<semaphore_mem>>) src(%dma_wait3A_496 : memref<6400xi32, #tpu.memory_space<hbm>>) dst(%dma_wait3A_495 : memref<6400xi32, #tpu.memory_space<vmem>>)
    %dma_start3A_497 = arith.constant 0 : i32
    %dma_start3A_498 = tpu.memref_slice %arg9[%dma_start3A_497] : memref<12800xf32, #tpu.memory_space<vmem>> -> memref<6400xf32, #tpu.memory_space<vmem>>
    %dma_start3A_499 = tpu.memref_slice %arg4[%add3A_484] : memref<1638400xf32, #tpu.memory_space<hbm>> -> memref<6400xf32, #tpu.memory_space<hbm>>
    %dma_start3A_500 = arith.constant 0 : i32
    %dma_start3A_501 = tpu.memref_slice %arg9[%dma_start3A_500] : memref<12800xf32, #tpu.memory_space<vmem>> -> memref<6400xf32, #tpu.memory_space<vmem>>
    %dma_start3A_502 = tpu.memref_slice %arg4[%add3A_484] : memref<1638400xf32, #tpu.memory_space<hbm>> -> memref<6400xf32, #tpu.memory_space<hbm>>
    tpu.enqueue_dma source(%dma_start3A_502 : memref<6400xf32, #tpu.memory_space<hbm>>) target(%dma_start3A_501 : memref<6400xf32, #tpu.memory_space<vmem>>) target_semaphore(%arg18 : memref<!tpu.dma_semaphore, #tpu.memory_space<semaphore_mem>>)
    %dma_wait3A_503 = arith.constant 0 : i32
    %dma_wait3A_504 = tpu.memref_slice %arg9[%dma_wait3A_503] : memref<12800xf32, #tpu.memory_space<vmem>> -> memref<6400xf32, #tpu.memory_space<vmem>>
    %dma_wait3A_505 = tpu.memref_slice %arg4[%add3A_484] : memref<1638400xf32, #tpu.memory_space<hbm>> -> memref<6400xf32, #tpu.memory_space<hbm>>
    %dma_wait3A_506 = arith.constant 0 : i32
    %dma_wait3A_507 = tpu.memref_slice %arg9[%dma_wait3A_506] : memref<12800xf32, #tpu.memory_space<vmem>> -> memref<6400xf32, #tpu.memory_space<vmem>>
    %dma_wait3A_508 = tpu.memref_slice %arg4[%add3A_484] : memref<1638400xf32, #tpu.memory_space<hbm>> -> memref<6400xf32, #tpu.memory_space<hbm>>
    tpu.wait_dma2 semaphore(%arg18 : memref<!tpu.dma_semaphore, #tpu.memory_space<semaphore_mem>>) src(%dma_wait3A_508 : memref<6400xf32, #tpu.memory_space<hbm>>) dst(%dma_wait3A_507 : memref<6400xf32, #tpu.memory_space<vmem>>)
    %dma_start3A_509 = arith.constant 0 : i32
    %dma_start3A_510 = tpu.memref_slice %arg10[%dma_start3A_509] : memref<12800xf32, #tpu.memory_space<vmem>> -> memref<6400xf32, #tpu.memory_space<vmem>>
    %dma_start3A_511 = arith.constant 0 : i32
    %dma_start3A_512 = tpu.memref_slice %arg8[%dma_start3A_511] : memref<12800xi32, #tpu.memory_space<vmem>> -> memref<6400xi32, #tpu.memory_space<vmem>>
    %dma_start3A_513 = arith.constant 0 : i32
    %dma_start3A_514 = tpu.memref_slice %arg7[%dma_start3A_513] : memref<1000000xf32, #tpu.memory_space<vmem_shared>> -> memref<1000000xf32, #tpu.memory_space<vmem_shared>>
    tpu.enqueue_indirect_dma source(%dma_start3A_514 : memref<1000000xf32, #tpu.memory_space<vmem_shared>>) target(%dma_start3A_510 : memref<6400xf32, #tpu.memory_space<vmem>>) offsets(%dma_start3A_512 : memref<6400xi32, #tpu.memory_space<vmem>>) semaphore(%arg14 : memref<!tpu.dma_semaphore, #tpu.memory_space<semaphore_mem>>)
    %dma_wait3A_515 = arith.constant 6400 : i32
    %dma_wait3A_516 = tpu.memref_slice %arg10[%dma_wait3A_515] : memref<12800xf32, #tpu.memory_space<vmem>> -> memref<6400xf32, #tpu.memory_space<vmem>>
    %dma_wait3A_517 = arith.constant 6400 : i32
    %dma_wait3A_518 = tpu.memref_slice %arg8[%dma_wait3A_517] : memref<12800xi32, #tpu.memory_space<vmem>> -> memref<6400xi32, #tpu.memory_space<vmem>>
    %dma_wait3A_519 = arith.constant 0 : i32
    %dma_wait3A_520 = tpu.memref_slice %arg7[%dma_wait3A_519] : memref<1000000xf32, #tpu.memory_space<vmem_shared>> -> memref<1000000xf32, #tpu.memory_space<vmem_shared>>
    tpu.wait_indirect_dma semaphore(%arg15 : memref<!tpu.dma_semaphore, #tpu.memory_space<semaphore_mem>>) src(%dma_wait3A_520 : memref<1000000xf32, #tpu.memory_space<vmem_shared>>) dst(%dma_wait3A_516 : memref<6400xf32, #tpu.memory_space<vmem>>)
    %mul3A_521 = arith.constant 100 : i32
    %mul3A_522 = vector.broadcast %mul3A_521 : i32 to vector<16xi32>
    %mul3A_523 = arith.muli %iota3A, %mul3A_522 : vector<16xi32>
    %add3A_524 = arith.constant 0 : i32
    %add3A_525 = vector.broadcast %add3A_524 : i32 to vector<16xi32>
    %add3A_526 = arith.addi %mul3A_523, %add3A_525 : vector<16xi32>
    %add3A_527 = arith.constant 6400 : i32
    %add3A_528 = vector.broadcast %add3A_527 : i32 to vector<16xi32>
    %add3A_529 = arith.addi %add3A_526, %add3A_528 : vector<16xi32>
    %scan3A_530 = arith.constant 0 : i32
    %scan3A_531 = arith.constant 100 : i32
    %scan3A_532 = arith.addi %scan3A_530, %scan3A_531 : i32
    %scan3A_533 = arith.constant 5 : i32
    %scan3A_534 = scf.for %scan3A_989 = %scan3A_530 to %scan3A_532 step %scan3A_533 iter_args(%scan3A_990 = %get3A_141) -> (vector<16xf32>)  : i32 {
      %add3A_991 = vector.broadcast %scan3A_989 : i32 to vector<16xi32>
      %add3A_992 = arith.addi %add3A_529, %add3A_991 : vector<16xi32>
      %gather3A = tpu.vector_load_idx %arg10[%add3A_992] : memref<12800xf32, #tpu.memory_space<vmem>>[vector<16xi32>], vector<16xf32>,
      %gather3A_993 = tpu.vector_load_idx %arg9[%add3A_992] : memref<12800xf32, #tpu.memory_space<vmem>>[vector<16xi32>], vector<16xf32>,
      %mul3A_994 = arith.mulf %gather3A, %gather3A_993 : vector<16xf32>
      %add3A_995 = arith.addf %scan3A_990, %mul3A_994 : vector<16xf32>
      %scan3A_996 = arith.constant 1 : i32
      %scan3A_997 = arith.addi %scan3A_989, %scan3A_996 : i32
      %add3A_998 = vector.broadcast %scan3A_997 : i32 to vector<16xi32>
      %add3A_999 = arith.addi %add3A_529, %add3A_998 : vector<16xi32>
      %gather3A_1000 = tpu.vector_load_idx %arg10[%add3A_999] : memref<12800xf32, #tpu.memory_space<vmem>>[vector<16xi32>], vector<16xf32>,
      %gather3A_1001 = tpu.vector_load_idx %arg9[%add3A_999] : memref<12800xf32, #tpu.memory_space<vmem>>[vector<16xi32>], vector<16xf32>,
      %mul3A_1002 = arith.mulf %gather3A_1000, %gather3A_1001 : vector<16xf32>
      %add3A_1003 = arith.addf %add3A_995, %mul3A_1002 : vector<16xf32>
      %scan3A_1004 = arith.constant 2 : i32
      %scan3A_1005 = arith.addi %scan3A_989, %scan3A_1004 : i32
      %add3A_1006 = vector.broadcast %scan3A_1005 : i32 to vector<16xi32>
      %add3A_1007 = arith.addi %add3A_529, %add3A_1006 : vector<16xi32>
      %gather3A_1008 = tpu.vector_load_idx %arg10[%add3A_1007] : memref<12800xf32, #tpu.memory_space<vmem>>[vector<16xi32>], vector<16xf32>,
      %gather3A_1009 = tpu.vector_load_idx %arg9[%add3A_1007] : memref<12800xf32, #tpu.memory_space<vmem>>[vector<16xi32>], vector<16xf32>,
      %mul3A_1010 = arith.mulf %gather3A_1008, %gather3A_1009 : vector<16xf32>
      %add3A_1011 = arith.addf %add3A_1003, %mul3A_1010 : vector<16xf32>
      %scan3A_1012 = arith.constant 3 : i32
      %scan3A_1013 = arith.addi %scan3A_989, %scan3A_1012 : i32
      %add3A_1014 = vector.broadcast %scan3A_1013 : i32 to vector<16xi32>
      %add3A_1015 = arith.addi %add3A_529, %add3A_1014 : vector<16xi32>
      %gather3A_1016 = tpu.vector_load_idx %arg10[%add3A_1015] : memref<12800xf32, #tpu.memory_space<vmem>>[vector<16xi32>], vector<16xf32>,
      %gather3A_1017 = tpu.vector_load_idx %arg9[%add3A_1015] : memref<12800xf32, #tpu.memory_space<vmem>>[vector<16xi32>], vector<16xf32>,
      %mul3A_1018 = arith.mulf %gather3A_1016, %gather3A_1017 : vector<16xf32>
      %add3A_1019 = arith.addf %add3A_1011, %mul3A_1018 : vector<16xf32>
      %scan3A_1020 = arith.constant 4 : i32
      %scan3A_1021 = arith.addi %scan3A_989, %scan3A_1020 : i32
      %add3A_1022 = vector.broadcast %scan3A_1021 : i32 to vector<16xi32>
      %add3A_1023 = arith.addi %add3A_529, %add3A_1022 : vector<16xi32>
      %gather3A_1024 = tpu.vector_load_idx %arg10[%add3A_1023] : memref<12800xf32, #tpu.memory_space<vmem>>[vector<16xi32>], vector<16xf32>,
      %gather3A_1025 = tpu.vector_load_idx %arg9[%add3A_1023] : memref<12800xf32, #tpu.memory_space<vmem>>[vector<16xi32>], vector<16xf32>,
      %mul3A_1026 = arith.mulf %gather3A_1024, %gather3A_1025 : vector<16xf32>
      %add3A_1027 = arith.addf %add3A_1019, %mul3A_1026 : vector<16xf32>
      scf.yield %add3A_1027 : vector<16xf32>
    }
    %scan3A_535 = arith.constant 100 : i32
    %swap3A_536 = arith.constant 192 : index
    %swap3A_537 = tpu.vector_load %arg13[%swap3A_536] {strides = array<i32>} : memref<512xf32, #tpu.memory_space<vmem>>, vector<16xf32>,
    tpu.vector_store %arg13[%swap3A_536], %scan3A_534 {strides = array<i32>} : memref<512xf32, #tpu.memory_space<vmem>>, vector<16xf32>,
    %mul3A_538 = arith.constant 100 : i32
    %mul3A_539 = vector.broadcast %mul3A_538 : i32 to vector<16xi32>
    %mul3A_540 = arith.muli %iota3A, %mul3A_539 : vector<16xi32>
    %add3A_541 = arith.constant 1600 : i32
    %add3A_542 = vector.broadcast %add3A_541 : i32 to vector<16xi32>
    %add3A_543 = arith.addi %mul3A_540, %add3A_542 : vector<16xi32>
    %add3A_544 = arith.constant 6400 : i32
    %add3A_545 = vector.broadcast %add3A_544 : i32 to vector<16xi32>
    %add3A_546 = arith.addi %add3A_543, %add3A_545 : vector<16xi32>
    %scan3A_547 = arith.constant 0 : i32
    %scan3A_548 = arith.constant 100 : i32
    %scan3A_549 = arith.addi %scan3A_547, %scan3A_548 : i32
    %scan3A_550 = arith.constant 5 : i32
    %scan3A_551 = scf.for %scan3A_989 = %scan3A_547 to %scan3A_549 step %scan3A_550 iter_args(%scan3A_990 = %get3A_141) -> (vector<16xf32>)  : i32 {
      %add3A_991 = vector.broadcast %scan3A_989 : i32 to vector<16xi32>
      %add3A_992 = arith.addi %add3A_546, %add3A_991 : vector<16xi32>
      %gather3A = tpu.vector_load_idx %arg10[%add3A_992] : memref<12800xf32, #tpu.memory_space<vmem>>[vector<16xi32>], vector<16xf32>,
      %gather3A_993 = tpu.vector_load_idx %arg9[%add3A_992] : memref<12800xf32, #tpu.memory_space<vmem>>[vector<16xi32>], vector<16xf32>,
      %mul3A_994 = arith.mulf %gather3A, %gather3A_993 : vector<16xf32>
      %add3A_995 = arith.addf %scan3A_990, %mul3A_994 : vector<16xf32>
      %scan3A_996 = arith.constant 1 : i32
      %scan3A_997 = arith.addi %scan3A_989, %scan3A_996 : i32
      %add3A_998 = vector.broadcast %scan3A_997 : i32 to vector<16xi32>
      %add3A_999 = arith.addi %add3A_546, %add3A_998 : vector<16xi32>
      %gather3A_1000 = tpu.vector_load_idx %arg10[%add3A_999] : memref<12800xf32, #tpu.memory_space<vmem>>[vector<16xi32>], vector<16xf32>,
      %gather3A_1001 = tpu.vector_load_idx %arg9[%add3A_999] : memref<12800xf32, #tpu.memory_space<vmem>>[vector<16xi32>], vector<16xf32>,
      %mul3A_1002 = arith.mulf %gather3A_1000, %gather3A_1001 : vector<16xf32>
      %add3A_1003 = arith.addf %add3A_995, %mul3A_1002 : vector<16xf32>
      %scan3A_1004 = arith.constant 2 : i32
      %scan3A_1005 = arith.addi %scan3A_989, %scan3A_1004 : i32
      %add3A_1006 = vector.broadcast %scan3A_1005 : i32 to vector<16xi32>
      %add3A_1007 = arith.addi %add3A_546, %add3A_1006 : vector<16xi32>
      %gather3A_1008 = tpu.vector_load_idx %arg10[%add3A_1007] : memref<12800xf32, #tpu.memory_space<vmem>>[vector<16xi32>], vector<16xf32>,
      %gather3A_1009 = tpu.vector_load_idx %arg9[%add3A_1007] : memref<12800xf32, #tpu.memory_space<vmem>>[vector<16xi32>], vector<16xf32>,
      %mul3A_1010 = arith.mulf %gather3A_1008, %gather3A_1009 : vector<16xf32>
      %add3A_1011 = arith.addf %add3A_1003, %mul3A_1010 : vector<16xf32>
      %scan3A_1012 = arith.constant 3 : i32
      %scan3A_1013 = arith.addi %scan3A_989, %scan3A_1012 : i32
      %add3A_1014 = vector.broadcast %scan3A_1013 : i32 to vector<16xi32>
      %add3A_1015 = arith.addi %add3A_546, %add3A_1014 : vector<16xi32>
      %gather3A_1016 = tpu.vector_load_idx %arg10[%add3A_1015] : memref<12800xf32, #tpu.memory_space<vmem>>[vector<16xi32>], vector<16xf32>,
      %gather3A_1017 = tpu.vector_load_idx %arg9[%add3A_1015] : memref<12800xf32, #tpu.memory_space<vmem>>[vector<16xi32>], vector<16xf32>,
      %mul3A_1018 = arith.mulf %gather3A_1016, %gather3A_1017 : vector<16xf32>
      %add3A_1019 = arith.addf %add3A_1011, %mul3A_1018 : vector<16xf32>
      %scan3A_1020 = arith.constant 4 : i32
      %scan3A_1021 = arith.addi %scan3A_989, %scan3A_1020 : i32
      %add3A_1022 = vector.broadcast %scan3A_1021 : i32 to vector<16xi32>
      %add3A_1023 = arith.addi %add3A_546, %add3A_1022 : vector<16xi32>
      %gather3A_1024 = tpu.vector_load_idx %arg10[%add3A_1023] : memref<12800xf32, #tpu.memory_space<vmem>>[vector<16xi32>], vector<16xf32>,
      %gather3A_1025 = tpu.vector_load_idx %arg9[%add3A_1023] : memref<12800xf32, #tpu.memory_space<vmem>>[vector<16xi32>], vector<16xf32>,
      %mul3A_1026 = arith.mulf %gather3A_1024, %gather3A_1025 : vector<16xf32>
      %add3A_1027 = arith.addf %add3A_1019, %mul3A_1026 : vector<16xf32>
      scf.yield %add3A_1027 : vector<16xf32>
    }
    %scan3A_552 = arith.constant 100 : i32
    %swap3A_553 = arith.constant 208 : index
    %swap3A_554 = tpu.vector_load %arg13[%swap3A_553] {strides = array<i32>} : memref<512xf32, #tpu.memory_space<vmem>>, vector<16xf32>,
    tpu.vector_store %arg13[%swap3A_553], %scan3A_551 {strides = array<i32>} : memref<512xf32, #tpu.memory_space<vmem>>, vector<16xf32>,
    %mul3A_555 = arith.constant 100 : i32
    %mul3A_556 = vector.broadcast %mul3A_555 : i32 to vector<16xi32>
    %mul3A_557 = arith.muli %iota3A, %mul3A_556 : vector<16xi32>
    %add3A_558 = arith.constant 3200 : i32
    %add3A_559 = vector.broadcast %add3A_558 : i32 to vector<16xi32>
    %add3A_560 = arith.addi %mul3A_557, %add3A_559 : vector<16xi32>
    %add3A_561 = arith.constant 6400 : i32
    %add3A_562 = vector.broadcast %add3A_561 : i32 to vector<16xi32>
    %add3A_563 = arith.addi %add3A_560, %add3A_562 : vector<16xi32>
    %scan3A_564 = arith.constant 0 : i32
    %scan3A_565 = arith.constant 100 : i32
    %scan3A_566 = arith.addi %scan3A_564, %scan3A_565 : i32
    %scan3A_567 = arith.constant 5 : i32
    %scan3A_568 = scf.for %scan3A_989 = %scan3A_564 to %scan3A_566 step %scan3A_567 iter_args(%scan3A_990 = %get3A_141) -> (vector<16xf32>)  : i32 {
      %add3A_991 = vector.broadcast %scan3A_989 : i32 to vector<16xi32>
      %add3A_992 = arith.addi %add3A_563, %add3A_991 : vector<16xi32>
      %gather3A = tpu.vector_load_idx %arg10[%add3A_992] : memref<12800xf32, #tpu.memory_space<vmem>>[vector<16xi32>], vector<16xf32>,
      %gather3A_993 = tpu.vector_load_idx %arg9[%add3A_992] : memref<12800xf32, #tpu.memory_space<vmem>>[vector<16xi32>], vector<16xf32>,
      %mul3A_994 = arith.mulf %gather3A, %gather3A_993 : vector<16xf32>
      %add3A_995 = arith.addf %scan3A_990, %mul3A_994 : vector<16xf32>
      %scan3A_996 = arith.constant 1 : i32
      %scan3A_997 = arith.addi %scan3A_989, %scan3A_996 : i32
      %add3A_998 = vector.broadcast %scan3A_997 : i32 to vector<16xi32>
      %add3A_999 = arith.addi %add3A_563, %add3A_998 : vector<16xi32>
      %gather3A_1000 = tpu.vector_load_idx %arg10[%add3A_999] : memref<12800xf32, #tpu.memory_space<vmem>>[vector<16xi32>], vector<16xf32>,
      %gather3A_1001 = tpu.vector_load_idx %arg9[%add3A_999] : memref<12800xf32, #tpu.memory_space<vmem>>[vector<16xi32>], vector<16xf32>,
      %mul3A_1002 = arith.mulf %gather3A_1000, %gather3A_1001 : vector<16xf32>
      %add3A_1003 = arith.addf %add3A_995, %mul3A_1002 : vector<16xf32>
      %scan3A_1004 = arith.constant 2 : i32
      %scan3A_1005 = arith.addi %scan3A_989, %scan3A_1004 : i32
      %add3A_1006 = vector.broadcast %scan3A_1005 : i32 to vector<16xi32>
      %add3A_1007 = arith.addi %add3A_563, %add3A_1006 : vector<16xi32>
      %gather3A_1008 = tpu.vector_load_idx %arg10[%add3A_1007] : memref<12800xf32, #tpu.memory_space<vmem>>[vector<16xi32>], vector<16xf32>,
      %gather3A_1009 = tpu.vector_load_idx %arg9[%add3A_1007] : memref<12800xf32, #tpu.memory_space<vmem>>[vector<16xi32>], vector<16xf32>,
      %mul3A_1010 = arith.mulf %gather3A_1008, %gather3A_1009 : vector<16xf32>
      %add3A_1011 = arith.addf %add3A_1003, %mul3A_1010 : vector<16xf32>
      %scan3A_1012 = arith.constant 3 : i32
      %scan3A_1013 = arith.addi %scan3A_989, %scan3A_1012 : i32
      %add3A_1014 = vector.broadcast %scan3A_1013 : i32 to vector<16xi32>
      %add3A_1015 = arith.addi %add3A_563, %add3A_1014 : vector<16xi32>
      %gather3A_1016 = tpu.vector_load_idx %arg10[%add3A_1015] : memref<12800xf32, #tpu.memory_space<vmem>>[vector<16xi32>], vector<16xf32>,
      %gather3A_1017 = tpu.vector_load_idx %arg9[%add3A_1015] : memref<12800xf32, #tpu.memory_space<vmem>>[vector<16xi32>], vector<16xf32>,
      %mul3A_1018 = arith.mulf %gather3A_1016, %gather3A_1017 : vector<16xf32>
      %add3A_1019 = arith.addf %add3A_1011, %mul3A_1018 : vector<16xf32>
      %scan3A_1020 = arith.constant 4 : i32
      %scan3A_1021 = arith.addi %scan3A_989, %scan3A_1020 : i32
      %add3A_1022 = vector.broadcast %scan3A_1021 : i32 to vector<16xi32>
      %add3A_1023 = arith.addi %add3A_563, %add3A_1022 : vector<16xi32>
      %gather3A_1024 = tpu.vector_load_idx %arg10[%add3A_1023] : memref<12800xf32, #tpu.memory_space<vmem>>[vector<16xi32>], vector<16xf32>,
      %gather3A_1025 = tpu.vector_load_idx %arg9[%add3A_1023] : memref<12800xf32, #tpu.memory_space<vmem>>[vector<16xi32>], vector<16xf32>,
      %mul3A_1026 = arith.mulf %gather3A_1024, %gather3A_1025 : vector<16xf32>
      %add3A_1027 = arith.addf %add3A_1019, %mul3A_1026 : vector<16xf32>
      scf.yield %add3A_1027 : vector<16xf32>
    }
    %scan3A_569 = arith.constant 100 : i32
    %swap3A_570 = arith.constant 224 : index
    %swap3A_571 = tpu.vector_load %arg13[%swap3A_570] {strides = array<i32>} : memref<512xf32, #tpu.memory_space<vmem>>, vector<16xf32>,
    tpu.vector_store %arg13[%swap3A_570], %scan3A_568 {strides = array<i32>} : memref<512xf32, #tpu.memory_space<vmem>>, vector<16xf32>,
    %mul3A_572 = arith.constant 100 : i32
    %mul3A_573 = vector.broadcast %mul3A_572 : i32 to vector<16xi32>
    %mul3A_574 = arith.muli %iota3A, %mul3A_573 : vector<16xi32>
    %add3A_575 = arith.constant 4800 : i32
    %add3A_576 = vector.broadcast %add3A_575 : i32 to vector<16xi32>
    %add3A_577 = arith.addi %mul3A_574, %add3A_576 : vector<16xi32>
    %add3A_578 = arith.constant 6400 : i32
    %add3A_579 = vector.broadcast %add3A_578 : i32 to vector<16xi32>
    %add3A_580 = arith.addi %add3A_577, %add3A_579 : vector<16xi32>
    %scan3A_581 = arith.constant 0 : i32
    %scan3A_582 = arith.constant 100 : i32
    %scan3A_583 = arith.addi %scan3A_581, %scan3A_582 : i32
    %scan3A_584 = arith.constant 5 : i32
    %scan3A_585 = scf.for %scan3A_989 = %scan3A_581 to %scan3A_583 step %scan3A_584 iter_args(%scan3A_990 = %get3A_141) -> (vector<16xf32>)  : i32 {
      %add3A_991 = vector.broadcast %scan3A_989 : i32 to vector<16xi32>
      %add3A_992 = arith.addi %add3A_580, %add3A_991 : vector<16xi32>
      %gather3A = tpu.vector_load_idx %arg10[%add3A_992] : memref<12800xf32, #tpu.memory_space<vmem>>[vector<16xi32>], vector<16xf32>,
      %gather3A_993 = tpu.vector_load_idx %arg9[%add3A_992] : memref<12800xf32, #tpu.memory_space<vmem>>[vector<16xi32>], vector<16xf32>,
      %mul3A_994 = arith.mulf %gather3A, %gather3A_993 : vector<16xf32>
      %add3A_995 = arith.addf %scan3A_990, %mul3A_994 : vector<16xf32>
      %scan3A_996 = arith.constant 1 : i32
      %scan3A_997 = arith.addi %scan3A_989, %scan3A_996 : i32
      %add3A_998 = vector.broadcast %scan3A_997 : i32 to vector<16xi32>
      %add3A_999 = arith.addi %add3A_580, %add3A_998 : vector<16xi32>
      %gather3A_1000 = tpu.vector_load_idx %arg10[%add3A_999] : memref<12800xf32, #tpu.memory_space<vmem>>[vector<16xi32>], vector<16xf32>,
      %gather3A_1001 = tpu.vector_load_idx %arg9[%add3A_999] : memref<12800xf32, #tpu.memory_space<vmem>>[vector<16xi32>], vector<16xf32>,
      %mul3A_1002 = arith.mulf %gather3A_1000, %gather3A_1001 : vector<16xf32>
      %add3A_1003 = arith.addf %add3A_995, %mul3A_1002 : vector<16xf32>
      %scan3A_1004 = arith.constant 2 : i32
      %scan3A_1005 = arith.addi %scan3A_989, %scan3A_1004 : i32
      %add3A_1006 = vector.broadcast %scan3A_1005 : i32 to vector<16xi32>
      %add3A_1007 = arith.addi %add3A_580, %add3A_1006 : vector<16xi32>
      %gather3A_1008 = tpu.vector_load_idx %arg10[%add3A_1007] : memref<12800xf32, #tpu.memory_space<vmem>>[vector<16xi32>], vector<16xf32>,
      %gather3A_1009 = tpu.vector_load_idx %arg9[%add3A_1007] : memref<12800xf32, #tpu.memory_space<vmem>>[vector<16xi32>], vector<16xf32>,
      %mul3A_1010 = arith.mulf %gather3A_1008, %gather3A_1009 : vector<16xf32>
      %add3A_1011 = arith.addf %add3A_1003, %mul3A_1010 : vector<16xf32>
      %scan3A_1012 = arith.constant 3 : i32
      %scan3A_1013 = arith.addi %scan3A_989, %scan3A_1012 : i32
      %add3A_1014 = vector.broadcast %scan3A_1013 : i32 to vector<16xi32>
      %add3A_1015 = arith.addi %add3A_580, %add3A_1014 : vector<16xi32>
      %gather3A_1016 = tpu.vector_load_idx %arg10[%add3A_1015] : memref<12800xf32, #tpu.memory_space<vmem>>[vector<16xi32>], vector<16xf32>,
      %gather3A_1017 = tpu.vector_load_idx %arg9[%add3A_1015] : memref<12800xf32, #tpu.memory_space<vmem>>[vector<16xi32>], vector<16xf32>,
      %mul3A_1018 = arith.mulf %gather3A_1016, %gather3A_1017 : vector<16xf32>
      %add3A_1019 = arith.addf %add3A_1011, %mul3A_1018 : vector<16xf32>
      %scan3A_1020 = arith.constant 4 : i32
      %scan3A_1021 = arith.addi %scan3A_989, %scan3A_1020 : i32
      %add3A_1022 = vector.broadcast %scan3A_1021 : i32 to vector<16xi32>
      %add3A_1023 = arith.addi %add3A_580, %add3A_1022 : vector<16xi32>
      %gather3A_1024 = tpu.vector_load_idx %arg10[%add3A_1023] : memref<12800xf32, #tpu.memory_space<vmem>>[vector<16xi32>], vector<16xf32>,
      %gather3A_1025 = tpu.vector_load_idx %arg9[%add3A_1023] : memref<12800xf32, #tpu.memory_space<vmem>>[vector<16xi32>], vector<16xf32>,
      %mul3A_1026 = arith.mulf %gather3A_1024, %gather3A_1025 : vector<16xf32>
      %add3A_1027 = arith.addf %add3A_1019, %mul3A_1026 : vector<16xf32>
      scf.yield %add3A_1027 : vector<16xf32>
    }
    %scan3A_586 = arith.constant 100 : i32
    %swap3A_587 = arith.constant 240 : index
    %swap3A_588 = tpu.vector_load %arg13[%swap3A_587] {strides = array<i32>} : memref<512xf32, #tpu.memory_space<vmem>>, vector<16xf32>,
    tpu.vector_store %arg13[%swap3A_587], %scan3A_585 {strides = array<i32>} : memref<512xf32, #tpu.memory_space<vmem>>, vector<16xf32>,
    %mul3A_589 = arith.constant 51200 : i32
    %mul3A_590 = arith.muli %add3A, %mul3A_589 : i32
    %add3A_591 = arith.constant 32000 : i32
    %add3A_592 = arith.addi %mul3A_590, %add3A_591 : i32
    %dma_start3A_593 = arith.constant 6400 : i32
    %dma_start3A_594 = tpu.memref_slice %arg8[%dma_start3A_593] : memref<12800xi32, #tpu.memory_space<vmem>> -> memref<6400xi32, #tpu.memory_space<vmem>>
    %dma_start3A_595 = tpu.memref_slice %arg3[%add3A_592] : memref<1638400xi32, #tpu.memory_space<hbm>> -> memref<6400xi32, #tpu.memory_space<hbm>>
    %dma_start3A_596 = arith.constant 6400 : i32
    %dma_start3A_597 = tpu.memref_slice %arg8[%dma_start3A_596] : memref<12800xi32, #tpu.memory_space<vmem>> -> memref<6400xi32, #tpu.memory_space<vmem>>
    %dma_start3A_598 = tpu.memref_slice %arg3[%add3A_592] : memref<1638400xi32, #tpu.memory_space<hbm>> -> memref<6400xi32, #tpu.memory_space<hbm>>
    tpu.enqueue_dma source(%dma_start3A_598 : memref<6400xi32, #tpu.memory_space<hbm>>) target(%dma_start3A_597 : memref<6400xi32, #tpu.memory_space<vmem>>) target_semaphore(%arg18 : memref<!tpu.dma_semaphore, #tpu.memory_space<semaphore_mem>>)
    %dma_wait3A_599 = arith.constant 6400 : i32
    %dma_wait3A_600 = tpu.memref_slice %arg8[%dma_wait3A_599] : memref<12800xi32, #tpu.memory_space<vmem>> -> memref<6400xi32, #tpu.memory_space<vmem>>
    %dma_wait3A_601 = tpu.memref_slice %arg3[%add3A_592] : memref<1638400xi32, #tpu.memory_space<hbm>> -> memref<6400xi32, #tpu.memory_space<hbm>>
    %dma_wait3A_602 = arith.constant 6400 : i32
    %dma_wait3A_603 = tpu.memref_slice %arg8[%dma_wait3A_602] : memref<12800xi32, #tpu.memory_space<vmem>> -> memref<6400xi32, #tpu.memory_space<vmem>>
    %dma_wait3A_604 = tpu.memref_slice %arg3[%add3A_592] : memref<1638400xi32, #tpu.memory_space<hbm>> -> memref<6400xi32, #tpu.memory_space<hbm>>
    tpu.wait_dma2 semaphore(%arg18 : memref<!tpu.dma_semaphore, #tpu.memory_space<semaphore_mem>>) src(%dma_wait3A_604 : memref<6400xi32, #tpu.memory_space<hbm>>) dst(%dma_wait3A_603 : memref<6400xi32, #tpu.memory_space<vmem>>)
    %dma_start3A_605 = arith.constant 6400 : i32
    %dma_start3A_606 = tpu.memref_slice %arg9[%dma_start3A_605] : memref<12800xf32, #tpu.memory_space<vmem>> -> memref<6400xf32, #tpu.memory_space<vmem>>
    %dma_start3A_607 = tpu.memref_slice %arg4[%add3A_592] : memref<1638400xf32, #tpu.memory_space<hbm>> -> memref<6400xf32, #tpu.memory_space<hbm>>
    %dma_start3A_608 = arith.constant 6400 : i32
    %dma_start3A_609 = tpu.memref_slice %arg9[%dma_start3A_608] : memref<12800xf32, #tpu.memory_space<vmem>> -> memref<6400xf32, #tpu.memory_space<vmem>>
    %dma_start3A_610 = tpu.memref_slice %arg4[%add3A_592] : memref<1638400xf32, #tpu.memory_space<hbm>> -> memref<6400xf32, #tpu.memory_space<hbm>>
    tpu.enqueue_dma source(%dma_start3A_610 : memref<6400xf32, #tpu.memory_space<hbm>>) target(%dma_start3A_609 : memref<6400xf32, #tpu.memory_space<vmem>>) target_semaphore(%arg18 : memref<!tpu.dma_semaphore, #tpu.memory_space<semaphore_mem>>)
    %dma_wait3A_611 = arith.constant 6400 : i32
    %dma_wait3A_612 = tpu.memref_slice %arg9[%dma_wait3A_611] : memref<12800xf32, #tpu.memory_space<vmem>> -> memref<6400xf32, #tpu.memory_space<vmem>>
    %dma_wait3A_613 = tpu.memref_slice %arg4[%add3A_592] : memref<1638400xf32, #tpu.memory_space<hbm>> -> memref<6400xf32, #tpu.memory_space<hbm>>
    %dma_wait3A_614 = arith.constant 6400 : i32
    %dma_wait3A_615 = tpu.memref_slice %arg9[%dma_wait3A_614] : memref<12800xf32, #tpu.memory_space<vmem>> -> memref<6400xf32, #tpu.memory_space<vmem>>
    %dma_wait3A_616 = tpu.memref_slice %arg4[%add3A_592] : memref<1638400xf32, #tpu.memory_space<hbm>> -> memref<6400xf32, #tpu.memory_space<hbm>>
    tpu.wait_dma2 semaphore(%arg18 : memref<!tpu.dma_semaphore, #tpu.memory_space<semaphore_mem>>) src(%dma_wait3A_616 : memref<6400xf32, #tpu.memory_space<hbm>>) dst(%dma_wait3A_615 : memref<6400xf32, #tpu.memory_space<vmem>>)
    %dma_start3A_617 = arith.constant 6400 : i32
    %dma_start3A_618 = tpu.memref_slice %arg10[%dma_start3A_617] : memref<12800xf32, #tpu.memory_space<vmem>> -> memref<6400xf32, #tpu.memory_space<vmem>>
    %dma_start3A_619 = arith.constant 6400 : i32
    %dma_start3A_620 = tpu.memref_slice %arg8[%dma_start3A_619] : memref<12800xi32, #tpu.memory_space<vmem>> -> memref<6400xi32, #tpu.memory_space<vmem>>
    %dma_start3A_621 = arith.constant 0 : i32
    %dma_start3A_622 = tpu.memref_slice %arg7[%dma_start3A_621] : memref<1000000xf32, #tpu.memory_space<vmem_shared>> -> memref<1000000xf32, #tpu.memory_space<vmem_shared>>
    tpu.enqueue_indirect_dma source(%dma_start3A_622 : memref<1000000xf32, #tpu.memory_space<vmem_shared>>) target(%dma_start3A_618 : memref<6400xf32, #tpu.memory_space<vmem>>) offsets(%dma_start3A_620 : memref<6400xi32, #tpu.memory_space<vmem>>) semaphore(%arg15 : memref<!tpu.dma_semaphore, #tpu.memory_space<semaphore_mem>>)
    %dma_wait3A_623 = arith.constant 0 : i32
    %dma_wait3A_624 = tpu.memref_slice %arg10[%dma_wait3A_623] : memref<12800xf32, #tpu.memory_space<vmem>> -> memref<6400xf32, #tpu.memory_space<vmem>>
    %dma_wait3A_625 = arith.constant 0 : i32
    %dma_wait3A_626 = tpu.memref_slice %arg8[%dma_wait3A_625] : memref<12800xi32, #tpu.memory_space<vmem>> -> memref<6400xi32, #tpu.memory_space<vmem>>
    %dma_wait3A_627 = arith.constant 0 : i32
    %dma_wait3A_628 = tpu.memref_slice %arg7[%dma_wait3A_627] : memref<1000000xf32, #tpu.memory_space<vmem_shared>> -> memref<1000000xf32, #tpu.memory_space<vmem_shared>>
    tpu.wait_indirect_dma semaphore(%arg14 : memref<!tpu.dma_semaphore, #tpu.memory_space<semaphore_mem>>) src(%dma_wait3A_628 : memref<1000000xf32, #tpu.memory_space<vmem_shared>>) dst(%dma_wait3A_624 : memref<6400xf32, #tpu.memory_space<vmem>>)
    %mul3A_629 = arith.constant 100 : i32
    %mul3A_630 = vector.broadcast %mul3A_629 : i32 to vector<16xi32>
    %mul3A_631 = arith.muli %iota3A, %mul3A_630 : vector<16xi32>
    %add3A_632 = arith.constant 0 : i32
    %add3A_633 = vector.broadcast %add3A_632 : i32 to vector<16xi32>
    %add3A_634 = arith.addi %mul3A_631, %add3A_633 : vector<16xi32>
    %add3A_635 = arith.constant 0 : i32
    %add3A_636 = vector.broadcast %add3A_635 : i32 to vector<16xi32>
    %add3A_637 = arith.addi %add3A_634, %add3A_636 : vector<16xi32>
    %scan3A_638 = arith.constant 0 : i32
    %scan3A_639 = arith.constant 100 : i32
    %scan3A_640 = arith.addi %scan3A_638, %scan3A_639 : i32
    %scan3A_641 = arith.constant 5 : i32
    %scan3A_642 = scf.for %scan3A_989 = %scan3A_638 to %scan3A_640 step %scan3A_641 iter_args(%scan3A_990 = %get3A_141) -> (vector<16xf32>)  : i32 {
      %add3A_991 = vector.broadcast %scan3A_989 : i32 to vector<16xi32>
      %add3A_992 = arith.addi %add3A_637, %add3A_991 : vector<16xi32>
      %gather3A = tpu.vector_load_idx %arg10[%add3A_992] : memref<12800xf32, #tpu.memory_space<vmem>>[vector<16xi32>], vector<16xf32>,
      %gather3A_993 = tpu.vector_load_idx %arg9[%add3A_992] : memref<12800xf32, #tpu.memory_space<vmem>>[vector<16xi32>], vector<16xf32>,
      %mul3A_994 = arith.mulf %gather3A, %gather3A_993 : vector<16xf32>
      %add3A_995 = arith.addf %scan3A_990, %mul3A_994 : vector<16xf32>
      %scan3A_996 = arith.constant 1 : i32
      %scan3A_997 = arith.addi %scan3A_989, %scan3A_996 : i32
      %add3A_998 = vector.broadcast %scan3A_997 : i32 to vector<16xi32>
      %add3A_999 = arith.addi %add3A_637, %add3A_998 : vector<16xi32>
      %gather3A_1000 = tpu.vector_load_idx %arg10[%add3A_999] : memref<12800xf32, #tpu.memory_space<vmem>>[vector<16xi32>], vector<16xf32>,
      %gather3A_1001 = tpu.vector_load_idx %arg9[%add3A_999] : memref<12800xf32, #tpu.memory_space<vmem>>[vector<16xi32>], vector<16xf32>,
      %mul3A_1002 = arith.mulf %gather3A_1000, %gather3A_1001 : vector<16xf32>
      %add3A_1003 = arith.addf %add3A_995, %mul3A_1002 : vector<16xf32>
      %scan3A_1004 = arith.constant 2 : i32
      %scan3A_1005 = arith.addi %scan3A_989, %scan3A_1004 : i32
      %add3A_1006 = vector.broadcast %scan3A_1005 : i32 to vector<16xi32>
      %add3A_1007 = arith.addi %add3A_637, %add3A_1006 : vector<16xi32>
      %gather3A_1008 = tpu.vector_load_idx %arg10[%add3A_1007] : memref<12800xf32, #tpu.memory_space<vmem>>[vector<16xi32>], vector<16xf32>,
      %gather3A_1009 = tpu.vector_load_idx %arg9[%add3A_1007] : memref<12800xf32, #tpu.memory_space<vmem>>[vector<16xi32>], vector<16xf32>,
      %mul3A_1010 = arith.mulf %gather3A_1008, %gather3A_1009 : vector<16xf32>
      %add3A_1011 = arith.addf %add3A_1003, %mul3A_1010 : vector<16xf32>
      %scan3A_1012 = arith.constant 3 : i32
      %scan3A_1013 = arith.addi %scan3A_989, %scan3A_1012 : i32
      %add3A_1014 = vector.broadcast %scan3A_1013 : i32 to vector<16xi32>
      %add3A_1015 = arith.addi %add3A_637, %add3A_1014 : vector<16xi32>
      %gather3A_1016 = tpu.vector_load_idx %arg10[%add3A_1015] : memref<12800xf32, #tpu.memory_space<vmem>>[vector<16xi32>], vector<16xf32>,
      %gather3A_1017 = tpu.vector_load_idx %arg9[%add3A_1015] : memref<12800xf32, #tpu.memory_space<vmem>>[vector<16xi32>], vector<16xf32>,
      %mul3A_1018 = arith.mulf %gather3A_1016, %gather3A_1017 : vector<16xf32>
      %add3A_1019 = arith.addf %add3A_1011, %mul3A_1018 : vector<16xf32>
      %scan3A_1020 = arith.constant 4 : i32
      %scan3A_1021 = arith.addi %scan3A_989, %scan3A_1020 : i32
      %add3A_1022 = vector.broadcast %scan3A_1021 : i32 to vector<16xi32>
      %add3A_1023 = arith.addi %add3A_637, %add3A_1022 : vector<16xi32>
      %gather3A_1024 = tpu.vector_load_idx %arg10[%add3A_1023] : memref<12800xf32, #tpu.memory_space<vmem>>[vector<16xi32>], vector<16xf32>,
      %gather3A_1025 = tpu.vector_load_idx %arg9[%add3A_1023] : memref<12800xf32, #tpu.memory_space<vmem>>[vector<16xi32>], vector<16xf32>,
      %mul3A_1026 = arith.mulf %gather3A_1024, %gather3A_1025 : vector<16xf32>
      %add3A_1027 = arith.addf %add3A_1019, %mul3A_1026 : vector<16xf32>
      scf.yield %add3A_1027 : vector<16xf32>
    }
    %scan3A_643 = arith.constant 100 : i32
    %swap3A_644 = arith.constant 256 : index
    %swap3A_645 = tpu.vector_load %arg13[%swap3A_644] {strides = array<i32>} : memref<512xf32, #tpu.memory_space<vmem>>, vector<16xf32>,
    tpu.vector_store %arg13[%swap3A_644], %scan3A_642 {strides = array<i32>} : memref<512xf32, #tpu.memory_space<vmem>>, vector<16xf32>,
    %mul3A_646 = arith.constant 100 : i32
    %mul3A_647 = vector.broadcast %mul3A_646 : i32 to vector<16xi32>
    %mul3A_648 = arith.muli %iota3A, %mul3A_647 : vector<16xi32>
    %add3A_649 = arith.constant 1600 : i32
    %add3A_650 = vector.broadcast %add3A_649 : i32 to vector<16xi32>
    %add3A_651 = arith.addi %mul3A_648, %add3A_650 : vector<16xi32>
    %add3A_652 = arith.constant 0 : i32
    %add3A_653 = vector.broadcast %add3A_652 : i32 to vector<16xi32>
    %add3A_654 = arith.addi %add3A_651, %add3A_653 : vector<16xi32>
    %scan3A_655 = arith.constant 0 : i32
    %scan3A_656 = arith.constant 100 : i32
    %scan3A_657 = arith.addi %scan3A_655, %scan3A_656 : i32
    %scan3A_658 = arith.constant 5 : i32
    %scan3A_659 = scf.for %scan3A_989 = %scan3A_655 to %scan3A_657 step %scan3A_658 iter_args(%scan3A_990 = %get3A_141) -> (vector<16xf32>)  : i32 {
      %add3A_991 = vector.broadcast %scan3A_989 : i32 to vector<16xi32>
      %add3A_992 = arith.addi %add3A_654, %add3A_991 : vector<16xi32>
      %gather3A = tpu.vector_load_idx %arg10[%add3A_992] : memref<12800xf32, #tpu.memory_space<vmem>>[vector<16xi32>], vector<16xf32>,
      %gather3A_993 = tpu.vector_load_idx %arg9[%add3A_992] : memref<12800xf32, #tpu.memory_space<vmem>>[vector<16xi32>], vector<16xf32>,
      %mul3A_994 = arith.mulf %gather3A, %gather3A_993 : vector<16xf32>
      %add3A_995 = arith.addf %scan3A_990, %mul3A_994 : vector<16xf32>
      %scan3A_996 = arith.constant 1 : i32
      %scan3A_997 = arith.addi %scan3A_989, %scan3A_996 : i32
      %add3A_998 = vector.broadcast %scan3A_997 : i32 to vector<16xi32>
      %add3A_999 = arith.addi %add3A_654, %add3A_998 : vector<16xi32>
      %gather3A_1000 = tpu.vector_load_idx %arg10[%add3A_999] : memref<12800xf32, #tpu.memory_space<vmem>>[vector<16xi32>], vector<16xf32>,
      %gather3A_1001 = tpu.vector_load_idx %arg9[%add3A_999] : memref<12800xf32, #tpu.memory_space<vmem>>[vector<16xi32>], vector<16xf32>,
      %mul3A_1002 = arith.mulf %gather3A_1000, %gather3A_1001 : vector<16xf32>
      %add3A_1003 = arith.addf %add3A_995, %mul3A_1002 : vector<16xf32>
      %scan3A_1004 = arith.constant 2 : i32
      %scan3A_1005 = arith.addi %scan3A_989, %scan3A_1004 : i32
      %add3A_1006 = vector.broadcast %scan3A_1005 : i32 to vector<16xi32>
      %add3A_1007 = arith.addi %add3A_654, %add3A_1006 : vector<16xi32>
      %gather3A_1008 = tpu.vector_load_idx %arg10[%add3A_1007] : memref<12800xf32, #tpu.memory_space<vmem>>[vector<16xi32>], vector<16xf32>,
      %gather3A_1009 = tpu.vector_load_idx %arg9[%add3A_1007] : memref<12800xf32, #tpu.memory_space<vmem>>[vector<16xi32>], vector<16xf32>,
      %mul3A_1010 = arith.mulf %gather3A_1008, %gather3A_1009 : vector<16xf32>
      %add3A_1011 = arith.addf %add3A_1003, %mul3A_1010 : vector<16xf32>
      %scan3A_1012 = arith.constant 3 : i32
      %scan3A_1013 = arith.addi %scan3A_989, %scan3A_1012 : i32
      %add3A_1014 = vector.broadcast %scan3A_1013 : i32 to vector<16xi32>
      %add3A_1015 = arith.addi %add3A_654, %add3A_1014 : vector<16xi32>
      %gather3A_1016 = tpu.vector_load_idx %arg10[%add3A_1015] : memref<12800xf32, #tpu.memory_space<vmem>>[vector<16xi32>], vector<16xf32>,
      %gather3A_1017 = tpu.vector_load_idx %arg9[%add3A_1015] : memref<12800xf32, #tpu.memory_space<vmem>>[vector<16xi32>], vector<16xf32>,
      %mul3A_1018 = arith.mulf %gather3A_1016, %gather3A_1017 : vector<16xf32>
      %add3A_1019 = arith.addf %add3A_1011, %mul3A_1018 : vector<16xf32>
      %scan3A_1020 = arith.constant 4 : i32
      %scan3A_1021 = arith.addi %scan3A_989, %scan3A_1020 : i32
      %add3A_1022 = vector.broadcast %scan3A_1021 : i32 to vector<16xi32>
      %add3A_1023 = arith.addi %add3A_654, %add3A_1022 : vector<16xi32>
      %gather3A_1024 = tpu.vector_load_idx %arg10[%add3A_1023] : memref<12800xf32, #tpu.memory_space<vmem>>[vector<16xi32>], vector<16xf32>,
      %gather3A_1025 = tpu.vector_load_idx %arg9[%add3A_1023] : memref<12800xf32, #tpu.memory_space<vmem>>[vector<16xi32>], vector<16xf32>,
      %mul3A_1026 = arith.mulf %gather3A_1024, %gather3A_1025 : vector<16xf32>
      %add3A_1027 = arith.addf %add3A_1019, %mul3A_1026 : vector<16xf32>
      scf.yield %add3A_1027 : vector<16xf32>
    }
    %scan3A_660 = arith.constant 100 : i32
    %swap3A_661 = arith.constant 272 : index
    %swap3A_662 = tpu.vector_load %arg13[%swap3A_661] {strides = array<i32>} : memref<512xf32, #tpu.memory_space<vmem>>, vector<16xf32>,
    tpu.vector_store %arg13[%swap3A_661], %scan3A_659 {strides = array<i32>} : memref<512xf32, #tpu.memory_space<vmem>>, vector<16xf32>,
    %mul3A_663 = arith.constant 100 : i32
    %mul3A_664 = vector.broadcast %mul3A_663 : i32 to vector<16xi32>
    %mul3A_665 = arith.muli %iota3A, %mul3A_664 : vector<16xi32>
    %add3A_666 = arith.constant 3200 : i32
    %add3A_667 = vector.broadcast %add3A_666 : i32 to vector<16xi32>
    %add3A_668 = arith.addi %mul3A_665, %add3A_667 : vector<16xi32>
    %add3A_669 = arith.constant 0 : i32
    %add3A_670 = vector.broadcast %add3A_669 : i32 to vector<16xi32>
    %add3A_671 = arith.addi %add3A_668, %add3A_670 : vector<16xi32>
    %scan3A_672 = arith.constant 0 : i32
    %scan3A_673 = arith.constant 100 : i32
    %scan3A_674 = arith.addi %scan3A_672, %scan3A_673 : i32
    %scan3A_675 = arith.constant 5 : i32
    %scan3A_676 = scf.for %scan3A_989 = %scan3A_672 to %scan3A_674 step %scan3A_675 iter_args(%scan3A_990 = %get3A_141) -> (vector<16xf32>)  : i32 {
      %add3A_991 = vector.broadcast %scan3A_989 : i32 to vector<16xi32>
      %add3A_992 = arith.addi %add3A_671, %add3A_991 : vector<16xi32>
      %gather3A = tpu.vector_load_idx %arg10[%add3A_992] : memref<12800xf32, #tpu.memory_space<vmem>>[vector<16xi32>], vector<16xf32>,
      %gather3A_993 = tpu.vector_load_idx %arg9[%add3A_992] : memref<12800xf32, #tpu.memory_space<vmem>>[vector<16xi32>], vector<16xf32>,
      %mul3A_994 = arith.mulf %gather3A, %gather3A_993 : vector<16xf32>
      %add3A_995 = arith.addf %scan3A_990, %mul3A_994 : vector<16xf32>
      %scan3A_996 = arith.constant 1 : i32
      %scan3A_997 = arith.addi %scan3A_989, %scan3A_996 : i32
      %add3A_998 = vector.broadcast %scan3A_997 : i32 to vector<16xi32>
      %add3A_999 = arith.addi %add3A_671, %add3A_998 : vector<16xi32>
      %gather3A_1000 = tpu.vector_load_idx %arg10[%add3A_999] : memref<12800xf32, #tpu.memory_space<vmem>>[vector<16xi32>], vector<16xf32>,
      %gather3A_1001 = tpu.vector_load_idx %arg9[%add3A_999] : memref<12800xf32, #tpu.memory_space<vmem>>[vector<16xi32>], vector<16xf32>,
      %mul3A_1002 = arith.mulf %gather3A_1000, %gather3A_1001 : vector<16xf32>
      %add3A_1003 = arith.addf %add3A_995, %mul3A_1002 : vector<16xf32>
      %scan3A_1004 = arith.constant 2 : i32
      %scan3A_1005 = arith.addi %scan3A_989, %scan3A_1004 : i32
      %add3A_1006 = vector.broadcast %scan3A_1005 : i32 to vector<16xi32>
      %add3A_1007 = arith.addi %add3A_671, %add3A_1006 : vector<16xi32>
      %gather3A_1008 = tpu.vector_load_idx %arg10[%add3A_1007] : memref<12800xf32, #tpu.memory_space<vmem>>[vector<16xi32>], vector<16xf32>,
      %gather3A_1009 = tpu.vector_load_idx %arg9[%add3A_1007] : memref<12800xf32, #tpu.memory_space<vmem>>[vector<16xi32>], vector<16xf32>,
      %mul3A_1010 = arith.mulf %gather3A_1008, %gather3A_1009 : vector<16xf32>
      %add3A_1011 = arith.addf %add3A_1003, %mul3A_1010 : vector<16xf32>
      %scan3A_1012 = arith.constant 3 : i32
      %scan3A_1013 = arith.addi %scan3A_989, %scan3A_1012 : i32
      %add3A_1014 = vector.broadcast %scan3A_1013 : i32 to vector<16xi32>
      %add3A_1015 = arith.addi %add3A_671, %add3A_1014 : vector<16xi32>
      %gather3A_1016 = tpu.vector_load_idx %arg10[%add3A_1015] : memref<12800xf32, #tpu.memory_space<vmem>>[vector<16xi32>], vector<16xf32>,
      %gather3A_1017 = tpu.vector_load_idx %arg9[%add3A_1015] : memref<12800xf32, #tpu.memory_space<vmem>>[vector<16xi32>], vector<16xf32>,
      %mul3A_1018 = arith.mulf %gather3A_1016, %gather3A_1017 : vector<16xf32>
      %add3A_1019 = arith.addf %add3A_1011, %mul3A_1018 : vector<16xf32>
      %scan3A_1020 = arith.constant 4 : i32
      %scan3A_1021 = arith.addi %scan3A_989, %scan3A_1020 : i32
      %add3A_1022 = vector.broadcast %scan3A_1021 : i32 to vector<16xi32>
      %add3A_1023 = arith.addi %add3A_671, %add3A_1022 : vector<16xi32>
      %gather3A_1024 = tpu.vector_load_idx %arg10[%add3A_1023] : memref<12800xf32, #tpu.memory_space<vmem>>[vector<16xi32>], vector<16xf32>,
      %gather3A_1025 = tpu.vector_load_idx %arg9[%add3A_1023] : memref<12800xf32, #tpu.memory_space<vmem>>[vector<16xi32>], vector<16xf32>,
      %mul3A_1026 = arith.mulf %gather3A_1024, %gather3A_1025 : vector<16xf32>
      %add3A_1027 = arith.addf %add3A_1019, %mul3A_1026 : vector<16xf32>
      scf.yield %add3A_1027 : vector<16xf32>
    }
    %scan3A_677 = arith.constant 100 : i32
    %swap3A_678 = arith.constant 288 : index
    %swap3A_679 = tpu.vector_load %arg13[%swap3A_678] {strides = array<i32>} : memref<512xf32, #tpu.memory_space<vmem>>, vector<16xf32>,
    tpu.vector_store %arg13[%swap3A_678], %scan3A_676 {strides = array<i32>} : memref<512xf32, #tpu.memory_space<vmem>>, vector<16xf32>,
    %mul3A_680 = arith.constant 100 : i32
    %mul3A_681 = vector.broadcast %mul3A_680 : i32 to vector<16xi32>
    %mul3A_682 = arith.muli %iota3A, %mul3A_681 : vector<16xi32>
    %add3A_683 = arith.constant 4800 : i32
    %add3A_684 = vector.broadcast %add3A_683 : i32 to vector<16xi32>
    %add3A_685 = arith.addi %mul3A_682, %add3A_684 : vector<16xi32>
    %add3A_686 = arith.constant 0 : i32
    %add3A_687 = vector.broadcast %add3A_686 : i32 to vector<16xi32>
    %add3A_688 = arith.addi %add3A_685, %add3A_687 : vector<16xi32>
    %scan3A_689 = arith.constant 0 : i32
    %scan3A_690 = arith.constant 100 : i32
    %scan3A_691 = arith.addi %scan3A_689, %scan3A_690 : i32
    %scan3A_692 = arith.constant 5 : i32
    %scan3A_693 = scf.for %scan3A_989 = %scan3A_689 to %scan3A_691 step %scan3A_692 iter_args(%scan3A_990 = %get3A_141) -> (vector<16xf32>)  : i32 {
      %add3A_991 = vector.broadcast %scan3A_989 : i32 to vector<16xi32>
      %add3A_992 = arith.addi %add3A_688, %add3A_991 : vector<16xi32>
      %gather3A = tpu.vector_load_idx %arg10[%add3A_992] : memref<12800xf32, #tpu.memory_space<vmem>>[vector<16xi32>], vector<16xf32>,
      %gather3A_993 = tpu.vector_load_idx %arg9[%add3A_992] : memref<12800xf32, #tpu.memory_space<vmem>>[vector<16xi32>], vector<16xf32>,
      %mul3A_994 = arith.mulf %gather3A, %gather3A_993 : vector<16xf32>
      %add3A_995 = arith.addf %scan3A_990, %mul3A_994 : vector<16xf32>
      %scan3A_996 = arith.constant 1 : i32
      %scan3A_997 = arith.addi %scan3A_989, %scan3A_996 : i32
      %add3A_998 = vector.broadcast %scan3A_997 : i32 to vector<16xi32>
      %add3A_999 = arith.addi %add3A_688, %add3A_998 : vector<16xi32>
      %gather3A_1000 = tpu.vector_load_idx %arg10[%add3A_999] : memref<12800xf32, #tpu.memory_space<vmem>>[vector<16xi32>], vector<16xf32>,
      %gather3A_1001 = tpu.vector_load_idx %arg9[%add3A_999] : memref<12800xf32, #tpu.memory_space<vmem>>[vector<16xi32>], vector<16xf32>,
      %mul3A_1002 = arith.mulf %gather3A_1000, %gather3A_1001 : vector<16xf32>
      %add3A_1003 = arith.addf %add3A_995, %mul3A_1002 : vector<16xf32>
      %scan3A_1004 = arith.constant 2 : i32
      %scan3A_1005 = arith.addi %scan3A_989, %scan3A_1004 : i32
      %add3A_1006 = vector.broadcast %scan3A_1005 : i32 to vector<16xi32>
      %add3A_1007 = arith.addi %add3A_688, %add3A_1006 : vector<16xi32>
      %gather3A_1008 = tpu.vector_load_idx %arg10[%add3A_1007] : memref<12800xf32, #tpu.memory_space<vmem>>[vector<16xi32>], vector<16xf32>,
      %gather3A_1009 = tpu.vector_load_idx %arg9[%add3A_1007] : memref<12800xf32, #tpu.memory_space<vmem>>[vector<16xi32>], vector<16xf32>,
      %mul3A_1010 = arith.mulf %gather3A_1008, %gather3A_1009 : vector<16xf32>
      %add3A_1011 = arith.addf %add3A_1003, %mul3A_1010 : vector<16xf32>
      %scan3A_1012 = arith.constant 3 : i32
      %scan3A_1013 = arith.addi %scan3A_989, %scan3A_1012 : i32
      %add3A_1014 = vector.broadcast %scan3A_1013 : i32 to vector<16xi32>
      %add3A_1015 = arith.addi %add3A_688, %add3A_1014 : vector<16xi32>
      %gather3A_1016 = tpu.vector_load_idx %arg10[%add3A_1015] : memref<12800xf32, #tpu.memory_space<vmem>>[vector<16xi32>], vector<16xf32>,
      %gather3A_1017 = tpu.vector_load_idx %arg9[%add3A_1015] : memref<12800xf32, #tpu.memory_space<vmem>>[vector<16xi32>], vector<16xf32>,
      %mul3A_1018 = arith.mulf %gather3A_1016, %gather3A_1017 : vector<16xf32>
      %add3A_1019 = arith.addf %add3A_1011, %mul3A_1018 : vector<16xf32>
      %scan3A_1020 = arith.constant 4 : i32
      %scan3A_1021 = arith.addi %scan3A_989, %scan3A_1020 : i32
      %add3A_1022 = vector.broadcast %scan3A_1021 : i32 to vector<16xi32>
      %add3A_1023 = arith.addi %add3A_688, %add3A_1022 : vector<16xi32>
      %gather3A_1024 = tpu.vector_load_idx %arg10[%add3A_1023] : memref<12800xf32, #tpu.memory_space<vmem>>[vector<16xi32>], vector<16xf32>,
      %gather3A_1025 = tpu.vector_load_idx %arg9[%add3A_1023] : memref<12800xf32, #tpu.memory_space<vmem>>[vector<16xi32>], vector<16xf32>,
      %mul3A_1026 = arith.mulf %gather3A_1024, %gather3A_1025 : vector<16xf32>
      %add3A_1027 = arith.addf %add3A_1019, %mul3A_1026 : vector<16xf32>
      scf.yield %add3A_1027 : vector<16xf32>
    }
    %scan3A_694 = arith.constant 100 : i32
    %swap3A_695 = arith.constant 304 : index
    %swap3A_696 = tpu.vector_load %arg13[%swap3A_695] {strides = array<i32>} : memref<512xf32, #tpu.memory_space<vmem>>, vector<16xf32>,
    tpu.vector_store %arg13[%swap3A_695], %scan3A_693 {strides = array<i32>} : memref<512xf32, #tpu.memory_space<vmem>>, vector<16xf32>,
    %mul3A_697 = arith.constant 51200 : i32
    %mul3A_698 = arith.muli %add3A, %mul3A_697 : i32
    %add3A_699 = arith.constant 38400 : i32
    %add3A_700 = arith.addi %mul3A_698, %add3A_699 : i32
    %dma_start3A_701 = arith.constant 0 : i32
    %dma_start3A_702 = tpu.memref_slice %arg8[%dma_start3A_701] : memref<12800xi32, #tpu.memory_space<vmem>> -> memref<6400xi32, #tpu.memory_space<vmem>>
    %dma_start3A_703 = tpu.memref_slice %arg3[%add3A_700] : memref<1638400xi32, #tpu.memory_space<hbm>> -> memref<6400xi32, #tpu.memory_space<hbm>>
    %dma_start3A_704 = arith.constant 0 : i32
    %dma_start3A_705 = tpu.memref_slice %arg8[%dma_start3A_704] : memref<12800xi32, #tpu.memory_space<vmem>> -> memref<6400xi32, #tpu.memory_space<vmem>>
    %dma_start3A_706 = tpu.memref_slice %arg3[%add3A_700] : memref<1638400xi32, #tpu.memory_space<hbm>> -> memref<6400xi32, #tpu.memory_space<hbm>>
    tpu.enqueue_dma source(%dma_start3A_706 : memref<6400xi32, #tpu.memory_space<hbm>>) target(%dma_start3A_705 : memref<6400xi32, #tpu.memory_space<vmem>>) target_semaphore(%arg18 : memref<!tpu.dma_semaphore, #tpu.memory_space<semaphore_mem>>)
    %dma_wait3A_707 = arith.constant 0 : i32
    %dma_wait3A_708 = tpu.memref_slice %arg8[%dma_wait3A_707] : memref<12800xi32, #tpu.memory_space<vmem>> -> memref<6400xi32, #tpu.memory_space<vmem>>
    %dma_wait3A_709 = tpu.memref_slice %arg3[%add3A_700] : memref<1638400xi32, #tpu.memory_space<hbm>> -> memref<6400xi32, #tpu.memory_space<hbm>>
    %dma_wait3A_710 = arith.constant 0 : i32
    %dma_wait3A_711 = tpu.memref_slice %arg8[%dma_wait3A_710] : memref<12800xi32, #tpu.memory_space<vmem>> -> memref<6400xi32, #tpu.memory_space<vmem>>
    %dma_wait3A_712 = tpu.memref_slice %arg3[%add3A_700] : memref<1638400xi32, #tpu.memory_space<hbm>> -> memref<6400xi32, #tpu.memory_space<hbm>>
    tpu.wait_dma2 semaphore(%arg18 : memref<!tpu.dma_semaphore, #tpu.memory_space<semaphore_mem>>) src(%dma_wait3A_712 : memref<6400xi32, #tpu.memory_space<hbm>>) dst(%dma_wait3A_711 : memref<6400xi32, #tpu.memory_space<vmem>>)
    %dma_start3A_713 = arith.constant 0 : i32
    %dma_start3A_714 = tpu.memref_slice %arg9[%dma_start3A_713] : memref<12800xf32, #tpu.memory_space<vmem>> -> memref<6400xf32, #tpu.memory_space<vmem>>
    %dma_start3A_715 = tpu.memref_slice %arg4[%add3A_700] : memref<1638400xf32, #tpu.memory_space<hbm>> -> memref<6400xf32, #tpu.memory_space<hbm>>
    %dma_start3A_716 = arith.constant 0 : i32
    %dma_start3A_717 = tpu.memref_slice %arg9[%dma_start3A_716] : memref<12800xf32, #tpu.memory_space<vmem>> -> memref<6400xf32, #tpu.memory_space<vmem>>
    %dma_start3A_718 = tpu.memref_slice %arg4[%add3A_700] : memref<1638400xf32, #tpu.memory_space<hbm>> -> memref<6400xf32, #tpu.memory_space<hbm>>
    tpu.enqueue_dma source(%dma_start3A_718 : memref<6400xf32, #tpu.memory_space<hbm>>) target(%dma_start3A_717 : memref<6400xf32, #tpu.memory_space<vmem>>) target_semaphore(%arg18 : memref<!tpu.dma_semaphore, #tpu.memory_space<semaphore_mem>>)
    %dma_wait3A_719 = arith.constant 0 : i32
    %dma_wait3A_720 = tpu.memref_slice %arg9[%dma_wait3A_719] : memref<12800xf32, #tpu.memory_space<vmem>> -> memref<6400xf32, #tpu.memory_space<vmem>>
    %dma_wait3A_721 = tpu.memref_slice %arg4[%add3A_700] : memref<1638400xf32, #tpu.memory_space<hbm>> -> memref<6400xf32, #tpu.memory_space<hbm>>
    %dma_wait3A_722 = arith.constant 0 : i32
    %dma_wait3A_723 = tpu.memref_slice %arg9[%dma_wait3A_722] : memref<12800xf32, #tpu.memory_space<vmem>> -> memref<6400xf32, #tpu.memory_space<vmem>>
    %dma_wait3A_724 = tpu.memref_slice %arg4[%add3A_700] : memref<1638400xf32, #tpu.memory_space<hbm>> -> memref<6400xf32, #tpu.memory_space<hbm>>
    tpu.wait_dma2 semaphore(%arg18 : memref<!tpu.dma_semaphore, #tpu.memory_space<semaphore_mem>>) src(%dma_wait3A_724 : memref<6400xf32, #tpu.memory_space<hbm>>) dst(%dma_wait3A_723 : memref<6400xf32, #tpu.memory_space<vmem>>)
    %dma_start3A_725 = arith.constant 0 : i32
    %dma_start3A_726 = tpu.memref_slice %arg10[%dma_start3A_725] : memref<12800xf32, #tpu.memory_space<vmem>> -> memref<6400xf32, #tpu.memory_space<vmem>>
    %dma_start3A_727 = arith.constant 0 : i32
    %dma_start3A_728 = tpu.memref_slice %arg8[%dma_start3A_727] : memref<12800xi32, #tpu.memory_space<vmem>> -> memref<6400xi32, #tpu.memory_space<vmem>>
    %dma_start3A_729 = arith.constant 0 : i32
    %dma_start3A_730 = tpu.memref_slice %arg7[%dma_start3A_729] : memref<1000000xf32, #tpu.memory_space<vmem_shared>> -> memref<1000000xf32, #tpu.memory_space<vmem_shared>>
    tpu.enqueue_indirect_dma source(%dma_start3A_730 : memref<1000000xf32, #tpu.memory_space<vmem_shared>>) target(%dma_start3A_726 : memref<6400xf32, #tpu.memory_space<vmem>>) offsets(%dma_start3A_728 : memref<6400xi32, #tpu.memory_space<vmem>>) semaphore(%arg14 : memref<!tpu.dma_semaphore, #tpu.memory_space<semaphore_mem>>)
    %dma_wait3A_731 = arith.constant 6400 : i32
    %dma_wait3A_732 = tpu.memref_slice %arg10[%dma_wait3A_731] : memref<12800xf32, #tpu.memory_space<vmem>> -> memref<6400xf32, #tpu.memory_space<vmem>>
    %dma_wait3A_733 = arith.constant 6400 : i32
    %dma_wait3A_734 = tpu.memref_slice %arg8[%dma_wait3A_733] : memref<12800xi32, #tpu.memory_space<vmem>> -> memref<6400xi32, #tpu.memory_space<vmem>>
    %dma_wait3A_735 = arith.constant 0 : i32
    %dma_wait3A_736 = tpu.memref_slice %arg7[%dma_wait3A_735] : memref<1000000xf32, #tpu.memory_space<vmem_shared>> -> memref<1000000xf32, #tpu.memory_space<vmem_shared>>
    tpu.wait_indirect_dma semaphore(%arg15 : memref<!tpu.dma_semaphore, #tpu.memory_space<semaphore_mem>>) src(%dma_wait3A_736 : memref<1000000xf32, #tpu.memory_space<vmem_shared>>) dst(%dma_wait3A_732 : memref<6400xf32, #tpu.memory_space<vmem>>)
    %mul3A_737 = arith.constant 100 : i32
    %mul3A_738 = vector.broadcast %mul3A_737 : i32 to vector<16xi32>
    %mul3A_739 = arith.muli %iota3A, %mul3A_738 : vector<16xi32>
    %add3A_740 = arith.constant 0 : i32
    %add3A_741 = vector.broadcast %add3A_740 : i32 to vector<16xi32>
    %add3A_742 = arith.addi %mul3A_739, %add3A_741 : vector<16xi32>
    %add3A_743 = arith.constant 6400 : i32
    %add3A_744 = vector.broadcast %add3A_743 : i32 to vector<16xi32>
    %add3A_745 = arith.addi %add3A_742, %add3A_744 : vector<16xi32>
    %scan3A_746 = arith.constant 0 : i32
    %scan3A_747 = arith.constant 100 : i32
    %scan3A_748 = arith.addi %scan3A_746, %scan3A_747 : i32
    %scan3A_749 = arith.constant 5 : i32
    %scan3A_750 = scf.for %scan3A_989 = %scan3A_746 to %scan3A_748 step %scan3A_749 iter_args(%scan3A_990 = %get3A_141) -> (vector<16xf32>)  : i32 {
      %add3A_991 = vector.broadcast %scan3A_989 : i32 to vector<16xi32>
      %add3A_992 = arith.addi %add3A_745, %add3A_991 : vector<16xi32>
      %gather3A = tpu.vector_load_idx %arg10[%add3A_992] : memref<12800xf32, #tpu.memory_space<vmem>>[vector<16xi32>], vector<16xf32>,
      %gather3A_993 = tpu.vector_load_idx %arg9[%add3A_992] : memref<12800xf32, #tpu.memory_space<vmem>>[vector<16xi32>], vector<16xf32>,
      %mul3A_994 = arith.mulf %gather3A, %gather3A_993 : vector<16xf32>
      %add3A_995 = arith.addf %scan3A_990, %mul3A_994 : vector<16xf32>
      %scan3A_996 = arith.constant 1 : i32
      %scan3A_997 = arith.addi %scan3A_989, %scan3A_996 : i32
      %add3A_998 = vector.broadcast %scan3A_997 : i32 to vector<16xi32>
      %add3A_999 = arith.addi %add3A_745, %add3A_998 : vector<16xi32>
      %gather3A_1000 = tpu.vector_load_idx %arg10[%add3A_999] : memref<12800xf32, #tpu.memory_space<vmem>>[vector<16xi32>], vector<16xf32>,
      %gather3A_1001 = tpu.vector_load_idx %arg9[%add3A_999] : memref<12800xf32, #tpu.memory_space<vmem>>[vector<16xi32>], vector<16xf32>,
      %mul3A_1002 = arith.mulf %gather3A_1000, %gather3A_1001 : vector<16xf32>
      %add3A_1003 = arith.addf %add3A_995, %mul3A_1002 : vector<16xf32>
      %scan3A_1004 = arith.constant 2 : i32
      %scan3A_1005 = arith.addi %scan3A_989, %scan3A_1004 : i32
      %add3A_1006 = vector.broadcast %scan3A_1005 : i32 to vector<16xi32>
      %add3A_1007 = arith.addi %add3A_745, %add3A_1006 : vector<16xi32>
      %gather3A_1008 = tpu.vector_load_idx %arg10[%add3A_1007] : memref<12800xf32, #tpu.memory_space<vmem>>[vector<16xi32>], vector<16xf32>,
      %gather3A_1009 = tpu.vector_load_idx %arg9[%add3A_1007] : memref<12800xf32, #tpu.memory_space<vmem>>[vector<16xi32>], vector<16xf32>,
      %mul3A_1010 = arith.mulf %gather3A_1008, %gather3A_1009 : vector<16xf32>
      %add3A_1011 = arith.addf %add3A_1003, %mul3A_1010 : vector<16xf32>
      %scan3A_1012 = arith.constant 3 : i32
      %scan3A_1013 = arith.addi %scan3A_989, %scan3A_1012 : i32
      %add3A_1014 = vector.broadcast %scan3A_1013 : i32 to vector<16xi32>
      %add3A_1015 = arith.addi %add3A_745, %add3A_1014 : vector<16xi32>
      %gather3A_1016 = tpu.vector_load_idx %arg10[%add3A_1015] : memref<12800xf32, #tpu.memory_space<vmem>>[vector<16xi32>], vector<16xf32>,
      %gather3A_1017 = tpu.vector_load_idx %arg9[%add3A_1015] : memref<12800xf32, #tpu.memory_space<vmem>>[vector<16xi32>], vector<16xf32>,
      %mul3A_1018 = arith.mulf %gather3A_1016, %gather3A_1017 : vector<16xf32>
      %add3A_1019 = arith.addf %add3A_1011, %mul3A_1018 : vector<16xf32>
      %scan3A_1020 = arith.constant 4 : i32
      %scan3A_1021 = arith.addi %scan3A_989, %scan3A_1020 : i32
      %add3A_1022 = vector.broadcast %scan3A_1021 : i32 to vector<16xi32>
      %add3A_1023 = arith.addi %add3A_745, %add3A_1022 : vector<16xi32>
      %gather3A_1024 = tpu.vector_load_idx %arg10[%add3A_1023] : memref<12800xf32, #tpu.memory_space<vmem>>[vector<16xi32>], vector<16xf32>,
      %gather3A_1025 = tpu.vector_load_idx %arg9[%add3A_1023] : memref<12800xf32, #tpu.memory_space<vmem>>[vector<16xi32>], vector<16xf32>,
      %mul3A_1026 = arith.mulf %gather3A_1024, %gather3A_1025 : vector<16xf32>
      %add3A_1027 = arith.addf %add3A_1019, %mul3A_1026 : vector<16xf32>
      scf.yield %add3A_1027 : vector<16xf32>
    }
    %scan3A_751 = arith.constant 100 : i32
    %swap3A_752 = arith.constant 320 : index
    %swap3A_753 = tpu.vector_load %arg13[%swap3A_752] {strides = array<i32>} : memref<512xf32, #tpu.memory_space<vmem>>, vector<16xf32>,
    tpu.vector_store %arg13[%swap3A_752], %scan3A_750 {strides = array<i32>} : memref<512xf32, #tpu.memory_space<vmem>>, vector<16xf32>,
    %mul3A_754 = arith.constant 100 : i32
    %mul3A_755 = vector.broadcast %mul3A_754 : i32 to vector<16xi32>
    %mul3A_756 = arith.muli %iota3A, %mul3A_755 : vector<16xi32>
    %add3A_757 = arith.constant 1600 : i32
    %add3A_758 = vector.broadcast %add3A_757 : i32 to vector<16xi32>
    %add3A_759 = arith.addi %mul3A_756, %add3A_758 : vector<16xi32>
    %add3A_760 = arith.constant 6400 : i32
    %add3A_761 = vector.broadcast %add3A_760 : i32 to vector<16xi32>
    %add3A_762 = arith.addi %add3A_759, %add3A_761 : vector<16xi32>
    %scan3A_763 = arith.constant 0 : i32
    %scan3A_764 = arith.constant 100 : i32
    %scan3A_765 = arith.addi %scan3A_763, %scan3A_764 : i32
    %scan3A_766 = arith.constant 5 : i32
    %scan3A_767 = scf.for %scan3A_989 = %scan3A_763 to %scan3A_765 step %scan3A_766 iter_args(%scan3A_990 = %get3A_141) -> (vector<16xf32>)  : i32 {
      %add3A_991 = vector.broadcast %scan3A_989 : i32 to vector<16xi32>
      %add3A_992 = arith.addi %add3A_762, %add3A_991 : vector<16xi32>
      %gather3A = tpu.vector_load_idx %arg10[%add3A_992] : memref<12800xf32, #tpu.memory_space<vmem>>[vector<16xi32>], vector<16xf32>,
      %gather3A_993 = tpu.vector_load_idx %arg9[%add3A_992] : memref<12800xf32, #tpu.memory_space<vmem>>[vector<16xi32>], vector<16xf32>,
      %mul3A_994 = arith.mulf %gather3A, %gather3A_993 : vector<16xf32>
      %add3A_995 = arith.addf %scan3A_990, %mul3A_994 : vector<16xf32>
      %scan3A_996 = arith.constant 1 : i32
      %scan3A_997 = arith.addi %scan3A_989, %scan3A_996 : i32
      %add3A_998 = vector.broadcast %scan3A_997 : i32 to vector<16xi32>
      %add3A_999 = arith.addi %add3A_762, %add3A_998 : vector<16xi32>
      %gather3A_1000 = tpu.vector_load_idx %arg10[%add3A_999] : memref<12800xf32, #tpu.memory_space<vmem>>[vector<16xi32>], vector<16xf32>,
      %gather3A_1001 = tpu.vector_load_idx %arg9[%add3A_999] : memref<12800xf32, #tpu.memory_space<vmem>>[vector<16xi32>], vector<16xf32>,
      %mul3A_1002 = arith.mulf %gather3A_1000, %gather3A_1001 : vector<16xf32>
      %add3A_1003 = arith.addf %add3A_995, %mul3A_1002 : vector<16xf32>
      %scan3A_1004 = arith.constant 2 : i32
      %scan3A_1005 = arith.addi %scan3A_989, %scan3A_1004 : i32
      %add3A_1006 = vector.broadcast %scan3A_1005 : i32 to vector<16xi32>
      %add3A_1007 = arith.addi %add3A_762, %add3A_1006 : vector<16xi32>
      %gather3A_1008 = tpu.vector_load_idx %arg10[%add3A_1007] : memref<12800xf32, #tpu.memory_space<vmem>>[vector<16xi32>], vector<16xf32>,
      %gather3A_1009 = tpu.vector_load_idx %arg9[%add3A_1007] : memref<12800xf32, #tpu.memory_space<vmem>>[vector<16xi32>], vector<16xf32>,
      %mul3A_1010 = arith.mulf %gather3A_1008, %gather3A_1009 : vector<16xf32>
      %add3A_1011 = arith.addf %add3A_1003, %mul3A_1010 : vector<16xf32>
      %scan3A_1012 = arith.constant 3 : i32
      %scan3A_1013 = arith.addi %scan3A_989, %scan3A_1012 : i32
      %add3A_1014 = vector.broadcast %scan3A_1013 : i32 to vector<16xi32>
      %add3A_1015 = arith.addi %add3A_762, %add3A_1014 : vector<16xi32>
      %gather3A_1016 = tpu.vector_load_idx %arg10[%add3A_1015] : memref<12800xf32, #tpu.memory_space<vmem>>[vector<16xi32>], vector<16xf32>,
      %gather3A_1017 = tpu.vector_load_idx %arg9[%add3A_1015] : memref<12800xf32, #tpu.memory_space<vmem>>[vector<16xi32>], vector<16xf32>,
      %mul3A_1018 = arith.mulf %gather3A_1016, %gather3A_1017 : vector<16xf32>
      %add3A_1019 = arith.addf %add3A_1011, %mul3A_1018 : vector<16xf32>
      %scan3A_1020 = arith.constant 4 : i32
      %scan3A_1021 = arith.addi %scan3A_989, %scan3A_1020 : i32
      %add3A_1022 = vector.broadcast %scan3A_1021 : i32 to vector<16xi32>
      %add3A_1023 = arith.addi %add3A_762, %add3A_1022 : vector<16xi32>
      %gather3A_1024 = tpu.vector_load_idx %arg10[%add3A_1023] : memref<12800xf32, #tpu.memory_space<vmem>>[vector<16xi32>], vector<16xf32>,
      %gather3A_1025 = tpu.vector_load_idx %arg9[%add3A_1023] : memref<12800xf32, #tpu.memory_space<vmem>>[vector<16xi32>], vector<16xf32>,
      %mul3A_1026 = arith.mulf %gather3A_1024, %gather3A_1025 : vector<16xf32>
      %add3A_1027 = arith.addf %add3A_1019, %mul3A_1026 : vector<16xf32>
      scf.yield %add3A_1027 : vector<16xf32>
    }
    %scan3A_768 = arith.constant 100 : i32
    %swap3A_769 = arith.constant 336 : index
    %swap3A_770 = tpu.vector_load %arg13[%swap3A_769] {strides = array<i32>} : memref<512xf32, #tpu.memory_space<vmem>>, vector<16xf32>,
    tpu.vector_store %arg13[%swap3A_769], %scan3A_767 {strides = array<i32>} : memref<512xf32, #tpu.memory_space<vmem>>, vector<16xf32>,
    %mul3A_771 = arith.constant 100 : i32
    %mul3A_772 = vector.broadcast %mul3A_771 : i32 to vector<16xi32>
    %mul3A_773 = arith.muli %iota3A, %mul3A_772 : vector<16xi32>
    %add3A_774 = arith.constant 3200 : i32
    %add3A_775 = vector.broadcast %add3A_774 : i32 to vector<16xi32>
    %add3A_776 = arith.addi %mul3A_773, %add3A_775 : vector<16xi32>
    %add3A_777 = arith.constant 6400 : i32
    %add3A_778 = vector.broadcast %add3A_777 : i32 to vector<16xi32>
    %add3A_779 = arith.addi %add3A_776, %add3A_778 : vector<16xi32>
    %scan3A_780 = arith.constant 0 : i32
    %scan3A_781 = arith.constant 100 : i32
    %scan3A_782 = arith.addi %scan3A_780, %scan3A_781 : i32
    %scan3A_783 = arith.constant 5 : i32
    %scan3A_784 = scf.for %scan3A_989 = %scan3A_780 to %scan3A_782 step %scan3A_783 iter_args(%scan3A_990 = %get3A_141) -> (vector<16xf32>)  : i32 {
      %add3A_991 = vector.broadcast %scan3A_989 : i32 to vector<16xi32>
      %add3A_992 = arith.addi %add3A_779, %add3A_991 : vector<16xi32>
      %gather3A = tpu.vector_load_idx %arg10[%add3A_992] : memref<12800xf32, #tpu.memory_space<vmem>>[vector<16xi32>], vector<16xf32>,
      %gather3A_993 = tpu.vector_load_idx %arg9[%add3A_992] : memref<12800xf32, #tpu.memory_space<vmem>>[vector<16xi32>], vector<16xf32>,
      %mul3A_994 = arith.mulf %gather3A, %gather3A_993 : vector<16xf32>
      %add3A_995 = arith.addf %scan3A_990, %mul3A_994 : vector<16xf32>
      %scan3A_996 = arith.constant 1 : i32
      %scan3A_997 = arith.addi %scan3A_989, %scan3A_996 : i32
      %add3A_998 = vector.broadcast %scan3A_997 : i32 to vector<16xi32>
      %add3A_999 = arith.addi %add3A_779, %add3A_998 : vector<16xi32>
      %gather3A_1000 = tpu.vector_load_idx %arg10[%add3A_999] : memref<12800xf32, #tpu.memory_space<vmem>>[vector<16xi32>], vector<16xf32>,
      %gather3A_1001 = tpu.vector_load_idx %arg9[%add3A_999] : memref<12800xf32, #tpu.memory_space<vmem>>[vector<16xi32>], vector<16xf32>,
      %mul3A_1002 = arith.mulf %gather3A_1000, %gather3A_1001 : vector<16xf32>
      %add3A_1003 = arith.addf %add3A_995, %mul3A_1002 : vector<16xf32>
      %scan3A_1004 = arith.constant 2 : i32
      %scan3A_1005 = arith.addi %scan3A_989, %scan3A_1004 : i32
      %add3A_1006 = vector.broadcast %scan3A_1005 : i32 to vector<16xi32>
      %add3A_1007 = arith.addi %add3A_779, %add3A_1006 : vector<16xi32>
      %gather3A_1008 = tpu.vector_load_idx %arg10[%add3A_1007] : memref<12800xf32, #tpu.memory_space<vmem>>[vector<16xi32>], vector<16xf32>,
      %gather3A_1009 = tpu.vector_load_idx %arg9[%add3A_1007] : memref<12800xf32, #tpu.memory_space<vmem>>[vector<16xi32>], vector<16xf32>,
      %mul3A_1010 = arith.mulf %gather3A_1008, %gather3A_1009 : vector<16xf32>
      %add3A_1011 = arith.addf %add3A_1003, %mul3A_1010 : vector<16xf32>
      %scan3A_1012 = arith.constant 3 : i32
      %scan3A_1013 = arith.addi %scan3A_989, %scan3A_1012 : i32
      %add3A_1014 = vector.broadcast %scan3A_1013 : i32 to vector<16xi32>
      %add3A_1015 = arith.addi %add3A_779, %add3A_1014 : vector<16xi32>
      %gather3A_1016 = tpu.vector_load_idx %arg10[%add3A_1015] : memref<12800xf32, #tpu.memory_space<vmem>>[vector<16xi32>], vector<16xf32>,
      %gather3A_1017 = tpu.vector_load_idx %arg9[%add3A_1015] : memref<12800xf32, #tpu.memory_space<vmem>>[vector<16xi32>], vector<16xf32>,
      %mul3A_1018 = arith.mulf %gather3A_1016, %gather3A_1017 : vector<16xf32>
      %add3A_1019 = arith.addf %add3A_1011, %mul3A_1018 : vector<16xf32>
      %scan3A_1020 = arith.constant 4 : i32
      %scan3A_1021 = arith.addi %scan3A_989, %scan3A_1020 : i32
      %add3A_1022 = vector.broadcast %scan3A_1021 : i32 to vector<16xi32>
      %add3A_1023 = arith.addi %add3A_779, %add3A_1022 : vector<16xi32>
      %gather3A_1024 = tpu.vector_load_idx %arg10[%add3A_1023] : memref<12800xf32, #tpu.memory_space<vmem>>[vector<16xi32>], vector<16xf32>,
      %gather3A_1025 = tpu.vector_load_idx %arg9[%add3A_1023] : memref<12800xf32, #tpu.memory_space<vmem>>[vector<16xi32>], vector<16xf32>,
      %mul3A_1026 = arith.mulf %gather3A_1024, %gather3A_1025 : vector<16xf32>
      %add3A_1027 = arith.addf %add3A_1019, %mul3A_1026 : vector<16xf32>
      scf.yield %add3A_1027 : vector<16xf32>
    }
    %scan3A_785 = arith.constant 100 : i32
    %swap3A_786 = arith.constant 352 : index
    %swap3A_787 = tpu.vector_load %arg13[%swap3A_786] {strides = array<i32>} : memref<512xf32, #tpu.memory_space<vmem>>, vector<16xf32>,
    tpu.vector_store %arg13[%swap3A_786], %scan3A_784 {strides = array<i32>} : memref<512xf32, #tpu.memory_space<vmem>>, vector<16xf32>,
    %mul3A_788 = arith.constant 100 : i32
    %mul3A_789 = vector.broadcast %mul3A_788 : i32 to vector<16xi32>
    %mul3A_790 = arith.muli %iota3A, %mul3A_789 : vector<16xi32>
    %add3A_791 = arith.constant 4800 : i32
    %add3A_792 = vector.broadcast %add3A_791 : i32 to vector<16xi32>
    %add3A_793 = arith.addi %mul3A_790, %add3A_792 : vector<16xi32>
    %add3A_794 = arith.constant 6400 : i32
    %add3A_795 = vector.broadcast %add3A_794 : i32 to vector<16xi32>
    %add3A_796 = arith.addi %add3A_793, %add3A_795 : vector<16xi32>
    %scan3A_797 = arith.constant 0 : i32
    %scan3A_798 = arith.constant 100 : i32
    %scan3A_799 = arith.addi %scan3A_797, %scan3A_798 : i32
    %scan3A_800 = arith.constant 5 : i32
    %scan3A_801 = scf.for %scan3A_989 = %scan3A_797 to %scan3A_799 step %scan3A_800 iter_args(%scan3A_990 = %get3A_141) -> (vector<16xf32>)  : i32 {
      %add3A_991 = vector.broadcast %scan3A_989 : i32 to vector<16xi32>
      %add3A_992 = arith.addi %add3A_796, %add3A_991 : vector<16xi32>
      %gather3A = tpu.vector_load_idx %arg10[%add3A_992] : memref<12800xf32, #tpu.memory_space<vmem>>[vector<16xi32>], vector<16xf32>,
      %gather3A_993 = tpu.vector_load_idx %arg9[%add3A_992] : memref<12800xf32, #tpu.memory_space<vmem>>[vector<16xi32>], vector<16xf32>,
      %mul3A_994 = arith.mulf %gather3A, %gather3A_993 : vector<16xf32>
      %add3A_995 = arith.addf %scan3A_990, %mul3A_994 : vector<16xf32>
      %scan3A_996 = arith.constant 1 : i32
      %scan3A_997 = arith.addi %scan3A_989, %scan3A_996 : i32
      %add3A_998 = vector.broadcast %scan3A_997 : i32 to vector<16xi32>
      %add3A_999 = arith.addi %add3A_796, %add3A_998 : vector<16xi32>
      %gather3A_1000 = tpu.vector_load_idx %arg10[%add3A_999] : memref<12800xf32, #tpu.memory_space<vmem>>[vector<16xi32>], vector<16xf32>,
      %gather3A_1001 = tpu.vector_load_idx %arg9[%add3A_999] : memref<12800xf32, #tpu.memory_space<vmem>>[vector<16xi32>], vector<16xf32>,
      %mul3A_1002 = arith.mulf %gather3A_1000, %gather3A_1001 : vector<16xf32>
      %add3A_1003 = arith.addf %add3A_995, %mul3A_1002 : vector<16xf32>
      %scan3A_1004 = arith.constant 2 : i32
      %scan3A_1005 = arith.addi %scan3A_989, %scan3A_1004 : i32
      %add3A_1006 = vector.broadcast %scan3A_1005 : i32 to vector<16xi32>
      %add3A_1007 = arith.addi %add3A_796, %add3A_1006 : vector<16xi32>
      %gather3A_1008 = tpu.vector_load_idx %arg10[%add3A_1007] : memref<12800xf32, #tpu.memory_space<vmem>>[vector<16xi32>], vector<16xf32>,
      %gather3A_1009 = tpu.vector_load_idx %arg9[%add3A_1007] : memref<12800xf32, #tpu.memory_space<vmem>>[vector<16xi32>], vector<16xf32>,
      %mul3A_1010 = arith.mulf %gather3A_1008, %gather3A_1009 : vector<16xf32>
      %add3A_1011 = arith.addf %add3A_1003, %mul3A_1010 : vector<16xf32>
      %scan3A_1012 = arith.constant 3 : i32
      %scan3A_1013 = arith.addi %scan3A_989, %scan3A_1012 : i32
      %add3A_1014 = vector.broadcast %scan3A_1013 : i32 to vector<16xi32>
      %add3A_1015 = arith.addi %add3A_796, %add3A_1014 : vector<16xi32>
      %gather3A_1016 = tpu.vector_load_idx %arg10[%add3A_1015] : memref<12800xf32, #tpu.memory_space<vmem>>[vector<16xi32>], vector<16xf32>,
      %gather3A_1017 = tpu.vector_load_idx %arg9[%add3A_1015] : memref<12800xf32, #tpu.memory_space<vmem>>[vector<16xi32>], vector<16xf32>,
      %mul3A_1018 = arith.mulf %gather3A_1016, %gather3A_1017 : vector<16xf32>
      %add3A_1019 = arith.addf %add3A_1011, %mul3A_1018 : vector<16xf32>
      %scan3A_1020 = arith.constant 4 : i32
      %scan3A_1021 = arith.addi %scan3A_989, %scan3A_1020 : i32
      %add3A_1022 = vector.broadcast %scan3A_1021 : i32 to vector<16xi32>
      %add3A_1023 = arith.addi %add3A_796, %add3A_1022 : vector<16xi32>
      %gather3A_1024 = tpu.vector_load_idx %arg10[%add3A_1023] : memref<12800xf32, #tpu.memory_space<vmem>>[vector<16xi32>], vector<16xf32>,
      %gather3A_1025 = tpu.vector_load_idx %arg9[%add3A_1023] : memref<12800xf32, #tpu.memory_space<vmem>>[vector<16xi32>], vector<16xf32>,
      %mul3A_1026 = arith.mulf %gather3A_1024, %gather3A_1025 : vector<16xf32>
      %add3A_1027 = arith.addf %add3A_1019, %mul3A_1026 : vector<16xf32>
      scf.yield %add3A_1027 : vector<16xf32>
    }
    %scan3A_802 = arith.constant 100 : i32
    %swap3A_803 = arith.constant 368 : index
    %swap3A_804 = tpu.vector_load %arg13[%swap3A_803] {strides = array<i32>} : memref<512xf32, #tpu.memory_space<vmem>>, vector<16xf32>,
    tpu.vector_store %arg13[%swap3A_803], %scan3A_801 {strides = array<i32>} : memref<512xf32, #tpu.memory_space<vmem>>, vector<16xf32>,
    %mul3A_805 = arith.constant 51200 : i32
    %mul3A_806 = arith.muli %add3A, %mul3A_805 : i32
    %add3A_807 = arith.constant 44800 : i32
    %add3A_808 = arith.addi %mul3A_806, %add3A_807 : i32
    %dma_start3A_809 = arith.constant 6400 : i32
    %dma_start3A_810 = tpu.memref_slice %arg8[%dma_start3A_809] : memref<12800xi32, #tpu.memory_space<vmem>> -> memref<6400xi32, #tpu.memory_space<vmem>>
    %dma_start3A_811 = tpu.memref_slice %arg3[%add3A_808] : memref<1638400xi32, #tpu.memory_space<hbm>> -> memref<6400xi32, #tpu.memory_space<hbm>>
    %dma_start3A_812 = arith.constant 6400 : i32
    %dma_start3A_813 = tpu.memref_slice %arg8[%dma_start3A_812] : memref<12800xi32, #tpu.memory_space<vmem>> -> memref<6400xi32, #tpu.memory_space<vmem>>
    %dma_start3A_814 = tpu.memref_slice %arg3[%add3A_808] : memref<1638400xi32, #tpu.memory_space<hbm>> -> memref<6400xi32, #tpu.memory_space<hbm>>
    tpu.enqueue_dma source(%dma_start3A_814 : memref<6400xi32, #tpu.memory_space<hbm>>) target(%dma_start3A_813 : memref<6400xi32, #tpu.memory_space<vmem>>) target_semaphore(%arg18 : memref<!tpu.dma_semaphore, #tpu.memory_space<semaphore_mem>>)
    %dma_wait3A_815 = arith.constant 6400 : i32
    %dma_wait3A_816 = tpu.memref_slice %arg8[%dma_wait3A_815] : memref<12800xi32, #tpu.memory_space<vmem>> -> memref<6400xi32, #tpu.memory_space<vmem>>
    %dma_wait3A_817 = tpu.memref_slice %arg3[%add3A_808] : memref<1638400xi32, #tpu.memory_space<hbm>> -> memref<6400xi32, #tpu.memory_space<hbm>>
    %dma_wait3A_818 = arith.constant 6400 : i32
    %dma_wait3A_819 = tpu.memref_slice %arg8[%dma_wait3A_818] : memref<12800xi32, #tpu.memory_space<vmem>> -> memref<6400xi32, #tpu.memory_space<vmem>>
    %dma_wait3A_820 = tpu.memref_slice %arg3[%add3A_808] : memref<1638400xi32, #tpu.memory_space<hbm>> -> memref<6400xi32, #tpu.memory_space<hbm>>
    tpu.wait_dma2 semaphore(%arg18 : memref<!tpu.dma_semaphore, #tpu.memory_space<semaphore_mem>>) src(%dma_wait3A_820 : memref<6400xi32, #tpu.memory_space<hbm>>) dst(%dma_wait3A_819 : memref<6400xi32, #tpu.memory_space<vmem>>)
    %dma_start3A_821 = arith.constant 6400 : i32
    %dma_start3A_822 = tpu.memref_slice %arg9[%dma_start3A_821] : memref<12800xf32, #tpu.memory_space<vmem>> -> memref<6400xf32, #tpu.memory_space<vmem>>
    %dma_start3A_823 = tpu.memref_slice %arg4[%add3A_808] : memref<1638400xf32, #tpu.memory_space<hbm>> -> memref<6400xf32, #tpu.memory_space<hbm>>
    %dma_start3A_824 = arith.constant 6400 : i32
    %dma_start3A_825 = tpu.memref_slice %arg9[%dma_start3A_824] : memref<12800xf32, #tpu.memory_space<vmem>> -> memref<6400xf32, #tpu.memory_space<vmem>>
    %dma_start3A_826 = tpu.memref_slice %arg4[%add3A_808] : memref<1638400xf32, #tpu.memory_space<hbm>> -> memref<6400xf32, #tpu.memory_space<hbm>>
    tpu.enqueue_dma source(%dma_start3A_826 : memref<6400xf32, #tpu.memory_space<hbm>>) target(%dma_start3A_825 : memref<6400xf32, #tpu.memory_space<vmem>>) target_semaphore(%arg18 : memref<!tpu.dma_semaphore, #tpu.memory_space<semaphore_mem>>)
    %dma_wait3A_827 = arith.constant 6400 : i32
    %dma_wait3A_828 = tpu.memref_slice %arg9[%dma_wait3A_827] : memref<12800xf32, #tpu.memory_space<vmem>> -> memref<6400xf32, #tpu.memory_space<vmem>>
    %dma_wait3A_829 = tpu.memref_slice %arg4[%add3A_808] : memref<1638400xf32, #tpu.memory_space<hbm>> -> memref<6400xf32, #tpu.memory_space<hbm>>
    %dma_wait3A_830 = arith.constant 6400 : i32
    %dma_wait3A_831 = tpu.memref_slice %arg9[%dma_wait3A_830] : memref<12800xf32, #tpu.memory_space<vmem>> -> memref<6400xf32, #tpu.memory_space<vmem>>
    %dma_wait3A_832 = tpu.memref_slice %arg4[%add3A_808] : memref<1638400xf32, #tpu.memory_space<hbm>> -> memref<6400xf32, #tpu.memory_space<hbm>>
    tpu.wait_dma2 semaphore(%arg18 : memref<!tpu.dma_semaphore, #tpu.memory_space<semaphore_mem>>) src(%dma_wait3A_832 : memref<6400xf32, #tpu.memory_space<hbm>>) dst(%dma_wait3A_831 : memref<6400xf32, #tpu.memory_space<vmem>>)
    %dma_start3A_833 = arith.constant 6400 : i32
    %dma_start3A_834 = tpu.memref_slice %arg10[%dma_start3A_833] : memref<12800xf32, #tpu.memory_space<vmem>> -> memref<6400xf32, #tpu.memory_space<vmem>>
    %dma_start3A_835 = arith.constant 6400 : i32
    %dma_start3A_836 = tpu.memref_slice %arg8[%dma_start3A_835] : memref<12800xi32, #tpu.memory_space<vmem>> -> memref<6400xi32, #tpu.memory_space<vmem>>
    %dma_start3A_837 = arith.constant 0 : i32
    %dma_start3A_838 = tpu.memref_slice %arg7[%dma_start3A_837] : memref<1000000xf32, #tpu.memory_space<vmem_shared>> -> memref<1000000xf32, #tpu.memory_space<vmem_shared>>
    tpu.enqueue_indirect_dma source(%dma_start3A_838 : memref<1000000xf32, #tpu.memory_space<vmem_shared>>) target(%dma_start3A_834 : memref<6400xf32, #tpu.memory_space<vmem>>) offsets(%dma_start3A_836 : memref<6400xi32, #tpu.memory_space<vmem>>) semaphore(%arg15 : memref<!tpu.dma_semaphore, #tpu.memory_space<semaphore_mem>>)
    %dma_wait3A_839 = arith.constant 0 : i32
    %dma_wait3A_840 = tpu.memref_slice %arg10[%dma_wait3A_839] : memref<12800xf32, #tpu.memory_space<vmem>> -> memref<6400xf32, #tpu.memory_space<vmem>>
    %dma_wait3A_841 = arith.constant 0 : i32
    %dma_wait3A_842 = tpu.memref_slice %arg8[%dma_wait3A_841] : memref<12800xi32, #tpu.memory_space<vmem>> -> memref<6400xi32, #tpu.memory_space<vmem>>
    %dma_wait3A_843 = arith.constant 0 : i32
    %dma_wait3A_844 = tpu.memref_slice %arg7[%dma_wait3A_843] : memref<1000000xf32, #tpu.memory_space<vmem_shared>> -> memref<1000000xf32, #tpu.memory_space<vmem_shared>>
    tpu.wait_indirect_dma semaphore(%arg14 : memref<!tpu.dma_semaphore, #tpu.memory_space<semaphore_mem>>) src(%dma_wait3A_844 : memref<1000000xf32, #tpu.memory_space<vmem_shared>>) dst(%dma_wait3A_840 : memref<6400xf32, #tpu.memory_space<vmem>>)
    %mul3A_845 = arith.constant 100 : i32
    %mul3A_846 = vector.broadcast %mul3A_845 : i32 to vector<16xi32>
    %mul3A_847 = arith.muli %iota3A, %mul3A_846 : vector<16xi32>
    %add3A_848 = arith.constant 0 : i32
    %add3A_849 = vector.broadcast %add3A_848 : i32 to vector<16xi32>
    %add3A_850 = arith.addi %mul3A_847, %add3A_849 : vector<16xi32>
    %add3A_851 = arith.constant 0 : i32
    %add3A_852 = vector.broadcast %add3A_851 : i32 to vector<16xi32>
    %add3A_853 = arith.addi %add3A_850, %add3A_852 : vector<16xi32>
    %scan3A_854 = arith.constant 0 : i32
    %scan3A_855 = arith.constant 100 : i32
    %scan3A_856 = arith.addi %scan3A_854, %scan3A_855 : i32
    %scan3A_857 = arith.constant 5 : i32
    %scan3A_858 = scf.for %scan3A_989 = %scan3A_854 to %scan3A_856 step %scan3A_857 iter_args(%scan3A_990 = %get3A_141) -> (vector<16xf32>)  : i32 {
      %add3A_991 = vector.broadcast %scan3A_989 : i32 to vector<16xi32>
      %add3A_992 = arith.addi %add3A_853, %add3A_991 : vector<16xi32>
      %gather3A = tpu.vector_load_idx %arg10[%add3A_992] : memref<12800xf32, #tpu.memory_space<vmem>>[vector<16xi32>], vector<16xf32>,
      %gather3A_993 = tpu.vector_load_idx %arg9[%add3A_992] : memref<12800xf32, #tpu.memory_space<vmem>>[vector<16xi32>], vector<16xf32>,
      %mul3A_994 = arith.mulf %gather3A, %gather3A_993 : vector<16xf32>
      %add3A_995 = arith.addf %scan3A_990, %mul3A_994 : vector<16xf32>
      %scan3A_996 = arith.constant 1 : i32
      %scan3A_997 = arith.addi %scan3A_989, %scan3A_996 : i32
      %add3A_998 = vector.broadcast %scan3A_997 : i32 to vector<16xi32>
      %add3A_999 = arith.addi %add3A_853, %add3A_998 : vector<16xi32>
      %gather3A_1000 = tpu.vector_load_idx %arg10[%add3A_999] : memref<12800xf32, #tpu.memory_space<vmem>>[vector<16xi32>], vector<16xf32>,
      %gather3A_1001 = tpu.vector_load_idx %arg9[%add3A_999] : memref<12800xf32, #tpu.memory_space<vmem>>[vector<16xi32>], vector<16xf32>,
      %mul3A_1002 = arith.mulf %gather3A_1000, %gather3A_1001 : vector<16xf32>
      %add3A_1003 = arith.addf %add3A_995, %mul3A_1002 : vector<16xf32>
      %scan3A_1004 = arith.constant 2 : i32
      %scan3A_1005 = arith.addi %scan3A_989, %scan3A_1004 : i32
      %add3A_1006 = vector.broadcast %scan3A_1005 : i32 to vector<16xi32>
      %add3A_1007 = arith.addi %add3A_853, %add3A_1006 : vector<16xi32>
      %gather3A_1008 = tpu.vector_load_idx %arg10[%add3A_1007] : memref<12800xf32, #tpu.memory_space<vmem>>[vector<16xi32>], vector<16xf32>,
      %gather3A_1009 = tpu.vector_load_idx %arg9[%add3A_1007] : memref<12800xf32, #tpu.memory_space<vmem>>[vector<16xi32>], vector<16xf32>,
      %mul3A_1010 = arith.mulf %gather3A_1008, %gather3A_1009 : vector<16xf32>
      %add3A_1011 = arith.addf %add3A_1003, %mul3A_1010 : vector<16xf32>
      %scan3A_1012 = arith.constant 3 : i32
      %scan3A_1013 = arith.addi %scan3A_989, %scan3A_1012 : i32
      %add3A_1014 = vector.broadcast %scan3A_1013 : i32 to vector<16xi32>
      %add3A_1015 = arith.addi %add3A_853, %add3A_1014 : vector<16xi32>
      %gather3A_1016 = tpu.vector_load_idx %arg10[%add3A_1015] : memref<12800xf32, #tpu.memory_space<vmem>>[vector<16xi32>], vector<16xf32>,
      %gather3A_1017 = tpu.vector_load_idx %arg9[%add3A_1015] : memref<12800xf32, #tpu.memory_space<vmem>>[vector<16xi32>], vector<16xf32>,
      %mul3A_1018 = arith.mulf %gather3A_1016, %gather3A_1017 : vector<16xf32>
      %add3A_1019 = arith.addf %add3A_1011, %mul3A_1018 : vector<16xf32>
      %scan3A_1020 = arith.constant 4 : i32
      %scan3A_1021 = arith.addi %scan3A_989, %scan3A_1020 : i32
      %add3A_1022 = vector.broadcast %scan3A_1021 : i32 to vector<16xi32>
      %add3A_1023 = arith.addi %add3A_853, %add3A_1022 : vector<16xi32>
      %gather3A_1024 = tpu.vector_load_idx %arg10[%add3A_1023] : memref<12800xf32, #tpu.memory_space<vmem>>[vector<16xi32>], vector<16xf32>,
      %gather3A_1025 = tpu.vector_load_idx %arg9[%add3A_1023] : memref<12800xf32, #tpu.memory_space<vmem>>[vector<16xi32>], vector<16xf32>,
      %mul3A_1026 = arith.mulf %gather3A_1024, %gather3A_1025 : vector<16xf32>
      %add3A_1027 = arith.addf %add3A_1019, %mul3A_1026 : vector<16xf32>
      scf.yield %add3A_1027 : vector<16xf32>
    }
    %scan3A_859 = arith.constant 100 : i32
    %swap3A_860 = arith.constant 384 : index
    %swap3A_861 = tpu.vector_load %arg13[%swap3A_860] {strides = array<i32>} : memref<512xf32, #tpu.memory_space<vmem>>, vector<16xf32>,
    tpu.vector_store %arg13[%swap3A_860], %scan3A_858 {strides = array<i32>} : memref<512xf32, #tpu.memory_space<vmem>>, vector<16xf32>,
    %mul3A_862 = arith.constant 100 : i32
    %mul3A_863 = vector.broadcast %mul3A_862 : i32 to vector<16xi32>
    %mul3A_864 = arith.muli %iota3A, %mul3A_863 : vector<16xi32>
    %add3A_865 = arith.constant 1600 : i32
    %add3A_866 = vector.broadcast %add3A_865 : i32 to vector<16xi32>
    %add3A_867 = arith.addi %mul3A_864, %add3A_866 : vector<16xi32>
    %add3A_868 = arith.constant 0 : i32
    %add3A_869 = vector.broadcast %add3A_868 : i32 to vector<16xi32>
    %add3A_870 = arith.addi %add3A_867, %add3A_869 : vector<16xi32>
    %scan3A_871 = arith.constant 0 : i32
    %scan3A_872 = arith.constant 100 : i32
    %scan3A_873 = arith.addi %scan3A_871, %scan3A_872 : i32
    %scan3A_874 = arith.constant 5 : i32
    %scan3A_875 = scf.for %scan3A_989 = %scan3A_871 to %scan3A_873 step %scan3A_874 iter_args(%scan3A_990 = %get3A_141) -> (vector<16xf32>)  : i32 {
      %add3A_991 = vector.broadcast %scan3A_989 : i32 to vector<16xi32>
      %add3A_992 = arith.addi %add3A_870, %add3A_991 : vector<16xi32>
      %gather3A = tpu.vector_load_idx %arg10[%add3A_992] : memref<12800xf32, #tpu.memory_space<vmem>>[vector<16xi32>], vector<16xf32>,
      %gather3A_993 = tpu.vector_load_idx %arg9[%add3A_992] : memref<12800xf32, #tpu.memory_space<vmem>>[vector<16xi32>], vector<16xf32>,
      %mul3A_994 = arith.mulf %gather3A, %gather3A_993 : vector<16xf32>
      %add3A_995 = arith.addf %scan3A_990, %mul3A_994 : vector<16xf32>
      %scan3A_996 = arith.constant 1 : i32
      %scan3A_997 = arith.addi %scan3A_989, %scan3A_996 : i32
      %add3A_998 = vector.broadcast %scan3A_997 : i32 to vector<16xi32>
      %add3A_999 = arith.addi %add3A_870, %add3A_998 : vector<16xi32>
      %gather3A_1000 = tpu.vector_load_idx %arg10[%add3A_999] : memref<12800xf32, #tpu.memory_space<vmem>>[vector<16xi32>], vector<16xf32>,
      %gather3A_1001 = tpu.vector_load_idx %arg9[%add3A_999] : memref<12800xf32, #tpu.memory_space<vmem>>[vector<16xi32>], vector<16xf32>,
      %mul3A_1002 = arith.mulf %gather3A_1000, %gather3A_1001 : vector<16xf32>
      %add3A_1003 = arith.addf %add3A_995, %mul3A_1002 : vector<16xf32>
      %scan3A_1004 = arith.constant 2 : i32
      %scan3A_1005 = arith.addi %scan3A_989, %scan3A_1004 : i32
      %add3A_1006 = vector.broadcast %scan3A_1005 : i32 to vector<16xi32>
      %add3A_1007 = arith.addi %add3A_870, %add3A_1006 : vector<16xi32>
      %gather3A_1008 = tpu.vector_load_idx %arg10[%add3A_1007] : memref<12800xf32, #tpu.memory_space<vmem>>[vector<16xi32>], vector<16xf32>,
      %gather3A_1009 = tpu.vector_load_idx %arg9[%add3A_1007] : memref<12800xf32, #tpu.memory_space<vmem>>[vector<16xi32>], vector<16xf32>,
      %mul3A_1010 = arith.mulf %gather3A_1008, %gather3A_1009 : vector<16xf32>
      %add3A_1011 = arith.addf %add3A_1003, %mul3A_1010 : vector<16xf32>
      %scan3A_1012 = arith.constant 3 : i32
      %scan3A_1013 = arith.addi %scan3A_989, %scan3A_1012 : i32
      %add3A_1014 = vector.broadcast %scan3A_1013 : i32 to vector<16xi32>
      %add3A_1015 = arith.addi %add3A_870, %add3A_1014 : vector<16xi32>
      %gather3A_1016 = tpu.vector_load_idx %arg10[%add3A_1015] : memref<12800xf32, #tpu.memory_space<vmem>>[vector<16xi32>], vector<16xf32>,
      %gather3A_1017 = tpu.vector_load_idx %arg9[%add3A_1015] : memref<12800xf32, #tpu.memory_space<vmem>>[vector<16xi32>], vector<16xf32>,
      %mul3A_1018 = arith.mulf %gather3A_1016, %gather3A_1017 : vector<16xf32>
      %add3A_1019 = arith.addf %add3A_1011, %mul3A_1018 : vector<16xf32>
      %scan3A_1020 = arith.constant 4 : i32
      %scan3A_1021 = arith.addi %scan3A_989, %scan3A_1020 : i32
      %add3A_1022 = vector.broadcast %scan3A_1021 : i32 to vector<16xi32>
      %add3A_1023 = arith.addi %add3A_870, %add3A_1022 : vector<16xi32>
      %gather3A_1024 = tpu.vector_load_idx %arg10[%add3A_1023] : memref<12800xf32, #tpu.memory_space<vmem>>[vector<16xi32>], vector<16xf32>,
      %gather3A_1025 = tpu.vector_load_idx %arg9[%add3A_1023] : memref<12800xf32, #tpu.memory_space<vmem>>[vector<16xi32>], vector<16xf32>,
      %mul3A_1026 = arith.mulf %gather3A_1024, %gather3A_1025 : vector<16xf32>
      %add3A_1027 = arith.addf %add3A_1019, %mul3A_1026 : vector<16xf32>
      scf.yield %add3A_1027 : vector<16xf32>
    }
    %scan3A_876 = arith.constant 100 : i32
    %swap3A_877 = arith.constant 400 : index
    %swap3A_878 = tpu.vector_load %arg13[%swap3A_877] {strides = array<i32>} : memref<512xf32, #tpu.memory_space<vmem>>, vector<16xf32>,
    tpu.vector_store %arg13[%swap3A_877], %scan3A_875 {strides = array<i32>} : memref<512xf32, #tpu.memory_space<vmem>>, vector<16xf32>,
    %mul3A_879 = arith.constant 100 : i32
    %mul3A_880 = vector.broadcast %mul3A_879 : i32 to vector<16xi32>
    %mul3A_881 = arith.muli %iota3A, %mul3A_880 : vector<16xi32>
    %add3A_882 = arith.constant 3200 : i32
    %add3A_883 = vector.broadcast %add3A_882 : i32 to vector<16xi32>
    %add3A_884 = arith.addi %mul3A_881, %add3A_883 : vector<16xi32>
    %add3A_885 = arith.constant 0 : i32
    %add3A_886 = vector.broadcast %add3A_885 : i32 to vector<16xi32>
    %add3A_887 = arith.addi %add3A_884, %add3A_886 : vector<16xi32>
    %scan3A_888 = arith.constant 0 : i32
    %scan3A_889 = arith.constant 100 : i32
    %scan3A_890 = arith.addi %scan3A_888, %scan3A_889 : i32
    %scan3A_891 = arith.constant 5 : i32
    %scan3A_892 = scf.for %scan3A_989 = %scan3A_888 to %scan3A_890 step %scan3A_891 iter_args(%scan3A_990 = %get3A_141) -> (vector<16xf32>)  : i32 {
      %add3A_991 = vector.broadcast %scan3A_989 : i32 to vector<16xi32>
      %add3A_992 = arith.addi %add3A_887, %add3A_991 : vector<16xi32>
      %gather3A = tpu.vector_load_idx %arg10[%add3A_992] : memref<12800xf32, #tpu.memory_space<vmem>>[vector<16xi32>], vector<16xf32>,
      %gather3A_993 = tpu.vector_load_idx %arg9[%add3A_992] : memref<12800xf32, #tpu.memory_space<vmem>>[vector<16xi32>], vector<16xf32>,
      %mul3A_994 = arith.mulf %gather3A, %gather3A_993 : vector<16xf32>
      %add3A_995 = arith.addf %scan3A_990, %mul3A_994 : vector<16xf32>
      %scan3A_996 = arith.constant 1 : i32
      %scan3A_997 = arith.addi %scan3A_989, %scan3A_996 : i32
      %add3A_998 = vector.broadcast %scan3A_997 : i32 to vector<16xi32>
      %add3A_999 = arith.addi %add3A_887, %add3A_998 : vector<16xi32>
      %gather3A_1000 = tpu.vector_load_idx %arg10[%add3A_999] : memref<12800xf32, #tpu.memory_space<vmem>>[vector<16xi32>], vector<16xf32>,
      %gather3A_1001 = tpu.vector_load_idx %arg9[%add3A_999] : memref<12800xf32, #tpu.memory_space<vmem>>[vector<16xi32>], vector<16xf32>,
      %mul3A_1002 = arith.mulf %gather3A_1000, %gather3A_1001 : vector<16xf32>
      %add3A_1003 = arith.addf %add3A_995, %mul3A_1002 : vector<16xf32>
      %scan3A_1004 = arith.constant 2 : i32
      %scan3A_1005 = arith.addi %scan3A_989, %scan3A_1004 : i32
      %add3A_1006 = vector.broadcast %scan3A_1005 : i32 to vector<16xi32>
      %add3A_1007 = arith.addi %add3A_887, %add3A_1006 : vector<16xi32>
      %gather3A_1008 = tpu.vector_load_idx %arg10[%add3A_1007] : memref<12800xf32, #tpu.memory_space<vmem>>[vector<16xi32>], vector<16xf32>,
      %gather3A_1009 = tpu.vector_load_idx %arg9[%add3A_1007] : memref<12800xf32, #tpu.memory_space<vmem>>[vector<16xi32>], vector<16xf32>,
      %mul3A_1010 = arith.mulf %gather3A_1008, %gather3A_1009 : vector<16xf32>
      %add3A_1011 = arith.addf %add3A_1003, %mul3A_1010 : vector<16xf32>
      %scan3A_1012 = arith.constant 3 : i32
      %scan3A_1013 = arith.addi %scan3A_989, %scan3A_1012 : i32
      %add3A_1014 = vector.broadcast %scan3A_1013 : i32 to vector<16xi32>
      %add3A_1015 = arith.addi %add3A_887, %add3A_1014 : vector<16xi32>
      %gather3A_1016 = tpu.vector_load_idx %arg10[%add3A_1015] : memref<12800xf32, #tpu.memory_space<vmem>>[vector<16xi32>], vector<16xf32>,
      %gather3A_1017 = tpu.vector_load_idx %arg9[%add3A_1015] : memref<12800xf32, #tpu.memory_space<vmem>>[vector<16xi32>], vector<16xf32>,
      %mul3A_1018 = arith.mulf %gather3A_1016, %gather3A_1017 : vector<16xf32>
      %add3A_1019 = arith.addf %add3A_1011, %mul3A_1018 : vector<16xf32>
      %scan3A_1020 = arith.constant 4 : i32
      %scan3A_1021 = arith.addi %scan3A_989, %scan3A_1020 : i32
      %add3A_1022 = vector.broadcast %scan3A_1021 : i32 to vector<16xi32>
      %add3A_1023 = arith.addi %add3A_887, %add3A_1022 : vector<16xi32>
      %gather3A_1024 = tpu.vector_load_idx %arg10[%add3A_1023] : memref<12800xf32, #tpu.memory_space<vmem>>[vector<16xi32>], vector<16xf32>,
      %gather3A_1025 = tpu.vector_load_idx %arg9[%add3A_1023] : memref<12800xf32, #tpu.memory_space<vmem>>[vector<16xi32>], vector<16xf32>,
      %mul3A_1026 = arith.mulf %gather3A_1024, %gather3A_1025 : vector<16xf32>
      %add3A_1027 = arith.addf %add3A_1019, %mul3A_1026 : vector<16xf32>
      scf.yield %add3A_1027 : vector<16xf32>
    }
    %scan3A_893 = arith.constant 100 : i32
    %swap3A_894 = arith.constant 416 : index
    %swap3A_895 = tpu.vector_load %arg13[%swap3A_894] {strides = array<i32>} : memref<512xf32, #tpu.memory_space<vmem>>, vector<16xf32>,
    tpu.vector_store %arg13[%swap3A_894], %scan3A_892 {strides = array<i32>} : memref<512xf32, #tpu.memory_space<vmem>>, vector<16xf32>,
    %mul3A_896 = arith.constant 100 : i32
    %mul3A_897 = vector.broadcast %mul3A_896 : i32 to vector<16xi32>
    %mul3A_898 = arith.muli %iota3A, %mul3A_897 : vector<16xi32>
    %add3A_899 = arith.constant 4800 : i32
    %add3A_900 = vector.broadcast %add3A_899 : i32 to vector<16xi32>
    %add3A_901 = arith.addi %mul3A_898, %add3A_900 : vector<16xi32>
    %add3A_902 = arith.constant 0 : i32
    %add3A_903 = vector.broadcast %add3A_902 : i32 to vector<16xi32>
    %add3A_904 = arith.addi %add3A_901, %add3A_903 : vector<16xi32>
    %scan3A_905 = arith.constant 0 : i32
    %scan3A_906 = arith.constant 100 : i32
    %scan3A_907 = arith.addi %scan3A_905, %scan3A_906 : i32
    %scan3A_908 = arith.constant 5 : i32
    %scan3A_909 = scf.for %scan3A_989 = %scan3A_905 to %scan3A_907 step %scan3A_908 iter_args(%scan3A_990 = %get3A_141) -> (vector<16xf32>)  : i32 {
      %add3A_991 = vector.broadcast %scan3A_989 : i32 to vector<16xi32>
      %add3A_992 = arith.addi %add3A_904, %add3A_991 : vector<16xi32>
      %gather3A = tpu.vector_load_idx %arg10[%add3A_992] : memref<12800xf32, #tpu.memory_space<vmem>>[vector<16xi32>], vector<16xf32>,
      %gather3A_993 = tpu.vector_load_idx %arg9[%add3A_992] : memref<12800xf32, #tpu.memory_space<vmem>>[vector<16xi32>], vector<16xf32>,
      %mul3A_994 = arith.mulf %gather3A, %gather3A_993 : vector<16xf32>
      %add3A_995 = arith.addf %scan3A_990, %mul3A_994 : vector<16xf32>
      %scan3A_996 = arith.constant 1 : i32
      %scan3A_997 = arith.addi %scan3A_989, %scan3A_996 : i32
      %add3A_998 = vector.broadcast %scan3A_997 : i32 to vector<16xi32>
      %add3A_999 = arith.addi %add3A_904, %add3A_998 : vector<16xi32>
      %gather3A_1000 = tpu.vector_load_idx %arg10[%add3A_999] : memref<12800xf32, #tpu.memory_space<vmem>>[vector<16xi32>], vector<16xf32>,
      %gather3A_1001 = tpu.vector_load_idx %arg9[%add3A_999] : memref<12800xf32, #tpu.memory_space<vmem>>[vector<16xi32>], vector<16xf32>,
      %mul3A_1002 = arith.mulf %gather3A_1000, %gather3A_1001 : vector<16xf32>
      %add3A_1003 = arith.addf %add3A_995, %mul3A_1002 : vector<16xf32>
      %scan3A_1004 = arith.constant 2 : i32
      %scan3A_1005 = arith.addi %scan3A_989, %scan3A_1004 : i32
      %add3A_1006 = vector.broadcast %scan3A_1005 : i32 to vector<16xi32>
      %add3A_1007 = arith.addi %add3A_904, %add3A_1006 : vector<16xi32>
      %gather3A_1008 = tpu.vector_load_idx %arg10[%add3A_1007] : memref<12800xf32, #tpu.memory_space<vmem>>[vector<16xi32>], vector<16xf32>,
      %gather3A_1009 = tpu.vector_load_idx %arg9[%add3A_1007] : memref<12800xf32, #tpu.memory_space<vmem>>[vector<16xi32>], vector<16xf32>,
      %mul3A_1010 = arith.mulf %gather3A_1008, %gather3A_1009 : vector<16xf32>
      %add3A_1011 = arith.addf %add3A_1003, %mul3A_1010 : vector<16xf32>
      %scan3A_1012 = arith.constant 3 : i32
      %scan3A_1013 = arith.addi %scan3A_989, %scan3A_1012 : i32
      %add3A_1014 = vector.broadcast %scan3A_1013 : i32 to vector<16xi32>
      %add3A_1015 = arith.addi %add3A_904, %add3A_1014 : vector<16xi32>
      %gather3A_1016 = tpu.vector_load_idx %arg10[%add3A_1015] : memref<12800xf32, #tpu.memory_space<vmem>>[vector<16xi32>], vector<16xf32>,
      %gather3A_1017 = tpu.vector_load_idx %arg9[%add3A_1015] : memref<12800xf32, #tpu.memory_space<vmem>>[vector<16xi32>], vector<16xf32>,
      %mul3A_1018 = arith.mulf %gather3A_1016, %gather3A_1017 : vector<16xf32>
      %add3A_1019 = arith.addf %add3A_1011, %mul3A_1018 : vector<16xf32>
      %scan3A_1020 = arith.constant 4 : i32
      %scan3A_1021 = arith.addi %scan3A_989, %scan3A_1020 : i32
      %add3A_1022 = vector.broadcast %scan3A_1021 : i32 to vector<16xi32>
      %add3A_1023 = arith.addi %add3A_904, %add3A_1022 : vector<16xi32>
      %gather3A_1024 = tpu.vector_load_idx %arg10[%add3A_1023] : memref<12800xf32, #tpu.memory_space<vmem>>[vector<16xi32>], vector<16xf32>,
      %gather3A_1025 = tpu.vector_load_idx %arg9[%add3A_1023] : memref<12800xf32, #tpu.memory_space<vmem>>[vector<16xi32>], vector<16xf32>,
      %mul3A_1026 = arith.mulf %gather3A_1024, %gather3A_1025 : vector<16xf32>
      %add3A_1027 = arith.addf %add3A_1019, %mul3A_1026 : vector<16xf32>
      scf.yield %add3A_1027 : vector<16xf32>
    }
    %scan3A_910 = arith.constant 100 : i32
    %swap3A_911 = arith.constant 432 : index
    %swap3A_912 = tpu.vector_load %arg13[%swap3A_911] {strides = array<i32>} : memref<512xf32, #tpu.memory_space<vmem>>, vector<16xf32>,
    tpu.vector_store %arg13[%swap3A_911], %scan3A_909 {strides = array<i32>} : memref<512xf32, #tpu.memory_space<vmem>>, vector<16xf32>,
    %dma_wait3A_913 = arith.constant 6400 : i32
    %dma_wait3A_914 = tpu.memref_slice %arg10[%dma_wait3A_913] : memref<12800xf32, #tpu.memory_space<vmem>> -> memref<6400xf32, #tpu.memory_space<vmem>>
    %dma_wait3A_915 = arith.constant 6400 : i32
    %dma_wait3A_916 = tpu.memref_slice %arg8[%dma_wait3A_915] : memref<12800xi32, #tpu.memory_space<vmem>> -> memref<6400xi32, #tpu.memory_space<vmem>>
    %dma_wait3A_917 = arith.constant 0 : i32
    %dma_wait3A_918 = tpu.memref_slice %arg7[%dma_wait3A_917] : memref<1000000xf32, #tpu.memory_space<vmem_shared>> -> memref<1000000xf32, #tpu.memory_space<vmem_shared>>
    tpu.wait_indirect_dma semaphore(%arg15 : memref<!tpu.dma_semaphore, #tpu.memory_space<semaphore_mem>>) src(%dma_wait3A_918 : memref<1000000xf32, #tpu.memory_space<vmem_shared>>) dst(%dma_wait3A_914 : memref<6400xf32, #tpu.memory_space<vmem>>)
    %mul3A_919 = arith.constant 100 : i32
    %mul3A_920 = vector.broadcast %mul3A_919 : i32 to vector<16xi32>
    %mul3A_921 = arith.muli %iota3A, %mul3A_920 : vector<16xi32>
    %add3A_922 = arith.constant 0 : i32
    %add3A_923 = vector.broadcast %add3A_922 : i32 to vector<16xi32>
    %add3A_924 = arith.addi %mul3A_921, %add3A_923 : vector<16xi32>
    %add3A_925 = arith.constant 6400 : i32
    %add3A_926 = vector.broadcast %add3A_925 : i32 to vector<16xi32>
    %add3A_927 = arith.addi %add3A_924, %add3A_926 : vector<16xi32>
    %scan3A_928 = arith.constant 0 : i32
    %scan3A_929 = arith.constant 100 : i32
    %scan3A_930 = arith.addi %scan3A_928, %scan3A_929 : i32
    %scan3A_931 = arith.constant 5 : i32
    %scan3A_932 = scf.for %scan3A_989 = %scan3A_928 to %scan3A_930 step %scan3A_931 iter_args(%scan3A_990 = %get3A_141) -> (vector<16xf32>)  : i32 {
      %add3A_991 = vector.broadcast %scan3A_989 : i32 to vector<16xi32>
      %add3A_992 = arith.addi %add3A_927, %add3A_991 : vector<16xi32>
      %gather3A = tpu.vector_load_idx %arg10[%add3A_992] : memref<12800xf32, #tpu.memory_space<vmem>>[vector<16xi32>], vector<16xf32>,
      %gather3A_993 = tpu.vector_load_idx %arg9[%add3A_992] : memref<12800xf32, #tpu.memory_space<vmem>>[vector<16xi32>], vector<16xf32>,
      %mul3A_994 = arith.mulf %gather3A, %gather3A_993 : vector<16xf32>
      %add3A_995 = arith.addf %scan3A_990, %mul3A_994 : vector<16xf32>
      %scan3A_996 = arith.constant 1 : i32
      %scan3A_997 = arith.addi %scan3A_989, %scan3A_996 : i32
      %add3A_998 = vector.broadcast %scan3A_997 : i32 to vector<16xi32>
      %add3A_999 = arith.addi %add3A_927, %add3A_998 : vector<16xi32>
      %gather3A_1000 = tpu.vector_load_idx %arg10[%add3A_999] : memref<12800xf32, #tpu.memory_space<vmem>>[vector<16xi32>], vector<16xf32>,
      %gather3A_1001 = tpu.vector_load_idx %arg9[%add3A_999] : memref<12800xf32, #tpu.memory_space<vmem>>[vector<16xi32>], vector<16xf32>,
      %mul3A_1002 = arith.mulf %gather3A_1000, %gather3A_1001 : vector<16xf32>
      %add3A_1003 = arith.addf %add3A_995, %mul3A_1002 : vector<16xf32>
      %scan3A_1004 = arith.constant 2 : i32
      %scan3A_1005 = arith.addi %scan3A_989, %scan3A_1004 : i32
      %add3A_1006 = vector.broadcast %scan3A_1005 : i32 to vector<16xi32>
      %add3A_1007 = arith.addi %add3A_927, %add3A_1006 : vector<16xi32>
      %gather3A_1008 = tpu.vector_load_idx %arg10[%add3A_1007] : memref<12800xf32, #tpu.memory_space<vmem>>[vector<16xi32>], vector<16xf32>,
      %gather3A_1009 = tpu.vector_load_idx %arg9[%add3A_1007] : memref<12800xf32, #tpu.memory_space<vmem>>[vector<16xi32>], vector<16xf32>,
      %mul3A_1010 = arith.mulf %gather3A_1008, %gather3A_1009 : vector<16xf32>
      %add3A_1011 = arith.addf %add3A_1003, %mul3A_1010 : vector<16xf32>
      %scan3A_1012 = arith.constant 3 : i32
      %scan3A_1013 = arith.addi %scan3A_989, %scan3A_1012 : i32
      %add3A_1014 = vector.broadcast %scan3A_1013 : i32 to vector<16xi32>
      %add3A_1015 = arith.addi %add3A_927, %add3A_1014 : vector<16xi32>
      %gather3A_1016 = tpu.vector_load_idx %arg10[%add3A_1015] : memref<12800xf32, #tpu.memory_space<vmem>>[vector<16xi32>], vector<16xf32>,
      %gather3A_1017 = tpu.vector_load_idx %arg9[%add3A_1015] : memref<12800xf32, #tpu.memory_space<vmem>>[vector<16xi32>], vector<16xf32>,
      %mul3A_1018 = arith.mulf %gather3A_1016, %gather3A_1017 : vector<16xf32>
      %add3A_1019 = arith.addf %add3A_1011, %mul3A_1018 : vector<16xf32>
      %scan3A_1020 = arith.constant 4 : i32
      %scan3A_1021 = arith.addi %scan3A_989, %scan3A_1020 : i32
      %add3A_1022 = vector.broadcast %scan3A_1021 : i32 to vector<16xi32>
      %add3A_1023 = arith.addi %add3A_927, %add3A_1022 : vector<16xi32>
      %gather3A_1024 = tpu.vector_load_idx %arg10[%add3A_1023] : memref<12800xf32, #tpu.memory_space<vmem>>[vector<16xi32>], vector<16xf32>,
      %gather3A_1025 = tpu.vector_load_idx %arg9[%add3A_1023] : memref<12800xf32, #tpu.memory_space<vmem>>[vector<16xi32>], vector<16xf32>,
      %mul3A_1026 = arith.mulf %gather3A_1024, %gather3A_1025 : vector<16xf32>
      %add3A_1027 = arith.addf %add3A_1019, %mul3A_1026 : vector<16xf32>
      scf.yield %add3A_1027 : vector<16xf32>
    }
    %scan3A_933 = arith.constant 100 : i32
    %swap3A_934 = arith.constant 448 : index
    %swap3A_935 = tpu.vector_load %arg13[%swap3A_934] {strides = array<i32>} : memref<512xf32, #tpu.memory_space<vmem>>, vector<16xf32>,
    tpu.vector_store %arg13[%swap3A_934], %scan3A_932 {strides = array<i32>} : memref<512xf32, #tpu.memory_space<vmem>>, vector<16xf32>,
    %mul3A_936 = arith.constant 100 : i32
    %mul3A_937 = vector.broadcast %mul3A_936 : i32 to vector<16xi32>
    %mul3A_938 = arith.muli %iota3A, %mul3A_937 : vector<16xi32>
    %add3A_939 = arith.constant 1600 : i32
    %add3A_940 = vector.broadcast %add3A_939 : i32 to vector<16xi32>
    %add3A_941 = arith.addi %mul3A_938, %add3A_940 : vector<16xi32>
    %add3A_942 = arith.constant 6400 : i32
    %add3A_943 = vector.broadcast %add3A_942 : i32 to vector<16xi32>
    %add3A_944 = arith.addi %add3A_941, %add3A_943 : vector<16xi32>
    %scan3A_945 = arith.constant 0 : i32
    %scan3A_946 = arith.constant 100 : i32
    %scan3A_947 = arith.addi %scan3A_945, %scan3A_946 : i32
    %scan3A_948 = arith.constant 5 : i32
    %scan3A_949 = scf.for %scan3A_989 = %scan3A_945 to %scan3A_947 step %scan3A_948 iter_args(%scan3A_990 = %get3A_141) -> (vector<16xf32>)  : i32 {
      %add3A_991 = vector.broadcast %scan3A_989 : i32 to vector<16xi32>
      %add3A_992 = arith.addi %add3A_944, %add3A_991 : vector<16xi32>
      %gather3A = tpu.vector_load_idx %arg10[%add3A_992] : memref<12800xf32, #tpu.memory_space<vmem>>[vector<16xi32>], vector<16xf32>,
      %gather3A_993 = tpu.vector_load_idx %arg9[%add3A_992] : memref<12800xf32, #tpu.memory_space<vmem>>[vector<16xi32>], vector<16xf32>,
      %mul3A_994 = arith.mulf %gather3A, %gather3A_993 : vector<16xf32>
      %add3A_995 = arith.addf %scan3A_990, %mul3A_994 : vector<16xf32>
      %scan3A_996 = arith.constant 1 : i32
      %scan3A_997 = arith.addi %scan3A_989, %scan3A_996 : i32
      %add3A_998 = vector.broadcast %scan3A_997 : i32 to vector<16xi32>
      %add3A_999 = arith.addi %add3A_944, %add3A_998 : vector<16xi32>
      %gather3A_1000 = tpu.vector_load_idx %arg10[%add3A_999] : memref<12800xf32, #tpu.memory_space<vmem>>[vector<16xi32>], vector<16xf32>,
      %gather3A_1001 = tpu.vector_load_idx %arg9[%add3A_999] : memref<12800xf32, #tpu.memory_space<vmem>>[vector<16xi32>], vector<16xf32>,
      %mul3A_1002 = arith.mulf %gather3A_1000, %gather3A_1001 : vector<16xf32>
      %add3A_1003 = arith.addf %add3A_995, %mul3A_1002 : vector<16xf32>
      %scan3A_1004 = arith.constant 2 : i32
      %scan3A_1005 = arith.addi %scan3A_989, %scan3A_1004 : i32
      %add3A_1006 = vector.broadcast %scan3A_1005 : i32 to vector<16xi32>
      %add3A_1007 = arith.addi %add3A_944, %add3A_1006 : vector<16xi32>
      %gather3A_1008 = tpu.vector_load_idx %arg10[%add3A_1007] : memref<12800xf32, #tpu.memory_space<vmem>>[vector<16xi32>], vector<16xf32>,
      %gather3A_1009 = tpu.vector_load_idx %arg9[%add3A_1007] : memref<12800xf32, #tpu.memory_space<vmem>>[vector<16xi32>], vector<16xf32>,
      %mul3A_1010 = arith.mulf %gather3A_1008, %gather3A_1009 : vector<16xf32>
      %add3A_1011 = arith.addf %add3A_1003, %mul3A_1010 : vector<16xf32>
      %scan3A_1012 = arith.constant 3 : i32
      %scan3A_1013 = arith.addi %scan3A_989, %scan3A_1012 : i32
      %add3A_1014 = vector.broadcast %scan3A_1013 : i32 to vector<16xi32>
      %add3A_1015 = arith.addi %add3A_944, %add3A_1014 : vector<16xi32>
      %gather3A_1016 = tpu.vector_load_idx %arg10[%add3A_1015] : memref<12800xf32, #tpu.memory_space<vmem>>[vector<16xi32>], vector<16xf32>,
      %gather3A_1017 = tpu.vector_load_idx %arg9[%add3A_1015] : memref<12800xf32, #tpu.memory_space<vmem>>[vector<16xi32>], vector<16xf32>,
      %mul3A_1018 = arith.mulf %gather3A_1016, %gather3A_1017 : vector<16xf32>
      %add3A_1019 = arith.addf %add3A_1011, %mul3A_1018 : vector<16xf32>
      %scan3A_1020 = arith.constant 4 : i32
      %scan3A_1021 = arith.addi %scan3A_989, %scan3A_1020 : i32
      %add3A_1022 = vector.broadcast %scan3A_1021 : i32 to vector<16xi32>
      %add3A_1023 = arith.addi %add3A_944, %add3A_1022 : vector<16xi32>
      %gather3A_1024 = tpu.vector_load_idx %arg10[%add3A_1023] : memref<12800xf32, #tpu.memory_space<vmem>>[vector<16xi32>], vector<16xf32>,
      %gather3A_1025 = tpu.vector_load_idx %arg9[%add3A_1023] : memref<12800xf32, #tpu.memory_space<vmem>>[vector<16xi32>], vector<16xf32>,
      %mul3A_1026 = arith.mulf %gather3A_1024, %gather3A_1025 : vector<16xf32>
      %add3A_1027 = arith.addf %add3A_1019, %mul3A_1026 : vector<16xf32>
      scf.yield %add3A_1027 : vector<16xf32>
    }
    %scan3A_950 = arith.constant 100 : i32
    %swap3A_951 = arith.constant 464 : index
    %swap3A_952 = tpu.vector_load %arg13[%swap3A_951] {strides = array<i32>} : memref<512xf32, #tpu.memory_space<vmem>>, vector<16xf32>,
    tpu.vector_store %arg13[%swap3A_951], %scan3A_949 {strides = array<i32>} : memref<512xf32, #tpu.memory_space<vmem>>, vector<16xf32>,
    %mul3A_953 = arith.constant 100 : i32
    %mul3A_954 = vector.broadcast %mul3A_953 : i32 to vector<16xi32>
    %mul3A_955 = arith.muli %iota3A, %mul3A_954 : vector<16xi32>
    %add3A_956 = arith.constant 3200 : i32
    %add3A_957 = vector.broadcast %add3A_956 : i32 to vector<16xi32>
    %add3A_958 = arith.addi %mul3A_955, %add3A_957 : vector<16xi32>
    %add3A_959 = arith.constant 6400 : i32
    %add3A_960 = vector.broadcast %add3A_959 : i32 to vector<16xi32>
    %add3A_961 = arith.addi %add3A_958, %add3A_960 : vector<16xi32>
    %scan3A_962 = arith.constant 0 : i32
    %scan3A_963 = arith.constant 100 : i32
    %scan3A_964 = arith.addi %scan3A_962, %scan3A_963 : i32
    %scan3A_965 = arith.constant 5 : i32
    %scan3A_966 = scf.for %scan3A_989 = %scan3A_962 to %scan3A_964 step %scan3A_965 iter_args(%scan3A_990 = %get3A_141) -> (vector<16xf32>)  : i32 {
      %add3A_991 = vector.broadcast %scan3A_989 : i32 to vector<16xi32>
      %add3A_992 = arith.addi %add3A_961, %add3A_991 : vector<16xi32>
      %gather3A = tpu.vector_load_idx %arg10[%add3A_992] : memref<12800xf32, #tpu.memory_space<vmem>>[vector<16xi32>], vector<16xf32>,
      %gather3A_993 = tpu.vector_load_idx %arg9[%add3A_992] : memref<12800xf32, #tpu.memory_space<vmem>>[vector<16xi32>], vector<16xf32>,
      %mul3A_994 = arith.mulf %gather3A, %gather3A_993 : vector<16xf32>
      %add3A_995 = arith.addf %scan3A_990, %mul3A_994 : vector<16xf32>
      %scan3A_996 = arith.constant 1 : i32
      %scan3A_997 = arith.addi %scan3A_989, %scan3A_996 : i32
      %add3A_998 = vector.broadcast %scan3A_997 : i32 to vector<16xi32>
      %add3A_999 = arith.addi %add3A_961, %add3A_998 : vector<16xi32>
      %gather3A_1000 = tpu.vector_load_idx %arg10[%add3A_999] : memref<12800xf32, #tpu.memory_space<vmem>>[vector<16xi32>], vector<16xf32>,
      %gather3A_1001 = tpu.vector_load_idx %arg9[%add3A_999] : memref<12800xf32, #tpu.memory_space<vmem>>[vector<16xi32>], vector<16xf32>,
      %mul3A_1002 = arith.mulf %gather3A_1000, %gather3A_1001 : vector<16xf32>
      %add3A_1003 = arith.addf %add3A_995, %mul3A_1002 : vector<16xf32>
      %scan3A_1004 = arith.constant 2 : i32
      %scan3A_1005 = arith.addi %scan3A_989, %scan3A_1004 : i32
      %add3A_1006 = vector.broadcast %scan3A_1005 : i32 to vector<16xi32>
      %add3A_1007 = arith.addi %add3A_961, %add3A_1006 : vector<16xi32>
      %gather3A_1008 = tpu.vector_load_idx %arg10[%add3A_1007] : memref<12800xf32, #tpu.memory_space<vmem>>[vector<16xi32>], vector<16xf32>,
      %gather3A_1009 = tpu.vector_load_idx %arg9[%add3A_1007] : memref<12800xf32, #tpu.memory_space<vmem>>[vector<16xi32>], vector<16xf32>,
      %mul3A_1010 = arith.mulf %gather3A_1008, %gather3A_1009 : vector<16xf32>
      %add3A_1011 = arith.addf %add3A_1003, %mul3A_1010 : vector<16xf32>
      %scan3A_1012 = arith.constant 3 : i32
      %scan3A_1013 = arith.addi %scan3A_989, %scan3A_1012 : i32
      %add3A_1014 = vector.broadcast %scan3A_1013 : i32 to vector<16xi32>
      %add3A_1015 = arith.addi %add3A_961, %add3A_1014 : vector<16xi32>
      %gather3A_1016 = tpu.vector_load_idx %arg10[%add3A_1015] : memref<12800xf32, #tpu.memory_space<vmem>>[vector<16xi32>], vector<16xf32>,
      %gather3A_1017 = tpu.vector_load_idx %arg9[%add3A_1015] : memref<12800xf32, #tpu.memory_space<vmem>>[vector<16xi32>], vector<16xf32>,
      %mul3A_1018 = arith.mulf %gather3A_1016, %gather3A_1017 : vector<16xf32>
      %add3A_1019 = arith.addf %add3A_1011, %mul3A_1018 : vector<16xf32>
      %scan3A_1020 = arith.constant 4 : i32
      %scan3A_1021 = arith.addi %scan3A_989, %scan3A_1020 : i32
      %add3A_1022 = vector.broadcast %scan3A_1021 : i32 to vector<16xi32>
      %add3A_1023 = arith.addi %add3A_961, %add3A_1022 : vector<16xi32>
      %gather3A_1024 = tpu.vector_load_idx %arg10[%add3A_1023] : memref<12800xf32, #tpu.memory_space<vmem>>[vector<16xi32>], vector<16xf32>,
      %gather3A_1025 = tpu.vector_load_idx %arg9[%add3A_1023] : memref<12800xf32, #tpu.memory_space<vmem>>[vector<16xi32>], vector<16xf32>,
      %mul3A_1026 = arith.mulf %gather3A_1024, %gather3A_1025 : vector<16xf32>
      %add3A_1027 = arith.addf %add3A_1019, %mul3A_1026 : vector<16xf32>
      scf.yield %add3A_1027 : vector<16xf32>
    }
    %scan3A_967 = arith.constant 100 : i32
    %swap3A_968 = arith.constant 480 : index
    %swap3A_969 = tpu.vector_load %arg13[%swap3A_968] {strides = array<i32>} : memref<512xf32, #tpu.memory_space<vmem>>, vector<16xf32>,
    tpu.vector_store %arg13[%swap3A_968], %scan3A_966 {strides = array<i32>} : memref<512xf32, #tpu.memory_space<vmem>>, vector<16xf32>,
    %mul3A_970 = arith.constant 100 : i32
    %mul3A_971 = vector.broadcast %mul3A_970 : i32 to vector<16xi32>
    %mul3A_972 = arith.muli %iota3A, %mul3A_971 : vector<16xi32>
    %add3A_973 = arith.constant 4800 : i32
    %add3A_974 = vector.broadcast %add3A_973 : i32 to vector<16xi32>
    %add3A_975 = arith.addi %mul3A_972, %add3A_974 : vector<16xi32>
    %add3A_976 = arith.constant 6400 : i32
    %add3A_977 = vector.broadcast %add3A_976 : i32 to vector<16xi32>
    %add3A_978 = arith.addi %add3A_975, %add3A_977 : vector<16xi32>
    %scan3A_979 = arith.constant 0 : i32
    %scan3A_980 = arith.constant 100 : i32
    %scan3A_981 = arith.addi %scan3A_979, %scan3A_980 : i32
    %scan3A_982 = arith.constant 5 : i32
    %scan3A_983 = scf.for %scan3A_989 = %scan3A_979 to %scan3A_981 step %scan3A_982 iter_args(%scan3A_990 = %get3A_141) -> (vector<16xf32>)  : i32 {
      %add3A_991 = vector.broadcast %scan3A_989 : i32 to vector<16xi32>
      %add3A_992 = arith.addi %add3A_978, %add3A_991 : vector<16xi32>
      %gather3A = tpu.vector_load_idx %arg10[%add3A_992] : memref<12800xf32, #tpu.memory_space<vmem>>[vector<16xi32>], vector<16xf32>,
      %gather3A_993 = tpu.vector_load_idx %arg9[%add3A_992] : memref<12800xf32, #tpu.memory_space<vmem>>[vector<16xi32>], vector<16xf32>,
      %mul3A_994 = arith.mulf %gather3A, %gather3A_993 : vector<16xf32>
      %add3A_995 = arith.addf %scan3A_990, %mul3A_994 : vector<16xf32>
      %scan3A_996 = arith.constant 1 : i32
      %scan3A_997 = arith.addi %scan3A_989, %scan3A_996 : i32
      %add3A_998 = vector.broadcast %scan3A_997 : i32 to vector<16xi32>
      %add3A_999 = arith.addi %add3A_978, %add3A_998 : vector<16xi32>
      %gather3A_1000 = tpu.vector_load_idx %arg10[%add3A_999] : memref<12800xf32, #tpu.memory_space<vmem>>[vector<16xi32>], vector<16xf32>,
      %gather3A_1001 = tpu.vector_load_idx %arg9[%add3A_999] : memref<12800xf32, #tpu.memory_space<vmem>>[vector<16xi32>], vector<16xf32>,
      %mul3A_1002 = arith.mulf %gather3A_1000, %gather3A_1001 : vector<16xf32>
      %add3A_1003 = arith.addf %add3A_995, %mul3A_1002 : vector<16xf32>
      %scan3A_1004 = arith.constant 2 : i32
      %scan3A_1005 = arith.addi %scan3A_989, %scan3A_1004 : i32
      %add3A_1006 = vector.broadcast %scan3A_1005 : i32 to vector<16xi32>
      %add3A_1007 = arith.addi %add3A_978, %add3A_1006 : vector<16xi32>
      %gather3A_1008 = tpu.vector_load_idx %arg10[%add3A_1007] : memref<12800xf32, #tpu.memory_space<vmem>>[vector<16xi32>], vector<16xf32>,
      %gather3A_1009 = tpu.vector_load_idx %arg9[%add3A_1007] : memref<12800xf32, #tpu.memory_space<vmem>>[vector<16xi32>], vector<16xf32>,
      %mul3A_1010 = arith.mulf %gather3A_1008, %gather3A_1009 : vector<16xf32>
      %add3A_1011 = arith.addf %add3A_1003, %mul3A_1010 : vector<16xf32>
      %scan3A_1012 = arith.constant 3 : i32
      %scan3A_1013 = arith.addi %scan3A_989, %scan3A_1012 : i32
      %add3A_1014 = vector.broadcast %scan3A_1013 : i32 to vector<16xi32>
      %add3A_1015 = arith.addi %add3A_978, %add3A_1014 : vector<16xi32>
      %gather3A_1016 = tpu.vector_load_idx %arg10[%add3A_1015] : memref<12800xf32, #tpu.memory_space<vmem>>[vector<16xi32>], vector<16xf32>,
      %gather3A_1017 = tpu.vector_load_idx %arg9[%add3A_1015] : memref<12800xf32, #tpu.memory_space<vmem>>[vector<16xi32>], vector<16xf32>,
      %mul3A_1018 = arith.mulf %gather3A_1016, %gather3A_1017 : vector<16xf32>
      %add3A_1019 = arith.addf %add3A_1011, %mul3A_1018 : vector<16xf32>
      %scan3A_1020 = arith.constant 4 : i32
      %scan3A_1021 = arith.addi %scan3A_989, %scan3A_1020 : i32
      %add3A_1022 = vector.broadcast %scan3A_1021 : i32 to vector<16xi32>
      %add3A_1023 = arith.addi %add3A_978, %add3A_1022 : vector<16xi32>
      %gather3A_1024 = tpu.vector_load_idx %arg10[%add3A_1023] : memref<12800xf32, #tpu.memory_space<vmem>>[vector<16xi32>], vector<16xf32>,
      %gather3A_1025 = tpu.vector_load_idx %arg9[%add3A_1023] : memref<12800xf32, #tpu.memory_space<vmem>>[vector<16xi32>], vector<16xf32>,
      %mul3A_1026 = arith.mulf %gather3A_1024, %gather3A_1025 : vector<16xf32>
      %add3A_1027 = arith.addf %add3A_1019, %mul3A_1026 : vector<16xf32>
      scf.yield %add3A_1027 : vector<16xf32>
    }
    %scan3A_984 = arith.constant 100 : i32
    %swap3A_985 = arith.constant 496 : index
    %swap3A_986 = tpu.vector_load %arg13[%swap3A_985] {strides = array<i32>} : memref<512xf32, #tpu.memory_space<vmem>>, vector<16xf32>,
    tpu.vector_store %arg13[%swap3A_985], %scan3A_983 {strides = array<i32>} : memref<512xf32, #tpu.memory_space<vmem>>, vector<16xf32>,
    %mul3A_987 = arith.constant 512 : i32
    %mul3A_988 = arith.muli %add3A, %mul3A_987 : i32
    "tpu.region"() ({
      %run_scoped3A = tpu.sem_alloc : memref<!tpu.dma_semaphore, #tpu.memory_space<semaphore_mem>>
      %dma_start3A_989 = tpu.memref_slice %arg6[%mul3A_988] : memref<16384xf32, #tpu.memory_space<hbm>> -> memref<512xf32, #tpu.memory_space<hbm>>
      %dma_start3A_990 = tpu.memref_slice %arg6[%mul3A_988] : memref<16384xf32, #tpu.memory_space<hbm>> -> memref<512xf32, #tpu.memory_space<hbm>>
      tpu.enqueue_dma source(%arg13 : memref<512xf32, #tpu.memory_space<vmem>>) target(%dma_start3A_990 : memref<512xf32, #tpu.memory_space<hbm>>) target_semaphore(%run_scoped3A : memref<!tpu.dma_semaphore, #tpu.memory_space<semaphore_mem>>)
      %dma_wait3A_991 = tpu.memref_slice %arg6[%mul3A_988] : memref<16384xf32, #tpu.memory_space<hbm>> -> memref<512xf32, #tpu.memory_space<hbm>>
      %dma_wait3A_992 = tpu.memref_slice %arg6[%mul3A_988] : memref<16384xf32, #tpu.memory_space<hbm>> -> memref<512xf32, #tpu.memory_space<hbm>>
      tpu.wait_dma2 semaphore(%run_scoped3A : memref<!tpu.dma_semaphore, #tpu.memory_space<semaphore_mem>>) src(%arg13 : memref<512xf32, #tpu.memory_space<vmem>>) dst(%dma_wait3A_992 : memref<512xf32, #tpu.memory_space<hbm>>)
      tpu.yield
    }) : () -> ()
    return
  }
}

</mosaic_0001>

<sc_bundles>
// kernel: kernel.3.cloned.1.call-start
scs
__scs_entry_jumppad:
0x0: {  	(pc) =	sbr.rel $0x88, $3  }
0x1: {  	(tag) =	ssettag $0x0;
	lr =	simm.s32 $0x1  }
0x2: {  	[smem:$0x3F9D] =	sst lr;
	_ =	strace $0xD0000000  }
0x3: {  	_ = 	snop  }
0x4: {  	_ = 	snop  }
0x5: {  	_ = 	snop  }
0x6: {  	_ = 	snop  }
0x7: {  	_ = 	snop  }
__scs_overlays_trampoline_lowered:
0x8: {  	[smem:$0x3FAC] =	sst s0  }
0x9: {  	[smem:$0x3FAD] =	sst s1  }
0xa: {  	[smem:$0x3FAE] =	sst s2  }
0xb: {  	[smem:$0x3FAF] =	sst s3  }
0xc: {  	[smem:$0x3FB0] =	sst s4  }
0xd: {  	[smem:$0x3FB1] =	sst s5  }
0xe: {  	[smem:$0x3FB2] =	sst s6  }
0xf: {  	[smem:$0x3FB3] =	sst s7  }
0x10: {  	[smem:$0x3FB4] =	sst s8  }
0x11: {  	[smem:$0x3FB5] =	sst s9;
	s0 =	simm.s32 @!p0 $0x0  }
0x12: {  	s1 =	sld [smem:$0x3F9B];
	s0 =	simm.s32 @p0 $0x1  }
0x13: {  	[smem:$0x3FB6] =	sst s0;
	s0 =	simm.s32 @!p1 $0x0  }
0x14: {  	s2 =	sld [smem:$0x3F9A];
	s0 =	simm.s32 @p1 $0x1  }
0x15: {  	[smem:$0x3FB7] =	sst s0;
	s0 =	simm.s32 @!p2 $0x0  }
0x16: {  	s3 =	sld [smem:$0x3FDB];
	s0 =	simm.s32 @p2 $0x1  }
0x17: {  	s4 =	simm.s32 $0x1BF5;
	[smem:$0x3FB9] =	sst s0  }
0x18: {  	s0 =	sld [smem:$0x3F9C];
	_ =	swait.ge [sflag:s4], $0x0  }
0x19: {  	s7 =	sld [smem:$0x3F9D]  }
0x1a: {  	s8 =	sadd.s32 $0xFFFFE003, lr  }
0x1b: {  	s9 =	sadd.s32 $0xFFFFFEF7, lr;
	s5 =	simm.s32 $0xFFFFFFFF;
	p2 =	slt.u32 s8, $0xFFFFF086  }
0x1c: {  	p1 =	slt.u32 s9, $0xF7A;
	s5 =	simm.s32 @!p2 $0x0  }
0x1d: {  	s5 =	simm.s32 @p1 $0x1;
	p0 =	seq.s32 s7, s2  }
0x1e: {  	s7 =	smul.u32 @!p0 $0xF7A, s2;
	p2 =	seq.s32 @!p0 s5, $0x0  }
0x1f: {  	s9 =	smul.u32 $0xF7A, s1;
	s8 =	simm.s32 @!p0 $0x1BF5;
	p2 =	por !p2, p0  }
0x20: {  	[sflag:s8] =	ssyncset.s32 @!p0 $0xFFFFF086;
	s6 =	sadd.s32 @!p0 s3, s7;
	s7 =	simm.s32 @!p0 $0x108  }
0x21: {  	s3 =	sadd.s32 s3, s9;
	s6 =	sadd.s32 @!p0 $0x88, s6;
	s7 =	simm.s32 @p2 $0x1082  }
0x22: {  	[simem:s7], [sflag:s8] =	dma.local @!p0 [hbm:s6], $0xF7A  }
0x23: {  	s9 =	sor.u32 $0xD0000000, s2;
	s6 =	simm.s32 $0x108;
	_ =	swait.ge @!p0 [sflag:s8], $0x0  }
0x24: {  	s3 =	sadd.s32 $0x88, s3;
	s6 =	simm.s32 @!p1 $0x1082;
	[sflag:s4] =	ssyncset.s32 $0xFFFFF086  }
0x25: {  	[simem:s6], [sflag:s4] =	dma.local [hbm:s3], $0xF7A  }
0x26: {  	[smem:$0x3F9D] =	sst s1;
	(tag) =	ssettag s2;
	_ =	strace s9  }
0x27: {  	s1 =	sld [smem:$0x3FAD]  }
0x28: {  	s2 =	sld [smem:$0x3FAE]  }
0x29: {  	s4 =	sld [smem:$0x3FB0]  }
0x2a: {  	p0 =	seq.s32 s5, $0x0;
	s5 =	sld [smem:$0x3FB1]  }
0x2b: {  	s6 =	sld [smem:$0x3FB2]  }
0x2c: {  	s7 =	sld [smem:$0x3FB3]  }
0x2d: {  	s3 =	simm.s32 $0x108;
	s8 =	sld [smem:$0x3FB4]  }
0x2e: {  	s3 =	simm.s32 @!p0 $0x1082;
	s9 =	sld [smem:$0x3FB5]  }
0x2f: {  	lr =	sadd.s32 s0, s3;
	s0 =	sld [smem:$0x3FAC]  }
0x30: {  	s3 =	sld [smem:$0x3FAF]  }
0x31: {  	[smem:$0x3FB8] =	sst s10  }
0x32: {  	s10 =	sld [smem:$0x3FB6];
	_ =	sdelay $0x3  }
0x33: {  	p0 =	seq.s32 s10, $0x1;
	s10 =	sld [smem:$0x3FB8];
	_ =	sdelay $0x3  }
0x34: {  	[smem:$0x3FB8] =	sst s10  }
0x35: {  	s10 =	sld [smem:$0x3FB7];
	_ =	sdelay $0x3  }
0x36: {  	p1 =	seq.s32 s10, $0x1;
	s10 =	sld [smem:$0x3FB8];
	_ =	sdelay $0x3  }
0x37: {  	[smem:$0x3FB8] =	sst s10  }
0x38: {  	s10 =	sld [smem:$0x3FB9]  }
0x39: {  	_ = 	snop;
	(pc) =	sbr.ind lr, $3  }
0x3a: {  	_ = 	snop  }
0x3b: {  	_ = 	snop  }
0x3c: {  	p2 =	seq.s32 s10, $0x1;
	s10 =	sld [smem:$0x3FB8]  }
0x3d: {  	_ =	shalt  }
0x3e: {  	_ =	shalt  }
0x3f: {  	_ =	shalt  }
0x40: {  	_ =	shalt  }
0x41: {  	_ =	shalt  }
0x42: {  	_ =	shalt  }
0x43: {  	_ =	shalt  }
0x44: {  	_ =	shalt  }
0x45: {  	_ =	shalt  }
0x46: {  	_ =	shalt  }
0x47: {  	_ =	shalt  }
0x48: {  	_ =	shalt  }
0x49: {  	_ =	shalt  }
0x4a: {  	_ =	shalt  }
0x4b: {  	_ =	shalt  }
0x4c: {  	_ =	shalt  }
0x4d: {  	_ =	shalt  }
0x4e: {  	_ =	shalt  }
0x4f: {  	_ =	shalt  }
0x50: {  	_ =	shalt  }
0x51: {  	_ =	shalt  }
0x52: {  	_ =	shalt  }
0x53: {  	_ =	shalt  }
0x54: {  	_ =	shalt  }
0x55: {  	_ =	shalt  }
0x56: {  	_ =	shalt  }
0x57: {  	_ =	shalt  }
0x58: {  	_ =	shalt  }
0x59: {  	_ =	shalt  }
0x5a: {  	_ =	shalt  }
0x5b: {  	_ =	shalt  }
0x5c: {  	_ =	shalt  }
0x5d: {  	_ =	shalt  }
0x5e: {  	_ =	shalt  }
0x5f: {  	_ =	shalt  }
0x60: {  	_ =	shalt  }
0x61: {  	_ =	shalt  }
0x62: {  	_ =	shalt  }
0x63: {  	_ =	shalt  }
0x64: {  	_ =	shalt  }
0x65: {  	_ =	shalt  }
0x66: {  	_ =	shalt  }
0x67: {  	_ =	shalt  }
0x68: {  	_ =	shalt  }
0x69: {  	_ =	shalt  }
0x6a: {  	_ =	shalt  }
0x6b: {  	_ =	shalt  }
0x6c: {  	_ =	shalt  }
0x6d: {  	_ =	shalt  }
0x6e: {  	_ =	shalt  }
0x6f: {  	_ =	shalt  }
0x70: {  	_ =	shalt  }
0x71: {  	_ =	shalt  }
0x72: {  	_ =	shalt  }
0x73: {  	_ =	shalt  }
0x74: {  	_ =	shalt  }
0x75: {  	_ =	shalt  }
0x76: {  	_ =	shalt  }
0x77: {  	_ =	shalt  }
0x78: {  	_ =	shalt  }
0x79: {  	_ =	shalt  }
0x7a: {  	_ =	shalt  }
0x7b: {  	_ =	shalt  }
0x7c: {  	_ =	shalt  }
0x7d: {  	_ =	shalt  }
0x7e: {  	_ =	shalt  }
0x7f: {  	_ =	shalt  }
0x80: {  	_ =	shalt  }
0x81: {  	_ =	shalt  }
0x82: {  	_ =	shalt  }
0x83: {  	_ =	shalt  }
0x84: {  	_ =	shalt  }
0x85: {  	_ =	shalt  }
0x86: {  	_ =	shalt  }
0x87: {  	_ =	shalt  }
.Lfunc_end0:
.L_simem_size_0:
called_computation_lowered:
.L_overlay_start_0:
0x88: {  	s2 =	sld [smem:$0x3FD9]  }
0x89: {  	s3 =	sld [smem:$0x3FFE];
	_ =	sdelay $0x1  }
0x8a: {  	s1 =	srdreg.scid  }
0x8b: {  	s0 =	sand.u32 $0x1, s1  }
0x8c: {  	s17 =	sshll.u32 s0, $0xA;
	s2 =	sadd.s32 s3, s2  }
0x8d: {  	s2 =	sadd.s32 s2, s17  }
0x8e: {  	[smem:$0x3FC4] =	sst s2  }
0x8f: {  	_ = 	snop  }
0x90: {  	s2 =	sld [smem:$0x3FD0];
	(tm) =	ssettm $0x1  }
0x91: {  	s18 =	sld [smem:$0x3FFB];
	_ =	sdelay $0x3  }
0x92: {  	_ =	strace s18  }
0x93: {  	s3 =	sld [smem:$0x3FFC];
	_ =	sdelay $0x3  }
0x94: {  	_ =	strace s3  }
0x95: {  	s3 =	sld [smem:$0x3FFD];
	_ =	sdelay $0x3  }
0x96: {  	_ =	strace s3  }
0x97: {  	_ =	strace $0x8FFFFFFF  }
0x98: {  	s19 =	sld [smem:$0x3FDB];
	_ =	sdelay $0x1  }
0x99: {  	s4 =	simm.s32 $_scs_section_size  }
0x9a: {  	s5 =	simm.s32 $_size__tile_overlayer_lowered;
	s6 =	simm.s32 $_tile_overlayer_lowered  }
0x9b: {  	s22 =	simm.s32 $0x1BFF;
	s21 =	sshll.u32 s6, $0x1;
	s3 =	sadd.s32 s4, s19  }
0x9c: {  	s7 =	simm.s32 $0x0;
	s20 =	sshll.u32 s5, $0x1;
	s5 =	sadd.s32 s21, s3  }
0x9d: {  	[timem:s7], [sflag:s22] =	dma.local [hbm:s5], s20  }
0x9e: {  	_ =	swait.ge [sflag:s22], s20  }
0x9f: {  	s4 =	ssub.s32 $0x0, s20;
	[sflag:s22] =	ssyncset.done $0x0  }
0xa0: {  	[sflag:s22] =	ssyncadd.s32 s4;
	_ =	sdelay $0x1  }
0xa1: {  	s23 =	simm.s32 $0x1B8B  }
0xa2: {  	_ =	swait.ge [sflag:s23], $0x1  }
0xa3: {  	[sflag:s23] =	ssyncset.done $0x0  }
0xa4: {  	s25 =	simm.s32 $0x1B8E;
	s24 =	sld [smem:$0x3FFE];
	[sflag:s23] =	ssyncadd.s32 $0xFFFFFFFF  }
0xa5: {  	s26 =	simm.s32 $execute0_lowered;
	[smem:$0x3FD2] =	sst s25  }
0xa6: {  	s5 =	sshll.u32 s26, $0x1;
	_ =	strace $0x80000046;
	[dreg:$0x1] =	wrdreg $0xFFFFFFFF  }
0xa7: {  	s28 =	simm.s32 $_size_execute0_lowered;
	s3 =	sadd.s32 s3, s5;
	[dreg:$0x0] =	wrdreg $0x0  }
0xa8: {  	s5 =	sshll.u32 s28, $0x1;
	[dreg:$0x2] =	wrdreg s3  }
0xa9: {  	[dreg:$0x3] =	wrdreg s5  }
0xaa: {  	[dreg:$0x4] =	wrdreg $0xC0  }
0xab: {  	_ =	task [dreg:s7], $0x5FFFF  }
0xac: {  	[dreg:$0x1] =	wrdreg $0xFFFFFFFF  }
0xad: {  	[dreg:$0x0] =	wrdreg $0x60  }
0xae: {  	[dreg:$0x2] =	wrdreg s24  }
0xaf: {  	[dreg:$0x3] =	wrdreg s2  }
0xb0: {  	[dreg:$0x4] =	wrdreg $0x0  }
0xb1: {  	[dreg:$0x5] =	wrdreg $0x9  }
0xb2: {  	_ =	task.clear_ibuf [dreg:s7], $0x6FFFF;
	_ =	strace $0x90000046  }
0xb3: {  	s29 =	simm.s32 $0x9;
	_ =	strace $0x80000048  }
0xb4: {  	_ =	swait.ge [sflag:s29], $0x1  }
0xb5: {  	[sflag:s29] =	ssyncadd.s32 $0xFFFFFFFF  }
0xb6: {  	_ =	strace $0x90000048  }
0xb7: {  	_ =	sfence  }
0xb8: {  	s30 =	sld [smem:$0x0];
	_ =	sdelay $0x2  }
0xb9: {  	s31 =	sshll.u32 s1, $0xD;
	s1 =	sshrl.u32 s1, $0x2  }
0xba: {  	s3 =	sand.u32 $0x4000, s31;
	s1 =	sadd.s32 s1, s30  }
0xbb: {  	s0 =	sor.u32 s3, s0;
	s1 =	sshll.u32 s1, $0x11  }
0xbc: {  	s0 =	sor.u32 s1, s0  }
0xbd: {  	s0 =	sadd.s32 $0x8F2B, s0  }
0xbe: {  	[sflag:s0] =	ssyncadd.remote.s32 $0x1  }
0xbf: {  	_ =	sfence.sel $0xFFFF  }
0xc0: {  	[dreg:$0x0] =	wrdreg $0xFFFFFFFF;
	(pc) =	sbr.abs _section_cstart, $3  }
0xc1: {  	[dreg:$0x1] =	wrdreg $0xFFFFFFFF  }
0xc2: {  	_ =	task.clear_ibuf [dreg:s7], $0x2FFFF;
	_ =	strace $0x9FFFFFFF  }
0xc3: {  	(tm) =	ssettm $0x7FFFFFFF  }
tec
execute0_lowered:
.L_overlay_start_1:
0x0: {  	(tag) =	ssettag $0x1  }
0x1: {  	s0 =	rddreg [dreg:$0x0]  }
0x2: {  	s2 =	srdreg.scid;
	s20 =	stileid.u32  }
0x3: {  	s1 =	simm.s32 $0x0;
	s28 =	rddreg [dreg:$0x2];
	s2 =	sand.u32 $0x1, s2  }
0x4: {  	s3 =	sshll.u32 s20, $0x1;
	[smem:$0x7FF] =	sst s1;
	s4 =	sadd.s32 $0x64400, s0  }
0x5: {  	s5 =	sadd.s32 $0x400, s0;
	s9 =	smul.u32 $0x3E8, s20;
	s10 =	sor.u32 $0x10, s20  }
0x6: {  	s8 =	sadd.s32 $0x32400, s0;
	s12 =	sor.u32 $0x20, s20;
	s11 =	smul.u32 $0x3E8, s10  }
0x7: {  	s14 =	sor.u32 $0x30, s20;
	s15 =	sor.u32 $0x40, s20;
	s13 =	smul.u32 $0x3E8, s12  }
0x8: {  	s17 =	sor.u32 $0x50, s20;
	s18 =	sor.u32 $0x60, s20;
	s24 =	smul.u32 $0x3E8, s14  }
0x9: {  	s19 =	sor.u32 $0x70, s20;
	s3 =	sor.u32 s2, s3;
	s16 =	smul.u32 $0x3E8, s15  }
0xa: {  	s2 =	ssub.s32 $0x2, s2;
	s25 =	smul.u32 $0x3E8, s17;
	s9 =	sadd.s32 s4, s9  }
0xb: {  	s26 =	smul.u32 $0x3E8, s18;
	[dreg:$0x4] =	wrdreg s9;
	s11 =	sadd.s32 s4, s11  }
0xc: {  	s7 =	sshrl.u32 s2, $0x1;
	s13 =	sadd.s32 s4, s13;
	[dreg:$0x5] =	wrdreg s11  }
0xd: {  	s7 =	ssub.s32 s2, s7;
	s2 =	sadd.s32 s4, s24;
	[dreg:$0x6] =	wrdreg s13  }
0xe: {  	s6 =	smul.u32 $0xC800, s3;
	s16 =	sadd.s32 s4, s16;
	[dreg:$0x7] =	wrdreg s2  }
0xf: {  	s29 =	smul.u32 $0x3E8, s19;
	s9 =	sadd.s32 s4, s25;
	[dreg:$0x8] =	wrdreg s16  }
0x10: {  	s6 =	sshrl.u32 s6, $0x3;
	[dreg:$0x9] =	wrdreg s9;
	s11 =	sadd.s32 s4, s26  }
0x11: {  	s2 =	sadd.s32 s4, s29;
	s21 =	sadd.s32 $0x320, s6;
	[dreg:$0xa] =	wrdreg s11  }
0x12: {  	s30 =	sadd.s32 $0x82E00, s0;
	[dreg:$0xb] =	wrdreg s2;
	s22 =	sadd.s32 s5, s21  }
0x13: {  	s24 =	sadd.s32 $0x640, s6;
	s23 =	sadd.s32 s8, s21;
	[dreg:$0xc] =	wrdreg s22  }
0x14: {  	p0 =	sgt.u32 s20, $0xC;
	s26 =	sadd.s32 s5, s24;
	[dreg:$0xd] =	wrdreg s23  }
0x15: {  	s25 =	sadd.s32 $0x960, s6;
	s2 =	sadd.s32 s8, s24;
	[dreg:$0xe] =	wrdreg s26  }
0x16: {  	s3 =	sshll.u32 s3, $0x6;
	s29 =	sadd.s32 s5, s25;
	[dreg:$0xf] =	wrdreg s2  }
0x17: {  	s11 =	sadd.s32 $0xC80, s6;
	s9 =	sadd.s32 s8, s25;
	[dreg:$0x10] =	wrdreg s29  }
0x18: {  	s13 =	sadd.s32 $0xFA0, s6;
	s16 =	sadd.s32 s5, s11;
	[dreg:$0x11] =	wrdreg s9  }
0x19: {  	s7 =	smax.u32 s7, $0x1;
	s21 =	sadd.s32 s5, s13;
	[dreg:$0x12] =	wrdreg s16  }
0x1a: {  	s24 =	sadd.s32 $0x12C0, s6;
	s25 =	sadd.s32 s8, s6;
	[dreg:$0x14] =	wrdreg s21  }
0x1b: {  	s2 =	sadd.s32 s8, s11;
	s23 =	sadd.s32 s5, s6;
	[dreg:$0x17] =	wrdreg s25  }
0x1c: {  	s26 =	sadd.s32 $0x15E0, s6;
	s6 =	rddreg [dreg:$0x1];
	s9 =	smul.u32 $0x7D00, s20  }
0x1d: {  	s22 =	sadd.s32 s8, s13;
	s16 =	smul.u32 $0x7D00, s17;
	[dreg:$0x13] =	wrdreg s2  }
0x1e: {  	s29 =	sadd.s32 s5, s24;
	s21 =	smul.u32 $0x7D00, s18;
	[dreg:$0x15] =	wrdreg s22  }
0x1f: {  	s2 =	sadd.s32 s8, s24;
	s4 =	sadd.s32 s8, s26;
	s8 =	smul.u32 $0x7D00, s10  }
0x20: {  	s18 =	simm.s32 $0x10D28;
	[dreg:$0x16] =	wrdreg s23;
	s10 =	smul.u32 $0x7D00, s12  }
0x21: {  	s20 =	simm.s32 $0x17128;
	[dreg:$0x18] =	wrdreg s29;
	s12 =	smul.u32 $0x7D00, s14  }
0x22: {  	s5 =	sadd.s32 s5, s26;
	s14 =	smul.u32 $0x7D00, s15;
	[dreg:$0x19] =	wrdreg s2  }
0x23: {  	s23 =	smul.u32 $0x7D00, s19;
	s19 =	simm.s32 $0x13F28;
	[dreg:$0x1a] =	wrdreg s5  }
0x24: {  	[dreg:$0x1b] =	wrdreg s4;
	s2 =	sadd.s32 s6, s3;
	s11 =	sshrl.u32 s9, $0x2  }
0x25: {  	s25 =	sshrl.u32 s16, $0x2;
	s26 =	sshrl.u32 s21, $0x2;
	s9 =	simm.s32 $0x12628  }
0x26: {  	s16 =	simm.s32 $0x1900;
	s21 =	simm.s32 $0x1;
	[dreg:$0x1c] =	wrdreg s2  }
0x27: {  	s31 =	sadd.s32 s11, s28;
	s13 =	sshrl.u32 s8, $0x2;
	s15 =	sshrl.u32 s10, $0x2  }
0x28: {  	s17 =	sshrl.u32 s12, $0x2;
	s22 =	sshrl.u32 s14, $0x2;
	s4 =	sadd.s32 s25, s28  }
0x29: {  	v0 =	vlaneseq.u32;
	s5 =	sadd.s32 s26, s28;
	s29 =	sshrl.u32 s23, $0x2;
	s8 =	simm.s32 $0xF428  }
0x2a: {  	v0 =	vmul.u32 $0x64, v0;
	s10 =	simm.s32 $0x18A28;
	s11 =	simm.s32 $0x1A968;
	s12 =	simm.s32 $0x3  }
0x2b: {  	s14 =	simm.s32 $0x4;
	s23 =	simm.s32 $0x0;
	_ =	strace $0x80000047  }
0x2c: {  	v1 =	vadd.s32 $0x640, v0;
	s24 =	sadd.s32 s13, s28;
	s0 =	sadd.s32 s15, s28;
	s2 =	sadd.s32 s17, s28  }
0x2d: {  	v2 =	vadd.s32 $0xC80, v0;
	v3 =	vadd.s32 $0x12C0, v0;
	v4 =	vadd.s32 $0x1900, v0;
	s3 =	sadd.s32 s22, s28;
	s6 =	sadd.s32 s29, s28;
	s13 =	simm.s32 $0x6  }
0x2e: {  	v5 =	vadd.s32 $0x1F40, v0;
	v6 =	vadd.s32 $0x2580, v0;
	v7 =	vadd.s32 $0x2BC0, v0;
	s15 =	simm.s32 $0x5;
	s17 =	simm.s32 $0x15828;
	s22 =	simm.s32 $0x2  }
.LBB2_1:
0x2f: {  	s25 =	rddreg [dreg:$0x16]  }
0x30: {  	[tilespmem:s8], [sflag:$0x5] =	stream.linear.gather [hbm4b:s25+s1], $0x1900, $0x38;
	[tilespmem:$0x1CB28] =	vst v63  }
0x31: {  	s26 =	rddreg [dreg:$0x17]  }
0x32: {  	[tilespmem:s9], [sflag:$0x5] =	stream.linear.gather [hbm4b:s26+s1], $0x1900, $0x38;
	[tilespmem:$0x1CB28] =	vst v63  }
0x33: {  	s26 =	rddreg [dreg:$0x4]  }
0x34: {  	[tilespmem:s10], [sflag:$0x3] =	stream.linear.gather [hbm4b:s26+s1], $0x1F40, $0x38;
	[tilespmem:$0x1CB28] =	vst v63  }
0x35: {  	s26 =	rddreg [dreg:$0x5]  }
0x36: {  	[tilespmem:s11], [sflag:$0x4] =	stream.linear.gather [hbm4b:s26+s1], $0x1F40, $0x38;
	[tilespmem:$0x1CB28] =	vst v63  }
0x37: {  	_ =	swait.ge [sflag:s12], $0x1F40  }
0x38: {  	[sflag:s12] =	ssyncset.done $0x0  }
0x39: {  	[sflag:s12] =	ssyncadd.s32 $0xFFFFE0C0  }
0x3a: {  	[spmem:s31] =	stream.linear.scatter [tilespmem:s10], [sflag:$0x6], $0x1F40, $0x38;
	[tilespmem:$0x1CB28] =	vst v63  }
0x3b: {  	_ =	swait.ge [sflag:s13], $0x1F40  }
0x3c: {  	[sflag:s13] =	ssyncset.done $0x0  }
0x3d: {  	s26 =	rddreg [dreg:$0x6];
	[sflag:s13] =	ssyncadd.s32 $0xFFFFE0C0  }
0x3e: {  	[tilespmem:s10], [sflag:$0x3] =	stream.linear.gather [hbm4b:s26+s1], $0x1F40, $0x38;
	[tilespmem:$0x1CB28] =	vst v63  }
0x3f: {  	_ =	swait.ge [sflag:s14], $0x1F40  }
0x40: {  	[sflag:s14] =	ssyncset.done $0x0  }
0x41: {  	[sflag:s14] =	ssyncadd.s32 $0xFFFFE0C0  }
0x42: {  	[spmem:s24] =	stream.linear.scatter [tilespmem:s11], [sflag:$0x6], $0x1F40, $0x38;
	[tilespmem:$0x1CB28] =	vst v63  }
0x43: {  	_ =	swait.ge [sflag:s13], $0x1F40  }
0x44: {  	[sflag:s13] =	ssyncset.done $0x0  }
0x45: {  	s26 =	rddreg [dreg:$0x7];
	[sflag:s13] =	ssyncadd.s32 $0xFFFFE0C0  }
0x46: {  	[tilespmem:s11], [sflag:$0x4] =	stream.linear.gather [hbm4b:s26+s1], $0x1F40, $0x38;
	[tilespmem:$0x1CB28] =	vst v63  }
0x47: {  	_ =	swait.ge [sflag:s12], $0x1F40  }
0x48: {  	[sflag:s12] =	ssyncset.done $0x0  }
0x49: {  	[sflag:s12] =	ssyncadd.s32 $0xFFFFE0C0  }
0x4a: {  	[spmem:s0] =	stream.linear.scatter [tilespmem:s10], [sflag:$0x6], $0x1F40, $0x38;
	[tilespmem:$0x1CB28] =	vst v63  }
0x4b: {  	_ =	swait.ge [sflag:s13], $0x1F40  }
0x4c: {  	[sflag:s13] =	ssyncset.done $0x0  }
0x4d: {  	s26 =	rddreg [dreg:$0x8];
	[sflag:s13] =	ssyncadd.s32 $0xFFFFE0C0  }
0x4e: {  	[tilespmem:s10], [sflag:$0x3] =	stream.linear.gather [hbm4b:s26+s1], $0x1F40, $0x38;
	[tilespmem:$0x1CB28] =	vst v63  }
0x4f: {  	_ =	swait.ge [sflag:s14], $0x1F40  }
0x50: {  	[sflag:s14] =	ssyncset.done $0x0  }
0x51: {  	[sflag:s14] =	ssyncadd.s32 $0xFFFFE0C0  }
0x52: {  	[spmem:s2] =	stream.linear.scatter [tilespmem:s11], [sflag:$0x6], $0x1F40, $0x38;
	[tilespmem:$0x1CB28] =	vst v63  }
0x53: {  	_ =	swait.ge [sflag:s13], $0x1F40  }
0x54: {  	[sflag:s13] =	ssyncset.done $0x0  }
0x55: {  	s26 =	rddreg [dreg:$0x9];
	[sflag:s13] =	ssyncadd.s32 $0xFFFFE0C0  }
0x56: {  	[tilespmem:s11], [sflag:$0x4] =	stream.linear.gather [hbm4b:s26+s1], $0x1F40, $0x38;
	[tilespmem:$0x1CB28] =	vst v63  }
0x57: {  	_ =	swait.ge [sflag:s12], $0x1F40  }
0x58: {  	[sflag:s12] =	ssyncset.done $0x0  }
0x59: {  	[sflag:s12] =	ssyncadd.s32 $0xFFFFE0C0  }
0x5a: {  	[spmem:s3] =	stream.linear.scatter [tilespmem:s10], [sflag:$0x6], $0x1F40, $0x38;
	[tilespmem:$0x1CB28] =	vst v63  }
0x5b: {  	_ =	swait.ge [sflag:s13], $0x1F40  }
0x5c: {  	[sflag:s13] =	ssyncset.done $0x0  }
0x5d: {  	s26 =	rddreg [dreg:$0xa];
	[sflag:s13] =	ssyncadd.s32 $0xFFFFE0C0  }
0x5e: {  	[tilespmem:s10], [sflag:$0x3] =	stream.linear.gather [hbm4b:s26+s1], $0x1F40, $0x38;
	[tilespmem:$0x1CB28] =	vst v63  }
0x5f: {  	_ =	swait.ge [sflag:s14], $0x1F40  }
0x60: {  	[sflag:s14] =	ssyncset.done $0x0  }
0x61: {  	[sflag:s14] =	ssyncadd.s32 $0xFFFFE0C0  }
0x62: {  	[spmem:s4] =	stream.linear.scatter [tilespmem:s11], [sflag:$0x6], $0x1F40, $0x38;
	[tilespmem:$0x1CB28] =	vst v63  }
0x63: {  	_ =	swait.ge [sflag:s13], $0x1F40  }
0x64: {  	[sflag:s13] =	ssyncset.done $0x0  }
0x65: {  	s25 =	simm.s32 @p0 $0x3;
	[sflag:s13] =	ssyncadd.s32 $0xFFFFE0C0  }
0x66: {  	_ =	swait.ge @p0 [sflag:s25], $0x1F40  }
0x67: {  	[sflag:s25] =	ssyncset.done @p0 $0x0  }
0x68: {  	[sflag:s25] =	ssyncadd.s32 @p0 $0xFFFFE0C0;
	s25 =	simm.s32 @p0 $0x18A28  }
0x69: {  	[spmem:s5] =	stream.linear.scatter @p0 [tilespmem:s25], [sflag:$0x6], $0x1F40, $0x38;
	[tilespmem:$0x1CB28] =	vst v63  }
0x6a: {  	s26 =	simm.s32 @!p0 $0x1A968;
	s29 =	rddreg [dreg:$0xb];
	s25 =	simm.s32 @!p0 $0x0  }
0x6b: {  	[tilespmem:s26], [sflag:$0x4] =	stream.linear.gather @!p0 [hbm4b:s29+s25], $0x1F40, $0x38;
	[tilespmem:$0x1CB28] =	vst v63  }
0x6c: {  	s25 =	simm.s32 @!p0 $0x3  }
0x6d: {  	_ =	swait.ge @!p0 [sflag:s25], $0x1F40  }
0x6e: {  	[sflag:s25] =	ssyncset.done @!p0 $0x0  }
0x6f: {  	[sflag:s25] =	ssyncadd.s32 @!p0 $0xFFFFE0C0;
	s25 =	simm.s32 @!p0 $0x18A28  }
0x70: {  	[spmem:s5] =	stream.linear.scatter @!p0 [tilespmem:s25], [sflag:$0x6], $0x1F40, $0x38;
	[tilespmem:$0x1CB28] =	vst v63  }
0x71: {  	s25 =	simm.s32 @!p0 $0x6  }
0x72: {  	_ =	swait.ge @!p0 [sflag:s25], $0x1F40  }
0x73: {  	[sflag:s25] =	ssyncset.done @!p0 $0x0  }
0x74: {  	[sflag:s25] =	ssyncadd.s32 @!p0 $0xFFFFE0C0;
	s25 =	simm.s32 @!p0 $0x4  }
0x75: {  	_ =	swait.ge @!p0 [sflag:s25], $0x1F40  }
0x76: {  	[sflag:s25] =	ssyncset.done @!p0 $0x0  }
0x77: {  	[sflag:s25] =	ssyncadd.s32 @!p0 $0xFFFFE0C0  }
0x78: {  	[spmem:s6] =	stream.linear.scatter @!p0 [tilespmem:s26], [sflag:$0x6], $0x1F40, $0x38;
	[tilespmem:$0x1CB28] =	vst v63  }
0x79: {  	_ =	swait.ge [sflag:s13], $0x1F40  }
0x7a: {  	[sflag:s13] =	ssyncset.done $0x0  }
0x7b: {  	s26 =	simm.s32 $0x1C8A8;
	[sflag:s13] =	ssyncadd.s32 $0xFFFFE0C0  }
0x7c: {  	[tilespmem:s26], [sflag:$0x6] =	stream.linear.gather [hbm4b:s30+s1], $0x80, $0x38;
	[tilespmem:$0x1CB28] =	vst v63  }
0x7d: {  	_ =	swait.ge [sflag:s13], $0x80  }
0x7e: {  	[sflag:s13] =	ssyncset.done $0x0  }
0x7f: {  	[sflag:s13] =	ssyncadd.s32 $0xFFFFFF80  }
0x80: {  	[bflag:$0x0] =	sbarrier.arrive $0xFFFF  }
0x81: {  	v8 =	vld [tilespmem:$0x1C8A8];
	_ =	swait.ge [sflag:s15], $0x1900  }
0x82: {  	[sflag:s15] =	ssyncset.done $0x0  }
0x83: {  	[sflag:s15] =	ssyncadd.s32 $0xFFFFE700  }
0x84: {  	_ =	swait.ge [sflag:s15], $0x1900  }
0x85: {  	[sflag:s15] =	ssyncset.done $0x0  }
0x86: {  	[sflag:s15] =	ssyncadd.s32 $0xFFFFE700  }
0x87: {  	[tilespmem:s17], [sflag:$0x1] =	stream.indirect.gather [spmem:s28], $0x1, s8, s16, $0xb8;
	[tilespmem:$0x1CB28] =	vst v63  }
0x88: {  	s26 =	rddreg [dreg:$0xc]  }
0x89: {  	[tilespmem:s18], [sflag:$0x5] =	stream.linear.gather [hbm4b:s26+s1], $0x1900, $0x38;
	[tilespmem:$0x1CB28] =	vst v63  }
0x8a: {  	_ =	swait.ge [sflag:s15], $0x1900  }
0x8b: {  	[sflag:s15] =	ssyncset.done $0x0  }
0x8c: {  	s26 =	rddreg [dreg:$0xd];
	[sflag:s15] =	ssyncadd.s32 $0xFFFFE700  }
0x8d: {  	[tilespmem:s19], [sflag:$0x5] =	stream.linear.gather [hbm4b:s26+s1], $0x1900, $0x38;
	[tilespmem:$0x1CB28] =	vst v63  }
0x8e: {  	_ =	swait.ge [sflag:s15], $0x1900  }
0x8f: {  	[sflag:s15] =	ssyncset.done $0x0  }
0x90: {  	v9 =	vadd.s32 s1, v0;
	s26 =	simm.s32 $0x1;
	[sflag:s15] =	ssyncadd.s32 $0xFFFFE700  }
0x91: {  	[tilespmem:s20], [sflag:$0x2] =	stream.indirect.gather [spmem:s28], $0x1, s18, s16, $0xb8;
	[tilespmem:$0x1CB28] =	vst v63  }
0x92: {  	v10 =	vadd.s32 s26, v0;
	_ =	swait.ge [sflag:s21], $0x1900  }
0x93: {  	s26 =	simm.s32 $0x2;
	[sflag:s21] =	ssyncset.done $0x0  }
0x94: {  	v11 =	vadd.s32 s26, v0;
	[sflag:s21] =	ssyncadd.s32 $0xFFFFE700  }
0x95: {  	s26 =	simm.s32 $0x3;
	v12 =	vld.idx.msk [tilespmem:v9+s17+$0x0], $0xffff  }
0x96: {  	v13 =	vadd.s32 s26, v0;
	v9 =	vld.idx.msk [tilespmem:v9+s9+$0x0], $0xffff  }
0x97: {  	s26 =	simm.s32 $0x4;
	v14 =	vld.idx.msk [tilespmem:v10+s17+$0x0], $0xffff  }
0x98: {  	v15 =	vadd.s32 s26, v0;
	s26 =	simm.s32 $0x5;
	v10 =	vld.idx.msk [tilespmem:v10+s9+$0x0], $0xffff  }
0x99: {  	v16 =	vadd.s32 s26, v0;
	v17 =	vld.idx.msk [tilespmem:v11+s17+$0x0], $0xffff  }
0x9a: {  	v18 =	vld.idx.msk [tilespmem:v11+s9+$0x0], $0xffff  }
0x9b: {  	s26 =	simm.s32 $0x6;
	v19 =	vld.idx.msk [tilespmem:v13+s17+$0x0], $0xffff  }
0x9c: {  	v20 =	vadd.s32 s26, v0;
	v21 =	vld.idx.msk [tilespmem:v13+s9+$0x0], $0xffff;
	v9 =	vmul.f32 v9, v12  }
0x9d: {  	s26 =	simm.s32 $0x7;
	v23 =	vld.idx.msk [tilespmem:v15+s9+$0x0], $0xffff  }
0x9e: {  	v22 =	vadd.s32 s26, v0;
	v11 =	vld.idx.msk [tilespmem:v16+s17+$0x0], $0xffff;
	v10 =	vmul.f32 v10, v14;
	v9 =	vadd.f32 v9, v8  }
0x9f: {  	s26 =	simm.s32 $0x8;
	v12 =	vld.idx.msk [tilespmem:v15+s17+$0x0], $0xffff  }
0xa0: {  	v13 =	vadd.s32 s26, v0;
	v16 =	vld.idx.msk [tilespmem:v16+s9+$0x0], $0xffff;
	v15 =	vmul.f32 v18, v17;
	v9 =	vadd.f32 v10, v9  }
0xa1: {  	s26 =	simm.s32 $0x9;
	v14 =	vld.idx.msk [tilespmem:v20+s9+$0x0], $0xffff  }
0xa2: {  	v19 =	vmul.f32 v21, v19;
	v18 =	vadd.s32 s26, v0;
	v10 =	vld.idx.msk [tilespmem:v20+s17+$0x0], $0xffff;
	v20 =	vadd.f32 v15, v9  }
0xa3: {  	s25 =	simm.s32 $0xA;
	v9 =	vld.idx.msk [tilespmem:v22+s17+$0x0], $0xffff  }
0xa4: {  	v17 =	vadd.s32 s25, v0;
	v15 =	vld.idx.msk [tilespmem:v22+s9+$0x0], $0xffff;
	v19 =	vadd.f32 v19, v20;
	v20 =	vmul.f32 v23, v12  }
0xa5: {  	s29 =	simm.s32 $0xB;
	s26 =	simm.s32 $0xF;
	v12 =	vld.idx.msk [tilespmem:v13+s17+$0x0], $0xffff  }
.LBB2_2:
0xa6: {  	p1 =	slt.u32 s26, $0x5F;
	v21 =	vadd.s32 s29, v0;
	v11 =	vmul.f32 v16, v11;
	v22 =	vld.idx.msk [tilespmem:v13+s9+$0x0], $0xffff;
	v13 =	vadd.f32 v20, v19  }
0xa7: {  	s29 =	sadd.s32 $0x2, s25;
	v20 =	vld.idx.msk [tilespmem:v18+s17+$0x0], $0xffff  }
0xa8: {  	v19 =	vadd.s32 s29, v0;
	v10 =	vmul.f32 v14, v10;
	v23 =	vadd.f32 v11, v13;
	v24 =	vld.idx.msk [tilespmem:v18+s9+$0x0], $0xffff  }
0xa9: {  	s29 =	sadd.s32 $0x3, s25;
	v11 =	vld.idx.msk [tilespmem:v17+s17+$0x0], $0xffff  }
0xaa: {  	v13 =	vadd.s32 s29, v0;
	v9 =	vmul.f32 v15, v9;
	v16 =	vld.idx.msk [tilespmem:v17+s9+$0x0], $0xffff;
	v17 =	vadd.f32 v10, v23  }
.Ltmp0:
0xab: {  	s29 =	sadd.s32 $0x4, s25;
	s25 =	smov.u32 s26;
	v10 =	vld.idx.msk [tilespmem:v21+s17+$0x0], $0xffff;
	(pc) =	sbr.rel @p1 .LBB2_2-.Ltmp0, $4  }
0xac: {  	v18 =	vadd.s32 s29, v0;
	v12 =	vmul.f32 v22, v12;
	v14 =	vld.idx.msk [tilespmem:v21+s9+$0x0], $0xffff;
	v21 =	vadd.f32 v9, v17  }
0xad: {  	v9 =	vld.idx.msk [tilespmem:v19+s17+$0x0], $0xffff  }
0xae: {  	v17 =	vadd.s32 s26, v0;
	v20 =	vmul.f32 v24, v20;
	v15 =	vld.idx.msk [tilespmem:v19+s9+$0x0], $0xffff;
	v19 =	vadd.f32 v12, v21  }
0xaf: {  	s29 =	sadd.s32 $0x1, s25;
	s26 =	sadd.s32 $0x5, s26;
	v12 =	vld.idx.msk [tilespmem:v13+s17+$0x0], $0xffff  }
0xb0: {  	_ =	sdelay $0x2  }
0xb1: {  	v11 =	vmul.f32 v16, v11;
	v16 =	vadd.f32 v20, v19  }
0xb2: {  	v19 =	vadd.s32 s29, v0;
	v13 =	vld.idx.msk [tilespmem:v13+s9+$0x0], $0xffff  }
0xb3: {  	s26 =	sadd.s32 $0x2, s25;
	v20 =	vld.idx.msk [tilespmem:v18+s17+$0x0], $0xffff;
	v10 =	vmul.f32 v14, v10;
	v11 =	vadd.f32 v11, v16  }
0xb4: {  	v14 =	vadd.s32 s26, v0;
	v16 =	vld.idx.msk [tilespmem:v18+s9+$0x0], $0xffff  }
0xb5: {  	s26 =	sadd.s32 $0x3, s25;
	v18 =	vld.idx.msk [tilespmem:v17+s17+$0x0], $0xffff;
	v9 =	vmul.f32 v15, v9;
	v10 =	vadd.f32 v10, v11  }
0xb6: {  	v15 =	vadd.s32 s26, v0;
	v11 =	vld.idx.msk [tilespmem:v17+s9+$0x0], $0xffff  }
0xb7: {  	s26 =	sadd.s32 $0x4, s25;
	v17 =	vld.idx.msk [tilespmem:v19+s17+$0x0], $0xffff;
	v9 =	vadd.f32 v9, v10;
	v10 =	vmul.f32 v13, v12  }
0xb8: {  	v12 =	vld.idx.msk [tilespmem:v19+s9+$0x0], $0xffff;
	v13 =	vadd.s32 s26, v0  }
0xb9: {  	v19 =	vld.idx.msk [tilespmem:v14+s17+$0x0], $0xffff;
	v9 =	vadd.f32 v10, v9;
	v10 =	vmul.f32 v16, v20  }
0xba: {  	v14 =	vld.idx.msk [tilespmem:v14+s9+$0x0], $0xffff  }
0xbb: {  	v16 =	vld.idx.msk [tilespmem:v15+s17+$0x0], $0xffff;
	v11 =	vmul.f32 v11, v18;
	v9 =	vadd.f32 v10, v9  }
0xbc: {  	v10 =	vld.idx.msk [tilespmem:v15+s9+$0x0], $0xffff  }
0xbd: {  	v15 =	vld.idx.msk [tilespmem:v13+s17+$0x0], $0xffff;
	v9 =	vadd.f32 v11, v9;
	v11 =	vmul.f32 v12, v17  }
0xbe: {  	v12 =	vld.idx.msk [tilespmem:v13+s9+$0x0], $0xffff  }
0xbf: {  	v9 =	vadd.f32 v11, v9;
	v11 =	vmul.f32 v14, v19;
	_ =	sdelay $0x1  }
0xc0: {  	v10 =	vmul.f32 v10, v16;
	v9 =	vadd.f32 v11, v9  }
0xc1: {  	s26 =	simm.s32 $0x0  }
0xc2: {  	v11 =	vadd.s32 s26, v1;
	v9 =	vadd.f32 v10, v9;
	v10 =	vmul.f32 v12, v15  }
0xc3: {  	s26 =	simm.s32 $0x1  }
0xc4: {  	v9 =	vadd.f32 v10, v9;
	v10 =	vadd.s32 s26, v1  }
0xc5: {  	s26 =	simm.s32 $0x2  }
0xc6: {  	[tilespmem:$0x1C928] =	vst v9;
	v9 =	vadd.s32 s26, v1  }
0xc7: {  	s26 =	simm.s32 $0x3;
	v12 =	vld.idx.msk [tilespmem:v11+s17+$0x0], $0xffff  }
0xc8: {  	v11 =	vld.idx.msk [tilespmem:v11+s9+$0x0], $0xffff;
	v13 =	vadd.s32 s26, v1  }
0xc9: {  	s26 =	simm.s32 $0x4;
	v14 =	vld.idx.msk [tilespmem:v10+s17+$0x0], $0xffff  }
0xca: {  	v15 =	vadd.s32 s26, v1;
	v10 =	vld.idx.msk [tilespmem:v10+s9+$0x0], $0xffff  }
0xcb: {  	s26 =	simm.s32 $0x5;
	v17 =	vld.idx.msk [tilespmem:v9+s17+$0x0], $0xffff  }
0xcc: {  	v16 =	vadd.s32 s26, v1;
	v9 =	vld.idx.msk [tilespmem:v9+s9+$0x0], $0xffff  }
0xcd: {  	s26 =	simm.s32 $0x6;
	v18 =	vld.idx.msk [tilespmem:v13+s17+$0x0], $0xffff  }
0xce: {  	v19 =	vadd.s32 s26, v1;
	v20 =	vld.idx.msk [tilespmem:v13+s9+$0x0], $0xffff;
	v11 =	vmul.f32 v11, v12  }
0xcf: {  	s26 =	simm.s32 $0x7;
	v12 =	vld.idx.msk [tilespmem:v15+s17+$0x0], $0xffff  }
0xd0: {  	v21 =	vadd.s32 s26, v1;
	v22 =	vld.idx.msk [tilespmem:v15+s9+$0x0], $0xffff;
	v15 =	vadd.f32 v11, v8;
	v10 =	vmul.f32 v10, v14  }
0xd1: {  	s26 =	simm.s32 $0x8;
	v11 =	vld.idx.msk [tilespmem:v16+s17+$0x0], $0xffff  }
0xd2: {  	v13 =	vadd.s32 s26, v1;
	v16 =	vld.idx.msk [tilespmem:v16+s9+$0x0], $0xffff;
	v15 =	vadd.f32 v10, v15;
	v9 =	vmul.f32 v9, v17  }
0xd3: {  	s26 =	simm.s32 $0x9;
	v14 =	vld.idx.msk [tilespmem:v19+s9+$0x0], $0xffff  }
0xd4: {  	v10 =	vld.idx.msk [tilespmem:v19+s17+$0x0], $0xffff;
	v20 =	vmul.f32 v20, v18;
	v18 =	vadd.s32 s26, v1;
	v19 =	vadd.f32 v9, v15  }
0xd5: {  	s25 =	simm.s32 $0xA;
	v9 =	vld.idx.msk [tilespmem:v21+s17+$0x0], $0xffff  }
0xd6: {  	v17 =	vadd.s32 s25, v1;
	v15 =	vld.idx.msk [tilespmem:v21+s9+$0x0], $0xffff;
	v19 =	vadd.f32 v20, v19;
	v20 =	vmul.f32 v22, v12  }
0xd7: {  	s29 =	simm.s32 $0xB;
	s26 =	simm.s32 $0xF;
	v12 =	vld.idx.msk [tilespmem:v13+s17+$0x0], $0xffff  }
.LBB2_4:
0xd8: {  	p1 =	slt.u32 s26, $0x5F;
	v21 =	vadd.s32 s29, v1;
	v11 =	vmul.f32 v16, v11;
	v22 =	vld.idx.msk [tilespmem:v13+s9+$0x0], $0xffff;
	v13 =	vadd.f32 v20, v19  }
0xd9: {  	s29 =	sadd.s32 $0x2, s25;
	v20 =	vld.idx.msk [tilespmem:v18+s17+$0x0], $0xffff  }
0xda: {  	v19 =	vadd.s32 s29, v1;
	v10 =	vmul.f32 v14, v10;
	v23 =	vadd.f32 v11, v13;
	v24 =	vld.idx.msk [tilespmem:v18+s9+$0x0], $0xffff  }
0xdb: {  	s29 =	sadd.s32 $0x3, s25;
	v11 =	vld.idx.msk [tilespmem:v17+s17+$0x0], $0xffff  }
0xdc: {  	v13 =	vadd.s32 s29, v1;
	v9 =	vmul.f32 v15, v9;
	v16 =	vld.idx.msk [tilespmem:v17+s9+$0x0], $0xffff;
	v17 =	vadd.f32 v10, v23  }
.Ltmp1:
0xdd: {  	s29 =	sadd.s32 $0x4, s25;
	s25 =	smov.u32 s26;
	v10 =	vld.idx.msk [tilespmem:v21+s17+$0x0], $0xffff;
	(pc) =	sbr.rel @p1 .LBB2_4-.Ltmp1, $4  }
0xde: {  	v18 =	vadd.s32 s29, v1;
	v12 =	vmul.f32 v22, v12;
	v14 =	vld.idx.msk [tilespmem:v21+s9+$0x0], $0xffff;
	v21 =	vadd.f32 v9, v17  }
0xdf: {  	v9 =	vld.idx.msk [tilespmem:v19+s17+$0x0], $0xffff  }
0xe0: {  	v17 =	vadd.s32 s26, v1;
	v20 =	vmul.f32 v24, v20;
	v15 =	vld.idx.msk [tilespmem:v19+s9+$0x0], $0xffff;
	v19 =	vadd.f32 v12, v21  }
0xe1: {  	s29 =	sadd.s32 $0x1, s25;
	s26 =	sadd.s32 $0x5, s26;
	v12 =	vld.idx.msk [tilespmem:v13+s17+$0x0], $0xffff  }
0xe2: {  	_ =	sdelay $0x2  }
0xe3: {  	v11 =	vmul.f32 v16, v11;
	v16 =	vadd.f32 v20, v19  }
0xe4: {  	v19 =	vadd.s32 s29, v1;
	v13 =	vld.idx.msk [tilespmem:v13+s9+$0x0], $0xffff  }
0xe5: {  	s26 =	sadd.s32 $0x2, s25;
	v20 =	vld.idx.msk [tilespmem:v18+s17+$0x0], $0xffff;
	v10 =	vmul.f32 v14, v10;
	v11 =	vadd.f32 v11, v16  }
0xe6: {  	v14 =	vadd.s32 s26, v1;
	v16 =	vld.idx.msk [tilespmem:v18+s9+$0x0], $0xffff  }
0xe7: {  	s26 =	sadd.s32 $0x3, s25;
	v18 =	vld.idx.msk [tilespmem:v17+s17+$0x0], $0xffff;
	v9 =	vmul.f32 v15, v9;
	v10 =	vadd.f32 v10, v11  }
0xe8: {  	v15 =	vadd.s32 s26, v1;
	v11 =	vld.idx.msk [tilespmem:v17+s9+$0x0], $0xffff  }
0xe9: {  	s26 =	sadd.s32 $0x4, s25;
	v17 =	vld.idx.msk [tilespmem:v19+s17+$0x0], $0xffff;
	v9 =	vadd.f32 v9, v10;
	v10 =	vmul.f32 v13, v12  }
0xea: {  	v12 =	vld.idx.msk [tilespmem:v19+s9+$0x0], $0xffff;
	v13 =	vadd.s32 s26, v1  }
0xeb: {  	v19 =	vld.idx.msk [tilespmem:v14+s17+$0x0], $0xffff;
	v9 =	vadd.f32 v10, v9;
	v10 =	vmul.f32 v16, v20  }
0xec: {  	v14 =	vld.idx.msk [tilespmem:v14+s9+$0x0], $0xffff  }
0xed: {  	v16 =	vld.idx.msk [tilespmem:v15+s17+$0x0], $0xffff;
	v11 =	vmul.f32 v11, v18;
	v9 =	vadd.f32 v10, v9  }
0xee: {  	v10 =	vld.idx.msk [tilespmem:v15+s9+$0x0], $0xffff  }
0xef: {  	v15 =	vld.idx.msk [tilespmem:v13+s17+$0x0], $0xffff;
	v9 =	vadd.f32 v11, v9;
	v11 =	vmul.f32 v12, v17  }
0xf0: {  	v12 =	vld.idx.msk [tilespmem:v13+s9+$0x0], $0xffff  }
0xf1: {  	v9 =	vadd.f32 v11, v9;
	v11 =	vmul.f32 v14, v19;
	_ =	sdelay $0x1  }
0xf2: {  	v10 =	vmul.f32 v10, v16;
	v9 =	vadd.f32 v11, v9  }
0xf3: {  	s26 =	simm.s32 $0x0  }
0xf4: {  	v11 =	vadd.s32 s26, v2;
	v9 =	vadd.f32 v10, v9;
	v10 =	vmul.f32 v12, v15  }
0xf5: {  	s26 =	simm.s32 $0x1  }
0xf6: {  	v9 =	vadd.f32 v10, v9;
	v10 =	vadd.s32 s26, v2  }
0xf7: {  	s26 =	simm.s32 $0x2  }
0xf8: {  	[tilespmem:$0x1C938] =	vst v9;
	v9 =	vadd.s32 s26, v2  }
0xf9: {  	s26 =	simm.s32 $0x3;
	v12 =	vld.idx.msk [tilespmem:v11+s17+$0x0], $0xffff  }
0xfa: {  	v11 =	vld.idx.msk [tilespmem:v11+s9+$0x0], $0xffff;
	v13 =	vadd.s32 s26, v2  }
0xfb: {  	s26 =	simm.s32 $0x4;
	v14 =	vld.idx.msk [tilespmem:v10+s17+$0x0], $0xffff  }
0xfc: {  	v15 =	vadd.s32 s26, v2;
	v10 =	vld.idx.msk [tilespmem:v10+s9+$0x0], $0xffff  }
0xfd: {  	s26 =	simm.s32 $0x5;
	v17 =	vld.idx.msk [tilespmem:v9+s17+$0x0], $0xffff  }
0xfe: {  	v16 =	vadd.s32 s26, v2;
	v9 =	vld.idx.msk [tilespmem:v9+s9+$0x0], $0xffff  }
0xff: {  	s26 =	simm.s32 $0x6;
	v18 =	vld.idx.msk [tilespmem:v13+s17+$0x0], $0xffff  }
0x100: {  	v19 =	vadd.s32 s26, v2;
	v20 =	vld.idx.msk [tilespmem:v13+s9+$0x0], $0xffff;
	v11 =	vmul.f32 v11, v12  }
0x101: {  	s26 =	simm.s32 $0x7;
	v12 =	vld.idx.msk [tilespmem:v15+s17+$0x0], $0xffff  }
0x102: {  	v21 =	vadd.s32 s26, v2;
	v22 =	vld.idx.msk [tilespmem:v15+s9+$0x0], $0xffff;
	v15 =	vadd.f32 v11, v8;
	v10 =	vmul.f32 v10, v14  }
0x103: {  	s26 =	simm.s32 $0x8;
	v11 =	vld.idx.msk [tilespmem:v16+s17+$0x0], $0xffff  }
0x104: {  	v13 =	vadd.s32 s26, v2;
	v16 =	vld.idx.msk [tilespmem:v16+s9+$0x0], $0xffff;
	v15 =	vadd.f32 v10, v15;
	v9 =	vmul.f32 v9, v17  }
0x105: {  	s26 =	simm.s32 $0x9;
	v14 =	vld.idx.msk [tilespmem:v19+s9+$0x0], $0xffff  }
0x106: {  	v10 =	vld.idx.msk [tilespmem:v19+s17+$0x0], $0xffff;
	v20 =	vmul.f32 v20, v18;
	v18 =	vadd.s32 s26, v2;
	v19 =	vadd.f32 v9, v15  }
0x107: {  	s25 =	simm.s32 $0xA;
	v9 =	vld.idx.msk [tilespmem:v21+s17+$0x0], $0xffff  }
0x108: {  	v17 =	vadd.s32 s25, v2;
	v15 =	vld.idx.msk [tilespmem:v21+s9+$0x0], $0xffff;
	v19 =	vadd.f32 v20, v19;
	v20 =	vmul.f32 v22, v12  }
0x109: {  	s29 =	simm.s32 $0xB;
	s26 =	simm.s32 $0xF;
	v12 =	vld.idx.msk [tilespmem:v13+s17+$0x0], $0xffff  }
.LBB2_6:
0x10a: {  	p1 =	slt.u32 s26, $0x5F;
	v21 =	vadd.s32 s29, v2;
	v11 =	vmul.f32 v16, v11;
	v22 =	vld.idx.msk [tilespmem:v13+s9+$0x0], $0xffff;
	v13 =	vadd.f32 v20, v19  }
0x10b: {  	s29 =	sadd.s32 $0x2, s25;
	v20 =	vld.idx.msk [tilespmem:v18+s17+$0x0], $0xffff  }
0x10c: {  	v19 =	vadd.s32 s29, v2;
	v10 =	vmul.f32 v14, v10;
	v23 =	vadd.f32 v11, v13;
	v24 =	vld.idx.msk [tilespmem:v18+s9+$0x0], $0xffff  }
0x10d: {  	s29 =	sadd.s32 $0x3, s25;
	v11 =	vld.idx.msk [tilespmem:v17+s17+$0x0], $0xffff  }
0x10e: {  	v13 =	vadd.s32 s29, v2;
	v9 =	vmul.f32 v15, v9;
	v16 =	vld.idx.msk [tilespmem:v17+s9+$0x0], $0xffff;
	v17 =	vadd.f32 v10, v23  }
.Ltmp2:
0x10f: {  	s29 =	sadd.s32 $0x4, s25;
	s25 =	smov.u32 s26;
	v10 =	vld.idx.msk [tilespmem:v21+s17+$0x0], $0xffff;
	(pc) =	sbr.rel @p1 .LBB2_6-.Ltmp2, $4  }
0x110: {  	v18 =	vadd.s32 s29, v2;
	v12 =	vmul.f32 v22, v12;
	v14 =	vld.idx.msk [tilespmem:v21+s9+$0x0], $0xffff;
	v21 =	vadd.f32 v9, v17  }
0x111: {  	v9 =	vld.idx.msk [tilespmem:v19+s17+$0x0], $0xffff  }
0x112: {  	v17 =	vadd.s32 s26, v2;
	v20 =	vmul.f32 v24, v20;
	v15 =	vld.idx.msk [tilespmem:v19+s9+$0x0], $0xffff;
	v19 =	vadd.f32 v12, v21  }
0x113: {  	s29 =	sadd.s32 $0x1, s25;
	s26 =	sadd.s32 $0x5, s26;
	v12 =	vld.idx.msk [tilespmem:v13+s17+$0x0], $0xffff  }
0x114: {  	_ =	sdelay $0x2  }
0x115: {  	v11 =	vmul.f32 v16, v11;
	v16 =	vadd.f32 v20, v19  }
0x116: {  	v19 =	vadd.s32 s29, v2;
	v13 =	vld.idx.msk [tilespmem:v13+s9+$0x0], $0xffff  }
0x117: {  	s26 =	sadd.s32 $0x2, s25;
	v20 =	vld.idx.msk [tilespmem:v18+s17+$0x0], $0xffff;
	v10 =	vmul.f32 v14, v10;
	v11 =	vadd.f32 v11, v16  }
0x118: {  	v14 =	vadd.s32 s26, v2;
	v16 =	vld.idx.msk [tilespmem:v18+s9+$0x0], $0xffff  }
0x119: {  	s26 =	sadd.s32 $0x3, s25;
	v18 =	vld.idx.msk [tilespmem:v17+s17+$0x0], $0xffff;
	v9 =	vmul.f32 v15, v9;
	v10 =	vadd.f32 v10, v11  }
0x11a: {  	v15 =	vadd.s32 s26, v2;
	v11 =	vld.idx.msk [tilespmem:v17+s9+$0x0], $0xffff  }
0x11b: {  	s26 =	sadd.s32 $0x4, s25;
	v17 =	vld.idx.msk [tilespmem:v19+s17+$0x0], $0xffff;
	v9 =	vadd.f32 v9, v10;
	v10 =	vmul.f32 v13, v12  }
0x11c: {  	v12 =	vld.idx.msk [tilespmem:v19+s9+$0x0], $0xffff;
	v13 =	vadd.s32 s26, v2  }
0x11d: {  	v19 =	vld.idx.msk [tilespmem:v14+s17+$0x0], $0xffff;
	v9 =	vadd.f32 v10, v9;
	v10 =	vmul.f32 v16, v20  }
0x11e: {  	v14 =	vld.idx.msk [tilespmem:v14+s9+$0x0], $0xffff  }
0x11f: {  	v16 =	vld.idx.msk [tilespmem:v15+s17+$0x0], $0xffff;
	v11 =	vmul.f32 v11, v18;
	v9 =	vadd.f32 v10, v9  }
0x120: {  	v10 =	vld.idx.msk [tilespmem:v15+s9+$0x0], $0xffff  }
0x121: {  	v15 =	vld.idx.msk [tilespmem:v13+s17+$0x0], $0xffff;
	v9 =	vadd.f32 v11, v9;
	v11 =	vmul.f32 v12, v17  }
0x122: {  	v12 =	vld.idx.msk [tilespmem:v13+s9+$0x0], $0xffff  }
0x123: {  	v9 =	vadd.f32 v11, v9;
	v11 =	vmul.f32 v14, v19;
	_ =	sdelay $0x1  }
0x124: {  	v10 =	vmul.f32 v10, v16;
	v9 =	vadd.f32 v11, v9  }
0x125: {  	s26 =	simm.s32 $0x0  }
0x126: {  	v11 =	vadd.s32 s26, v3;
	v9 =	vadd.f32 v10, v9;
	v10 =	vmul.f32 v12, v15  }
0x127: {  	s26 =	simm.s32 $0x1  }
0x128: {  	v9 =	vadd.f32 v10, v9;
	v10 =	vadd.s32 s26, v3  }
0x129: {  	s26 =	simm.s32 $0x2  }
0x12a: {  	[tilespmem:$0x1C948] =	vst v9;
	v9 =	vadd.s32 s26, v3  }
0x12b: {  	s26 =	simm.s32 $0x3;
	v12 =	vld.idx.msk [tilespmem:v11+s17+$0x0], $0xffff  }
0x12c: {  	v11 =	vld.idx.msk [tilespmem:v11+s9+$0x0], $0xffff;
	v13 =	vadd.s32 s26, v3  }
0x12d: {  	s26 =	simm.s32 $0x4;
	v14 =	vld.idx.msk [tilespmem:v10+s17+$0x0], $0xffff  }
0x12e: {  	v15 =	vadd.s32 s26, v3;
	v10 =	vld.idx.msk [tilespmem:v10+s9+$0x0], $0xffff  }
0x12f: {  	s26 =	simm.s32 $0x5;
	v17 =	vld.idx.msk [tilespmem:v9+s17+$0x0], $0xffff  }
0x130: {  	v16 =	vadd.s32 s26, v3;
	v9 =	vld.idx.msk [tilespmem:v9+s9+$0x0], $0xffff  }
0x131: {  	s26 =	simm.s32 $0x6;
	v18 =	vld.idx.msk [tilespmem:v13+s17+$0x0], $0xffff  }
0x132: {  	v19 =	vadd.s32 s26, v3;
	v20 =	vld.idx.msk [tilespmem:v13+s9+$0x0], $0xffff;
	v11 =	vmul.f32 v11, v12  }
0x133: {  	s26 =	simm.s32 $0x7;
	v12 =	vld.idx.msk [tilespmem:v15+s17+$0x0], $0xffff  }
0x134: {  	v21 =	vadd.s32 s26, v3;
	v22 =	vld.idx.msk [tilespmem:v15+s9+$0x0], $0xffff;
	v15 =	vadd.f32 v11, v8;
	v10 =	vmul.f32 v10, v14  }
0x135: {  	s26 =	simm.s32 $0x8;
	v11 =	vld.idx.msk [tilespmem:v16+s17+$0x0], $0xffff  }
0x136: {  	v13 =	vadd.s32 s26, v3;
	v16 =	vld.idx.msk [tilespmem:v16+s9+$0x0], $0xffff;
	v15 =	vadd.f32 v10, v15;
	v9 =	vmul.f32 v9, v17  }
0x137: {  	s26 =	simm.s32 $0x9;
	v14 =	vld.idx.msk [tilespmem:v19+s9+$0x0], $0xffff  }
0x138: {  	v10 =	vld.idx.msk [tilespmem:v19+s17+$0x0], $0xffff;
	v20 =	vmul.f32 v20, v18;
	v18 =	vadd.s32 s26, v3;
	v19 =	vadd.f32 v9, v15  }
0x139: {  	s25 =	simm.s32 $0xA;
	v9 =	vld.idx.msk [tilespmem:v21+s17+$0x0], $0xffff  }
0x13a: {  	v17 =	vadd.s32 s25, v3;
	v15 =	vld.idx.msk [tilespmem:v21+s9+$0x0], $0xffff;
	v19 =	vadd.f32 v20, v19;
	v20 =	vmul.f32 v22, v12  }
0x13b: {  	s29 =	simm.s32 $0xB;
	s26 =	simm.s32 $0xF;
	v12 =	vld.idx.msk [tilespmem:v13+s17+$0x0], $0xffff  }
.LBB2_8:
0x13c: {  	p1 =	slt.u32 s26, $0x5F;
	v21 =	vadd.s32 s29, v3;
	v11 =	vmul.f32 v16, v11;
	v22 =	vld.idx.msk [tilespmem:v13+s9+$0x0], $0xffff;
	v13 =	vadd.f32 v20, v19  }
0x13d: {  	s29 =	sadd.s32 $0x2, s25;
	v20 =	vld.idx.msk [tilespmem:v18+s17+$0x0], $0xffff  }
0x13e: {  	v19 =	vadd.s32 s29, v3;
	v10 =	vmul.f32 v14, v10;
	v23 =	vadd.f32 v11, v13;
	v24 =	vld.idx.msk [tilespmem:v18+s9+$0x0], $0xffff  }
0x13f: {  	s29 =	sadd.s32 $0x3, s25;
	v11 =	vld.idx.msk [tilespmem:v17+s17+$0x0], $0xffff  }
0x140: {  	v13 =	vadd.s32 s29, v3;
	v9 =	vmul.f32 v15, v9;
	v16 =	vld.idx.msk [tilespmem:v17+s9+$0x0], $0xffff;
	v17 =	vadd.f32 v10, v23  }
.Ltmp3:
0x141: {  	s29 =	sadd.s32 $0x4, s25;
	s25 =	smov.u32 s26;
	v10 =	vld.idx.msk [tilespmem:v21+s17+$0x0], $0xffff;
	(pc) =	sbr.rel @p1 .LBB2_8-.Ltmp3, $4  }
0x142: {  	v18 =	vadd.s32 s29, v3;
	v12 =	vmul.f32 v22, v12;
	v14 =	vld.idx.msk [tilespmem:v21+s9+$0x0], $0xffff;
	v21 =	vadd.f32 v9, v17  }
0x143: {  	v9 =	vld.idx.msk [tilespmem:v19+s17+$0x0], $0xffff  }
0x144: {  	v17 =	vadd.s32 s26, v3;
	v20 =	vmul.f32 v24, v20;
	v15 =	vld.idx.msk [tilespmem:v19+s9+$0x0], $0xffff;
	v19 =	vadd.f32 v12, v21  }
0x145: {  	s29 =	sadd.s32 $0x1, s25;
	s26 =	sadd.s32 $0x5, s26;
	v12 =	vld.idx.msk [tilespmem:v13+s17+$0x0], $0xffff  }
0x146: {  	_ =	sdelay $0x2  }
0x147: {  	v11 =	vmul.f32 v16, v11;
	v16 =	vadd.f32 v20, v19  }
0x148: {  	v19 =	vadd.s32 s29, v3;
	v13 =	vld.idx.msk [tilespmem:v13+s9+$0x0], $0xffff  }
0x149: {  	s26 =	sadd.s32 $0x2, s25;
	v20 =	vld.idx.msk [tilespmem:v18+s17+$0x0], $0xffff;
	v10 =	vmul.f32 v14, v10;
	v11 =	vadd.f32 v11, v16  }
0x14a: {  	v14 =	vadd.s32 s26, v3;
	v16 =	vld.idx.msk [tilespmem:v18+s9+$0x0], $0xffff  }
0x14b: {  	s26 =	sadd.s32 $0x3, s25;
	v18 =	vld.idx.msk [tilespmem:v17+s17+$0x0], $0xffff;
	v9 =	vmul.f32 v15, v9;
	v10 =	vadd.f32 v10, v11  }
0x14c: {  	v15 =	vadd.s32 s26, v3;
	v11 =	vld.idx.msk [tilespmem:v17+s9+$0x0], $0xffff  }
0x14d: {  	s26 =	sadd.s32 $0x4, s25;
	v17 =	vld.idx.msk [tilespmem:v19+s17+$0x0], $0xffff;
	v9 =	vadd.f32 v9, v10;
	v10 =	vmul.f32 v13, v12  }
0x14e: {  	v12 =	vld.idx.msk [tilespmem:v19+s9+$0x0], $0xffff;
	v13 =	vadd.s32 s26, v3  }
0x14f: {  	v19 =	vld.idx.msk [tilespmem:v14+s17+$0x0], $0xffff;
	v9 =	vadd.f32 v10, v9;
	v10 =	vmul.f32 v16, v20  }
0x150: {  	v14 =	vld.idx.msk [tilespmem:v14+s9+$0x0], $0xffff  }
0x151: {  	v16 =	vld.idx.msk [tilespmem:v15+s17+$0x0], $0xffff;
	v11 =	vmul.f32 v11, v18;
	v9 =	vadd.f32 v10, v9  }
0x152: {  	v10 =	vld.idx.msk [tilespmem:v15+s9+$0x0], $0xffff  }
0x153: {  	v15 =	vld.idx.msk [tilespmem:v13+s17+$0x0], $0xffff;
	v9 =	vadd.f32 v11, v9;
	v11 =	vmul.f32 v12, v17  }
0x154: {  	v12 =	vld.idx.msk [tilespmem:v13+s9+$0x0], $0xffff  }
0x155: {  	v9 =	vadd.f32 v11, v9;
	v11 =	vmul.f32 v14, v19;
	_ =	sdelay $0x1  }
0x156: {  	v10 =	vmul.f32 v10, v16;
	v9 =	vadd.f32 v11, v9;
	_ =	sdelay $0x1  }
0x157: {  	v9 =	vadd.f32 v10, v9;
	v10 =	vmul.f32 v12, v15;
	_ =	sdelay $0x1  }
0x158: {  	v9 =	vadd.f32 v10, v9;
	_ =	sdelay $0x1  }
0x159: {  	s25 =	simm.s32 $0x0;
	s26 =	rddreg [dreg:$0xe];
	[tilespmem:$0x1C958] =	vst v9  }
0x15a: {  	[tilespmem:s8], [sflag:$0x5] =	stream.linear.gather [hbm4b:s26+s25], $0x1900, $0x38;
	[tilespmem:$0x1CB28] =	vst v63  }
0x15b: {  	_ =	swait.ge [sflag:s15], $0x1900  }
0x15c: {  	[sflag:s15] =	ssyncset.done $0x0  }
0x15d: {  	s26 =	rddreg [dreg:$0xf];
	[sflag:s15] =	ssyncadd.s32 $0xFFFFE700  }
0x15e: {  	[tilespmem:s9], [sflag:$0x5] =	stream.linear.gather [hbm4b:s26+s25], $0x1900, $0x38;
	[tilespmem:$0x1CB28] =	vst v63  }
0x15f: {  	_ =	swait.ge [sflag:s15], $0x1900  }
0x160: {  	[sflag:s15] =	ssyncset.done $0x0  }
0x161: {  	v9 =	vadd.s32 s25, v4;
	s26 =	simm.s32 $0x1;
	[sflag:s15] =	ssyncadd.s32 $0xFFFFE700  }
0x162: {  	[tilespmem:s17], [sflag:$0x1] =	stream.indirect.gather [spmem:s28], $0x1, s8, s16, $0xb8;
	[tilespmem:$0x1CB28] =	vst v63  }
0x163: {  	v10 =	vadd.s32 s26, v4;
	_ =	swait.ge [sflag:s22], $0x1900  }
0x164: {  	s26 =	simm.s32 $0x2;
	[sflag:s22] =	ssyncset.done $0x0  }
0x165: {  	v11 =	vadd.s32 s26, v4;
	[sflag:s22] =	ssyncadd.s32 $0xFFFFE700  }
0x166: {  	s26 =	simm.s32 $0x3;
	v12 =	vld.idx.msk [tilespmem:v9+s17+$0x0], $0xffff  }
0x167: {  	v13 =	vadd.s32 s26, v4;
	v9 =	vld.idx.msk [tilespmem:v9+s9+$0x0], $0xffff  }
0x168: {  	s26 =	simm.s32 $0x4;
	v14 =	vld.idx.msk [tilespmem:v10+s17+$0x0], $0xffff  }
0x169: {  	v15 =	vadd.s32 s26, v4;
	s26 =	simm.s32 $0x5;
	v10 =	vld.idx.msk [tilespmem:v10+s9+$0x0], $0xffff  }
0x16a: {  	v16 =	vadd.s32 s26, v4;
	v17 =	vld.idx.msk [tilespmem:v11+s17+$0x0], $0xffff  }
0x16b: {  	v18 =	vld.idx.msk [tilespmem:v11+s9+$0x0], $0xffff  }
0x16c: {  	s26 =	simm.s32 $0x6;
	v19 =	vld.idx.msk [tilespmem:v13+s17+$0x0], $0xffff  }
0x16d: {  	v20 =	vadd.s32 s26, v4;
	v21 =	vld.idx.msk [tilespmem:v13+s9+$0x0], $0xffff;
	v9 =	vmul.f32 v9, v12  }
0x16e: {  	s26 =	simm.s32 $0x7;
	v23 =	vld.idx.msk [tilespmem:v15+s9+$0x0], $0xffff  }
0x16f: {  	v22 =	vadd.s32 s26, v4;
	v11 =	vld.idx.msk [tilespmem:v16+s17+$0x0], $0xffff;
	v10 =	vmul.f32 v10, v14;
	v9 =	vadd.f32 v9, v8  }
0x170: {  	s26 =	simm.s32 $0x8;
	v12 =	vld.idx.msk [tilespmem:v15+s17+$0x0], $0xffff  }
0x171: {  	v13 =	vadd.s32 s26, v4;
	v16 =	vld.idx.msk [tilespmem:v16+s9+$0x0], $0xffff;
	v15 =	vmul.f32 v18, v17;
	v9 =	vadd.f32 v10, v9  }
0x172: {  	s26 =	simm.s32 $0x9;
	v14 =	vld.idx.msk [tilespmem:v20+s9+$0x0], $0xffff  }
0x173: {  	v19 =	vmul.f32 v21, v19;
	v18 =	vadd.s32 s26, v4;
	v10 =	vld.idx.msk [tilespmem:v20+s17+$0x0], $0xffff;
	v20 =	vadd.f32 v15, v9  }
0x174: {  	s25 =	simm.s32 $0xA;
	v9 =	vld.idx.msk [tilespmem:v22+s17+$0x0], $0xffff  }
0x175: {  	v17 =	vadd.s32 s25, v4;
	v15 =	vld.idx.msk [tilespmem:v22+s9+$0x0], $0xffff;
	v19 =	vadd.f32 v19, v20;
	v20 =	vmul.f32 v23, v12  }
0x176: {  	s29 =	simm.s32 $0xB;
	s26 =	simm.s32 $0xF;
	v12 =	vld.idx.msk [tilespmem:v13+s17+$0x0], $0xffff  }
.LBB2_10:
0x177: {  	p1 =	slt.u32 s26, $0x5F;
	v21 =	vadd.s32 s29, v4;
	v11 =	vmul.f32 v16, v11;
	v22 =	vld.idx.msk [tilespmem:v13+s9+$0x0], $0xffff;
	v13 =	vadd.f32 v20, v19  }
0x178: {  	s29 =	sadd.s32 $0x2, s25;
	v20 =	vld.idx.msk [tilespmem:v18+s17+$0x0], $0xffff  }
0x179: {  	v19 =	vadd.s32 s29, v4;
	v10 =	vmul.f32 v14, v10;
	v23 =	vadd.f32 v11, v13;
	v24 =	vld.idx.msk [tilespmem:v18+s9+$0x0], $0xffff  }
0x17a: {  	s29 =	sadd.s32 $0x3, s25;
	v11 =	vld.idx.msk [tilespmem:v17+s17+$0x0], $0xffff  }
0x17b: {  	v13 =	vadd.s32 s29, v4;
	v9 =	vmul.f32 v15, v9;
	v16 =	vld.idx.msk [tilespmem:v17+s9+$0x0], $0xffff;
	v17 =	vadd.f32 v10, v23  }
.Ltmp4:
0x17c: {  	s29 =	sadd.s32 $0x4, s25;
	s25 =	smov.u32 s26;
	v10 =	vld.idx.msk [tilespmem:v21+s17+$0x0], $0xffff;
	(pc) =	sbr.rel @p1 .LBB2_10-.Ltmp4, $4  }
0x17d: {  	v18 =	vadd.s32 s29, v4;
	v12 =	vmul.f32 v22, v12;
	v14 =	vld.idx.msk [tilespmem:v21+s9+$0x0], $0xffff;
	v21 =	vadd.f32 v9, v17  }
0x17e: {  	v9 =	vld.idx.msk [tilespmem:v19+s17+$0x0], $0xffff  }
0x17f: {  	v17 =	vadd.s32 s26, v4;
	v20 =	vmul.f32 v24, v20;
	v15 =	vld.idx.msk [tilespmem:v19+s9+$0x0], $0xffff;
	v19 =	vadd.f32 v12, v21  }
0x180: {  	s29 =	sadd.s32 $0x1, s25;
	s26 =	sadd.s32 $0x5, s26;
	v12 =	vld.idx.msk [tilespmem:v13+s17+$0x0], $0xffff  }
0x181: {  	_ =	sdelay $0x2  }
0x182: {  	v11 =	vmul.f32 v16, v11;
	v16 =	vadd.f32 v20, v19  }
0x183: {  	v19 =	vadd.s32 s29, v4;
	v13 =	vld.idx.msk [tilespmem:v13+s9+$0x0], $0xffff  }
0x184: {  	s26 =	sadd.s32 $0x2, s25;
	v20 =	vld.idx.msk [tilespmem:v18+s17+$0x0], $0xffff;
	v10 =	vmul.f32 v14, v10;
	v11 =	vadd.f32 v11, v16  }
0x185: {  	v14 =	vadd.s32 s26, v4;
	v16 =	vld.idx.msk [tilespmem:v18+s9+$0x0], $0xffff  }
0x186: {  	s26 =	sadd.s32 $0x3, s25;
	v18 =	vld.idx.msk [tilespmem:v17+s17+$0x0], $0xffff;
	v9 =	vmul.f32 v15, v9;
	v10 =	vadd.f32 v10, v11  }
0x187: {  	v15 =	vadd.s32 s26, v4;
	v11 =	vld.idx.msk [tilespmem:v17+s9+$0x0], $0xffff  }
0x188: {  	s26 =	sadd.s32 $0x4, s25;
	v17 =	vld.idx.msk [tilespmem:v19+s17+$0x0], $0xffff;
	v9 =	vadd.f32 v9, v10;
	v10 =	vmul.f32 v13, v12  }
0x189: {  	v12 =	vld.idx.msk [tilespmem:v19+s9+$0x0], $0xffff;
	v13 =	vadd.s32 s26, v4  }
0x18a: {  	v19 =	vld.idx.msk [tilespmem:v14+s17+$0x0], $0xffff;
	v9 =	vadd.f32 v10, v9;
	v10 =	vmul.f32 v16, v20  }
0x18b: {  	v14 =	vld.idx.msk [tilespmem:v14+s9+$0x0], $0xffff  }
0x18c: {  	v16 =	vld.idx.msk [tilespmem:v15+s17+$0x0], $0xffff;
	v11 =	vmul.f32 v11, v18;
	v9 =	vadd.f32 v10, v9  }
0x18d: {  	v10 =	vld.idx.msk [tilespmem:v15+s9+$0x0], $0xffff  }
0x18e: {  	v15 =	vld.idx.msk [tilespmem:v13+s17+$0x0], $0xffff;
	v9 =	vadd.f32 v11, v9;
	v11 =	vmul.f32 v12, v17  }
0x18f: {  	v12 =	vld.idx.msk [tilespmem:v13+s9+$0x0], $0xffff  }
0x190: {  	v9 =	vadd.f32 v11, v9;
	v11 =	vmul.f32 v14, v19;
	_ =	sdelay $0x1  }
0x191: {  	v10 =	vmul.f32 v10, v16;
	v9 =	vadd.f32 v11, v9  }
0x192: {  	s26 =	simm.s32 $0x0  }
0x193: {  	v11 =	vadd.s32 s26, v5;
	v9 =	vadd.f32 v10, v9;
	v10 =	vmul.f32 v12, v15  }
0x194: {  	s26 =	simm.s32 $0x1  }
0x195: {  	v9 =	vadd.f32 v10, v9;
	v10 =	vadd.s32 s26, v5  }
0x196: {  	s26 =	simm.s32 $0x2  }
0x197: {  	[tilespmem:$0x1C968] =	vst v9;
	v9 =	vadd.s32 s26, v5  }
0x198: {  	s26 =	simm.s32 $0x3;
	v12 =	vld.idx.msk [tilespmem:v11+s17+$0x0], $0xffff  }
0x199: {  	v11 =	vld.idx.msk [tilespmem:v11+s9+$0x0], $0xffff;
	v13 =	vadd.s32 s26, v5  }
0x19a: {  	s26 =	simm.s32 $0x4;
	v14 =	vld.idx.msk [tilespmem:v10+s17+$0x0], $0xffff  }
0x19b: {  	v15 =	vadd.s32 s26, v5;
	v10 =	vld.idx.msk [tilespmem:v10+s9+$0x0], $0xffff  }
0x19c: {  	s26 =	simm.s32 $0x5;
	v17 =	vld.idx.msk [tilespmem:v9+s17+$0x0], $0xffff  }
0x19d: {  	v16 =	vadd.s32 s26, v5;
	v9 =	vld.idx.msk [tilespmem:v9+s9+$0x0], $0xffff  }
0x19e: {  	s26 =	simm.s32 $0x6;
	v18 =	vld.idx.msk [tilespmem:v13+s17+$0x0], $0xffff  }
0x19f: {  	v19 =	vadd.s32 s26, v5;
	v20 =	vld.idx.msk [tilespmem:v13+s9+$0x0], $0xffff;
	v11 =	vmul.f32 v11, v12  }
0x1a0: {  	s26 =	simm.s32 $0x7;
	v12 =	vld.idx.msk [tilespmem:v15+s17+$0x0], $0xffff  }
0x1a1: {  	v21 =	vadd.s32 s26, v5;
	v22 =	vld.idx.msk [tilespmem:v15+s9+$0x0], $0xffff;
	v15 =	vadd.f32 v11, v8;
	v10 =	vmul.f32 v10, v14  }
0x1a2: {  	s26 =	simm.s32 $0x8;
	v11 =	vld.idx.msk [tilespmem:v16+s17+$0x0], $0xffff  }
0x1a3: {  	v13 =	vadd.s32 s26, v5;
	v16 =	vld.idx.msk [tilespmem:v16+s9+$0x0], $0xffff;
	v15 =	vadd.f32 v10, v15;
	v9 =	vmul.f32 v9, v17  }
0x1a4: {  	s26 =	simm.s32 $0x9;
	v14 =	vld.idx.msk [tilespmem:v19+s9+$0x0], $0xffff  }
0x1a5: {  	v10 =	vld.idx.msk [tilespmem:v19+s17+$0x0], $0xffff;
	v20 =	vmul.f32 v20, v18;
	v18 =	vadd.s32 s26, v5;
	v19 =	vadd.f32 v9, v15  }
0x1a6: {  	s25 =	simm.s32 $0xA;
	v9 =	vld.idx.msk [tilespmem:v21+s17+$0x0], $0xffff  }
0x1a7: {  	v17 =	vadd.s32 s25, v5;
	v15 =	vld.idx.msk [tilespmem:v21+s9+$0x0], $0xffff;
	v19 =	vadd.f32 v20, v19;
	v20 =	vmul.f32 v22, v12  }
0x1a8: {  	s29 =	simm.s32 $0xB;
	s26 =	simm.s32 $0xF;
	v12 =	vld.idx.msk [tilespmem:v13+s17+$0x0], $0xffff  }
.LBB2_12:
0x1a9: {  	p1 =	slt.u32 s26, $0x5F;
	v21 =	vadd.s32 s29, v5;
	v11 =	vmul.f32 v16, v11;
	v22 =	vld.idx.msk [tilespmem:v13+s9+$0x0], $0xffff;
	v13 =	vadd.f32 v20, v19  }
0x1aa: {  	s29 =	sadd.s32 $0x2, s25;
	v20 =	vld.idx.msk [tilespmem:v18+s17+$0x0], $0xffff  }
0x1ab: {  	v19 =	vadd.s32 s29, v5;
	v10 =	vmul.f32 v14, v10;
	v23 =	vadd.f32 v11, v13;
	v24 =	vld.idx.msk [tilespmem:v18+s9+$0x0], $0xffff  }
0x1ac: {  	s29 =	sadd.s32 $0x3, s25;
	v11 =	vld.idx.msk [tilespmem:v17+s17+$0x0], $0xffff  }
0x1ad: {  	v13 =	vadd.s32 s29, v5;
	v9 =	vmul.f32 v15, v9;
	v16 =	vld.idx.msk [tilespmem:v17+s9+$0x0], $0xffff;
	v17 =	vadd.f32 v10, v23  }
.Ltmp5:
0x1ae: {  	s29 =	sadd.s32 $0x4, s25;
	s25 =	smov.u32 s26;
	v10 =	vld.idx.msk [tilespmem:v21+s17+$0x0], $0xffff;
	(pc) =	sbr.rel @p1 .LBB2_12-.Ltmp5, $4  }
0x1af: {  	v18 =	vadd.s32 s29, v5;
	v12 =	vmul.f32 v22, v12;
	v14 =	vld.idx.msk [tilespmem:v21+s9+$0x0], $0xffff;
	v21 =	vadd.f32 v9, v17  }
0x1b0: {  	v9 =	vld.idx.msk [tilespmem:v19+s17+$0x0], $0xffff  }
0x1b1: {  	v17 =	vadd.s32 s26, v5;
	v20 =	vmul.f32 v24, v20;
	v15 =	vld.idx.msk [tilespmem:v19+s9+$0x0], $0xffff;
	v19 =	vadd.f32 v12, v21  }
0x1b2: {  	s29 =	sadd.s32 $0x1, s25;
	s26 =	sadd.s32 $0x5, s26;
	v12 =	vld.idx.msk [tilespmem:v13+s17+$0x0], $0xffff  }
0x1b3: {  	_ =	sdelay $0x2  }
0x1b4: {  	v11 =	vmul.f32 v16, v11;
	v16 =	vadd.f32 v20, v19  }
0x1b5: {  	v19 =	vadd.s32 s29, v5;
	v13 =	vld.idx.msk [tilespmem:v13+s9+$0x0], $0xffff  }
0x1b6: {  	s26 =	sadd.s32 $0x2, s25;
	v20 =	vld.idx.msk [tilespmem:v18+s17+$0x0], $0xffff;
	v10 =	vmul.f32 v14, v10;
	v11 =	vadd.f32 v11, v16  }
0x1b7: {  	v14 =	vadd.s32 s26, v5;
	v16 =	vld.idx.msk [tilespmem:v18+s9+$0x0], $0xffff  }
0x1b8: {  	s26 =	sadd.s32 $0x3, s25;
	v18 =	vld.idx.msk [tilespmem:v17+s17+$0x0], $0xffff;
	v9 =	vmul.f32 v15, v9;
	v10 =	vadd.f32 v10, v11  }
0x1b9: {  	v15 =	vadd.s32 s26, v5;
	v11 =	vld.idx.msk [tilespmem:v17+s9+$0x0], $0xffff  }
0x1ba: {  	s26 =	sadd.s32 $0x4, s25;
	v17 =	vld.idx.msk [tilespmem:v19+s17+$0x0], $0xffff;
	v9 =	vadd.f32 v9, v10;
	v10 =	vmul.f32 v13, v12  }
0x1bb: {  	v12 =	vld.idx.msk [tilespmem:v19+s9+$0x0], $0xffff;
	v13 =	vadd.s32 s26, v5  }
0x1bc: {  	v19 =	vld.idx.msk [tilespmem:v14+s17+$0x0], $0xffff;
	v9 =	vadd.f32 v10, v9;
	v10 =	vmul.f32 v16, v20  }
0x1bd: {  	v14 =	vld.idx.msk [tilespmem:v14+s9+$0x0], $0xffff  }
0x1be: {  	v16 =	vld.idx.msk [tilespmem:v15+s17+$0x0], $0xffff;
	v11 =	vmul.f32 v11, v18;
	v9 =	vadd.f32 v10, v9  }
0x1bf: {  	v10 =	vld.idx.msk [tilespmem:v15+s9+$0x0], $0xffff  }
0x1c0: {  	v15 =	vld.idx.msk [tilespmem:v13+s17+$0x0], $0xffff;
	v9 =	vadd.f32 v11, v9;
	v11 =	vmul.f32 v12, v17  }
0x1c1: {  	v12 =	vld.idx.msk [tilespmem:v13+s9+$0x0], $0xffff  }
0x1c2: {  	v9 =	vadd.f32 v11, v9;
	v11 =	vmul.f32 v14, v19;
	_ =	sdelay $0x1  }
0x1c3: {  	v10 =	vmul.f32 v10, v16;
	v9 =	vadd.f32 v11, v9  }
0x1c4: {  	s26 =	simm.s32 $0x0  }
0x1c5: {  	v11 =	vadd.s32 s26, v6;
	v9 =	vadd.f32 v10, v9;
	v10 =	vmul.f32 v12, v15  }
0x1c6: {  	s26 =	simm.s32 $0x1  }
0x1c7: {  	v9 =	vadd.f32 v10, v9;
	v10 =	vadd.s32 s26, v6  }
0x1c8: {  	s26 =	simm.s32 $0x2  }
0x1c9: {  	[tilespmem:$0x1C978] =	vst v9;
	v9 =	vadd.s32 s26, v6  }
0x1ca: {  	s26 =	simm.s32 $0x3;
	v12 =	vld.idx.msk [tilespmem:v11+s17+$0x0], $0xffff  }
0x1cb: {  	v11 =	vld.idx.msk [tilespmem:v11+s9+$0x0], $0xffff;
	v13 =	vadd.s32 s26, v6  }
0x1cc: {  	s26 =	simm.s32 $0x4;
	v14 =	vld.idx.msk [tilespmem:v10+s17+$0x0], $0xffff  }
0x1cd: {  	v15 =	vadd.s32 s26, v6;
	v10 =	vld.idx.msk [tilespmem:v10+s9+$0x0], $0xffff  }
0x1ce: {  	s26 =	simm.s32 $0x5;
	v17 =	vld.idx.msk [tilespmem:v9+s17+$0x0], $0xffff  }
0x1cf: {  	v16 =	vadd.s32 s26, v6;
	v9 =	vld.idx.msk [tilespmem:v9+s9+$0x0], $0xffff  }
0x1d0: {  	s26 =	simm.s32 $0x6;
	v18 =	vld.idx.msk [tilespmem:v13+s17+$0x0], $0xffff  }
0x1d1: {  	v19 =	vadd.s32 s26, v6;
	v20 =	vld.idx.msk [tilespmem:v13+s9+$0x0], $0xffff;
	v11 =	vmul.f32 v11, v12  }
0x1d2: {  	s26 =	simm.s32 $0x7;
	v12 =	vld.idx.msk [tilespmem:v15+s17+$0x0], $0xffff  }
0x1d3: {  	v21 =	vadd.s32 s26, v6;
	v22 =	vld.idx.msk [tilespmem:v15+s9+$0x0], $0xffff;
	v15 =	vadd.f32 v11, v8;
	v10 =	vmul.f32 v10, v14  }
0x1d4: {  	s26 =	simm.s32 $0x8;
	v11 =	vld.idx.msk [tilespmem:v16+s17+$0x0], $0xffff  }
0x1d5: {  	v13 =	vadd.s32 s26, v6;
	v16 =	vld.idx.msk [tilespmem:v16+s9+$0x0], $0xffff;
	v15 =	vadd.f32 v10, v15;
	v9 =	vmul.f32 v9, v17  }
0x1d6: {  	s26 =	simm.s32 $0x9;
	v14 =	vld.idx.msk [tilespmem:v19+s9+$0x0], $0xffff  }
0x1d7: {  	v10 =	vld.idx.msk [tilespmem:v19+s17+$0x0], $0xffff;
	v20 =	vmul.f32 v20, v18;
	v18 =	vadd.s32 s26, v6;
	v19 =	vadd.f32 v9, v15  }
0x1d8: {  	s25 =	simm.s32 $0xA;
	v9 =	vld.idx.msk [tilespmem:v21+s17+$0x0], $0xffff  }
0x1d9: {  	v17 =	vadd.s32 s25, v6;
	v15 =	vld.idx.msk [tilespmem:v21+s9+$0x0], $0xffff;
	v19 =	vadd.f32 v20, v19;
	v20 =	vmul.f32 v22, v12  }
0x1da: {  	s29 =	simm.s32 $0xB;
	s26 =	simm.s32 $0xF;
	v12 =	vld.idx.msk [tilespmem:v13+s17+$0x0], $0xffff  }
.LBB2_14:
0x1db: {  	p1 =	slt.u32 s26, $0x5F;
	v21 =	vadd.s32 s29, v6;
	v11 =	vmul.f32 v16, v11;
	v22 =	vld.idx.msk [tilespmem:v13+s9+$0x0], $0xffff;
	v13 =	vadd.f32 v20, v19  }
0x1dc: {  	s29 =	sadd.s32 $0x2, s25;
	v20 =	vld.idx.msk [tilespmem:v18+s17+$0x0], $0xffff  }
0x1dd: {  	v19 =	vadd.s32 s29, v6;
	v10 =	vmul.f32 v14, v10;
	v23 =	vadd.f32 v11, v13;
	v24 =	vld.idx.msk [tilespmem:v18+s9+$0x0], $0xffff  }
0x1de: {  	s29 =	sadd.s32 $0x3, s25;
	v11 =	vld.idx.msk [tilespmem:v17+s17+$0x0], $0xffff  }
0x1df: {  	v13 =	vadd.s32 s29, v6;
	v9 =	vmul.f32 v15, v9;
	v16 =	vld.idx.msk [tilespmem:v17+s9+$0x0], $0xffff;
	v17 =	vadd.f32 v10, v23  }
.Ltmp6:
0x1e0: {  	s29 =	sadd.s32 $0x4, s25;
	s25 =	smov.u32 s26;
	v10 =	vld.idx.msk [tilespmem:v21+s17+$0x0], $0xffff;
	(pc) =	sbr.rel @p1 .LBB2_14-.Ltmp6, $4  }
0x1e1: {  	v18 =	vadd.s32 s29, v6;
	v12 =	vmul.f32 v22, v12;
	v14 =	vld.idx.msk [tilespmem:v21+s9+$0x0], $0xffff;
	v21 =	vadd.f32 v9, v17  }
0x1e2: {  	v9 =	vld.idx.msk [tilespmem:v19+s17+$0x0], $0xffff  }
0x1e3: {  	v17 =	vadd.s32 s26, v6;
	v20 =	vmul.f32 v24, v20;
	v15 =	vld.idx.msk [tilespmem:v19+s9+$0x0], $0xffff;
	v19 =	vadd.f32 v12, v21  }
0x1e4: {  	s29 =	sadd.s32 $0x1, s25;
	s26 =	sadd.s32 $0x5, s26;
	v12 =	vld.idx.msk [tilespmem:v13+s17+$0x0], $0xffff  }
0x1e5: {  	_ =	sdelay $0x2  }
0x1e6: {  	v11 =	vmul.f32 v16, v11;
	v16 =	vadd.f32 v20, v19  }
0x1e7: {  	v19 =	vadd.s32 s29, v6;
	v13 =	vld.idx.msk [tilespmem:v13+s9+$0x0], $0xffff  }
0x1e8: {  	s26 =	sadd.s32 $0x2, s25;
	v20 =	vld.idx.msk [tilespmem:v18+s17+$0x0], $0xffff;
	v10 =	vmul.f32 v14, v10;
	v11 =	vadd.f32 v11, v16  }
0x1e9: {  	v14 =	vadd.s32 s26, v6;
	v16 =	vld.idx.msk [tilespmem:v18+s9+$0x0], $0xffff  }
0x1ea: {  	s26 =	sadd.s32 $0x3, s25;
	v18 =	vld.idx.msk [tilespmem:v17+s17+$0x0], $0xffff;
	v9 =	vmul.f32 v15, v9;
	v10 =	vadd.f32 v10, v11  }
0x1eb: {  	v15 =	vadd.s32 s26, v6;
	v11 =	vld.idx.msk [tilespmem:v17+s9+$0x0], $0xffff  }
0x1ec: {  	s26 =	sadd.s32 $0x4, s25;
	v17 =	vld.idx.msk [tilespmem:v19+s17+$0x0], $0xffff;
	v9 =	vadd.f32 v9, v10;
	v10 =	vmul.f32 v13, v12  }
0x1ed: {  	v12 =	vld.idx.msk [tilespmem:v19+s9+$0x0], $0xffff;
	v13 =	vadd.s32 s26, v6  }
0x1ee: {  	v19 =	vld.idx.msk [tilespmem:v14+s17+$0x0], $0xffff;
	v9 =	vadd.f32 v10, v9;
	v10 =	vmul.f32 v16, v20  }
0x1ef: {  	v14 =	vld.idx.msk [tilespmem:v14+s9+$0x0], $0xffff  }
0x1f0: {  	v16 =	vld.idx.msk [tilespmem:v15+s17+$0x0], $0xffff;
	v11 =	vmul.f32 v11, v18;
	v9 =	vadd.f32 v10, v9  }
0x1f1: {  	v10 =	vld.idx.msk [tilespmem:v15+s9+$0x0], $0xffff  }
0x1f2: {  	v15 =	vld.idx.msk [tilespmem:v13+s17+$0x0], $0xffff;
	v9 =	vadd.f32 v11, v9;
	v11 =	vmul.f32 v12, v17  }
0x1f3: {  	v12 =	vld.idx.msk [tilespmem:v13+s9+$0x0], $0xffff  }
0x1f4: {  	v9 =	vadd.f32 v11, v9;
	v11 =	vmul.f32 v14, v19;
	_ =	sdelay $0x1  }
0x1f5: {  	v10 =	vmul.f32 v10, v16;
	v9 =	vadd.f32 v11, v9  }
0x1f6: {  	s26 =	simm.s32 $0x0  }
0x1f7: {  	v11 =	vadd.s32 s26, v7;
	v9 =	vadd.f32 v10, v9;
	v10 =	vmul.f32 v12, v15  }
0x1f8: {  	s26 =	simm.s32 $0x1  }
0x1f9: {  	v9 =	vadd.f32 v10, v9;
	v10 =	vadd.s32 s26, v7  }
0x1fa: {  	s26 =	simm.s32 $0x2  }
0x1fb: {  	[tilespmem:$0x1C988] =	vst v9;
	v9 =	vadd.s32 s26, v7  }
0x1fc: {  	s26 =	simm.s32 $0x3;
	v12 =	vld.idx.msk [tilespmem:v11+s17+$0x0], $0xffff  }
0x1fd: {  	v11 =	vld.idx.msk [tilespmem:v11+s9+$0x0], $0xffff;
	v13 =	vadd.s32 s26, v7  }
0x1fe: {  	s26 =	simm.s32 $0x4;
	v14 =	vld.idx.msk [tilespmem:v10+s17+$0x0], $0xffff  }
0x1ff: {  	v15 =	vadd.s32 s26, v7;
	v10 =	vld.idx.msk [tilespmem:v10+s9+$0x0], $0xffff  }
0x200: {  	s26 =	simm.s32 $0x5;
	v17 =	vld.idx.msk [tilespmem:v9+s17+$0x0], $0xffff  }
0x201: {  	v16 =	vadd.s32 s26, v7;
	v9 =	vld.idx.msk [tilespmem:v9+s9+$0x0], $0xffff  }
0x202: {  	s26 =	simm.s32 $0x6;
	v18 =	vld.idx.msk [tilespmem:v13+s17+$0x0], $0xffff  }
0x203: {  	v19 =	vadd.s32 s26, v7;
	v20 =	vld.idx.msk [tilespmem:v13+s9+$0x0], $0xffff;
	v11 =	vmul.f32 v11, v12  }
0x204: {  	s26 =	simm.s32 $0x7;
	v12 =	vld.idx.msk [tilespmem:v15+s17+$0x0], $0xffff  }
0x205: {  	v21 =	vadd.s32 s26, v7;
	v22 =	vld.idx.msk [tilespmem:v15+s9+$0x0], $0xffff;
	v15 =	vadd.f32 v11, v8;
	v10 =	vmul.f32 v10, v14  }
0x206: {  	s26 =	simm.s32 $0x8;
	v11 =	vld.idx.msk [tilespmem:v16+s17+$0x0], $0xffff  }
0x207: {  	v13 =	vadd.s32 s26, v7;
	v16 =	vld.idx.msk [tilespmem:v16+s9+$0x0], $0xffff;
	v15 =	vadd.f32 v10, v15;
	v9 =	vmul.f32 v9, v17  }
0x208: {  	s26 =	simm.s32 $0x9;
	v14 =	vld.idx.msk [tilespmem:v19+s9+$0x0], $0xffff  }
0x209: {  	v10 =	vld.idx.msk [tilespmem:v19+s17+$0x0], $0xffff;
	v20 =	vmul.f32 v20, v18;
	v18 =	vadd.s32 s26, v7;
	v19 =	vadd.f32 v9, v15  }
0x20a: {  	s25 =	simm.s32 $0xA;
	v9 =	vld.idx.msk [tilespmem:v21+s17+$0x0], $0xffff  }
0x20b: {  	v17 =	vadd.s32 s25, v7;
	v15 =	vld.idx.msk [tilespmem:v21+s9+$0x0], $0xffff;
	v19 =	vadd.f32 v20, v19;
	v20 =	vmul.f32 v22, v12  }
0x20c: {  	s29 =	simm.s32 $0xB;
	s26 =	simm.s32 $0xF;
	v12 =	vld.idx.msk [tilespmem:v13+s17+$0x0], $0xffff  }
.LBB2_16:
0x20d: {  	p1 =	slt.u32 s26, $0x5F;
	v21 =	vadd.s32 s29, v7;
	v11 =	vmul.f32 v16, v11;
	v22 =	vld.idx.msk [tilespmem:v13+s9+$0x0], $0xffff;
	v13 =	vadd.f32 v20, v19  }
0x20e: {  	s29 =	sadd.s32 $0x2, s25;
	v20 =	vld.idx.msk [tilespmem:v18+s17+$0x0], $0xffff  }
0x20f: {  	v19 =	vadd.s32 s29, v7;
	v10 =	vmul.f32 v14, v10;
	v23 =	vadd.f32 v11, v13;
	v24 =	vld.idx.msk [tilespmem:v18+s9+$0x0], $0xffff  }
0x210: {  	s29 =	sadd.s32 $0x3, s25;
	v11 =	vld.idx.msk [tilespmem:v17+s17+$0x0], $0xffff  }
0x211: {  	v13 =	vadd.s32 s29, v7;
	v9 =	vmul.f32 v15, v9;
	v16 =	vld.idx.msk [tilespmem:v17+s9+$0x0], $0xffff;
	v17 =	vadd.f32 v10, v23  }
.Ltmp7:
0x212: {  	s29 =	sadd.s32 $0x4, s25;
	s25 =	smov.u32 s26;
	v10 =	vld.idx.msk [tilespmem:v21+s17+$0x0], $0xffff;
	(pc) =	sbr.rel @p1 .LBB2_16-.Ltmp7, $4  }
0x213: {  	v18 =	vadd.s32 s29, v7;
	v12 =	vmul.f32 v22, v12;
	v14 =	vld.idx.msk [tilespmem:v21+s9+$0x0], $0xffff;
	v21 =	vadd.f32 v9, v17  }
0x214: {  	v9 =	vld.idx.msk [tilespmem:v19+s17+$0x0], $0xffff  }
0x215: {  	v17 =	vadd.s32 s26, v7;
	v20 =	vmul.f32 v24, v20;
	v15 =	vld.idx.msk [tilespmem:v19+s9+$0x0], $0xffff;
	v19 =	vadd.f32 v12, v21  }
0x216: {  	s29 =	sadd.s32 $0x1, s25;
	s26 =	sadd.s32 $0x5, s26;
	v12 =	vld.idx.msk [tilespmem:v13+s17+$0x0], $0xffff  }
0x217: {  	_ =	sdelay $0x2  }
0x218: {  	v11 =	vmul.f32 v16, v11;
	v16 =	vadd.f32 v20, v19  }
0x219: {  	v19 =	vadd.s32 s29, v7;
	v13 =	vld.idx.msk [tilespmem:v13+s9+$0x0], $0xffff  }
0x21a: {  	s26 =	sadd.s32 $0x2, s25;
	v20 =	vld.idx.msk [tilespmem:v18+s17+$0x0], $0xffff;
	v10 =	vmul.f32 v14, v10;
	v11 =	vadd.f32 v11, v16  }
0x21b: {  	v14 =	vadd.s32 s26, v7;
	v16 =	vld.idx.msk [tilespmem:v18+s9+$0x0], $0xffff  }
0x21c: {  	s26 =	sadd.s32 $0x3, s25;
	v18 =	vld.idx.msk [tilespmem:v17+s17+$0x0], $0xffff;
	v9 =	vmul.f32 v15, v9;
	v10 =	vadd.f32 v10, v11  }
0x21d: {  	v15 =	vadd.s32 s26, v7;
	v11 =	vld.idx.msk [tilespmem:v17+s9+$0x0], $0xffff  }
0x21e: {  	s26 =	sadd.s32 $0x4, s25;
	v17 =	vld.idx.msk [tilespmem:v19+s17+$0x0], $0xffff;
	v9 =	vadd.f32 v9, v10;
	v10 =	vmul.f32 v13, v12  }
0x21f: {  	v12 =	vld.idx.msk [tilespmem:v19+s9+$0x0], $0xffff;
	v13 =	vadd.s32 s26, v7  }
0x220: {  	v19 =	vld.idx.msk [tilespmem:v14+s17+$0x0], $0xffff;
	v9 =	vadd.f32 v10, v9;
	v10 =	vmul.f32 v16, v20  }
0x221: {  	v14 =	vld.idx.msk [tilespmem:v14+s9+$0x0], $0xffff  }
0x222: {  	v16 =	vld.idx.msk [tilespmem:v15+s17+$0x0], $0xffff;
	v11 =	vmul.f32 v11, v18;
	v9 =	vadd.f32 v10, v9  }
0x223: {  	v10 =	vld.idx.msk [tilespmem:v15+s9+$0x0], $0xffff  }
0x224: {  	v15 =	vld.idx.msk [tilespmem:v13+s17+$0x0], $0xffff;
	v9 =	vadd.f32 v11, v9;
	v11 =	vmul.f32 v12, v17  }
0x225: {  	v12 =	vld.idx.msk [tilespmem:v13+s9+$0x0], $0xffff  }
0x226: {  	v9 =	vadd.f32 v11, v9;
	v11 =	vmul.f32 v14, v19;
	_ =	sdelay $0x1  }
0x227: {  	v10 =	vmul.f32 v10, v16;
	v9 =	vadd.f32 v11, v9;
	_ =	sdelay $0x1  }
0x228: {  	v9 =	vadd.f32 v10, v9;
	v10 =	vmul.f32 v12, v15;
	_ =	sdelay $0x1  }
0x229: {  	v9 =	vadd.f32 v10, v9;
	_ =	sdelay $0x1  }
0x22a: {  	s25 =	simm.s32 $0x0;
	s26 =	rddreg [dreg:$0x10];
	[tilespmem:$0x1C998] =	vst v9  }
0x22b: {  	[tilespmem:s18], [sflag:$0x5] =	stream.linear.gather [hbm4b:s26+s25], $0x1900, $0x38;
	[tilespmem:$0x1CB28] =	vst v63  }
0x22c: {  	_ =	swait.ge [sflag:s15], $0x1900  }
0x22d: {  	[sflag:s15] =	ssyncset.done $0x0  }
0x22e: {  	s26 =	rddreg [dreg:$0x11];
	[sflag:s15] =	ssyncadd.s32 $0xFFFFE700  }
0x22f: {  	[tilespmem:s19], [sflag:$0x5] =	stream.linear.gather [hbm4b:s26+s25], $0x1900, $0x38;
	[tilespmem:$0x1CB28] =	vst v63  }
0x230: {  	_ =	swait.ge [sflag:s15], $0x1900  }
0x231: {  	[sflag:s15] =	ssyncset.done $0x0  }
0x232: {  	v9 =	vadd.s32 s25, v0;
	s26 =	simm.s32 $0x1;
	[sflag:s15] =	ssyncadd.s32 $0xFFFFE700  }
0x233: {  	[tilespmem:s20], [sflag:$0x2] =	stream.indirect.gather [spmem:s28], $0x1, s18, s16, $0xb8;
	[tilespmem:$0x1CB28] =	vst v63  }
0x234: {  	v10 =	vadd.s32 s26, v0;
	_ =	swait.ge [sflag:s21], $0x1900  }
0x235: {  	s26 =	simm.s32 $0x2;
	[sflag:s21] =	ssyncset.done $0x0  }
0x236: {  	v11 =	vadd.s32 s26, v0;
	[sflag:s21] =	ssyncadd.s32 $0xFFFFE700  }
0x237: {  	s26 =	simm.s32 $0x3;
	v12 =	vld.idx.msk [tilespmem:v9+s17+$0x0], $0xffff  }
0x238: {  	v13 =	vadd.s32 s26, v0;
	v9 =	vld.idx.msk [tilespmem:v9+s9+$0x0], $0xffff  }
0x239: {  	s26 =	simm.s32 $0x4;
	v14 =	vld.idx.msk [tilespmem:v10+s17+$0x0], $0xffff  }
0x23a: {  	v15 =	vadd.s32 s26, v0;
	s26 =	simm.s32 $0x5;
	v10 =	vld.idx.msk [tilespmem:v10+s9+$0x0], $0xffff  }
0x23b: {  	v16 =	vadd.s32 s26, v0;
	v17 =	vld.idx.msk [tilespmem:v11+s17+$0x0], $0xffff  }
0x23c: {  	v18 =	vld.idx.msk [tilespmem:v11+s9+$0x0], $0xffff  }
0x23d: {  	s26 =	simm.s32 $0x6;
	v19 =	vld.idx.msk [tilespmem:v13+s17+$0x0], $0xffff  }
0x23e: {  	v20 =	vadd.s32 s26, v0;
	v21 =	vld.idx.msk [tilespmem:v13+s9+$0x0], $0xffff;
	v9 =	vmul.f32 v9, v12  }
0x23f: {  	s26 =	simm.s32 $0x7;
	v23 =	vld.idx.msk [tilespmem:v15+s9+$0x0], $0xffff  }
0x240: {  	v22 =	vadd.s32 s26, v0;
	v11 =	vld.idx.msk [tilespmem:v16+s17+$0x0], $0xffff;
	v10 =	vmul.f32 v10, v14;
	v9 =	vadd.f32 v9, v8  }
0x241: {  	s26 =	simm.s32 $0x8;
	v12 =	vld.idx.msk [tilespmem:v15+s17+$0x0], $0xffff  }
0x242: {  	v13 =	vadd.s32 s26, v0;
	v16 =	vld.idx.msk [tilespmem:v16+s9+$0x0], $0xffff;
	v15 =	vmul.f32 v18, v17;
	v9 =	vadd.f32 v10, v9  }
0x243: {  	s26 =	simm.s32 $0x9;
	v14 =	vld.idx.msk [tilespmem:v20+s9+$0x0], $0xffff  }
0x244: {  	v19 =	vmul.f32 v21, v19;
	v18 =	vadd.s32 s26, v0;
	v10 =	vld.idx.msk [tilespmem:v20+s17+$0x0], $0xffff;
	v20 =	vadd.f32 v15, v9  }
0x245: {  	s25 =	simm.s32 $0xA;
	v9 =	vld.idx.msk [tilespmem:v22+s17+$0x0], $0xffff  }
0x246: {  	v17 =	vadd.s32 s25, v0;
	v15 =	vld.idx.msk [tilespmem:v22+s9+$0x0], $0xffff;
	v19 =	vadd.f32 v19, v20;
	v20 =	vmul.f32 v23, v12  }
0x247: {  	s29 =	simm.s32 $0xB;
	s26 =	simm.s32 $0xF;
	v12 =	vld.idx.msk [tilespmem:v13+s17+$0x0], $0xffff  }
.LBB2_18:
0x248: {  	p1 =	slt.u32 s26, $0x5F;
	v21 =	vadd.s32 s29, v0;
	v11 =	vmul.f32 v16, v11;
	v22 =	vld.idx.msk [tilespmem:v13+s9+$0x0], $0xffff;
	v13 =	vadd.f32 v20, v19  }
0x249: {  	s29 =	sadd.s32 $0x2, s25;
	v20 =	vld.idx.msk [tilespmem:v18+s17+$0x0], $0xffff  }
0x24a: {  	v19 =	vadd.s32 s29, v0;
	v10 =	vmul.f32 v14, v10;
	v23 =	vadd.f32 v11, v13;
	v24 =	vld.idx.msk [tilespmem:v18+s9+$0x0], $0xffff  }
0x24b: {  	s29 =	sadd.s32 $0x3, s25;
	v11 =	vld.idx.msk [tilespmem:v17+s17+$0x0], $0xffff  }
0x24c: {  	v13 =	vadd.s32 s29, v0;
	v9 =	vmul.f32 v15, v9;
	v16 =	vld.idx.msk [tilespmem:v17+s9+$0x0], $0xffff;
	v17 =	vadd.f32 v10, v23  }
.Ltmp8:
0x24d: {  	s29 =	sadd.s32 $0x4, s25;
	s25 =	smov.u32 s26;
	v10 =	vld.idx.msk [tilespmem:v21+s17+$0x0], $0xffff;
	(pc) =	sbr.rel @p1 .LBB2_18-.Ltmp8, $4  }
0x24e: {  	v18 =	vadd.s32 s29, v0;
	v12 =	vmul.f32 v22, v12;
	v14 =	vld.idx.msk [tilespmem:v21+s9+$0x0], $0xffff;
	v21 =	vadd.f32 v9, v17  }
0x24f: {  	v9 =	vld.idx.msk [tilespmem:v19+s17+$0x0], $0xffff  }
0x250: {  	v17 =	vadd.s32 s26, v0;
	v20 =	vmul.f32 v24, v20;
	v15 =	vld.idx.msk [tilespmem:v19+s9+$0x0], $0xffff;
	v19 =	vadd.f32 v12, v21  }
0x251: {  	s29 =	sadd.s32 $0x1, s25;
	s26 =	sadd.s32 $0x5, s26;
	v12 =	vld.idx.msk [tilespmem:v13+s17+$0x0], $0xffff  }
0x252: {  	_ =	sdelay $0x2  }
0x253: {  	v11 =	vmul.f32 v16, v11;
	v16 =	vadd.f32 v20, v19  }
0x254: {  	v19 =	vadd.s32 s29, v0;
	v13 =	vld.idx.msk [tilespmem:v13+s9+$0x0], $0xffff  }
0x255: {  	s26 =	sadd.s32 $0x2, s25;
	v20 =	vld.idx.msk [tilespmem:v18+s17+$0x0], $0xffff;
	v10 =	vmul.f32 v14, v10;
	v11 =	vadd.f32 v11, v16  }
0x256: {  	v14 =	vadd.s32 s26, v0;
	v16 =	vld.idx.msk [tilespmem:v18+s9+$0x0], $0xffff  }
0x257: {  	s26 =	sadd.s32 $0x3, s25;
	v18 =	vld.idx.msk [tilespmem:v17+s17+$0x0], $0xffff;
	v9 =	vmul.f32 v15, v9;
	v10 =	vadd.f32 v10, v11  }
0x258: {  	v15 =	vadd.s32 s26, v0;
	v11 =	vld.idx.msk [tilespmem:v17+s9+$0x0], $0xffff  }
0x259: {  	s26 =	sadd.s32 $0x4, s25;
	v17 =	vld.idx.msk [tilespmem:v19+s17+$0x0], $0xffff;
	v9 =	vadd.f32 v9, v10;
	v10 =	vmul.f32 v13, v12  }
0x25a: {  	v12 =	vld.idx.msk [tilespmem:v19+s9+$0x0], $0xffff;
	v13 =	vadd.s32 s26, v0  }
0x25b: {  	v19 =	vld.idx.msk [tilespmem:v14+s17+$0x0], $0xffff;
	v9 =	vadd.f32 v10, v9;
	v10 =	vmul.f32 v16, v20  }
0x25c: {  	v14 =	vld.idx.msk [tilespmem:v14+s9+$0x0], $0xffff  }
0x25d: {  	v16 =	vld.idx.msk [tilespmem:v15+s17+$0x0], $0xffff;
	v11 =	vmul.f32 v11, v18;
	v9 =	vadd.f32 v10, v9  }
0x25e: {  	v10 =	vld.idx.msk [tilespmem:v15+s9+$0x0], $0xffff  }
0x25f: {  	v15 =	vld.idx.msk [tilespmem:v13+s17+$0x0], $0xffff;
	v9 =	vadd.f32 v11, v9;
	v11 =	vmul.f32 v12, v17  }
0x260: {  	v12 =	vld.idx.msk [tilespmem:v13+s9+$0x0], $0xffff  }
0x261: {  	v9 =	vadd.f32 v11, v9;
	v11 =	vmul.f32 v14, v19;
	_ =	sdelay $0x1  }
0x262: {  	v10 =	vmul.f32 v10, v16;
	v9 =	vadd.f32 v11, v9  }
0x263: {  	s26 =	simm.s32 $0x0  }
0x264: {  	v11 =	vadd.s32 s26, v1;
	v9 =	vadd.f32 v10, v9;
	v10 =	vmul.f32 v12, v15  }
0x265: {  	s26 =	simm.s32 $0x1  }
0x266: {  	v9 =	vadd.f32 v10, v9;
	v10 =	vadd.s32 s26, v1  }
0x267: {  	s26 =	simm.s32 $0x2  }
0x268: {  	[tilespmem:$0x1C9A8] =	vst v9;
	v9 =	vadd.s32 s26, v1  }
0x269: {  	s26 =	simm.s32 $0x3;
	v12 =	vld.idx.msk [tilespmem:v11+s17+$0x0], $0xffff  }
0x26a: {  	v11 =	vld.idx.msk [tilespmem:v11+s9+$0x0], $0xffff;
	v13 =	vadd.s32 s26, v1  }
0x26b: {  	s26 =	simm.s32 $0x4;
	v14 =	vld.idx.msk [tilespmem:v10+s17+$0x0], $0xffff  }
0x26c: {  	v15 =	vadd.s32 s26, v1;
	v10 =	vld.idx.msk [tilespmem:v10+s9+$0x0], $0xffff  }
0x26d: {  	s26 =	simm.s32 $0x5;
	v17 =	vld.idx.msk [tilespmem:v9+s17+$0x0], $0xffff  }
0x26e: {  	v16 =	vadd.s32 s26, v1;
	v9 =	vld.idx.msk [tilespmem:v9+s9+$0x0], $0xffff  }
0x26f: {  	s26 =	simm.s32 $0x6;
	v18 =	vld.idx.msk [tilespmem:v13+s17+$0x0], $0xffff  }
0x270: {  	v19 =	vadd.s32 s26, v1;
	v20 =	vld.idx.msk [tilespmem:v13+s9+$0x0], $0xffff;
	v11 =	vmul.f32 v11, v12  }
0x271: {  	s26 =	simm.s32 $0x7;
	v12 =	vld.idx.msk [tilespmem:v15+s17+$0x0], $0xffff  }
0x272: {  	v21 =	vadd.s32 s26, v1;
	v22 =	vld.idx.msk [tilespmem:v15+s9+$0x0], $0xffff;
	v15 =	vadd.f32 v11, v8;
	v10 =	vmul.f32 v10, v14  }
0x273: {  	s26 =	simm.s32 $0x8;
	v11 =	vld.idx.msk [tilespmem:v16+s17+$0x0], $0xffff  }
0x274: {  	v13 =	vadd.s32 s26, v1;
	v16 =	vld.idx.msk [tilespmem:v16+s9+$0x0], $0xffff;
	v15 =	vadd.f32 v10, v15;
	v9 =	vmul.f32 v9, v17  }
0x275: {  	s26 =	simm.s32 $0x9;
	v14 =	vld.idx.msk [tilespmem:v19+s9+$0x0], $0xffff  }
0x276: {  	v10 =	vld.idx.msk [tilespmem:v19+s17+$0x0], $0xffff;
	v20 =	vmul.f32 v20, v18;
	v18 =	vadd.s32 s26, v1;
	v19 =	vadd.f32 v9, v15  }
0x277: {  	s25 =	simm.s32 $0xA;
	v9 =	vld.idx.msk [tilespmem:v21+s17+$0x0], $0xffff  }
0x278: {  	v17 =	vadd.s32 s25, v1;
	v15 =	vld.idx.msk [tilespmem:v21+s9+$0x0], $0xffff;
	v19 =	vadd.f32 v20, v19;
	v20 =	vmul.f32 v22, v12  }
0x279: {  	s29 =	simm.s32 $0xB;
	s26 =	simm.s32 $0xF;
	v12 =	vld.idx.msk [tilespmem:v13+s17+$0x0], $0xffff  }
.LBB2_20:
0x27a: {  	p1 =	slt.u32 s26, $0x5F;
	v21 =	vadd.s32 s29, v1;
	v11 =	vmul.f32 v16, v11;
	v22 =	vld.idx.msk [tilespmem:v13+s9+$0x0], $0xffff;
	v13 =	vadd.f32 v20, v19  }
0x27b: {  	s29 =	sadd.s32 $0x2, s25;
	v20 =	vld.idx.msk [tilespmem:v18+s17+$0x0], $0xffff  }
0x27c: {  	v19 =	vadd.s32 s29, v1;
	v10 =	vmul.f32 v14, v10;
	v23 =	vadd.f32 v11, v13;
	v24 =	vld.idx.msk [tilespmem:v18+s9+$0x0], $0xffff  }
0x27d: {  	s29 =	sadd.s32 $0x3, s25;
	v11 =	vld.idx.msk [tilespmem:v17+s17+$0x0], $0xffff  }
0x27e: {  	v13 =	vadd.s32 s29, v1;
	v9 =	vmul.f32 v15, v9;
	v16 =	vld.idx.msk [tilespmem:v17+s9+$0x0], $0xffff;
	v17 =	vadd.f32 v10, v23  }
.Ltmp9:
0x27f: {  	s29 =	sadd.s32 $0x4, s25;
	s25 =	smov.u32 s26;
	v10 =	vld.idx.msk [tilespmem:v21+s17+$0x0], $0xffff;
	(pc) =	sbr.rel @p1 .LBB2_20-.Ltmp9, $4  }
0x280: {  	v18 =	vadd.s32 s29, v1;
	v12 =	vmul.f32 v22, v12;
	v14 =	vld.idx.msk [tilespmem:v21+s9+$0x0], $0xffff;
	v21 =	vadd.f32 v9, v17  }
0x281: {  	v9 =	vld.idx.msk [tilespmem:v19+s17+$0x0], $0xffff  }
0x282: {  	v17 =	vadd.s32 s26, v1;
	v20 =	vmul.f32 v24, v20;
	v15 =	vld.idx.msk [tilespmem:v19+s9+$0x0], $0xffff;
	v19 =	vadd.f32 v12, v21  }
0x283: {  	s29 =	sadd.s32 $0x1, s25;
	s26 =	sadd.s32 $0x5, s26;
	v12 =	vld.idx.msk [tilespmem:v13+s17+$0x0], $0xffff  }
0x284: {  	_ =	sdelay $0x2  }
0x285: {  	v11 =	vmul.f32 v16, v11;
	v16 =	vadd.f32 v20, v19  }
0x286: {  	v19 =	vadd.s32 s29, v1;
	v13 =	vld.idx.msk [tilespmem:v13+s9+$0x0], $0xffff  }
0x287: {  	s26 =	sadd.s32 $0x2, s25;
	v20 =	vld.idx.msk [tilespmem:v18+s17+$0x0], $0xffff;
	v10 =	vmul.f32 v14, v10;
	v11 =	vadd.f32 v11, v16  }
0x288: {  	v14 =	vadd.s32 s26, v1;
	v16 =	vld.idx.msk [tilespmem:v18+s9+$0x0], $0xffff  }
0x289: {  	s26 =	sadd.s32 $0x3, s25;
	v18 =	vld.idx.msk [tilespmem:v17+s17+$0x0], $0xffff;
	v9 =	vmul.f32 v15, v9;
	v10 =	vadd.f32 v10, v11  }
0x28a: {  	v15 =	vadd.s32 s26, v1;
	v11 =	vld.idx.msk [tilespmem:v17+s9+$0x0], $0xffff  }
0x28b: {  	s26 =	sadd.s32 $0x4, s25;
	v17 =	vld.idx.msk [tilespmem:v19+s17+$0x0], $0xffff;
	v9 =	vadd.f32 v9, v10;
	v10 =	vmul.f32 v13, v12  }
0x28c: {  	v12 =	vld.idx.msk [tilespmem:v19+s9+$0x0], $0xffff;
	v13 =	vadd.s32 s26, v1  }
0x28d: {  	v19 =	vld.idx.msk [tilespmem:v14+s17+$0x0], $0xffff;
	v9 =	vadd.f32 v10, v9;
	v10 =	vmul.f32 v16, v20  }
0x28e: {  	v14 =	vld.idx.msk [tilespmem:v14+s9+$0x0], $0xffff  }
0x28f: {  	v16 =	vld.idx.msk [tilespmem:v15+s17+$0x0], $0xffff;
	v11 =	vmul.f32 v11, v18;
	v9 =	vadd.f32 v10, v9  }
0x290: {  	v10 =	vld.idx.msk [tilespmem:v15+s9+$0x0], $0xffff  }
0x291: {  	v15 =	vld.idx.msk [tilespmem:v13+s17+$0x0], $0xffff;
	v9 =	vadd.f32 v11, v9;
	v11 =	vmul.f32 v12, v17  }
0x292: {  	v12 =	vld.idx.msk [tilespmem:v13+s9+$0x0], $0xffff  }
0x293: {  	v9 =	vadd.f32 v11, v9;
	v11 =	vmul.f32 v14, v19;
	_ =	sdelay $0x1  }
0x294: {  	v10 =	vmul.f32 v10, v16;
	v9 =	vadd.f32 v11, v9  }
0x295: {  	s26 =	simm.s32 $0x0  }
0x296: {  	v11 =	vadd.s32 s26, v2;
	v9 =	vadd.f32 v10, v9;
	v10 =	vmul.f32 v12, v15  }
0x297: {  	s26 =	simm.s32 $0x1  }
0x298: {  	v9 =	vadd.f32 v10, v9;
	v10 =	vadd.s32 s26, v2  }
0x299: {  	s26 =	simm.s32 $0x2  }
0x29a: {  	[tilespmem:$0x1C9B8] =	vst v9;
	v9 =	vadd.s32 s26, v2  }
0x29b: {  	s26 =	simm.s32 $0x3;
	v12 =	vld.idx.msk [tilespmem:v11+s17+$0x0], $0xffff  }
0x29c: {  	v11 =	vld.idx.msk [tilespmem:v11+s9+$0x0], $0xffff;
	v13 =	vadd.s32 s26, v2  }
0x29d: {  	s26 =	simm.s32 $0x4;
	v14 =	vld.idx.msk [tilespmem:v10+s17+$0x0], $0xffff  }
0x29e: {  	v15 =	vadd.s32 s26, v2;
	v10 =	vld.idx.msk [tilespmem:v10+s9+$0x0], $0xffff  }
0x29f: {  	s26 =	simm.s32 $0x5;
	v17 =	vld.idx.msk [tilespmem:v9+s17+$0x0], $0xffff  }
0x2a0: {  	v16 =	vadd.s32 s26, v2;
	v9 =	vld.idx.msk [tilespmem:v9+s9+$0x0], $0xffff  }
0x2a1: {  	s26 =	simm.s32 $0x6;
	v18 =	vld.idx.msk [tilespmem:v13+s17+$0x0], $0xffff  }
0x2a2: {  	v19 =	vadd.s32 s26, v2;
	v20 =	vld.idx.msk [tilespmem:v13+s9+$0x0], $0xffff;
	v11 =	vmul.f32 v11, v12  }
0x2a3: {  	s26 =	simm.s32 $0x7;
	v12 =	vld.idx.msk [tilespmem:v15+s17+$0x0], $0xffff  }
0x2a4: {  	v21 =	vadd.s32 s26, v2;
	v22 =	vld.idx.msk [tilespmem:v15+s9+$0x0], $0xffff;
	v15 =	vadd.f32 v11, v8;
	v10 =	vmul.f32 v10, v14  }
0x2a5: {  	s26 =	simm.s32 $0x8;
	v11 =	vld.idx.msk [tilespmem:v16+s17+$0x0], $0xffff  }
0x2a6: {  	v13 =	vadd.s32 s26, v2;
	v16 =	vld.idx.msk [tilespmem:v16+s9+$0x0], $0xffff;
	v15 =	vadd.f32 v10, v15;
	v9 =	vmul.f32 v9, v17  }
0x2a7: {  	s26 =	simm.s32 $0x9;
	v14 =	vld.idx.msk [tilespmem:v19+s9+$0x0], $0xffff  }
0x2a8: {  	v10 =	vld.idx.msk [tilespmem:v19+s17+$0x0], $0xffff;
	v20 =	vmul.f32 v20, v18;
	v18 =	vadd.s32 s26, v2;
	v19 =	vadd.f32 v9, v15  }
0x2a9: {  	s25 =	simm.s32 $0xA;
	v9 =	vld.idx.msk [tilespmem:v21+s17+$0x0], $0xffff  }
0x2aa: {  	v17 =	vadd.s32 s25, v2;
	v15 =	vld.idx.msk [tilespmem:v21+s9+$0x0], $0xffff;
	v19 =	vadd.f32 v20, v19;
	v20 =	vmul.f32 v22, v12  }
0x2ab: {  	s29 =	simm.s32 $0xB;
	s26 =	simm.s32 $0xF;
	v12 =	vld.idx.msk [tilespmem:v13+s17+$0x0], $0xffff  }
.LBB2_22:
0x2ac: {  	p1 =	slt.u32 s26, $0x5F;
	v21 =	vadd.s32 s29, v2;
	v11 =	vmul.f32 v16, v11;
	v22 =	vld.idx.msk [tilespmem:v13+s9+$0x0], $0xffff;
	v13 =	vadd.f32 v20, v19  }
0x2ad: {  	s29 =	sadd.s32 $0x2, s25;
	v20 =	vld.idx.msk [tilespmem:v18+s17+$0x0], $0xffff  }
0x2ae: {  	v19 =	vadd.s32 s29, v2;
	v10 =	vmul.f32 v14, v10;
	v23 =	vadd.f32 v11, v13;
	v24 =	vld.idx.msk [tilespmem:v18+s9+$0x0], $0xffff  }
0x2af: {  	s29 =	sadd.s32 $0x3, s25;
	v11 =	vld.idx.msk [tilespmem:v17+s17+$0x0], $0xffff  }
0x2b0: {  	v13 =	vadd.s32 s29, v2;
	v9 =	vmul.f32 v15, v9;
	v16 =	vld.idx.msk [tilespmem:v17+s9+$0x0], $0xffff;
	v17 =	vadd.f32 v10, v23  }
.Ltmp10:
0x2b1: {  	s29 =	sadd.s32 $0x4, s25;
	s25 =	smov.u32 s26;
	v10 =	vld.idx.msk [tilespmem:v21+s17+$0x0], $0xffff;
	(pc) =	sbr.rel @p1 .LBB2_22-.Ltmp10, $4  }
0x2b2: {  	v18 =	vadd.s32 s29, v2;
	v12 =	vmul.f32 v22, v12;
	v14 =	vld.idx.msk [tilespmem:v21+s9+$0x0], $0xffff;
	v21 =	vadd.f32 v9, v17  }
0x2b3: {  	v9 =	vld.idx.msk [tilespmem:v19+s17+$0x0], $0xffff  }
0x2b4: {  	v17 =	vadd.s32 s26, v2;
	v20 =	vmul.f32 v24, v20;
	v15 =	vld.idx.msk [tilespmem:v19+s9+$0x0], $0xffff;
	v19 =	vadd.f32 v12, v21  }
0x2b5: {  	s29 =	sadd.s32 $0x1, s25;
	s26 =	sadd.s32 $0x5, s26;
	v12 =	vld.idx.msk [tilespmem:v13+s17+$0x0], $0xffff  }
0x2b6: {  	_ =	sdelay $0x2  }
0x2b7: {  	v11 =	vmul.f32 v16, v11;
	v16 =	vadd.f32 v20, v19  }
0x2b8: {  	v19 =	vadd.s32 s29, v2;
	v13 =	vld.idx.msk [tilespmem:v13+s9+$0x0], $0xffff  }
0x2b9: {  	s26 =	sadd.s32 $0x2, s25;
	v20 =	vld.idx.msk [tilespmem:v18+s17+$0x0], $0xffff;
	v10 =	vmul.f32 v14, v10;
	v11 =	vadd.f32 v11, v16  }
0x2ba: {  	v14 =	vadd.s32 s26, v2;
	v16 =	vld.idx.msk [tilespmem:v18+s9+$0x0], $0xffff  }
0x2bb: {  	s26 =	sadd.s32 $0x3, s25;
	v18 =	vld.idx.msk [tilespmem:v17+s17+$0x0], $0xffff;
	v9 =	vmul.f32 v15, v9;
	v10 =	vadd.f32 v10, v11  }
0x2bc: {  	v15 =	vadd.s32 s26, v2;
	v11 =	vld.idx.msk [tilespmem:v17+s9+$0x0], $0xffff  }
0x2bd: {  	s26 =	sadd.s32 $0x4, s25;
	v17 =	vld.idx.msk [tilespmem:v19+s17+$0x0], $0xffff;
	v9 =	vadd.f32 v9, v10;
	v10 =	vmul.f32 v13, v12  }
0x2be: {  	v12 =	vld.idx.msk [tilespmem:v19+s9+$0x0], $0xffff;
	v13 =	vadd.s32 s26, v2  }
0x2bf: {  	v19 =	vld.idx.msk [tilespmem:v14+s17+$0x0], $0xffff;
	v9 =	vadd.f32 v10, v9;
	v10 =	vmul.f32 v16, v20  }
0x2c0: {  	v14 =	vld.idx.msk [tilespmem:v14+s9+$0x0], $0xffff  }
0x2c1: {  	v16 =	vld.idx.msk [tilespmem:v15+s17+$0x0], $0xffff;
	v11 =	vmul.f32 v11, v18;
	v9 =	vadd.f32 v10, v9  }
0x2c2: {  	v10 =	vld.idx.msk [tilespmem:v15+s9+$0x0], $0xffff  }
0x2c3: {  	v15 =	vld.idx.msk [tilespmem:v13+s17+$0x0], $0xffff;
	v9 =	vadd.f32 v11, v9;
	v11 =	vmul.f32 v12, v17  }
0x2c4: {  	v12 =	vld.idx.msk [tilespmem:v13+s9+$0x0], $0xffff  }
0x2c5: {  	v9 =	vadd.f32 v11, v9;
	v11 =	vmul.f32 v14, v19;
	_ =	sdelay $0x1  }
0x2c6: {  	v10 =	vmul.f32 v10, v16;
	v9 =	vadd.f32 v11, v9  }
0x2c7: {  	s26 =	simm.s32 $0x0  }
0x2c8: {  	v11 =	vadd.s32 s26, v3;
	v9 =	vadd.f32 v10, v9;
	v10 =	vmul.f32 v12, v15  }
0x2c9: {  	s26 =	simm.s32 $0x1  }
0x2ca: {  	v9 =	vadd.f32 v10, v9;
	v10 =	vadd.s32 s26, v3  }
0x2cb: {  	s26 =	simm.s32 $0x2  }
0x2cc: {  	[tilespmem:$0x1C9C8] =	vst v9;
	v9 =	vadd.s32 s26, v3  }
0x2cd: {  	s26 =	simm.s32 $0x3;
	v12 =	vld.idx.msk [tilespmem:v11+s17+$0x0], $0xffff  }
0x2ce: {  	v11 =	vld.idx.msk [tilespmem:v11+s9+$0x0], $0xffff;
	v13 =	vadd.s32 s26, v3  }
0x2cf: {  	s26 =	simm.s32 $0x4;
	v14 =	vld.idx.msk [tilespmem:v10+s17+$0x0], $0xffff  }
0x2d0: {  	v15 =	vadd.s32 s26, v3;
	v10 =	vld.idx.msk [tilespmem:v10+s9+$0x0], $0xffff  }
0x2d1: {  	s26 =	simm.s32 $0x5;
	v17 =	vld.idx.msk [tilespmem:v9+s17+$0x0], $0xffff  }
0x2d2: {  	v16 =	vadd.s32 s26, v3;
	v9 =	vld.idx.msk [tilespmem:v9+s9+$0x0], $0xffff  }
0x2d3: {  	s26 =	simm.s32 $0x6;
	v18 =	vld.idx.msk [tilespmem:v13+s17+$0x0], $0xffff  }
0x2d4: {  	v19 =	vadd.s32 s26, v3;
	v20 =	vld.idx.msk [tilespmem:v13+s9+$0x0], $0xffff;
	v11 =	vmul.f32 v11, v12  }
0x2d5: {  	s26 =	simm.s32 $0x7;
	v12 =	vld.idx.msk [tilespmem:v15+s17+$0x0], $0xffff  }
0x2d6: {  	v21 =	vadd.s32 s26, v3;
	v22 =	vld.idx.msk [tilespmem:v15+s9+$0x0], $0xffff;
	v15 =	vadd.f32 v11, v8;
	v10 =	vmul.f32 v10, v14  }
0x2d7: {  	s26 =	simm.s32 $0x8;
	v11 =	vld.idx.msk [tilespmem:v16+s17+$0x0], $0xffff  }
0x2d8: {  	v13 =	vadd.s32 s26, v3;
	v16 =	vld.idx.msk [tilespmem:v16+s9+$0x0], $0xffff;
	v15 =	vadd.f32 v10, v15;
	v9 =	vmul.f32 v9, v17  }
0x2d9: {  	s26 =	simm.s32 $0x9;
	v14 =	vld.idx.msk [tilespmem:v19+s9+$0x0], $0xffff  }
0x2da: {  	v10 =	vld.idx.msk [tilespmem:v19+s17+$0x0], $0xffff;
	v20 =	vmul.f32 v20, v18;
	v18 =	vadd.s32 s26, v3;
	v19 =	vadd.f32 v9, v15  }
0x2db: {  	s25 =	simm.s32 $0xA;
	v9 =	vld.idx.msk [tilespmem:v21+s17+$0x0], $0xffff  }
0x2dc: {  	v17 =	vadd.s32 s25, v3;
	v15 =	vld.idx.msk [tilespmem:v21+s9+$0x0], $0xffff;
	v19 =	vadd.f32 v20, v19;
	v20 =	vmul.f32 v22, v12  }
0x2dd: {  	s29 =	simm.s32 $0xB;
	s26 =	simm.s32 $0xF;
	v12 =	vld.idx.msk [tilespmem:v13+s17+$0x0], $0xffff  }
.LBB2_24:
0x2de: {  	p1 =	slt.u32 s26, $0x5F;
	v21 =	vadd.s32 s29, v3;
	v11 =	vmul.f32 v16, v11;
	v22 =	vld.idx.msk [tilespmem:v13+s9+$0x0], $0xffff;
	v13 =	vadd.f32 v20, v19  }
0x2df: {  	s29 =	sadd.s32 $0x2, s25;
	v20 =	vld.idx.msk [tilespmem:v18+s17+$0x0], $0xffff  }
0x2e0: {  	v19 =	vadd.s32 s29, v3;
	v10 =	vmul.f32 v14, v10;
	v23 =	vadd.f32 v11, v13;
	v24 =	vld.idx.msk [tilespmem:v18+s9+$0x0], $0xffff  }
0x2e1: {  	s29 =	sadd.s32 $0x3, s25;
	v11 =	vld.idx.msk [tilespmem:v17+s17+$0x0], $0xffff  }
0x2e2: {  	v13 =	vadd.s32 s29, v3;
	v9 =	vmul.f32 v15, v9;
	v16 =	vld.idx.msk [tilespmem:v17+s9+$0x0], $0xffff;
	v17 =	vadd.f32 v10, v23  }
.Ltmp11:
0x2e3: {  	s29 =	sadd.s32 $0x4, s25;
	s25 =	smov.u32 s26;
	v10 =	vld.idx.msk [tilespmem:v21+s17+$0x0], $0xffff;
	(pc) =	sbr.rel @p1 .LBB2_24-.Ltmp11, $4  }
0x2e4: {  	v18 =	vadd.s32 s29, v3;
	v12 =	vmul.f32 v22, v12;
	v14 =	vld.idx.msk [tilespmem:v21+s9+$0x0], $0xffff;
	v21 =	vadd.f32 v9, v17  }
0x2e5: {  	v9 =	vld.idx.msk [tilespmem:v19+s17+$0x0], $0xffff  }
0x2e6: {  	v17 =	vadd.s32 s26, v3;
	v20 =	vmul.f32 v24, v20;
	v15 =	vld.idx.msk [tilespmem:v19+s9+$0x0], $0xffff;
	v19 =	vadd.f32 v12, v21  }
0x2e7: {  	s29 =	sadd.s32 $0x1, s25;
	s26 =	sadd.s32 $0x5, s26;
	v12 =	vld.idx.msk [tilespmem:v13+s17+$0x0], $0xffff  }
0x2e8: {  	_ =	sdelay $0x2  }
0x2e9: {  	v11 =	vmul.f32 v16, v11;
	v16 =	vadd.f32 v20, v19  }
0x2ea: {  	v19 =	vadd.s32 s29, v3;
	v13 =	vld.idx.msk [tilespmem:v13+s9+$0x0], $0xffff  }
0x2eb: {  	s26 =	sadd.s32 $0x2, s25;
	v20 =	vld.idx.msk [tilespmem:v18+s17+$0x0], $0xffff;
	v10 =	vmul.f32 v14, v10;
	v11 =	vadd.f32 v11, v16  }
0x2ec: {  	v14 =	vadd.s32 s26, v3;
	v16 =	vld.idx.msk [tilespmem:v18+s9+$0x0], $0xffff  }
0x2ed: {  	s26 =	sadd.s32 $0x3, s25;
	v18 =	vld.idx.msk [tilespmem:v17+s17+$0x0], $0xffff;
	v9 =	vmul.f32 v15, v9;
	v10 =	vadd.f32 v10, v11  }
0x2ee: {  	v15 =	vadd.s32 s26, v3;
	v11 =	vld.idx.msk [tilespmem:v17+s9+$0x0], $0xffff  }
0x2ef: {  	s26 =	sadd.s32 $0x4, s25;
	v17 =	vld.idx.msk [tilespmem:v19+s17+$0x0], $0xffff;
	v9 =	vadd.f32 v9, v10;
	v10 =	vmul.f32 v13, v12  }
0x2f0: {  	v12 =	vld.idx.msk [tilespmem:v19+s9+$0x0], $0xffff;
	v13 =	vadd.s32 s26, v3  }
0x2f1: {  	v19 =	vld.idx.msk [tilespmem:v14+s17+$0x0], $0xffff;
	v9 =	vadd.f32 v10, v9;
	v10 =	vmul.f32 v16, v20  }
0x2f2: {  	v14 =	vld.idx.msk [tilespmem:v14+s9+$0x0], $0xffff  }
0x2f3: {  	v16 =	vld.idx.msk [tilespmem:v15+s17+$0x0], $0xffff;
	v11 =	vmul.f32 v11, v18;
	v9 =	vadd.f32 v10, v9  }
0x2f4: {  	v10 =	vld.idx.msk [tilespmem:v15+s9+$0x0], $0xffff  }
0x2f5: {  	v15 =	vld.idx.msk [tilespmem:v13+s17+$0x0], $0xffff;
	v9 =	vadd.f32 v11, v9;
	v11 =	vmul.f32 v12, v17  }
0x2f6: {  	v12 =	vld.idx.msk [tilespmem:v13+s9+$0x0], $0xffff  }
0x2f7: {  	v9 =	vadd.f32 v11, v9;
	v11 =	vmul.f32 v14, v19;
	_ =	sdelay $0x1  }
0x2f8: {  	v10 =	vmul.f32 v10, v16;
	v9 =	vadd.f32 v11, v9;
	_ =	sdelay $0x1  }
0x2f9: {  	v9 =	vadd.f32 v10, v9;
	v10 =	vmul.f32 v12, v15;
	_ =	sdelay $0x1  }
0x2fa: {  	v9 =	vadd.f32 v10, v9;
	_ =	sdelay $0x1  }
0x2fb: {  	s25 =	simm.s32 $0x0;
	s26 =	rddreg [dreg:$0x12];
	[tilespmem:$0x1C9D8] =	vst v9  }
0x2fc: {  	[tilespmem:s8], [sflag:$0x5] =	stream.linear.gather [hbm4b:s26+s25], $0x1900, $0x38;
	[tilespmem:$0x1CB28] =	vst v63  }
0x2fd: {  	_ =	swait.ge [sflag:s15], $0x1900  }
0x2fe: {  	[sflag:s15] =	ssyncset.done $0x0  }
0x2ff: {  	s26 =	rddreg [dreg:$0x13];
	[sflag:s15] =	ssyncadd.s32 $0xFFFFE700  }
0x300: {  	[tilespmem:s9], [sflag:$0x5] =	stream.linear.gather [hbm4b:s26+s25], $0x1900, $0x38;
	[tilespmem:$0x1CB28] =	vst v63  }
0x301: {  	_ =	swait.ge [sflag:s15], $0x1900  }
0x302: {  	[sflag:s15] =	ssyncset.done $0x0  }
0x303: {  	v9 =	vadd.s32 s25, v4;
	s26 =	simm.s32 $0x1;
	[sflag:s15] =	ssyncadd.s32 $0xFFFFE700  }
0x304: {  	[tilespmem:s17], [sflag:$0x1] =	stream.indirect.gather [spmem:s28], $0x1, s8, s16, $0xb8;
	[tilespmem:$0x1CB28] =	vst v63  }
0x305: {  	v10 =	vadd.s32 s26, v4;
	_ =	swait.ge [sflag:s22], $0x1900  }
0x306: {  	s26 =	simm.s32 $0x2;
	[sflag:s22] =	ssyncset.done $0x0  }
0x307: {  	v11 =	vadd.s32 s26, v4;
	[sflag:s22] =	ssyncadd.s32 $0xFFFFE700  }
0x308: {  	s26 =	simm.s32 $0x3;
	v12 =	vld.idx.msk [tilespmem:v9+s17+$0x0], $0xffff  }
0x309: {  	v13 =	vadd.s32 s26, v4;
	v9 =	vld.idx.msk [tilespmem:v9+s9+$0x0], $0xffff  }
0x30a: {  	s26 =	simm.s32 $0x4;
	v14 =	vld.idx.msk [tilespmem:v10+s17+$0x0], $0xffff  }
0x30b: {  	v15 =	vadd.s32 s26, v4;
	s26 =	simm.s32 $0x5;
	v10 =	vld.idx.msk [tilespmem:v10+s9+$0x0], $0xffff  }
0x30c: {  	v16 =	vadd.s32 s26, v4;
	v17 =	vld.idx.msk [tilespmem:v11+s17+$0x0], $0xffff  }
0x30d: {  	v18 =	vld.idx.msk [tilespmem:v11+s9+$0x0], $0xffff  }
0x30e: {  	s26 =	simm.s32 $0x6;
	v19 =	vld.idx.msk [tilespmem:v13+s17+$0x0], $0xffff  }
0x30f: {  	v20 =	vadd.s32 s26, v4;
	v21 =	vld.idx.msk [tilespmem:v13+s9+$0x0], $0xffff;
	v9 =	vmul.f32 v9, v12  }
0x310: {  	s26 =	simm.s32 $0x7;
	v23 =	vld.idx.msk [tilespmem:v15+s9+$0x0], $0xffff  }
0x311: {  	v22 =	vadd.s32 s26, v4;
	v11 =	vld.idx.msk [tilespmem:v16+s17+$0x0], $0xffff;
	v10 =	vmul.f32 v10, v14;
	v9 =	vadd.f32 v9, v8  }
0x312: {  	s26 =	simm.s32 $0x8;
	v12 =	vld.idx.msk [tilespmem:v15+s17+$0x0], $0xffff  }
0x313: {  	v13 =	vadd.s32 s26, v4;
	v16 =	vld.idx.msk [tilespmem:v16+s9+$0x0], $0xffff;
	v15 =	vmul.f32 v18, v17;
	v9 =	vadd.f32 v10, v9  }
0x314: {  	s26 =	simm.s32 $0x9;
	v14 =	vld.idx.msk [tilespmem:v20+s9+$0x0], $0xffff  }
0x315: {  	v19 =	vmul.f32 v21, v19;
	v18 =	vadd.s32 s26, v4;
	v10 =	vld.idx.msk [tilespmem:v20+s17+$0x0], $0xffff;
	v20 =	vadd.f32 v15, v9  }
0x316: {  	s25 =	simm.s32 $0xA;
	v9 =	vld.idx.msk [tilespmem:v22+s17+$0x0], $0xffff  }
0x317: {  	v17 =	vadd.s32 s25, v4;
	v15 =	vld.idx.msk [tilespmem:v22+s9+$0x0], $0xffff;
	v19 =	vadd.f32 v19, v20;
	v20 =	vmul.f32 v23, v12  }
0x318: {  	s29 =	simm.s32 $0xB;
	s26 =	simm.s32 $0xF;
	v12 =	vld.idx.msk [tilespmem:v13+s17+$0x0], $0xffff  }
.LBB2_26:
0x319: {  	p1 =	slt.u32 s26, $0x5F;
	v21 =	vadd.s32 s29, v4;
	v11 =	vmul.f32 v16, v11;
	v22 =	vld.idx.msk [tilespmem:v13+s9+$0x0], $0xffff;
	v13 =	vadd.f32 v20, v19  }
0x31a: {  	s29 =	sadd.s32 $0x2, s25;
	v20 =	vld.idx.msk [tilespmem:v18+s17+$0x0], $0xffff  }
0x31b: {  	v19 =	vadd.s32 s29, v4;
	v10 =	vmul.f32 v14, v10;
	v23 =	vadd.f32 v11, v13;
	v24 =	vld.idx.msk [tilespmem:v18+s9+$0x0], $0xffff  }
0x31c: {  	s29 =	sadd.s32 $0x3, s25;
	v11 =	vld.idx.msk [tilespmem:v17+s17+$0x0], $0xffff  }
0x31d: {  	v13 =	vadd.s32 s29, v4;
	v9 =	vmul.f32 v15, v9;
	v16 =	vld.idx.msk [tilespmem:v17+s9+$0x0], $0xffff;
	v17 =	vadd.f32 v10, v23  }
.Ltmp12:
0x31e: {  	s29 =	sadd.s32 $0x4, s25;
	s25 =	smov.u32 s26;
	v10 =	vld.idx.msk [tilespmem:v21+s17+$0x0], $0xffff;
	(pc) =	sbr.rel @p1 .LBB2_26-.Ltmp12, $4  }
0x31f: {  	v18 =	vadd.s32 s29, v4;
	v12 =	vmul.f32 v22, v12;
	v14 =	vld.idx.msk [tilespmem:v21+s9+$0x0], $0xffff;
	v21 =	vadd.f32 v9, v17  }
0x320: {  	v9 =	vld.idx.msk [tilespmem:v19+s17+$0x0], $0xffff  }
0x321: {  	v17 =	vadd.s32 s26, v4;
	v20 =	vmul.f32 v24, v20;
	v15 =	vld.idx.msk [tilespmem:v19+s9+$0x0], $0xffff;
	v19 =	vadd.f32 v12, v21  }
0x322: {  	s29 =	sadd.s32 $0x1, s25;
	s26 =	sadd.s32 $0x5, s26;
	v12 =	vld.idx.msk [tilespmem:v13+s17+$0x0], $0xffff  }
0x323: {  	_ =	sdelay $0x2  }
0x324: {  	v11 =	vmul.f32 v16, v11;
	v16 =	vadd.f32 v20, v19  }
0x325: {  	v19 =	vadd.s32 s29, v4;
	v13 =	vld.idx.msk [tilespmem:v13+s9+$0x0], $0xffff  }
0x326: {  	s26 =	sadd.s32 $0x2, s25;
	v20 =	vld.idx.msk [tilespmem:v18+s17+$0x0], $0xffff;
	v10 =	vmul.f32 v14, v10;
	v11 =	vadd.f32 v11, v16  }
0x327: {  	v14 =	vadd.s32 s26, v4;
	v16 =	vld.idx.msk [tilespmem:v18+s9+$0x0], $0xffff  }
0x328: {  	s26 =	sadd.s32 $0x3, s25;
	v18 =	vld.idx.msk [tilespmem:v17+s17+$0x0], $0xffff;
	v9 =	vmul.f32 v15, v9;
	v10 =	vadd.f32 v10, v11  }
0x329: {  	v15 =	vadd.s32 s26, v4;
	v11 =	vld.idx.msk [tilespmem:v17+s9+$0x0], $0xffff  }
0x32a: {  	s26 =	sadd.s32 $0x4, s25;
	v17 =	vld.idx.msk [tilespmem:v19+s17+$0x0], $0xffff;
	v9 =	vadd.f32 v9, v10;
	v10 =	vmul.f32 v13, v12  }
0x32b: {  	v12 =	vld.idx.msk [tilespmem:v19+s9+$0x0], $0xffff;
	v13 =	vadd.s32 s26, v4  }
0x32c: {  	v19 =	vld.idx.msk [tilespmem:v14+s17+$0x0], $0xffff;
	v9 =	vadd.f32 v10, v9;
	v10 =	vmul.f32 v16, v20  }
0x32d: {  	v14 =	vld.idx.msk [tilespmem:v14+s9+$0x0], $0xffff  }
0x32e: {  	v16 =	vld.idx.msk [tilespmem:v15+s17+$0x0], $0xffff;
	v11 =	vmul.f32 v11, v18;
	v9 =	vadd.f32 v10, v9  }
0x32f: {  	v10 =	vld.idx.msk [tilespmem:v15+s9+$0x0], $0xffff  }
0x330: {  	v15 =	vld.idx.msk [tilespmem:v13+s17+$0x0], $0xffff;
	v9 =	vadd.f32 v11, v9;
	v11 =	vmul.f32 v12, v17  }
0x331: {  	v12 =	vld.idx.msk [tilespmem:v13+s9+$0x0], $0xffff  }
0x332: {  	v9 =	vadd.f32 v11, v9;
	v11 =	vmul.f32 v14, v19;
	_ =	sdelay $0x1  }
0x333: {  	v10 =	vmul.f32 v10, v16;
	v9 =	vadd.f32 v11, v9  }
0x334: {  	s26 =	simm.s32 $0x0  }
0x335: {  	v11 =	vadd.s32 s26, v5;
	v9 =	vadd.f32 v10, v9;
	v10 =	vmul.f32 v12, v15  }
0x336: {  	s26 =	simm.s32 $0x1  }
0x337: {  	v9 =	vadd.f32 v10, v9;
	v10 =	vadd.s32 s26, v5  }
0x338: {  	s26 =	simm.s32 $0x2  }
0x339: {  	[tilespmem:$0x1C9E8] =	vst v9;
	v9 =	vadd.s32 s26, v5  }
0x33a: {  	s26 =	simm.s32 $0x3;
	v12 =	vld.idx.msk [tilespmem:v11+s17+$0x0], $0xffff  }
0x33b: {  	v11 =	vld.idx.msk [tilespmem:v11+s9+$0x0], $0xffff;
	v13 =	vadd.s32 s26, v5  }
0x33c: {  	s26 =	simm.s32 $0x4;
	v14 =	vld.idx.msk [tilespmem:v10+s17+$0x0], $0xffff  }
0x33d: {  	v15 =	vadd.s32 s26, v5;
	v10 =	vld.idx.msk [tilespmem:v10+s9+$0x0], $0xffff  }
0x33e: {  	s26 =	simm.s32 $0x5;
	v17 =	vld.idx.msk [tilespmem:v9+s17+$0x0], $0xffff  }
0x33f: {  	v16 =	vadd.s32 s26, v5;
	v9 =	vld.idx.msk [tilespmem:v9+s9+$0x0], $0xffff  }
0x340: {  	s26 =	simm.s32 $0x6;
	v18 =	vld.idx.msk [tilespmem:v13+s17+$0x0], $0xffff  }
0x341: {  	v19 =	vadd.s32 s26, v5;
	v20 =	vld.idx.msk [tilespmem:v13+s9+$0x0], $0xffff;
	v11 =	vmul.f32 v11, v12  }
0x342: {  	s26 =	simm.s32 $0x7;
	v12 =	vld.idx.msk [tilespmem:v15+s17+$0x0], $0xffff  }
0x343: {  	v21 =	vadd.s32 s26, v5;
	v22 =	vld.idx.msk [tilespmem:v15+s9+$0x0], $0xffff;
	v15 =	vadd.f32 v11, v8;
	v10 =	vmul.f32 v10, v14  }
0x344: {  	s26 =	simm.s32 $0x8;
	v11 =	vld.idx.msk [tilespmem:v16+s17+$0x0], $0xffff  }
0x345: {  	v13 =	vadd.s32 s26, v5;
	v16 =	vld.idx.msk [tilespmem:v16+s9+$0x0], $0xffff;
	v15 =	vadd.f32 v10, v15;
	v9 =	vmul.f32 v9, v17  }
0x346: {  	s26 =	simm.s32 $0x9;
	v14 =	vld.idx.msk [tilespmem:v19+s9+$0x0], $0xffff  }
0x347: {  	v10 =	vld.idx.msk [tilespmem:v19+s17+$0x0], $0xffff;
	v20 =	vmul.f32 v20, v18;
	v18 =	vadd.s32 s26, v5;
	v19 =	vadd.f32 v9, v15  }
0x348: {  	s25 =	simm.s32 $0xA;
	v9 =	vld.idx.msk [tilespmem:v21+s17+$0x0], $0xffff  }
0x349: {  	v17 =	vadd.s32 s25, v5;
	v15 =	vld.idx.msk [tilespmem:v21+s9+$0x0], $0xffff;
	v19 =	vadd.f32 v20, v19;
	v20 =	vmul.f32 v22, v12  }
0x34a: {  	s29 =	simm.s32 $0xB;
	s26 =	simm.s32 $0xF;
	v12 =	vld.idx.msk [tilespmem:v13+s17+$0x0], $0xffff  }
.LBB2_28:
0x34b: {  	p1 =	slt.u32 s26, $0x5F;
	v21 =	vadd.s32 s29, v5;
	v11 =	vmul.f32 v16, v11;
	v22 =	vld.idx.msk [tilespmem:v13+s9+$0x0], $0xffff;
	v13 =	vadd.f32 v20, v19  }
0x34c: {  	s29 =	sadd.s32 $0x2, s25;
	v20 =	vld.idx.msk [tilespmem:v18+s17+$0x0], $0xffff  }
0x34d: {  	v19 =	vadd.s32 s29, v5;
	v10 =	vmul.f32 v14, v10;
	v23 =	vadd.f32 v11, v13;
	v24 =	vld.idx.msk [tilespmem:v18+s9+$0x0], $0xffff  }
0x34e: {  	s29 =	sadd.s32 $0x3, s25;
	v11 =	vld.idx.msk [tilespmem:v17+s17+$0x0], $0xffff  }
0x34f: {  	v13 =	vadd.s32 s29, v5;
	v9 =	vmul.f32 v15, v9;
	v16 =	vld.idx.msk [tilespmem:v17+s9+$0x0], $0xffff;
	v17 =	vadd.f32 v10, v23  }
.Ltmp13:
0x350: {  	s29 =	sadd.s32 $0x4, s25;
	s25 =	smov.u32 s26;
	v10 =	vld.idx.msk [tilespmem:v21+s17+$0x0], $0xffff;
	(pc) =	sbr.rel @p1 .LBB2_28-.Ltmp13, $4  }
0x351: {  	v18 =	vadd.s32 s29, v5;
	v12 =	vmul.f32 v22, v12;
	v14 =	vld.idx.msk [tilespmem:v21+s9+$0x0], $0xffff;
	v21 =	vadd.f32 v9, v17  }
0x352: {  	v9 =	vld.idx.msk [tilespmem:v19+s17+$0x0], $0xffff  }
0x353: {  	v17 =	vadd.s32 s26, v5;
	v20 =	vmul.f32 v24, v20;
	v15 =	vld.idx.msk [tilespmem:v19+s9+$0x0], $0xffff;
	v19 =	vadd.f32 v12, v21  }
0x354: {  	s29 =	sadd.s32 $0x1, s25;
	s26 =	sadd.s32 $0x5, s26;
	v12 =	vld.idx.msk [tilespmem:v13+s17+$0x0], $0xffff  }
0x355: {  	_ =	sdelay $0x2  }
0x356: {  	v11 =	vmul.f32 v16, v11;
	v16 =	vadd.f32 v20, v19  }
0x357: {  	v19 =	vadd.s32 s29, v5;
	v13 =	vld.idx.msk [tilespmem:v13+s9+$0x0], $0xffff  }
0x358: {  	s26 =	sadd.s32 $0x2, s25;
	v20 =	vld.idx.msk [tilespmem:v18+s17+$0x0], $0xffff;
	v10 =	vmul.f32 v14, v10;
	v11 =	vadd.f32 v11, v16  }
0x359: {  	v14 =	vadd.s32 s26, v5;
	v16 =	vld.idx.msk [tilespmem:v18+s9+$0x0], $0xffff  }
0x35a: {  	s26 =	sadd.s32 $0x3, s25;
	v18 =	vld.idx.msk [tilespmem:v17+s17+$0x0], $0xffff;
	v9 =	vmul.f32 v15, v9;
	v10 =	vadd.f32 v10, v11  }
0x35b: {  	v15 =	vadd.s32 s26, v5;
	v11 =	vld.idx.msk [tilespmem:v17+s9+$0x0], $0xffff  }
0x35c: {  	s26 =	sadd.s32 $0x4, s25;
	v17 =	vld.idx.msk [tilespmem:v19+s17+$0x0], $0xffff;
	v9 =	vadd.f32 v9, v10;
	v10 =	vmul.f32 v13, v12  }
0x35d: {  	v12 =	vld.idx.msk [tilespmem:v19+s9+$0x0], $0xffff;
	v13 =	vadd.s32 s26, v5  }
0x35e: {  	v19 =	vld.idx.msk [tilespmem:v14+s17+$0x0], $0xffff;
	v9 =	vadd.f32 v10, v9;
	v10 =	vmul.f32 v16, v20  }
0x35f: {  	v14 =	vld.idx.msk [tilespmem:v14+s9+$0x0], $0xffff  }
0x360: {  	v16 =	vld.idx.msk [tilespmem:v15+s17+$0x0], $0xffff;
	v11 =	vmul.f32 v11, v18;
	v9 =	vadd.f32 v10, v9  }
0x361: {  	v10 =	vld.idx.msk [tilespmem:v15+s9+$0x0], $0xffff  }
0x362: {  	v15 =	vld.idx.msk [tilespmem:v13+s17+$0x0], $0xffff;
	v9 =	vadd.f32 v11, v9;
	v11 =	vmul.f32 v12, v17  }
0x363: {  	v12 =	vld.idx.msk [tilespmem:v13+s9+$0x0], $0xffff  }
0x364: {  	v9 =	vadd.f32 v11, v9;
	v11 =	vmul.f32 v14, v19;
	_ =	sdelay $0x1  }
0x365: {  	v10 =	vmul.f32 v10, v16;
	v9 =	vadd.f32 v11, v9  }
0x366: {  	s26 =	simm.s32 $0x0  }
0x367: {  	v11 =	vadd.s32 s26, v6;
	v9 =	vadd.f32 v10, v9;
	v10 =	vmul.f32 v12, v15  }
0x368: {  	s26 =	simm.s32 $0x1  }
0x369: {  	v9 =	vadd.f32 v10, v9;
	v10 =	vadd.s32 s26, v6  }
0x36a: {  	s26 =	simm.s32 $0x2  }
0x36b: {  	[tilespmem:$0x1C9F8] =	vst v9;
	v9 =	vadd.s32 s26, v6  }
0x36c: {  	s26 =	simm.s32 $0x3;
	v12 =	vld.idx.msk [tilespmem:v11+s17+$0x0], $0xffff  }
0x36d: {  	v11 =	vld.idx.msk [tilespmem:v11+s9+$0x0], $0xffff;
	v13 =	vadd.s32 s26, v6  }
0x36e: {  	s26 =	simm.s32 $0x4;
	v14 =	vld.idx.msk [tilespmem:v10+s17+$0x0], $0xffff  }
0x36f: {  	v15 =	vadd.s32 s26, v6;
	v10 =	vld.idx.msk [tilespmem:v10+s9+$0x0], $0xffff  }
0x370: {  	s26 =	simm.s32 $0x5;
	v17 =	vld.idx.msk [tilespmem:v9+s17+$0x0], $0xffff  }
0x371: {  	v16 =	vadd.s32 s26, v6;
	v9 =	vld.idx.msk [tilespmem:v9+s9+$0x0], $0xffff  }
0x372: {  	s26 =	simm.s32 $0x6;
	v18 =	vld.idx.msk [tilespmem:v13+s17+$0x0], $0xffff  }
0x373: {  	v19 =	vadd.s32 s26, v6;
	v20 =	vld.idx.msk [tilespmem:v13+s9+$0x0], $0xffff;
	v11 =	vmul.f32 v11, v12  }
0x374: {  	s26 =	simm.s32 $0x7;
	v12 =	vld.idx.msk [tilespmem:v15+s17+$0x0], $0xffff  }
0x375: {  	v21 =	vadd.s32 s26, v6;
	v22 =	vld.idx.msk [tilespmem:v15+s9+$0x0], $0xffff;
	v15 =	vadd.f32 v11, v8;
	v10 =	vmul.f32 v10, v14  }
0x376: {  	s26 =	simm.s32 $0x8;
	v11 =	vld.idx.msk [tilespmem:v16+s17+$0x0], $0xffff  }
0x377: {  	v13 =	vadd.s32 s26, v6;
	v16 =	vld.idx.msk [tilespmem:v16+s9+$0x0], $0xffff;
	v15 =	vadd.f32 v10, v15;
	v9 =	vmul.f32 v9, v17  }
0x378: {  	s26 =	simm.s32 $0x9;
	v14 =	vld.idx.msk [tilespmem:v19+s9+$0x0], $0xffff  }
0x379: {  	v10 =	vld.idx.msk [tilespmem:v19+s17+$0x0], $0xffff;
	v20 =	vmul.f32 v20, v18;
	v18 =	vadd.s32 s26, v6;
	v19 =	vadd.f32 v9, v15  }
0x37a: {  	s25 =	simm.s32 $0xA;
	v9 =	vld.idx.msk [tilespmem:v21+s17+$0x0], $0xffff  }
0x37b: {  	v17 =	vadd.s32 s25, v6;
	v15 =	vld.idx.msk [tilespmem:v21+s9+$0x0], $0xffff;
	v19 =	vadd.f32 v20, v19;
	v20 =	vmul.f32 v22, v12  }
0x37c: {  	s29 =	simm.s32 $0xB;
	s26 =	simm.s32 $0xF;
	v12 =	vld.idx.msk [tilespmem:v13+s17+$0x0], $0xffff  }
.LBB2_30:
0x37d: {  	p1 =	slt.u32 s26, $0x5F;
	v21 =	vadd.s32 s29, v6;
	v11 =	vmul.f32 v16, v11;
	v22 =	vld.idx.msk [tilespmem:v13+s9+$0x0], $0xffff;
	v13 =	vadd.f32 v20, v19  }
0x37e: {  	s29 =	sadd.s32 $0x2, s25;
	v20 =	vld.idx.msk [tilespmem:v18+s17+$0x0], $0xffff  }
0x37f: {  	v19 =	vadd.s32 s29, v6;
	v10 =	vmul.f32 v14, v10;
	v23 =	vadd.f32 v11, v13;
	v24 =	vld.idx.msk [tilespmem:v18+s9+$0x0], $0xffff  }
0x380: {  	s29 =	sadd.s32 $0x3, s25;
	v11 =	vld.idx.msk [tilespmem:v17+s17+$0x0], $0xffff  }
0x381: {  	v13 =	vadd.s32 s29, v6;
	v9 =	vmul.f32 v15, v9;
	v16 =	vld.idx.msk [tilespmem:v17+s9+$0x0], $0xffff;
	v17 =	vadd.f32 v10, v23  }
.Ltmp14:
0x382: {  	s29 =	sadd.s32 $0x4, s25;
	s25 =	smov.u32 s26;
	v10 =	vld.idx.msk [tilespmem:v21+s17+$0x0], $0xffff;
	(pc) =	sbr.rel @p1 .LBB2_30-.Ltmp14, $4  }
0x383: {  	v18 =	vadd.s32 s29, v6;
	v12 =	vmul.f32 v22, v12;
	v14 =	vld.idx.msk [tilespmem:v21+s9+$0x0], $0xffff;
	v21 =	vadd.f32 v9, v17  }
0x384: {  	v9 =	vld.idx.msk [tilespmem:v19+s17+$0x0], $0xffff  }
0x385: {  	v17 =	vadd.s32 s26, v6;
	v20 =	vmul.f32 v24, v20;
	v15 =	vld.idx.msk [tilespmem:v19+s9+$0x0], $0xffff;
	v19 =	vadd.f32 v12, v21  }
0x386: {  	s29 =	sadd.s32 $0x1, s25;
	s26 =	sadd.s32 $0x5, s26;
	v12 =	vld.idx.msk [tilespmem:v13+s17+$0x0], $0xffff  }
0x387: {  	_ =	sdelay $0x2  }
0x388: {  	v11 =	vmul.f32 v16, v11;
	v16 =	vadd.f32 v20, v19  }
0x389: {  	v19 =	vadd.s32 s29, v6;
	v13 =	vld.idx.msk [tilespmem:v13+s9+$0x0], $0xffff  }
0x38a: {  	s26 =	sadd.s32 $0x2, s25;
	v20 =	vld.idx.msk [tilespmem:v18+s17+$0x0], $0xffff;
	v10 =	vmul.f32 v14, v10;
	v11 =	vadd.f32 v11, v16  }
0x38b: {  	v14 =	vadd.s32 s26, v6;
	v16 =	vld.idx.msk [tilespmem:v18+s9+$0x0], $0xffff  }
0x38c: {  	s26 =	sadd.s32 $0x3, s25;
	v18 =	vld.idx.msk [tilespmem:v17+s17+$0x0], $0xffff;
	v9 =	vmul.f32 v15, v9;
	v10 =	vadd.f32 v10, v11  }
0x38d: {  	v15 =	vadd.s32 s26, v6;
	v11 =	vld.idx.msk [tilespmem:v17+s9+$0x0], $0xffff  }
0x38e: {  	s26 =	sadd.s32 $0x4, s25;
	v17 =	vld.idx.msk [tilespmem:v19+s17+$0x0], $0xffff;
	v9 =	vadd.f32 v9, v10;
	v10 =	vmul.f32 v13, v12  }
0x38f: {  	v12 =	vld.idx.msk [tilespmem:v19+s9+$0x0], $0xffff;
	v13 =	vadd.s32 s26, v6  }
0x390: {  	v19 =	vld.idx.msk [tilespmem:v14+s17+$0x0], $0xffff;
	v9 =	vadd.f32 v10, v9;
	v10 =	vmul.f32 v16, v20  }
0x391: {  	v14 =	vld.idx.msk [tilespmem:v14+s9+$0x0], $0xffff  }
0x392: {  	v16 =	vld.idx.msk [tilespmem:v15+s17+$0x0], $0xffff;
	v11 =	vmul.f32 v11, v18;
	v9 =	vadd.f32 v10, v9  }
0x393: {  	v10 =	vld.idx.msk [tilespmem:v15+s9+$0x0], $0xffff  }
0x394: {  	v15 =	vld.idx.msk [tilespmem:v13+s17+$0x0], $0xffff;
	v9 =	vadd.f32 v11, v9;
	v11 =	vmul.f32 v12, v17  }
0x395: {  	v12 =	vld.idx.msk [tilespmem:v13+s9+$0x0], $0xffff  }
0x396: {  	v9 =	vadd.f32 v11, v9;
	v11 =	vmul.f32 v14, v19;
	_ =	sdelay $0x1  }
0x397: {  	v10 =	vmul.f32 v10, v16;
	v9 =	vadd.f32 v11, v9  }
0x398: {  	s26 =	simm.s32 $0x0  }
0x399: {  	v11 =	vadd.s32 s26, v7;
	v9 =	vadd.f32 v10, v9;
	v10 =	vmul.f32 v12, v15  }
0x39a: {  	s26 =	simm.s32 $0x1  }
0x39b: {  	v9 =	vadd.f32 v10, v9;
	v10 =	vadd.s32 s26, v7  }
0x39c: {  	s26 =	simm.s32 $0x2  }
0x39d: {  	[tilespmem:$0x1CA08] =	vst v9;
	v9 =	vadd.s32 s26, v7  }
0x39e: {  	s26 =	simm.s32 $0x3;
	v12 =	vld.idx.msk [tilespmem:v11+s17+$0x0], $0xffff  }
0x39f: {  	v11 =	vld.idx.msk [tilespmem:v11+s9+$0x0], $0xffff;
	v13 =	vadd.s32 s26, v7  }
0x3a0: {  	s26 =	simm.s32 $0x4;
	v14 =	vld.idx.msk [tilespmem:v10+s17+$0x0], $0xffff  }
0x3a1: {  	v15 =	vadd.s32 s26, v7;
	v10 =	vld.idx.msk [tilespmem:v10+s9+$0x0], $0xffff  }
0x3a2: {  	s26 =	simm.s32 $0x5;
	v17 =	vld.idx.msk [tilespmem:v9+s17+$0x0], $0xffff  }
0x3a3: {  	v16 =	vadd.s32 s26, v7;
	v9 =	vld.idx.msk [tilespmem:v9+s9+$0x0], $0xffff  }
0x3a4: {  	s26 =	simm.s32 $0x6;
	v18 =	vld.idx.msk [tilespmem:v13+s17+$0x0], $0xffff  }
0x3a5: {  	v19 =	vadd.s32 s26, v7;
	v20 =	vld.idx.msk [tilespmem:v13+s9+$0x0], $0xffff;
	v11 =	vmul.f32 v11, v12  }
0x3a6: {  	s26 =	simm.s32 $0x7;
	v12 =	vld.idx.msk [tilespmem:v15+s17+$0x0], $0xffff  }
0x3a7: {  	v21 =	vadd.s32 s26, v7;
	v22 =	vld.idx.msk [tilespmem:v15+s9+$0x0], $0xffff;
	v15 =	vadd.f32 v11, v8;
	v10 =	vmul.f32 v10, v14  }
0x3a8: {  	s26 =	simm.s32 $0x8;
	v11 =	vld.idx.msk [tilespmem:v16+s17+$0x0], $0xffff  }
0x3a9: {  	v13 =	vadd.s32 s26, v7;
	v16 =	vld.idx.msk [tilespmem:v16+s9+$0x0], $0xffff;
	v15 =	vadd.f32 v10, v15;
	v9 =	vmul.f32 v9, v17  }
0x3aa: {  	s26 =	simm.s32 $0x9;
	v14 =	vld.idx.msk [tilespmem:v19+s9+$0x0], $0xffff  }
0x3ab: {  	v10 =	vld.idx.msk [tilespmem:v19+s17+$0x0], $0xffff;
	v20 =	vmul.f32 v20, v18;
	v18 =	vadd.s32 s26, v7;
	v19 =	vadd.f32 v9, v15  }
0x3ac: {  	s25 =	simm.s32 $0xA;
	v9 =	vld.idx.msk [tilespmem:v21+s17+$0x0], $0xffff  }
0x3ad: {  	v17 =	vadd.s32 s25, v7;
	v15 =	vld.idx.msk [tilespmem:v21+s9+$0x0], $0xffff;
	v19 =	vadd.f32 v20, v19;
	v20 =	vmul.f32 v22, v12  }
0x3ae: {  	s29 =	simm.s32 $0xB;
	s26 =	simm.s32 $0xF;
	v12 =	vld.idx.msk [tilespmem:v13+s17+$0x0], $0xffff  }
.LBB2_32:
0x3af: {  	p1 =	slt.u32 s26, $0x5F;
	v21 =	vadd.s32 s29, v7;
	v11 =	vmul.f32 v16, v11;
	v22 =	vld.idx.msk [tilespmem:v13+s9+$0x0], $0xffff;
	v13 =	vadd.f32 v20, v19  }
0x3b0: {  	s29 =	sadd.s32 $0x2, s25;
	v20 =	vld.idx.msk [tilespmem:v18+s17+$0x0], $0xffff  }
0x3b1: {  	v19 =	vadd.s32 s29, v7;
	v10 =	vmul.f32 v14, v10;
	v23 =	vadd.f32 v11, v13;
	v24 =	vld.idx.msk [tilespmem:v18+s9+$0x0], $0xffff  }
0x3b2: {  	s29 =	sadd.s32 $0x3, s25;
	v11 =	vld.idx.msk [tilespmem:v17+s17+$0x0], $0xffff  }
0x3b3: {  	v13 =	vadd.s32 s29, v7;
	v9 =	vmul.f32 v15, v9;
	v16 =	vld.idx.msk [tilespmem:v17+s9+$0x0], $0xffff;
	v17 =	vadd.f32 v10, v23  }
.Ltmp15:
0x3b4: {  	s29 =	sadd.s32 $0x4, s25;
	s25 =	smov.u32 s26;
	v10 =	vld.idx.msk [tilespmem:v21+s17+$0x0], $0xffff;
	(pc) =	sbr.rel @p1 .LBB2_32-.Ltmp15, $4  }
0x3b5: {  	v18 =	vadd.s32 s29, v7;
	v12 =	vmul.f32 v22, v12;
	v14 =	vld.idx.msk [tilespmem:v21+s9+$0x0], $0xffff;
	v21 =	vadd.f32 v9, v17  }
0x3b6: {  	v9 =	vld.idx.msk [tilespmem:v19+s17+$0x0], $0xffff  }
0x3b7: {  	v17 =	vadd.s32 s26, v7;
	v20 =	vmul.f32 v24, v20;
	v15 =	vld.idx.msk [tilespmem:v19+s9+$0x0], $0xffff;
	v19 =	vadd.f32 v12, v21  }
0x3b8: {  	s29 =	sadd.s32 $0x1, s25;
	s26 =	sadd.s32 $0x5, s26;
	v12 =	vld.idx.msk [tilespmem:v13+s17+$0x0], $0xffff  }
0x3b9: {  	_ =	sdelay $0x2  }
0x3ba: {  	v11 =	vmul.f32 v16, v11;
	v16 =	vadd.f32 v20, v19  }
0x3bb: {  	v19 =	vadd.s32 s29, v7;
	v13 =	vld.idx.msk [tilespmem:v13+s9+$0x0], $0xffff  }
0x3bc: {  	s26 =	sadd.s32 $0x2, s25;
	v20 =	vld.idx.msk [tilespmem:v18+s17+$0x0], $0xffff;
	v10 =	vmul.f32 v14, v10;
	v11 =	vadd.f32 v11, v16  }
0x3bd: {  	v14 =	vadd.s32 s26, v7;
	v16 =	vld.idx.msk [tilespmem:v18+s9+$0x0], $0xffff  }
0x3be: {  	s26 =	sadd.s32 $0x3, s25;
	v18 =	vld.idx.msk [tilespmem:v17+s17+$0x0], $0xffff;
	v9 =	vmul.f32 v15, v9;
	v10 =	vadd.f32 v10, v11  }
0x3bf: {  	v15 =	vadd.s32 s26, v7;
	v11 =	vld.idx.msk [tilespmem:v17+s9+$0x0], $0xffff  }
0x3c0: {  	s26 =	sadd.s32 $0x4, s25;
	v17 =	vld.idx.msk [tilespmem:v19+s17+$0x0], $0xffff;
	v9 =	vadd.f32 v9, v10;
	v10 =	vmul.f32 v13, v12  }
0x3c1: {  	v12 =	vld.idx.msk [tilespmem:v19+s9+$0x0], $0xffff;
	v13 =	vadd.s32 s26, v7  }
0x3c2: {  	v19 =	vld.idx.msk [tilespmem:v14+s17+$0x0], $0xffff;
	v9 =	vadd.f32 v10, v9;
	v10 =	vmul.f32 v16, v20  }
0x3c3: {  	v14 =	vld.idx.msk [tilespmem:v14+s9+$0x0], $0xffff  }
0x3c4: {  	v16 =	vld.idx.msk [tilespmem:v15+s17+$0x0], $0xffff;
	v11 =	vmul.f32 v11, v18;
	v9 =	vadd.f32 v10, v9  }
0x3c5: {  	v10 =	vld.idx.msk [tilespmem:v15+s9+$0x0], $0xffff  }
0x3c6: {  	v15 =	vld.idx.msk [tilespmem:v13+s17+$0x0], $0xffff;
	v9 =	vadd.f32 v11, v9;
	v11 =	vmul.f32 v12, v17  }
0x3c7: {  	v12 =	vld.idx.msk [tilespmem:v13+s9+$0x0], $0xffff  }
0x3c8: {  	v9 =	vadd.f32 v11, v9;
	v11 =	vmul.f32 v14, v19;
	_ =	sdelay $0x1  }
0x3c9: {  	v10 =	vmul.f32 v10, v16;
	v9 =	vadd.f32 v11, v9;
	_ =	sdelay $0x1  }
0x3ca: {  	v9 =	vadd.f32 v10, v9;
	v10 =	vmul.f32 v12, v15;
	_ =	sdelay $0x1  }
0x3cb: {  	v9 =	vadd.f32 v10, v9;
	_ =	sdelay $0x1  }
0x3cc: {  	s25 =	simm.s32 $0x0;
	s26 =	rddreg [dreg:$0x14];
	[tilespmem:$0x1CA18] =	vst v9  }
0x3cd: {  	[tilespmem:s18], [sflag:$0x5] =	stream.linear.gather [hbm4b:s26+s25], $0x1900, $0x38;
	[tilespmem:$0x1CB28] =	vst v63  }
0x3ce: {  	_ =	swait.ge [sflag:s15], $0x1900  }
0x3cf: {  	[sflag:s15] =	ssyncset.done $0x0  }
0x3d0: {  	s26 =	rddreg [dreg:$0x15];
	[sflag:s15] =	ssyncadd.s32 $0xFFFFE700  }
0x3d1: {  	[tilespmem:s19], [sflag:$0x5] =	stream.linear.gather [hbm4b:s26+s25], $0x1900, $0x38;
	[tilespmem:$0x1CB28] =	vst v63  }
0x3d2: {  	_ =	swait.ge [sflag:s15], $0x1900  }
0x3d3: {  	[sflag:s15] =	ssyncset.done $0x0  }
0x3d4: {  	v9 =	vadd.s32 s25, v0;
	s26 =	simm.s32 $0x1;
	[sflag:s15] =	ssyncadd.s32 $0xFFFFE700  }
0x3d5: {  	[tilespmem:s20], [sflag:$0x2] =	stream.indirect.gather [spmem:s28], $0x1, s18, s16, $0xb8;
	[tilespmem:$0x1CB28] =	vst v63  }
0x3d6: {  	v10 =	vadd.s32 s26, v0;
	_ =	swait.ge [sflag:s21], $0x1900  }
0x3d7: {  	s26 =	simm.s32 $0x2;
	[sflag:s21] =	ssyncset.done $0x0  }
0x3d8: {  	v11 =	vadd.s32 s26, v0;
	[sflag:s21] =	ssyncadd.s32 $0xFFFFE700  }
0x3d9: {  	s26 =	simm.s32 $0x3;
	v12 =	vld.idx.msk [tilespmem:v9+s17+$0x0], $0xffff  }
0x3da: {  	v13 =	vadd.s32 s26, v0;
	v9 =	vld.idx.msk [tilespmem:v9+s9+$0x0], $0xffff  }
0x3db: {  	s26 =	simm.s32 $0x4;
	v14 =	vld.idx.msk [tilespmem:v10+s17+$0x0], $0xffff  }
0x3dc: {  	v15 =	vadd.s32 s26, v0;
	s26 =	simm.s32 $0x5;
	v10 =	vld.idx.msk [tilespmem:v10+s9+$0x0], $0xffff  }
0x3dd: {  	v16 =	vadd.s32 s26, v0;
	v17 =	vld.idx.msk [tilespmem:v11+s17+$0x0], $0xffff  }
0x3de: {  	v18 =	vld.idx.msk [tilespmem:v11+s9+$0x0], $0xffff  }
0x3df: {  	s26 =	simm.s32 $0x6;
	v19 =	vld.idx.msk [tilespmem:v13+s17+$0x0], $0xffff  }
0x3e0: {  	v20 =	vadd.s32 s26, v0;
	v21 =	vld.idx.msk [tilespmem:v13+s9+$0x0], $0xffff;
	v9 =	vmul.f32 v9, v12  }
0x3e1: {  	s26 =	simm.s32 $0x7;
	v23 =	vld.idx.msk [tilespmem:v15+s9+$0x0], $0xffff  }
0x3e2: {  	v22 =	vadd.s32 s26, v0;
	v11 =	vld.idx.msk [tilespmem:v16+s17+$0x0], $0xffff;
	v10 =	vmul.f32 v10, v14;
	v9 =	vadd.f32 v9, v8  }
0x3e3: {  	s26 =	simm.s32 $0x8;
	v12 =	vld.idx.msk [tilespmem:v15+s17+$0x0], $0xffff  }
0x3e4: {  	v13 =	vadd.s32 s26, v0;
	v16 =	vld.idx.msk [tilespmem:v16+s9+$0x0], $0xffff;
	v15 =	vmul.f32 v18, v17;
	v9 =	vadd.f32 v10, v9  }
0x3e5: {  	s26 =	simm.s32 $0x9;
	v14 =	vld.idx.msk [tilespmem:v20+s9+$0x0], $0xffff  }
0x3e6: {  	v19 =	vmul.f32 v21, v19;
	v18 =	vadd.s32 s26, v0;
	v10 =	vld.idx.msk [tilespmem:v20+s17+$0x0], $0xffff;
	v20 =	vadd.f32 v15, v9  }
0x3e7: {  	s25 =	simm.s32 $0xA;
	v9 =	vld.idx.msk [tilespmem:v22+s17+$0x0], $0xffff  }
0x3e8: {  	v17 =	vadd.s32 s25, v0;
	v15 =	vld.idx.msk [tilespmem:v22+s9+$0x0], $0xffff;
	v19 =	vadd.f32 v19, v20;
	v20 =	vmul.f32 v23, v12  }
0x3e9: {  	s29 =	simm.s32 $0xB;
	s26 =	simm.s32 $0xF;
	v12 =	vld.idx.msk [tilespmem:v13+s17+$0x0], $0xffff  }
.LBB2_34:
0x3ea: {  	p1 =	slt.u32 s26, $0x5F;
	v21 =	vadd.s32 s29, v0;
	v11 =	vmul.f32 v16, v11;
	v22 =	vld.idx.msk [tilespmem:v13+s9+$0x0], $0xffff;
	v13 =	vadd.f32 v20, v19  }
0x3eb: {  	s29 =	sadd.s32 $0x2, s25;
	v20 =	vld.idx.msk [tilespmem:v18+s17+$0x0], $0xffff  }
0x3ec: {  	v19 =	vadd.s32 s29, v0;
	v10 =	vmul.f32 v14, v10;
	v23 =	vadd.f32 v11, v13;
	v24 =	vld.idx.msk [tilespmem:v18+s9+$0x0], $0xffff  }
0x3ed: {  	s29 =	sadd.s32 $0x3, s25;
	v11 =	vld.idx.msk [tilespmem:v17+s17+$0x0], $0xffff  }
0x3ee: {  	v13 =	vadd.s32 s29, v0;
	v9 =	vmul.f32 v15, v9;
	v16 =	vld.idx.msk [tilespmem:v17+s9+$0x0], $0xffff;
	v17 =	vadd.f32 v10, v23  }
.Ltmp16:
0x3ef: {  	s29 =	sadd.s32 $0x4, s25;
	s25 =	smov.u32 s26;
	v10 =	vld.idx.msk [tilespmem:v21+s17+$0x0], $0xffff;
	(pc) =	sbr.rel @p1 .LBB2_34-.Ltmp16, $4  }
0x3f0: {  	v18 =	vadd.s32 s29, v0;
	v12 =	vmul.f32 v22, v12;
	v14 =	vld.idx.msk [tilespmem:v21+s9+$0x0], $0xffff;
	v21 =	vadd.f32 v9, v17  }
0x3f1: {  	v9 =	vld.idx.msk [tilespmem:v19+s17+$0x0], $0xffff  }
0x3f2: {  	v17 =	vadd.s32 s26, v0;
	v20 =	vmul.f32 v24, v20;
	v15 =	vld.idx.msk [tilespmem:v19+s9+$0x0], $0xffff;
	v19 =	vadd.f32 v12, v21  }
0x3f3: {  	s29 =	sadd.s32 $0x1, s25;
	s26 =	sadd.s32 $0x5, s26;
	v12 =	vld.idx.msk [tilespmem:v13+s17+$0x0], $0xffff  }
0x3f4: {  	_ =	sdelay $0x2  }
0x3f5: {  	v11 =	vmul.f32 v16, v11;
	v16 =	vadd.f32 v20, v19  }
0x3f6: {  	v19 =	vadd.s32 s29, v0;
	v13 =	vld.idx.msk [tilespmem:v13+s9+$0x0], $0xffff  }
0x3f7: {  	s26 =	sadd.s32 $0x2, s25;
	v20 =	vld.idx.msk [tilespmem:v18+s17+$0x0], $0xffff;
	v10 =	vmul.f32 v14, v10;
	v11 =	vadd.f32 v11, v16  }
0x3f8: {  	v14 =	vadd.s32 s26, v0;
	v16 =	vld.idx.msk [tilespmem:v18+s9+$0x0], $0xffff  }
0x3f9: {  	s26 =	sadd.s32 $0x3, s25;
	v18 =	vld.idx.msk [tilespmem:v17+s17+$0x0], $0xffff;
	v9 =	vmul.f32 v15, v9;
	v10 =	vadd.f32 v10, v11  }
0x3fa: {  	v15 =	vadd.s32 s26, v0;
	v11 =	vld.idx.msk [tilespmem:v17+s9+$0x0], $0xffff  }
0x3fb: {  	s26 =	sadd.s32 $0x4, s25;
	v17 =	vld.idx.msk [tilespmem:v19+s17+$0x0], $0xffff;
	v9 =	vadd.f32 v9, v10;
	v10 =	vmul.f32 v13, v12  }
0x3fc: {  	v12 =	vld.idx.msk [tilespmem:v19+s9+$0x0], $0xffff;
	v13 =	vadd.s32 s26, v0  }
0x3fd: {  	v19 =	vld.idx.msk [tilespmem:v14+s17+$0x0], $0xffff;
	v9 =	vadd.f32 v10, v9;
	v10 =	vmul.f32 v16, v20  }
0x3fe: {  	v14 =	vld.idx.msk [tilespmem:v14+s9+$0x0], $0xffff  }
0x3ff: {  	v16 =	vld.idx.msk [tilespmem:v15+s17+$0x0], $0xffff;
	v11 =	vmul.f32 v11, v18;
	v9 =	vadd.f32 v10, v9  }
0x400: {  	v10 =	vld.idx.msk [tilespmem:v15+s9+$0x0], $0xffff  }
0x401: {  	v15 =	vld.idx.msk [tilespmem:v13+s17+$0x0], $0xffff;
	v9 =	vadd.f32 v11, v9;
	v11 =	vmul.f32 v12, v17  }
0x402: {  	v12 =	vld.idx.msk [tilespmem:v13+s9+$0x0], $0xffff  }
0x403: {  	v9 =	vadd.f32 v11, v9;
	v11 =	vmul.f32 v14, v19;
	_ =	sdelay $0x1  }
0x404: {  	v10 =	vmul.f32 v10, v16;
	v9 =	vadd.f32 v11, v9  }
0x405: {  	s26 =	simm.s32 $0x0  }
0x406: {  	v11 =	vadd.s32 s26, v1;
	v9 =	vadd.f32 v10, v9;
	v10 =	vmul.f32 v12, v15  }
0x407: {  	s26 =	simm.s32 $0x1  }
0x408: {  	v9 =	vadd.f32 v10, v9;
	v10 =	vadd.s32 s26, v1  }
0x409: {  	s26 =	simm.s32 $0x2  }
0x40a: {  	[tilespmem:$0x1CA28] =	vst v9;
	v9 =	vadd.s32 s26, v1  }
0x40b: {  	s26 =	simm.s32 $0x3;
	v12 =	vld.idx.msk [tilespmem:v11+s17+$0x0], $0xffff  }
0x40c: {  	v11 =	vld.idx.msk [tilespmem:v11+s9+$0x0], $0xffff;
	v13 =	vadd.s32 s26, v1  }
0x40d: {  	s26 =	simm.s32 $0x4;
	v14 =	vld.idx.msk [tilespmem:v10+s17+$0x0], $0xffff  }
0x40e: {  	v15 =	vadd.s32 s26, v1;
	v10 =	vld.idx.msk [tilespmem:v10+s9+$0x0], $0xffff  }
0x40f: {  	s26 =	simm.s32 $0x5;
	v17 =	vld.idx.msk [tilespmem:v9+s17+$0x0], $0xffff  }
0x410: {  	v16 =	vadd.s32 s26, v1;
	v9 =	vld.idx.msk [tilespmem:v9+s9+$0x0], $0xffff  }
0x411: {  	s26 =	simm.s32 $0x6;
	v18 =	vld.idx.msk [tilespmem:v13+s17+$0x0], $0xffff  }
0x412: {  	v19 =	vadd.s32 s26, v1;
	v20 =	vld.idx.msk [tilespmem:v13+s9+$0x0], $0xffff;
	v11 =	vmul.f32 v11, v12  }
0x413: {  	s26 =	simm.s32 $0x7;
	v12 =	vld.idx.msk [tilespmem:v15+s17+$0x0], $0xffff  }
0x414: {  	v21 =	vadd.s32 s26, v1;
	v22 =	vld.idx.msk [tilespmem:v15+s9+$0x0], $0xffff;
	v15 =	vadd.f32 v11, v8;
	v10 =	vmul.f32 v10, v14  }
0x415: {  	s26 =	simm.s32 $0x8;
	v11 =	vld.idx.msk [tilespmem:v16+s17+$0x0], $0xffff  }
0x416: {  	v13 =	vadd.s32 s26, v1;
	v16 =	vld.idx.msk [tilespmem:v16+s9+$0x0], $0xffff;
	v15 =	vadd.f32 v10, v15;
	v9 =	vmul.f32 v9, v17  }
0x417: {  	s26 =	simm.s32 $0x9;
	v14 =	vld.idx.msk [tilespmem:v19+s9+$0x0], $0xffff  }
0x418: {  	v10 =	vld.idx.msk [tilespmem:v19+s17+$0x0], $0xffff;
	v20 =	vmul.f32 v20, v18;
	v18 =	vadd.s32 s26, v1;
	v19 =	vadd.f32 v9, v15  }
0x419: {  	s25 =	simm.s32 $0xA;
	v9 =	vld.idx.msk [tilespmem:v21+s17+$0x0], $0xffff  }
0x41a: {  	v17 =	vadd.s32 s25, v1;
	v15 =	vld.idx.msk [tilespmem:v21+s9+$0x0], $0xffff;
	v19 =	vadd.f32 v20, v19;
	v20 =	vmul.f32 v22, v12  }
0x41b: {  	s29 =	simm.s32 $0xB;
	s26 =	simm.s32 $0xF;
	v12 =	vld.idx.msk [tilespmem:v13+s17+$0x0], $0xffff  }
.LBB2_36:
0x41c: {  	p1 =	slt.u32 s26, $0x5F;
	v21 =	vadd.s32 s29, v1;
	v11 =	vmul.f32 v16, v11;
	v22 =	vld.idx.msk [tilespmem:v13+s9+$0x0], $0xffff;
	v13 =	vadd.f32 v20, v19  }
0x41d: {  	s29 =	sadd.s32 $0x2, s25;
	v20 =	vld.idx.msk [tilespmem:v18+s17+$0x0], $0xffff  }
0x41e: {  	v19 =	vadd.s32 s29, v1;
	v10 =	vmul.f32 v14, v10;
	v23 =	vadd.f32 v11, v13;
	v24 =	vld.idx.msk [tilespmem:v18+s9+$0x0], $0xffff  }
0x41f: {  	s29 =	sadd.s32 $0x3, s25;
	v11 =	vld.idx.msk [tilespmem:v17+s17+$0x0], $0xffff  }
0x420: {  	v13 =	vadd.s32 s29, v1;
	v9 =	vmul.f32 v15, v9;
	v16 =	vld.idx.msk [tilespmem:v17+s9+$0x0], $0xffff;
	v17 =	vadd.f32 v10, v23  }
.Ltmp17:
0x421: {  	s29 =	sadd.s32 $0x4, s25;
	s25 =	smov.u32 s26;
	v10 =	vld.idx.msk [tilespmem:v21+s17+$0x0], $0xffff;
	(pc) =	sbr.rel @p1 .LBB2_36-.Ltmp17, $4  }
0x422: {  	v18 =	vadd.s32 s29, v1;
	v12 =	vmul.f32 v22, v12;
	v14 =	vld.idx.msk [tilespmem:v21+s9+$0x0], $0xffff;
	v21 =	vadd.f32 v9, v17  }
0x423: {  	v9 =	vld.idx.msk [tilespmem:v19+s17+$0x0], $0xffff  }
0x424: {  	v17 =	vadd.s32 s26, v1;
	v20 =	vmul.f32 v24, v20;
	v15 =	vld.idx.msk [tilespmem:v19+s9+$0x0], $0xffff;
	v19 =	vadd.f32 v12, v21  }
0x425: {  	s29 =	sadd.s32 $0x1, s25;
	s26 =	sadd.s32 $0x5, s26;
	v12 =	vld.idx.msk [tilespmem:v13+s17+$0x0], $0xffff  }
0x426: {  	_ =	sdelay $0x2  }
0x427: {  	v11 =	vmul.f32 v16, v11;
	v16 =	vadd.f32 v20, v19  }
0x428: {  	v19 =	vadd.s32 s29, v1;
	v13 =	vld.idx.msk [tilespmem:v13+s9+$0x0], $0xffff  }
0x429: {  	s26 =	sadd.s32 $0x2, s25;
	v20 =	vld.idx.msk [tilespmem:v18+s17+$0x0], $0xffff;
	v10 =	vmul.f32 v14, v10;
	v11 =	vadd.f32 v11, v16  }
0x42a: {  	v14 =	vadd.s32 s26, v1;
	v16 =	vld.idx.msk [tilespmem:v18+s9+$0x0], $0xffff  }
0x42b: {  	s26 =	sadd.s32 $0x3, s25;
	v18 =	vld.idx.msk [tilespmem:v17+s17+$0x0], $0xffff;
	v9 =	vmul.f32 v15, v9;
	v10 =	vadd.f32 v10, v11  }
0x42c: {  	v15 =	vadd.s32 s26, v1;
	v11 =	vld.idx.msk [tilespmem:v17+s9+$0x0], $0xffff  }
0x42d: {  	s26 =	sadd.s32 $0x4, s25;
	v17 =	vld.idx.msk [tilespmem:v19+s17+$0x0], $0xffff;
	v9 =	vadd.f32 v9, v10;
	v10 =	vmul.f32 v13, v12  }
0x42e: {  	v12 =	vld.idx.msk [tilespmem:v19+s9+$0x0], $0xffff;
	v13 =	vadd.s32 s26, v1  }
0x42f: {  	v19 =	vld.idx.msk [tilespmem:v14+s17+$0x0], $0xffff;
	v9 =	vadd.f32 v10, v9;
	v10 =	vmul.f32 v16, v20  }
0x430: {  	v14 =	vld.idx.msk [tilespmem:v14+s9+$0x0], $0xffff  }
0x431: {  	v16 =	vld.idx.msk [tilespmem:v15+s17+$0x0], $0xffff;
	v11 =	vmul.f32 v11, v18;
	v9 =	vadd.f32 v10, v9  }
0x432: {  	v10 =	vld.idx.msk [tilespmem:v15+s9+$0x0], $0xffff  }
0x433: {  	v15 =	vld.idx.msk [tilespmem:v13+s17+$0x0], $0xffff;
	v9 =	vadd.f32 v11, v9;
	v11 =	vmul.f32 v12, v17  }
0x434: {  	v12 =	vld.idx.msk [tilespmem:v13+s9+$0x0], $0xffff  }
0x435: {  	v9 =	vadd.f32 v11, v9;
	v11 =	vmul.f32 v14, v19;
	_ =	sdelay $0x1  }
0x436: {  	v10 =	vmul.f32 v10, v16;
	v9 =	vadd.f32 v11, v9  }
0x437: {  	s26 =	simm.s32 $0x0  }
0x438: {  	v11 =	vadd.s32 s26, v2;
	v9 =	vadd.f32 v10, v9;
	v10 =	vmul.f32 v12, v15  }
0x439: {  	s26 =	simm.s32 $0x1  }
0x43a: {  	v9 =	vadd.f32 v10, v9;
	v10 =	vadd.s32 s26, v2  }
0x43b: {  	s26 =	simm.s32 $0x2  }
0x43c: {  	[tilespmem:$0x1CA38] =	vst v9;
	v9 =	vadd.s32 s26, v2  }
0x43d: {  	s26 =	simm.s32 $0x3;
	v12 =	vld.idx.msk [tilespmem:v11+s17+$0x0], $0xffff  }
0x43e: {  	v11 =	vld.idx.msk [tilespmem:v11+s9+$0x0], $0xffff;
	v13 =	vadd.s32 s26, v2  }
0x43f: {  	s26 =	simm.s32 $0x4;
	v14 =	vld.idx.msk [tilespmem:v10+s17+$0x0], $0xffff  }
0x440: {  	v15 =	vadd.s32 s26, v2;
	v10 =	vld.idx.msk [tilespmem:v10+s9+$0x0], $0xffff  }
0x441: {  	s26 =	simm.s32 $0x5;
	v17 =	vld.idx.msk [tilespmem:v9+s17+$0x0], $0xffff  }
0x442: {  	v16 =	vadd.s32 s26, v2;
	v9 =	vld.idx.msk [tilespmem:v9+s9+$0x0], $0xffff  }
0x443: {  	s26 =	simm.s32 $0x6;
	v18 =	vld.idx.msk [tilespmem:v13+s17+$0x0], $0xffff  }
0x444: {  	v19 =	vadd.s32 s26, v2;
	v20 =	vld.idx.msk [tilespmem:v13+s9+$0x0], $0xffff;
	v11 =	vmul.f32 v11, v12  }
0x445: {  	s26 =	simm.s32 $0x7;
	v12 =	vld.idx.msk [tilespmem:v15+s17+$0x0], $0xffff  }
0x446: {  	v21 =	vadd.s32 s26, v2;
	v22 =	vld.idx.msk [tilespmem:v15+s9+$0x0], $0xffff;
	v15 =	vadd.f32 v11, v8;
	v10 =	vmul.f32 v10, v14  }
0x447: {  	s26 =	simm.s32 $0x8;
	v11 =	vld.idx.msk [tilespmem:v16+s17+$0x0], $0xffff  }
0x448: {  	v13 =	vadd.s32 s26, v2;
	v16 =	vld.idx.msk [tilespmem:v16+s9+$0x0], $0xffff;
	v15 =	vadd.f32 v10, v15;
	v9 =	vmul.f32 v9, v17  }
0x449: {  	s26 =	simm.s32 $0x9;
	v14 =	vld.idx.msk [tilespmem:v19+s9+$0x0], $0xffff  }
0x44a: {  	v10 =	vld.idx.msk [tilespmem:v19+s17+$0x0], $0xffff;
	v20 =	vmul.f32 v20, v18;
	v18 =	vadd.s32 s26, v2;
	v19 =	vadd.f32 v9, v15  }
0x44b: {  	s25 =	simm.s32 $0xA;
	v9 =	vld.idx.msk [tilespmem:v21+s17+$0x0], $0xffff  }
0x44c: {  	v17 =	vadd.s32 s25, v2;
	v15 =	vld.idx.msk [tilespmem:v21+s9+$0x0], $0xffff;
	v19 =	vadd.f32 v20, v19;
	v20 =	vmul.f32 v22, v12  }
0x44d: {  	s29 =	simm.s32 $0xB;
	s26 =	simm.s32 $0xF;
	v12 =	vld.idx.msk [tilespmem:v13+s17+$0x0], $0xffff  }
.LBB2_38:
0x44e: {  	p1 =	slt.u32 s26, $0x5F;
	v21 =	vadd.s32 s29, v2;
	v11 =	vmul.f32 v16, v11;
	v22 =	vld.idx.msk [tilespmem:v13+s9+$0x0], $0xffff;
	v13 =	vadd.f32 v20, v19  }
0x44f: {  	s29 =	sadd.s32 $0x2, s25;
	v20 =	vld.idx.msk [tilespmem:v18+s17+$0x0], $0xffff  }
0x450: {  	v19 =	vadd.s32 s29, v2;
	v10 =	vmul.f32 v14, v10;
	v23 =	vadd.f32 v11, v13;
	v24 =	vld.idx.msk [tilespmem:v18+s9+$0x0], $0xffff  }
0x451: {  	s29 =	sadd.s32 $0x3, s25;
	v11 =	vld.idx.msk [tilespmem:v17+s17+$0x0], $0xffff  }
0x452: {  	v13 =	vadd.s32 s29, v2;
	v9 =	vmul.f32 v15, v9;
	v16 =	vld.idx.msk [tilespmem:v17+s9+$0x0], $0xffff;
	v17 =	vadd.f32 v10, v23  }
.Ltmp18:
0x453: {  	s29 =	sadd.s32 $0x4, s25;
	s25 =	smov.u32 s26;
	v10 =	vld.idx.msk [tilespmem:v21+s17+$0x0], $0xffff;
	(pc) =	sbr.rel @p1 .LBB2_38-.Ltmp18, $4  }
0x454: {  	v18 =	vadd.s32 s29, v2;
	v12 =	vmul.f32 v22, v12;
	v14 =	vld.idx.msk [tilespmem:v21+s9+$0x0], $0xffff;
	v21 =	vadd.f32 v9, v17  }
0x455: {  	v9 =	vld.idx.msk [tilespmem:v19+s17+$0x0], $0xffff  }
0x456: {  	v17 =	vadd.s32 s26, v2;
	v20 =	vmul.f32 v24, v20;
	v15 =	vld.idx.msk [tilespmem:v19+s9+$0x0], $0xffff;
	v19 =	vadd.f32 v12, v21  }
0x457: {  	s29 =	sadd.s32 $0x1, s25;
	s26 =	sadd.s32 $0x5, s26;
	v12 =	vld.idx.msk [tilespmem:v13+s17+$0x0], $0xffff  }
0x458: {  	_ =	sdelay $0x2  }
0x459: {  	v11 =	vmul.f32 v16, v11;
	v16 =	vadd.f32 v20, v19  }
0x45a: {  	v19 =	vadd.s32 s29, v2;
	v13 =	vld.idx.msk [tilespmem:v13+s9+$0x0], $0xffff  }
0x45b: {  	s26 =	sadd.s32 $0x2, s25;
	v20 =	vld.idx.msk [tilespmem:v18+s17+$0x0], $0xffff;
	v10 =	vmul.f32 v14, v10;
	v11 =	vadd.f32 v11, v16  }
0x45c: {  	v14 =	vadd.s32 s26, v2;
	v16 =	vld.idx.msk [tilespmem:v18+s9+$0x0], $0xffff  }
0x45d: {  	s26 =	sadd.s32 $0x3, s25;
	v18 =	vld.idx.msk [tilespmem:v17+s17+$0x0], $0xffff;
	v9 =	vmul.f32 v15, v9;
	v10 =	vadd.f32 v10, v11  }
0x45e: {  	v15 =	vadd.s32 s26, v2;
	v11 =	vld.idx.msk [tilespmem:v17+s9+$0x0], $0xffff  }
0x45f: {  	s26 =	sadd.s32 $0x4, s25;
	v17 =	vld.idx.msk [tilespmem:v19+s17+$0x0], $0xffff;
	v9 =	vadd.f32 v9, v10;
	v10 =	vmul.f32 v13, v12  }
0x460: {  	v12 =	vld.idx.msk [tilespmem:v19+s9+$0x0], $0xffff;
	v13 =	vadd.s32 s26, v2  }
0x461: {  	v19 =	vld.idx.msk [tilespmem:v14+s17+$0x0], $0xffff;
	v9 =	vadd.f32 v10, v9;
	v10 =	vmul.f32 v16, v20  }
0x462: {  	v14 =	vld.idx.msk [tilespmem:v14+s9+$0x0], $0xffff  }
0x463: {  	v16 =	vld.idx.msk [tilespmem:v15+s17+$0x0], $0xffff;
	v11 =	vmul.f32 v11, v18;
	v9 =	vadd.f32 v10, v9  }
0x464: {  	v10 =	vld.idx.msk [tilespmem:v15+s9+$0x0], $0xffff  }
0x465: {  	v15 =	vld.idx.msk [tilespmem:v13+s17+$0x0], $0xffff;
	v9 =	vadd.f32 v11, v9;
	v11 =	vmul.f32 v12, v17  }
0x466: {  	v12 =	vld.idx.msk [tilespmem:v13+s9+$0x0], $0xffff  }
0x467: {  	v9 =	vadd.f32 v11, v9;
	v11 =	vmul.f32 v14, v19;
	_ =	sdelay $0x1  }
0x468: {  	v10 =	vmul.f32 v10, v16;
	v9 =	vadd.f32 v11, v9  }
0x469: {  	s26 =	simm.s32 $0x0  }
0x46a: {  	v11 =	vadd.s32 s26, v3;
	v9 =	vadd.f32 v10, v9;
	v10 =	vmul.f32 v12, v15  }
0x46b: {  	s26 =	simm.s32 $0x1  }
0x46c: {  	v9 =	vadd.f32 v10, v9;
	v10 =	vadd.s32 s26, v3  }
0x46d: {  	s26 =	simm.s32 $0x2  }
0x46e: {  	[tilespmem:$0x1CA48] =	vst v9;
	v9 =	vadd.s32 s26, v3  }
0x46f: {  	s26 =	simm.s32 $0x3;
	v12 =	vld.idx.msk [tilespmem:v11+s17+$0x0], $0xffff  }
0x470: {  	v11 =	vld.idx.msk [tilespmem:v11+s9+$0x0], $0xffff;
	v13 =	vadd.s32 s26, v3  }
0x471: {  	s26 =	simm.s32 $0x4;
	v14 =	vld.idx.msk [tilespmem:v10+s17+$0x0], $0xffff  }
0x472: {  	v15 =	vadd.s32 s26, v3;
	v10 =	vld.idx.msk [tilespmem:v10+s9+$0x0], $0xffff  }
0x473: {  	s26 =	simm.s32 $0x5;
	v17 =	vld.idx.msk [tilespmem:v9+s17+$0x0], $0xffff  }
0x474: {  	v16 =	vadd.s32 s26, v3;
	v9 =	vld.idx.msk [tilespmem:v9+s9+$0x0], $0xffff  }
0x475: {  	s26 =	simm.s32 $0x6;
	v18 =	vld.idx.msk [tilespmem:v13+s17+$0x0], $0xffff  }
0x476: {  	v19 =	vadd.s32 s26, v3;
	v20 =	vld.idx.msk [tilespmem:v13+s9+$0x0], $0xffff;
	v11 =	vmul.f32 v11, v12  }
0x477: {  	s26 =	simm.s32 $0x7;
	v12 =	vld.idx.msk [tilespmem:v15+s17+$0x0], $0xffff  }
0x478: {  	v21 =	vadd.s32 s26, v3;
	v22 =	vld.idx.msk [tilespmem:v15+s9+$0x0], $0xffff;
	v15 =	vadd.f32 v11, v8;
	v10 =	vmul.f32 v10, v14  }
0x479: {  	s26 =	simm.s32 $0x8;
	v11 =	vld.idx.msk [tilespmem:v16+s17+$0x0], $0xffff  }
0x47a: {  	v13 =	vadd.s32 s26, v3;
	v16 =	vld.idx.msk [tilespmem:v16+s9+$0x0], $0xffff;
	v15 =	vadd.f32 v10, v15;
	v9 =	vmul.f32 v9, v17  }
0x47b: {  	s26 =	simm.s32 $0x9;
	v14 =	vld.idx.msk [tilespmem:v19+s9+$0x0], $0xffff  }
0x47c: {  	v10 =	vld.idx.msk [tilespmem:v19+s17+$0x0], $0xffff;
	v20 =	vmul.f32 v20, v18;
	v18 =	vadd.s32 s26, v3;
	v19 =	vadd.f32 v9, v15  }
0x47d: {  	s25 =	simm.s32 $0xA;
	v9 =	vld.idx.msk [tilespmem:v21+s17+$0x0], $0xffff  }
0x47e: {  	v17 =	vadd.s32 s25, v3;
	v15 =	vld.idx.msk [tilespmem:v21+s9+$0x0], $0xffff;
	v19 =	vadd.f32 v20, v19;
	v20 =	vmul.f32 v22, v12  }
0x47f: {  	s29 =	simm.s32 $0xB;
	s26 =	simm.s32 $0xF;
	v12 =	vld.idx.msk [tilespmem:v13+s17+$0x0], $0xffff  }
.LBB2_40:
0x480: {  	p1 =	slt.u32 s26, $0x5F;
	v21 =	vadd.s32 s29, v3;
	v11 =	vmul.f32 v16, v11;
	v22 =	vld.idx.msk [tilespmem:v13+s9+$0x0], $0xffff;
	v13 =	vadd.f32 v20, v19  }
0x481: {  	s29 =	sadd.s32 $0x2, s25;
	v20 =	vld.idx.msk [tilespmem:v18+s17+$0x0], $0xffff  }
0x482: {  	v19 =	vadd.s32 s29, v3;
	v10 =	vmul.f32 v14, v10;
	v23 =	vadd.f32 v11, v13;
	v24 =	vld.idx.msk [tilespmem:v18+s9+$0x0], $0xffff  }
0x483: {  	s29 =	sadd.s32 $0x3, s25;
	v11 =	vld.idx.msk [tilespmem:v17+s17+$0x0], $0xffff  }
0x484: {  	v13 =	vadd.s32 s29, v3;
	v9 =	vmul.f32 v15, v9;
	v16 =	vld.idx.msk [tilespmem:v17+s9+$0x0], $0xffff;
	v17 =	vadd.f32 v10, v23  }
.Ltmp19:
0x485: {  	s29 =	sadd.s32 $0x4, s25;
	s25 =	smov.u32 s26;
	v10 =	vld.idx.msk [tilespmem:v21+s17+$0x0], $0xffff;
	(pc) =	sbr.rel @p1 .LBB2_40-.Ltmp19, $4  }
0x486: {  	v18 =	vadd.s32 s29, v3;
	v12 =	vmul.f32 v22, v12;
	v14 =	vld.idx.msk [tilespmem:v21+s9+$0x0], $0xffff;
	v21 =	vadd.f32 v9, v17  }
0x487: {  	v9 =	vld.idx.msk [tilespmem:v19+s17+$0x0], $0xffff  }
0x488: {  	v17 =	vadd.s32 s26, v3;
	v20 =	vmul.f32 v24, v20;
	v15 =	vld.idx.msk [tilespmem:v19+s9+$0x0], $0xffff;
	v19 =	vadd.f32 v12, v21  }
0x489: {  	s29 =	sadd.s32 $0x1, s25;
	s26 =	sadd.s32 $0x5, s26;
	v12 =	vld.idx.msk [tilespmem:v13+s17+$0x0], $0xffff  }
0x48a: {  	_ =	sdelay $0x2  }
0x48b: {  	v11 =	vmul.f32 v16, v11;
	v16 =	vadd.f32 v20, v19  }
0x48c: {  	v19 =	vadd.s32 s29, v3;
	v13 =	vld.idx.msk [tilespmem:v13+s9+$0x0], $0xffff  }
0x48d: {  	s26 =	sadd.s32 $0x2, s25;
	v20 =	vld.idx.msk [tilespmem:v18+s17+$0x0], $0xffff;
	v10 =	vmul.f32 v14, v10;
	v11 =	vadd.f32 v11, v16  }
0x48e: {  	v14 =	vadd.s32 s26, v3;
	v16 =	vld.idx.msk [tilespmem:v18+s9+$0x0], $0xffff  }
0x48f: {  	s26 =	sadd.s32 $0x3, s25;
	v18 =	vld.idx.msk [tilespmem:v17+s17+$0x0], $0xffff;
	v9 =	vmul.f32 v15, v9;
	v10 =	vadd.f32 v10, v11  }
0x490: {  	v15 =	vadd.s32 s26, v3;
	v11 =	vld.idx.msk [tilespmem:v17+s9+$0x0], $0xffff  }
0x491: {  	s26 =	sadd.s32 $0x4, s25;
	v17 =	vld.idx.msk [tilespmem:v19+s17+$0x0], $0xffff;
	v9 =	vadd.f32 v9, v10;
	v10 =	vmul.f32 v13, v12  }
0x492: {  	v12 =	vld.idx.msk [tilespmem:v19+s9+$0x0], $0xffff;
	v13 =	vadd.s32 s26, v3  }
0x493: {  	v19 =	vld.idx.msk [tilespmem:v14+s17+$0x0], $0xffff;
	v9 =	vadd.f32 v10, v9;
	v10 =	vmul.f32 v16, v20  }
0x494: {  	v14 =	vld.idx.msk [tilespmem:v14+s9+$0x0], $0xffff  }
0x495: {  	v16 =	vld.idx.msk [tilespmem:v15+s17+$0x0], $0xffff;
	v11 =	vmul.f32 v11, v18;
	v9 =	vadd.f32 v10, v9  }
0x496: {  	v10 =	vld.idx.msk [tilespmem:v15+s9+$0x0], $0xffff  }
0x497: {  	v15 =	vld.idx.msk [tilespmem:v13+s17+$0x0], $0xffff;
	v9 =	vadd.f32 v11, v9;
	v11 =	vmul.f32 v12, v17  }
0x498: {  	v12 =	vld.idx.msk [tilespmem:v13+s9+$0x0], $0xffff  }
0x499: {  	v9 =	vadd.f32 v11, v9;
	v11 =	vmul.f32 v14, v19;
	_ =	sdelay $0x1  }
0x49a: {  	v10 =	vmul.f32 v10, v16;
	v9 =	vadd.f32 v11, v9;
	_ =	sdelay $0x1  }
0x49b: {  	v9 =	vadd.f32 v10, v9;
	v10 =	vmul.f32 v12, v15;
	_ =	sdelay $0x1  }
0x49c: {  	v9 =	vadd.f32 v10, v9;
	_ =	sdelay $0x1  }
0x49d: {  	s25 =	simm.s32 $0x0;
	s26 =	rddreg [dreg:$0x18];
	[tilespmem:$0x1CA58] =	vst v9  }
0x49e: {  	[tilespmem:s8], [sflag:$0x5] =	stream.linear.gather [hbm4b:s26+s25], $0x1900, $0x38;
	[tilespmem:$0x1CB28] =	vst v63  }
0x49f: {  	_ =	swait.ge [sflag:s15], $0x1900  }
0x4a0: {  	[sflag:s15] =	ssyncset.done $0x0  }
0x4a1: {  	s26 =	rddreg [dreg:$0x19];
	[sflag:s15] =	ssyncadd.s32 $0xFFFFE700  }
0x4a2: {  	[tilespmem:s9], [sflag:$0x5] =	stream.linear.gather [hbm4b:s26+s25], $0x1900, $0x38;
	[tilespmem:$0x1CB28] =	vst v63  }
0x4a3: {  	_ =	swait.ge [sflag:s15], $0x1900  }
0x4a4: {  	[sflag:s15] =	ssyncset.done $0x0  }
0x4a5: {  	v9 =	vadd.s32 s25, v4;
	s26 =	simm.s32 $0x1;
	[sflag:s15] =	ssyncadd.s32 $0xFFFFE700  }
0x4a6: {  	[tilespmem:s17], [sflag:$0x1] =	stream.indirect.gather [spmem:s28], $0x1, s8, s16, $0xb8;
	[tilespmem:$0x1CB28] =	vst v63  }
0x4a7: {  	v10 =	vadd.s32 s26, v4;
	_ =	swait.ge [sflag:s22], $0x1900  }
0x4a8: {  	s26 =	simm.s32 $0x2;
	[sflag:s22] =	ssyncset.done $0x0  }
0x4a9: {  	v11 =	vadd.s32 s26, v4;
	[sflag:s22] =	ssyncadd.s32 $0xFFFFE700  }
0x4aa: {  	s26 =	simm.s32 $0x3;
	v12 =	vld.idx.msk [tilespmem:v9+s17+$0x0], $0xffff  }
0x4ab: {  	v13 =	vadd.s32 s26, v4;
	v9 =	vld.idx.msk [tilespmem:v9+s9+$0x0], $0xffff  }
0x4ac: {  	s26 =	simm.s32 $0x4;
	v14 =	vld.idx.msk [tilespmem:v10+s17+$0x0], $0xffff  }
0x4ad: {  	v15 =	vadd.s32 s26, v4;
	s26 =	simm.s32 $0x5;
	v10 =	vld.idx.msk [tilespmem:v10+s9+$0x0], $0xffff  }
0x4ae: {  	v16 =	vadd.s32 s26, v4;
	v17 =	vld.idx.msk [tilespmem:v11+s17+$0x0], $0xffff  }
0x4af: {  	v18 =	vld.idx.msk [tilespmem:v11+s9+$0x0], $0xffff  }
0x4b0: {  	s26 =	simm.s32 $0x6;
	v19 =	vld.idx.msk [tilespmem:v13+s17+$0x0], $0xffff  }
0x4b1: {  	v20 =	vadd.s32 s26, v4;
	v21 =	vld.idx.msk [tilespmem:v13+s9+$0x0], $0xffff;
	v9 =	vmul.f32 v9, v12  }
0x4b2: {  	s26 =	simm.s32 $0x7;
	v23 =	vld.idx.msk [tilespmem:v15+s9+$0x0], $0xffff  }
0x4b3: {  	v22 =	vadd.s32 s26, v4;
	v11 =	vld.idx.msk [tilespmem:v16+s17+$0x0], $0xffff;
	v10 =	vmul.f32 v10, v14;
	v9 =	vadd.f32 v9, v8  }
0x4b4: {  	s26 =	simm.s32 $0x8;
	v12 =	vld.idx.msk [tilespmem:v15+s17+$0x0], $0xffff  }
0x4b5: {  	v13 =	vadd.s32 s26, v4;
	v16 =	vld.idx.msk [tilespmem:v16+s9+$0x0], $0xffff;
	v15 =	vmul.f32 v18, v17;
	v9 =	vadd.f32 v10, v9  }
0x4b6: {  	s26 =	simm.s32 $0x9;
	v14 =	vld.idx.msk [tilespmem:v20+s9+$0x0], $0xffff  }
0x4b7: {  	v19 =	vmul.f32 v21, v19;
	v18 =	vadd.s32 s26, v4;
	v10 =	vld.idx.msk [tilespmem:v20+s17+$0x0], $0xffff;
	v20 =	vadd.f32 v15, v9  }
0x4b8: {  	s25 =	simm.s32 $0xA;
	v9 =	vld.idx.msk [tilespmem:v22+s17+$0x0], $0xffff  }
0x4b9: {  	v17 =	vadd.s32 s25, v4;
	v15 =	vld.idx.msk [tilespmem:v22+s9+$0x0], $0xffff;
	v19 =	vadd.f32 v19, v20;
	v20 =	vmul.f32 v23, v12  }
0x4ba: {  	s29 =	simm.s32 $0xB;
	s26 =	simm.s32 $0xF;
	v12 =	vld.idx.msk [tilespmem:v13+s17+$0x0], $0xffff  }
.LBB2_42:
0x4bb: {  	p1 =	slt.u32 s26, $0x5F;
	v21 =	vadd.s32 s29, v4;
	v11 =	vmul.f32 v16, v11;
	v22 =	vld.idx.msk [tilespmem:v13+s9+$0x0], $0xffff;
	v13 =	vadd.f32 v20, v19  }
0x4bc: {  	s29 =	sadd.s32 $0x2, s25;
	v20 =	vld.idx.msk [tilespmem:v18+s17+$0x0], $0xffff  }
0x4bd: {  	v19 =	vadd.s32 s29, v4;
	v10 =	vmul.f32 v14, v10;
	v23 =	vadd.f32 v11, v13;
	v24 =	vld.idx.msk [tilespmem:v18+s9+$0x0], $0xffff  }
0x4be: {  	s29 =	sadd.s32 $0x3, s25;
	v11 =	vld.idx.msk [tilespmem:v17+s17+$0x0], $0xffff  }
0x4bf: {  	v13 =	vadd.s32 s29, v4;
	v9 =	vmul.f32 v15, v9;
	v16 =	vld.idx.msk [tilespmem:v17+s9+$0x0], $0xffff;
	v17 =	vadd.f32 v10, v23  }
.Ltmp20:
0x4c0: {  	s29 =	sadd.s32 $0x4, s25;
	s25 =	smov.u32 s26;
	v10 =	vld.idx.msk [tilespmem:v21+s17+$0x0], $0xffff;
	(pc) =	sbr.rel @p1 .LBB2_42-.Ltmp20, $4  }
0x4c1: {  	v18 =	vadd.s32 s29, v4;
	v12 =	vmul.f32 v22, v12;
	v14 =	vld.idx.msk [tilespmem:v21+s9+$0x0], $0xffff;
	v21 =	vadd.f32 v9, v17  }
0x4c2: {  	v9 =	vld.idx.msk [tilespmem:v19+s17+$0x0], $0xffff  }
0x4c3: {  	v17 =	vadd.s32 s26, v4;
	v20 =	vmul.f32 v24, v20;
	v15 =	vld.idx.msk [tilespmem:v19+s9+$0x0], $0xffff;
	v19 =	vadd.f32 v12, v21  }
0x4c4: {  	s29 =	sadd.s32 $0x1, s25;
	s26 =	sadd.s32 $0x5, s26;
	v12 =	vld.idx.msk [tilespmem:v13+s17+$0x0], $0xffff  }
0x4c5: {  	_ =	sdelay $0x2  }
0x4c6: {  	v11 =	vmul.f32 v16, v11;
	v16 =	vadd.f32 v20, v19  }
0x4c7: {  	v19 =	vadd.s32 s29, v4;
	v13 =	vld.idx.msk [tilespmem:v13+s9+$0x0], $0xffff  }
0x4c8: {  	s26 =	sadd.s32 $0x2, s25;
	v20 =	vld.idx.msk [tilespmem:v18+s17+$0x0], $0xffff;
	v10 =	vmul.f32 v14, v10;
	v11 =	vadd.f32 v11, v16  }
0x4c9: {  	v14 =	vadd.s32 s26, v4;
	v16 =	vld.idx.msk [tilespmem:v18+s9+$0x0], $0xffff  }
0x4ca: {  	s26 =	sadd.s32 $0x3, s25;
	v18 =	vld.idx.msk [tilespmem:v17+s17+$0x0], $0xffff;
	v9 =	vmul.f32 v15, v9;
	v10 =	vadd.f32 v10, v11  }
0x4cb: {  	v15 =	vadd.s32 s26, v4;
	v11 =	vld.idx.msk [tilespmem:v17+s9+$0x0], $0xffff  }
0x4cc: {  	s26 =	sadd.s32 $0x4, s25;
	v17 =	vld.idx.msk [tilespmem:v19+s17+$0x0], $0xffff;
	v9 =	vadd.f32 v9, v10;
	v10 =	vmul.f32 v13, v12  }
0x4cd: {  	v12 =	vld.idx.msk [tilespmem:v19+s9+$0x0], $0xffff;
	v13 =	vadd.s32 s26, v4  }
0x4ce: {  	v19 =	vld.idx.msk [tilespmem:v14+s17+$0x0], $0xffff;
	v9 =	vadd.f32 v10, v9;
	v10 =	vmul.f32 v16, v20  }
0x4cf: {  	v14 =	vld.idx.msk [tilespmem:v14+s9+$0x0], $0xffff  }
0x4d0: {  	v16 =	vld.idx.msk [tilespmem:v15+s17+$0x0], $0xffff;
	v11 =	vmul.f32 v11, v18;
	v9 =	vadd.f32 v10, v9  }
0x4d1: {  	v10 =	vld.idx.msk [tilespmem:v15+s9+$0x0], $0xffff  }
0x4d2: {  	v15 =	vld.idx.msk [tilespmem:v13+s17+$0x0], $0xffff;
	v9 =	vadd.f32 v11, v9;
	v11 =	vmul.f32 v12, v17  }
0x4d3: {  	v12 =	vld.idx.msk [tilespmem:v13+s9+$0x0], $0xffff  }
0x4d4: {  	v9 =	vadd.f32 v11, v9;
	v11 =	vmul.f32 v14, v19;
	_ =	sdelay $0x1  }
0x4d5: {  	v10 =	vmul.f32 v10, v16;
	v9 =	vadd.f32 v11, v9  }
0x4d6: {  	s26 =	simm.s32 $0x0  }
0x4d7: {  	v11 =	vadd.s32 s26, v5;
	v9 =	vadd.f32 v10, v9;
	v10 =	vmul.f32 v12, v15  }
0x4d8: {  	s26 =	simm.s32 $0x1  }
0x4d9: {  	v9 =	vadd.f32 v10, v9;
	v10 =	vadd.s32 s26, v5  }
0x4da: {  	s26 =	simm.s32 $0x2  }
0x4db: {  	[tilespmem:$0x1CA68] =	vst v9;
	v9 =	vadd.s32 s26, v5  }
0x4dc: {  	s26 =	simm.s32 $0x3;
	v12 =	vld.idx.msk [tilespmem:v11+s17+$0x0], $0xffff  }
0x4dd: {  	v11 =	vld.idx.msk [tilespmem:v11+s9+$0x0], $0xffff;
	v13 =	vadd.s32 s26, v5  }
0x4de: {  	s26 =	simm.s32 $0x4;
	v14 =	vld.idx.msk [tilespmem:v10+s17+$0x0], $0xffff  }
0x4df: {  	v15 =	vadd.s32 s26, v5;
	v10 =	vld.idx.msk [tilespmem:v10+s9+$0x0], $0xffff  }
0x4e0: {  	s26 =	simm.s32 $0x5;
	v17 =	vld.idx.msk [tilespmem:v9+s17+$0x0], $0xffff  }
0x4e1: {  	v16 =	vadd.s32 s26, v5;
	v9 =	vld.idx.msk [tilespmem:v9+s9+$0x0], $0xffff  }
0x4e2: {  	s26 =	simm.s32 $0x6;
	v18 =	vld.idx.msk [tilespmem:v13+s17+$0x0], $0xffff  }
0x4e3: {  	v19 =	vadd.s32 s26, v5;
	v20 =	vld.idx.msk [tilespmem:v13+s9+$0x0], $0xffff;
	v11 =	vmul.f32 v11, v12  }
0x4e4: {  	s26 =	simm.s32 $0x7;
	v12 =	vld.idx.msk [tilespmem:v15+s17+$0x0], $0xffff  }
0x4e5: {  	v21 =	vadd.s32 s26, v5;
	v22 =	vld.idx.msk [tilespmem:v15+s9+$0x0], $0xffff;
	v15 =	vadd.f32 v11, v8;
	v10 =	vmul.f32 v10, v14  }
0x4e6: {  	s26 =	simm.s32 $0x8;
	v11 =	vld.idx.msk [tilespmem:v16+s17+$0x0], $0xffff  }
0x4e7: {  	v13 =	vadd.s32 s26, v5;
	v16 =	vld.idx.msk [tilespmem:v16+s9+$0x0], $0xffff;
	v15 =	vadd.f32 v10, v15;
	v9 =	vmul.f32 v9, v17  }
0x4e8: {  	s26 =	simm.s32 $0x9;
	v14 =	vld.idx.msk [tilespmem:v19+s9+$0x0], $0xffff  }
0x4e9: {  	v10 =	vld.idx.msk [tilespmem:v19+s17+$0x0], $0xffff;
	v20 =	vmul.f32 v20, v18;
	v18 =	vadd.s32 s26, v5;
	v19 =	vadd.f32 v9, v15  }
0x4ea: {  	s25 =	simm.s32 $0xA;
	v9 =	vld.idx.msk [tilespmem:v21+s17+$0x0], $0xffff  }
0x4eb: {  	v17 =	vadd.s32 s25, v5;
	v15 =	vld.idx.msk [tilespmem:v21+s9+$0x0], $0xffff;
	v19 =	vadd.f32 v20, v19;
	v20 =	vmul.f32 v22, v12  }
0x4ec: {  	s29 =	simm.s32 $0xB;
	s26 =	simm.s32 $0xF;
	v12 =	vld.idx.msk [tilespmem:v13+s17+$0x0], $0xffff  }
.LBB2_44:
0x4ed: {  	p1 =	slt.u32 s26, $0x5F;
	v21 =	vadd.s32 s29, v5;
	v11 =	vmul.f32 v16, v11;
	v22 =	vld.idx.msk [tilespmem:v13+s9+$0x0], $0xffff;
	v13 =	vadd.f32 v20, v19  }
0x4ee: {  	s29 =	sadd.s32 $0x2, s25;
	v20 =	vld.idx.msk [tilespmem:v18+s17+$0x0], $0xffff  }
0x4ef: {  	v19 =	vadd.s32 s29, v5;
	v10 =	vmul.f32 v14, v10;
	v23 =	vadd.f32 v11, v13;
	v24 =	vld.idx.msk [tilespmem:v18+s9+$0x0], $0xffff  }
0x4f0: {  	s29 =	sadd.s32 $0x3, s25;
	v11 =	vld.idx.msk [tilespmem:v17+s17+$0x0], $0xffff  }
0x4f1: {  	v13 =	vadd.s32 s29, v5;
	v9 =	vmul.f32 v15, v9;
	v16 =	vld.idx.msk [tilespmem:v17+s9+$0x0], $0xffff;
	v17 =	vadd.f32 v10, v23  }
.Ltmp21:
0x4f2: {  	s29 =	sadd.s32 $0x4, s25;
	s25 =	smov.u32 s26;
	v10 =	vld.idx.msk [tilespmem:v21+s17+$0x0], $0xffff;
	(pc) =	sbr.rel @p1 .LBB2_44-.Ltmp21, $4  }
0x4f3: {  	v18 =	vadd.s32 s29, v5;
	v12 =	vmul.f32 v22, v12;
	v14 =	vld.idx.msk [tilespmem:v21+s9+$0x0], $0xffff;
	v21 =	vadd.f32 v9, v17  }
0x4f4: {  	v9 =	vld.idx.msk [tilespmem:v19+s17+$0x0], $0xffff  }
0x4f5: {  	v17 =	vadd.s32 s26, v5;
	v20 =	vmul.f32 v24, v20;
	v15 =	vld.idx.msk [tilespmem:v19+s9+$0x0], $0xffff;
	v19 =	vadd.f32 v12, v21  }
0x4f6: {  	s29 =	sadd.s32 $0x1, s25;
	s26 =	sadd.s32 $0x5, s26;
	v12 =	vld.idx.msk [tilespmem:v13+s17+$0x0], $0xffff  }
0x4f7: {  	_ =	sdelay $0x2  }
0x4f8: {  	v11 =	vmul.f32 v16, v11;
	v16 =	vadd.f32 v20, v19  }
0x4f9: {  	v19 =	vadd.s32 s29, v5;
	v13 =	vld.idx.msk [tilespmem:v13+s9+$0x0], $0xffff  }
0x4fa: {  	s26 =	sadd.s32 $0x2, s25;
	v20 =	vld.idx.msk [tilespmem:v18+s17+$0x0], $0xffff;
	v10 =	vmul.f32 v14, v10;
	v11 =	vadd.f32 v11, v16  }
0x4fb: {  	v14 =	vadd.s32 s26, v5;
	v16 =	vld.idx.msk [tilespmem:v18+s9+$0x0], $0xffff  }
0x4fc: {  	s26 =	sadd.s32 $0x3, s25;
	v18 =	vld.idx.msk [tilespmem:v17+s17+$0x0], $0xffff;
	v9 =	vmul.f32 v15, v9;
	v10 =	vadd.f32 v10, v11  }
0x4fd: {  	v15 =	vadd.s32 s26, v5;
	v11 =	vld.idx.msk [tilespmem:v17+s9+$0x0], $0xffff  }
0x4fe: {  	s26 =	sadd.s32 $0x4, s25;
	v17 =	vld.idx.msk [tilespmem:v19+s17+$0x0], $0xffff;
	v9 =	vadd.f32 v9, v10;
	v10 =	vmul.f32 v13, v12  }
0x4ff: {  	v12 =	vld.idx.msk [tilespmem:v19+s9+$0x0], $0xffff;
	v13 =	vadd.s32 s26, v5  }
0x500: {  	v19 =	vld.idx.msk [tilespmem:v14+s17+$0x0], $0xffff;
	v9 =	vadd.f32 v10, v9;
	v10 =	vmul.f32 v16, v20  }
0x501: {  	v14 =	vld.idx.msk [tilespmem:v14+s9+$0x0], $0xffff  }
0x502: {  	v16 =	vld.idx.msk [tilespmem:v15+s17+$0x0], $0xffff;
	v11 =	vmul.f32 v11, v18;
	v9 =	vadd.f32 v10, v9  }
0x503: {  	v10 =	vld.idx.msk [tilespmem:v15+s9+$0x0], $0xffff  }
0x504: {  	v15 =	vld.idx.msk [tilespmem:v13+s17+$0x0], $0xffff;
	v9 =	vadd.f32 v11, v9;
	v11 =	vmul.f32 v12, v17  }
0x505: {  	v12 =	vld.idx.msk [tilespmem:v13+s9+$0x0], $0xffff  }
0x506: {  	v9 =	vadd.f32 v11, v9;
	v11 =	vmul.f32 v14, v19;
	_ =	sdelay $0x1  }
0x507: {  	v10 =	vmul.f32 v10, v16;
	v9 =	vadd.f32 v11, v9  }
0x508: {  	s26 =	simm.s32 $0x0  }
0x509: {  	v11 =	vadd.s32 s26, v6;
	v9 =	vadd.f32 v10, v9;
	v10 =	vmul.f32 v12, v15  }
0x50a: {  	s26 =	simm.s32 $0x1  }
0x50b: {  	v9 =	vadd.f32 v10, v9;
	v10 =	vadd.s32 s26, v6  }
0x50c: {  	s26 =	simm.s32 $0x2  }
0x50d: {  	[tilespmem:$0x1CA78] =	vst v9;
	v9 =	vadd.s32 s26, v6  }
0x50e: {  	s26 =	simm.s32 $0x3;
	v12 =	vld.idx.msk [tilespmem:v11+s17+$0x0], $0xffff  }
0x50f: {  	v11 =	vld.idx.msk [tilespmem:v11+s9+$0x0], $0xffff;
	v13 =	vadd.s32 s26, v6  }
0x510: {  	s26 =	simm.s32 $0x4;
	v14 =	vld.idx.msk [tilespmem:v10+s17+$0x0], $0xffff  }
0x511: {  	v15 =	vadd.s32 s26, v6;
	v10 =	vld.idx.msk [tilespmem:v10+s9+$0x0], $0xffff  }
0x512: {  	s26 =	simm.s32 $0x5;
	v17 =	vld.idx.msk [tilespmem:v9+s17+$0x0], $0xffff  }
0x513: {  	v16 =	vadd.s32 s26, v6;
	v9 =	vld.idx.msk [tilespmem:v9+s9+$0x0], $0xffff  }
0x514: {  	s26 =	simm.s32 $0x6;
	v18 =	vld.idx.msk [tilespmem:v13+s17+$0x0], $0xffff  }
0x515: {  	v19 =	vadd.s32 s26, v6;
	v20 =	vld.idx.msk [tilespmem:v13+s9+$0x0], $0xffff;
	v11 =	vmul.f32 v11, v12  }
0x516: {  	s26 =	simm.s32 $0x7;
	v12 =	vld.idx.msk [tilespmem:v15+s17+$0x0], $0xffff  }
0x517: {  	v21 =	vadd.s32 s26, v6;
	v22 =	vld.idx.msk [tilespmem:v15+s9+$0x0], $0xffff;
	v15 =	vadd.f32 v11, v8;
	v10 =	vmul.f32 v10, v14  }
0x518: {  	s26 =	simm.s32 $0x8;
	v11 =	vld.idx.msk [tilespmem:v16+s17+$0x0], $0xffff  }
0x519: {  	v13 =	vadd.s32 s26, v6;
	v16 =	vld.idx.msk [tilespmem:v16+s9+$0x0], $0xffff;
	v15 =	vadd.f32 v10, v15;
	v9 =	vmul.f32 v9, v17  }
0x51a: {  	s26 =	simm.s32 $0x9;
	v14 =	vld.idx.msk [tilespmem:v19+s9+$0x0], $0xffff  }
0x51b: {  	v10 =	vld.idx.msk [tilespmem:v19+s17+$0x0], $0xffff;
	v20 =	vmul.f32 v20, v18;
	v18 =	vadd.s32 s26, v6;
	v19 =	vadd.f32 v9, v15  }
0x51c: {  	s25 =	simm.s32 $0xA;
	v9 =	vld.idx.msk [tilespmem:v21+s17+$0x0], $0xffff  }
0x51d: {  	v17 =	vadd.s32 s25, v6;
	v15 =	vld.idx.msk [tilespmem:v21+s9+$0x0], $0xffff;
	v19 =	vadd.f32 v20, v19;
	v20 =	vmul.f32 v22, v12  }
0x51e: {  	s29 =	simm.s32 $0xB;
	s26 =	simm.s32 $0xF;
	v12 =	vld.idx.msk [tilespmem:v13+s17+$0x0], $0xffff  }
.LBB2_46:
0x51f: {  	p1 =	slt.u32 s26, $0x5F;
	v21 =	vadd.s32 s29, v6;
	v11 =	vmul.f32 v16, v11;
	v22 =	vld.idx.msk [tilespmem:v13+s9+$0x0], $0xffff;
	v13 =	vadd.f32 v20, v19  }
0x520: {  	s29 =	sadd.s32 $0x2, s25;
	v20 =	vld.idx.msk [tilespmem:v18+s17+$0x0], $0xffff  }
0x521: {  	v19 =	vadd.s32 s29, v6;
	v10 =	vmul.f32 v14, v10;
	v23 =	vadd.f32 v11, v13;
	v24 =	vld.idx.msk [tilespmem:v18+s9+$0x0], $0xffff  }
0x522: {  	s29 =	sadd.s32 $0x3, s25;
	v11 =	vld.idx.msk [tilespmem:v17+s17+$0x0], $0xffff  }
0x523: {  	v13 =	vadd.s32 s29, v6;
	v9 =	vmul.f32 v15, v9;
	v16 =	vld.idx.msk [tilespmem:v17+s9+$0x0], $0xffff;
	v17 =	vadd.f32 v10, v23  }
.Ltmp22:
0x524: {  	s29 =	sadd.s32 $0x4, s25;
	s25 =	smov.u32 s26;
	v10 =	vld.idx.msk [tilespmem:v21+s17+$0x0], $0xffff;
	(pc) =	sbr.rel @p1 .LBB2_46-.Ltmp22, $4  }
0x525: {  	v18 =	vadd.s32 s29, v6;
	v12 =	vmul.f32 v22, v12;
	v14 =	vld.idx.msk [tilespmem:v21+s9+$0x0], $0xffff;
	v21 =	vadd.f32 v9, v17  }
0x526: {  	v9 =	vld.idx.msk [tilespmem:v19+s17+$0x0], $0xffff  }
0x527: {  	v17 =	vadd.s32 s26, v6;
	v20 =	vmul.f32 v24, v20;
	v15 =	vld.idx.msk [tilespmem:v19+s9+$0x0], $0xffff;
	v19 =	vadd.f32 v12, v21  }
0x528: {  	s29 =	sadd.s32 $0x1, s25;
	s26 =	sadd.s32 $0x5, s26;
	v12 =	vld.idx.msk [tilespmem:v13+s17+$0x0], $0xffff  }
0x529: {  	_ =	sdelay $0x2  }
0x52a: {  	v11 =	vmul.f32 v16, v11;
	v16 =	vadd.f32 v20, v19  }
0x52b: {  	v19 =	vadd.s32 s29, v6;
	v13 =	vld.idx.msk [tilespmem:v13+s9+$0x0], $0xffff  }
0x52c: {  	s26 =	sadd.s32 $0x2, s25;
	v20 =	vld.idx.msk [tilespmem:v18+s17+$0x0], $0xffff;
	v10 =	vmul.f32 v14, v10;
	v11 =	vadd.f32 v11, v16  }
0x52d: {  	v14 =	vadd.s32 s26, v6;
	v16 =	vld.idx.msk [tilespmem:v18+s9+$0x0], $0xffff  }
0x52e: {  	s26 =	sadd.s32 $0x3, s25;
	v18 =	vld.idx.msk [tilespmem:v17+s17+$0x0], $0xffff;
	v9 =	vmul.f32 v15, v9;
	v10 =	vadd.f32 v10, v11  }
0x52f: {  	v15 =	vadd.s32 s26, v6;
	v11 =	vld.idx.msk [tilespmem:v17+s9+$0x0], $0xffff  }
0x530: {  	s26 =	sadd.s32 $0x4, s25;
	v17 =	vld.idx.msk [tilespmem:v19+s17+$0x0], $0xffff;
	v9 =	vadd.f32 v9, v10;
	v10 =	vmul.f32 v13, v12  }
0x531: {  	v12 =	vld.idx.msk [tilespmem:v19+s9+$0x0], $0xffff;
	v13 =	vadd.s32 s26, v6  }
0x532: {  	v19 =	vld.idx.msk [tilespmem:v14+s17+$0x0], $0xffff;
	v9 =	vadd.f32 v10, v9;
	v10 =	vmul.f32 v16, v20  }
0x533: {  	v14 =	vld.idx.msk [tilespmem:v14+s9+$0x0], $0xffff  }
0x534: {  	v16 =	vld.idx.msk [tilespmem:v15+s17+$0x0], $0xffff;
	v11 =	vmul.f32 v11, v18;
	v9 =	vadd.f32 v10, v9  }
0x535: {  	v10 =	vld.idx.msk [tilespmem:v15+s9+$0x0], $0xffff  }
0x536: {  	v15 =	vld.idx.msk [tilespmem:v13+s17+$0x0], $0xffff;
	v9 =	vadd.f32 v11, v9;
	v11 =	vmul.f32 v12, v17  }
0x537: {  	v12 =	vld.idx.msk [tilespmem:v13+s9+$0x0], $0xffff  }
0x538: {  	v9 =	vadd.f32 v11, v9;
	v11 =	vmul.f32 v14, v19;
	_ =	sdelay $0x1  }
0x539: {  	v10 =	vmul.f32 v10, v16;
	v9 =	vadd.f32 v11, v9  }
0x53a: {  	s26 =	simm.s32 $0x0  }
0x53b: {  	v11 =	vadd.s32 s26, v7;
	v9 =	vadd.f32 v10, v9;
	v10 =	vmul.f32 v12, v15  }
0x53c: {  	s26 =	simm.s32 $0x1  }
0x53d: {  	v9 =	vadd.f32 v10, v9;
	v10 =	vadd.s32 s26, v7  }
0x53e: {  	s26 =	simm.s32 $0x2  }
0x53f: {  	[tilespmem:$0x1CA88] =	vst v9;
	v9 =	vadd.s32 s26, v7  }
0x540: {  	s26 =	simm.s32 $0x3;
	v12 =	vld.idx.msk [tilespmem:v11+s17+$0x0], $0xffff  }
0x541: {  	v11 =	vld.idx.msk [tilespmem:v11+s9+$0x0], $0xffff;
	v13 =	vadd.s32 s26, v7  }
0x542: {  	s26 =	simm.s32 $0x4;
	v14 =	vld.idx.msk [tilespmem:v10+s17+$0x0], $0xffff  }
0x543: {  	v15 =	vadd.s32 s26, v7;
	v10 =	vld.idx.msk [tilespmem:v10+s9+$0x0], $0xffff  }
0x544: {  	s26 =	simm.s32 $0x5;
	v17 =	vld.idx.msk [tilespmem:v9+s17+$0x0], $0xffff  }
0x545: {  	v16 =	vadd.s32 s26, v7;
	v9 =	vld.idx.msk [tilespmem:v9+s9+$0x0], $0xffff  }
0x546: {  	s26 =	simm.s32 $0x6;
	v18 =	vld.idx.msk [tilespmem:v13+s17+$0x0], $0xffff  }
0x547: {  	v19 =	vadd.s32 s26, v7;
	v20 =	vld.idx.msk [tilespmem:v13+s9+$0x0], $0xffff;
	v11 =	vmul.f32 v11, v12  }
0x548: {  	s26 =	simm.s32 $0x7;
	v12 =	vld.idx.msk [tilespmem:v15+s17+$0x0], $0xffff  }
0x549: {  	v21 =	vadd.s32 s26, v7;
	v22 =	vld.idx.msk [tilespmem:v15+s9+$0x0], $0xffff;
	v15 =	vadd.f32 v11, v8;
	v10 =	vmul.f32 v10, v14  }
0x54a: {  	s26 =	simm.s32 $0x8;
	v11 =	vld.idx.msk [tilespmem:v16+s17+$0x0], $0xffff  }
0x54b: {  	v13 =	vadd.s32 s26, v7;
	v16 =	vld.idx.msk [tilespmem:v16+s9+$0x0], $0xffff;
	v15 =	vadd.f32 v10, v15;
	v9 =	vmul.f32 v9, v17  }
0x54c: {  	s26 =	simm.s32 $0x9;
	v14 =	vld.idx.msk [tilespmem:v19+s9+$0x0], $0xffff  }
0x54d: {  	v10 =	vld.idx.msk [tilespmem:v19+s17+$0x0], $0xffff;
	v20 =	vmul.f32 v20, v18;
	v18 =	vadd.s32 s26, v7;
	v19 =	vadd.f32 v9, v15  }
0x54e: {  	s25 =	simm.s32 $0xA;
	v9 =	vld.idx.msk [tilespmem:v21+s17+$0x0], $0xffff  }
0x54f: {  	v17 =	vadd.s32 s25, v7;
	v15 =	vld.idx.msk [tilespmem:v21+s9+$0x0], $0xffff;
	v19 =	vadd.f32 v20, v19;
	v20 =	vmul.f32 v22, v12  }
0x550: {  	s29 =	simm.s32 $0xB;
	s26 =	simm.s32 $0xF;
	v12 =	vld.idx.msk [tilespmem:v13+s17+$0x0], $0xffff  }
.LBB2_48:
0x551: {  	p1 =	slt.u32 s26, $0x5F;
	v21 =	vadd.s32 s29, v7;
	v11 =	vmul.f32 v16, v11;
	v22 =	vld.idx.msk [tilespmem:v13+s9+$0x0], $0xffff;
	v13 =	vadd.f32 v20, v19  }
0x552: {  	s29 =	sadd.s32 $0x2, s25;
	v20 =	vld.idx.msk [tilespmem:v18+s17+$0x0], $0xffff  }
0x553: {  	v19 =	vadd.s32 s29, v7;
	v10 =	vmul.f32 v14, v10;
	v23 =	vadd.f32 v11, v13;
	v24 =	vld.idx.msk [tilespmem:v18+s9+$0x0], $0xffff  }
0x554: {  	s29 =	sadd.s32 $0x3, s25;
	v11 =	vld.idx.msk [tilespmem:v17+s17+$0x0], $0xffff  }
0x555: {  	v13 =	vadd.s32 s29, v7;
	v9 =	vmul.f32 v15, v9;
	v16 =	vld.idx.msk [tilespmem:v17+s9+$0x0], $0xffff;
	v17 =	vadd.f32 v10, v23  }
.Ltmp23:
0x556: {  	s29 =	sadd.s32 $0x4, s25;
	s25 =	smov.u32 s26;
	v10 =	vld.idx.msk [tilespmem:v21+s17+$0x0], $0xffff;
	(pc) =	sbr.rel @p1 .LBB2_48-.Ltmp23, $4  }
0x557: {  	v18 =	vadd.s32 s29, v7;
	v12 =	vmul.f32 v22, v12;
	v14 =	vld.idx.msk [tilespmem:v21+s9+$0x0], $0xffff;
	v21 =	vadd.f32 v9, v17  }
0x558: {  	v9 =	vld.idx.msk [tilespmem:v19+s17+$0x0], $0xffff  }
0x559: {  	v17 =	vadd.s32 s26, v7;
	v20 =	vmul.f32 v24, v20;
	v15 =	vld.idx.msk [tilespmem:v19+s9+$0x0], $0xffff;
	v19 =	vadd.f32 v12, v21  }
0x55a: {  	s29 =	sadd.s32 $0x1, s25;
	s26 =	sadd.s32 $0x5, s26;
	v12 =	vld.idx.msk [tilespmem:v13+s17+$0x0], $0xffff  }
0x55b: {  	_ =	sdelay $0x2  }
0x55c: {  	v11 =	vmul.f32 v16, v11;
	v16 =	vadd.f32 v20, v19  }
0x55d: {  	v19 =	vadd.s32 s29, v7;
	v13 =	vld.idx.msk [tilespmem:v13+s9+$0x0], $0xffff  }
0x55e: {  	s26 =	sadd.s32 $0x2, s25;
	v20 =	vld.idx.msk [tilespmem:v18+s17+$0x0], $0xffff;
	v10 =	vmul.f32 v14, v10;
	v11 =	vadd.f32 v11, v16  }
0x55f: {  	v14 =	vadd.s32 s26, v7;
	v16 =	vld.idx.msk [tilespmem:v18+s9+$0x0], $0xffff  }
0x560: {  	s26 =	sadd.s32 $0x3, s25;
	v18 =	vld.idx.msk [tilespmem:v17+s17+$0x0], $0xffff;
	v9 =	vmul.f32 v15, v9;
	v10 =	vadd.f32 v10, v11  }
0x561: {  	v15 =	vadd.s32 s26, v7;
	v11 =	vld.idx.msk [tilespmem:v17+s9+$0x0], $0xffff  }
0x562: {  	s26 =	sadd.s32 $0x4, s25;
	v17 =	vld.idx.msk [tilespmem:v19+s17+$0x0], $0xffff;
	v9 =	vadd.f32 v9, v10;
	v10 =	vmul.f32 v13, v12  }
0x563: {  	v12 =	vld.idx.msk [tilespmem:v19+s9+$0x0], $0xffff;
	v13 =	vadd.s32 s26, v7  }
0x564: {  	v19 =	vld.idx.msk [tilespmem:v14+s17+$0x0], $0xffff;
	v9 =	vadd.f32 v10, v9;
	v10 =	vmul.f32 v16, v20  }
0x565: {  	v14 =	vld.idx.msk [tilespmem:v14+s9+$0x0], $0xffff  }
0x566: {  	v16 =	vld.idx.msk [tilespmem:v15+s17+$0x0], $0xffff;
	v11 =	vmul.f32 v11, v18;
	v9 =	vadd.f32 v10, v9  }
0x567: {  	v10 =	vld.idx.msk [tilespmem:v15+s9+$0x0], $0xffff  }
0x568: {  	v15 =	vld.idx.msk [tilespmem:v13+s17+$0x0], $0xffff;
	v9 =	vadd.f32 v11, v9;
	v11 =	vmul.f32 v12, v17  }
0x569: {  	v12 =	vld.idx.msk [tilespmem:v13+s9+$0x0], $0xffff  }
0x56a: {  	v9 =	vadd.f32 v11, v9;
	v11 =	vmul.f32 v14, v19;
	_ =	sdelay $0x1  }
0x56b: {  	v10 =	vmul.f32 v10, v16;
	v9 =	vadd.f32 v11, v9;
	_ =	sdelay $0x1  }
0x56c: {  	v9 =	vadd.f32 v10, v9;
	v10 =	vmul.f32 v12, v15;
	_ =	sdelay $0x1  }
0x56d: {  	v9 =	vadd.f32 v10, v9;
	_ =	sdelay $0x1  }
0x56e: {  	s25 =	simm.s32 $0x0;
	s26 =	rddreg [dreg:$0x1a];
	[tilespmem:$0x1CA98] =	vst v9  }
0x56f: {  	[tilespmem:s18], [sflag:$0x5] =	stream.linear.gather [hbm4b:s26+s25], $0x1900, $0x38;
	[tilespmem:$0x1CB28] =	vst v63  }
0x570: {  	_ =	swait.ge [sflag:s15], $0x1900  }
0x571: {  	[sflag:s15] =	ssyncset.done $0x0  }
0x572: {  	s26 =	rddreg [dreg:$0x1b];
	[sflag:s15] =	ssyncadd.s32 $0xFFFFE700  }
0x573: {  	[tilespmem:s19], [sflag:$0x5] =	stream.linear.gather [hbm4b:s26+s25], $0x1900, $0x38;
	[tilespmem:$0x1CB28] =	vst v63  }
0x574: {  	_ =	swait.ge [sflag:s15], $0x1900  }
0x575: {  	[sflag:s15] =	ssyncset.done $0x0  }
0x576: {  	v9 =	vadd.s32 s25, v0;
	s26 =	simm.s32 $0x1;
	[sflag:s15] =	ssyncadd.s32 $0xFFFFE700  }
0x577: {  	[tilespmem:s20], [sflag:$0x2] =	stream.indirect.gather [spmem:s28], $0x1, s18, s16, $0xb8;
	[tilespmem:$0x1CB28] =	vst v63  }
0x578: {  	v10 =	vadd.s32 s26, v0;
	_ =	swait.ge [sflag:s21], $0x1900  }
0x579: {  	s26 =	simm.s32 $0x2;
	[sflag:s21] =	ssyncset.done $0x0  }
0x57a: {  	v11 =	vadd.s32 s26, v0;
	[sflag:s21] =	ssyncadd.s32 $0xFFFFE700  }
0x57b: {  	s26 =	simm.s32 $0x3;
	v12 =	vld.idx.msk [tilespmem:v9+s17+$0x0], $0xffff  }
0x57c: {  	v13 =	vadd.s32 s26, v0;
	v9 =	vld.idx.msk [tilespmem:v9+s9+$0x0], $0xffff  }
0x57d: {  	s26 =	simm.s32 $0x4;
	v14 =	vld.idx.msk [tilespmem:v10+s17+$0x0], $0xffff  }
0x57e: {  	v15 =	vadd.s32 s26, v0;
	s26 =	simm.s32 $0x5;
	v10 =	vld.idx.msk [tilespmem:v10+s9+$0x0], $0xffff  }
0x57f: {  	v16 =	vadd.s32 s26, v0;
	v17 =	vld.idx.msk [tilespmem:v11+s17+$0x0], $0xffff  }
0x580: {  	v18 =	vld.idx.msk [tilespmem:v11+s9+$0x0], $0xffff  }
0x581: {  	s26 =	simm.s32 $0x6;
	v19 =	vld.idx.msk [tilespmem:v13+s17+$0x0], $0xffff  }
0x582: {  	v20 =	vadd.s32 s26, v0;
	v21 =	vld.idx.msk [tilespmem:v13+s9+$0x0], $0xffff;
	v9 =	vmul.f32 v9, v12  }
0x583: {  	s26 =	simm.s32 $0x7;
	v23 =	vld.idx.msk [tilespmem:v15+s9+$0x0], $0xffff  }
0x584: {  	v22 =	vadd.s32 s26, v0;
	v11 =	vld.idx.msk [tilespmem:v16+s17+$0x0], $0xffff;
	v10 =	vmul.f32 v10, v14;
	v9 =	vadd.f32 v9, v8  }
0x585: {  	s26 =	simm.s32 $0x8;
	v12 =	vld.idx.msk [tilespmem:v15+s17+$0x0], $0xffff  }
0x586: {  	v13 =	vadd.s32 s26, v0;
	v16 =	vld.idx.msk [tilespmem:v16+s9+$0x0], $0xffff;
	v15 =	vmul.f32 v18, v17;
	v9 =	vadd.f32 v10, v9  }
0x587: {  	s26 =	simm.s32 $0x9;
	v14 =	vld.idx.msk [tilespmem:v20+s9+$0x0], $0xffff  }
0x588: {  	v19 =	vmul.f32 v21, v19;
	v18 =	vadd.s32 s26, v0;
	v10 =	vld.idx.msk [tilespmem:v20+s17+$0x0], $0xffff;
	v20 =	vadd.f32 v15, v9  }
0x589: {  	s25 =	simm.s32 $0xA;
	v9 =	vld.idx.msk [tilespmem:v22+s17+$0x0], $0xffff  }
0x58a: {  	v17 =	vadd.s32 s25, v0;
	v15 =	vld.idx.msk [tilespmem:v22+s9+$0x0], $0xffff;
	v19 =	vadd.f32 v19, v20;
	v20 =	vmul.f32 v23, v12  }
0x58b: {  	s29 =	simm.s32 $0xB;
	s26 =	simm.s32 $0xF;
	v12 =	vld.idx.msk [tilespmem:v13+s17+$0x0], $0xffff  }
.LBB2_50:
0x58c: {  	p1 =	slt.u32 s26, $0x5F;
	v21 =	vadd.s32 s29, v0;
	v11 =	vmul.f32 v16, v11;
	v22 =	vld.idx.msk [tilespmem:v13+s9+$0x0], $0xffff;
	v13 =	vadd.f32 v20, v19  }
0x58d: {  	s29 =	sadd.s32 $0x2, s25;
	v20 =	vld.idx.msk [tilespmem:v18+s17+$0x0], $0xffff  }
0x58e: {  	v19 =	vadd.s32 s29, v0;
	v10 =	vmul.f32 v14, v10;
	v23 =	vadd.f32 v11, v13;
	v24 =	vld.idx.msk [tilespmem:v18+s9+$0x0], $0xffff  }
0x58f: {  	s29 =	sadd.s32 $0x3, s25;
	v11 =	vld.idx.msk [tilespmem:v17+s17+$0x0], $0xffff  }
0x590: {  	v13 =	vadd.s32 s29, v0;
	v9 =	vmul.f32 v15, v9;
	v16 =	vld.idx.msk [tilespmem:v17+s9+$0x0], $0xffff;
	v17 =	vadd.f32 v10, v23  }
.Ltmp24:
0x591: {  	s29 =	sadd.s32 $0x4, s25;
	s25 =	smov.u32 s26;
	v10 =	vld.idx.msk [tilespmem:v21+s17+$0x0], $0xffff;
	(pc) =	sbr.rel @p1 .LBB2_50-.Ltmp24, $4  }
0x592: {  	v18 =	vadd.s32 s29, v0;
	v12 =	vmul.f32 v22, v12;
	v14 =	vld.idx.msk [tilespmem:v21+s9+$0x0], $0xffff;
	v21 =	vadd.f32 v9, v17  }
0x593: {  	v9 =	vld.idx.msk [tilespmem:v19+s17+$0x0], $0xffff  }
0x594: {  	v17 =	vadd.s32 s26, v0;
	v20 =	vmul.f32 v24, v20;
	v15 =	vld.idx.msk [tilespmem:v19+s9+$0x0], $0xffff;
	v19 =	vadd.f32 v12, v21  }
0x595: {  	s29 =	sadd.s32 $0x1, s25;
	s26 =	sadd.s32 $0x5, s26;
	v12 =	vld.idx.msk [tilespmem:v13+s17+$0x0], $0xffff  }
0x596: {  	_ =	sdelay $0x2  }
0x597: {  	v11 =	vmul.f32 v16, v11;
	v16 =	vadd.f32 v20, v19  }
0x598: {  	v19 =	vadd.s32 s29, v0;
	v13 =	vld.idx.msk [tilespmem:v13+s9+$0x0], $0xffff  }
0x599: {  	s26 =	sadd.s32 $0x2, s25;
	v20 =	vld.idx.msk [tilespmem:v18+s17+$0x0], $0xffff;
	v10 =	vmul.f32 v14, v10;
	v11 =	vadd.f32 v11, v16  }
0x59a: {  	v14 =	vadd.s32 s26, v0;
	v16 =	vld.idx.msk [tilespmem:v18+s9+$0x0], $0xffff  }
0x59b: {  	s26 =	sadd.s32 $0x3, s25;
	v18 =	vld.idx.msk [tilespmem:v17+s17+$0x0], $0xffff;
	v9 =	vmul.f32 v15, v9;
	v10 =	vadd.f32 v10, v11  }
0x59c: {  	v15 =	vadd.s32 s26, v0;
	v11 =	vld.idx.msk [tilespmem:v17+s9+$0x0], $0xffff  }
0x59d: {  	s26 =	sadd.s32 $0x4, s25;
	v17 =	vld.idx.msk [tilespmem:v19+s17+$0x0], $0xffff;
	v9 =	vadd.f32 v9, v10;
	v10 =	vmul.f32 v13, v12  }
0x59e: {  	v12 =	vld.idx.msk [tilespmem:v19+s9+$0x0], $0xffff;
	v13 =	vadd.s32 s26, v0  }
0x59f: {  	v19 =	vld.idx.msk [tilespmem:v14+s17+$0x0], $0xffff;
	v9 =	vadd.f32 v10, v9;
	v10 =	vmul.f32 v16, v20  }
0x5a0: {  	v14 =	vld.idx.msk [tilespmem:v14+s9+$0x0], $0xffff  }
0x5a1: {  	v16 =	vld.idx.msk [tilespmem:v15+s17+$0x0], $0xffff;
	v11 =	vmul.f32 v11, v18;
	v9 =	vadd.f32 v10, v9  }
0x5a2: {  	v10 =	vld.idx.msk [tilespmem:v15+s9+$0x0], $0xffff  }
0x5a3: {  	v15 =	vld.idx.msk [tilespmem:v13+s17+$0x0], $0xffff;
	v9 =	vadd.f32 v11, v9;
	v11 =	vmul.f32 v12, v17  }
0x5a4: {  	v12 =	vld.idx.msk [tilespmem:v13+s9+$0x0], $0xffff  }
0x5a5: {  	v9 =	vadd.f32 v11, v9;
	v11 =	vmul.f32 v14, v19;
	_ =	sdelay $0x1  }
0x5a6: {  	v10 =	vmul.f32 v10, v16;
	v9 =	vadd.f32 v11, v9  }
0x5a7: {  	s26 =	simm.s32 $0x0  }
0x5a8: {  	v11 =	vadd.s32 s26, v1;
	v9 =	vadd.f32 v10, v9;
	v10 =	vmul.f32 v12, v15  }
0x5a9: {  	s26 =	simm.s32 $0x1  }
0x5aa: {  	v9 =	vadd.f32 v10, v9;
	v10 =	vadd.s32 s26, v1  }
0x5ab: {  	s26 =	simm.s32 $0x2  }
0x5ac: {  	[tilespmem:$0x1CAA8] =	vst v9;
	v9 =	vadd.s32 s26, v1  }
0x5ad: {  	s26 =	simm.s32 $0x3;
	v12 =	vld.idx.msk [tilespmem:v11+s17+$0x0], $0xffff  }
0x5ae: {  	v11 =	vld.idx.msk [tilespmem:v11+s9+$0x0], $0xffff;
	v13 =	vadd.s32 s26, v1  }
0x5af: {  	s26 =	simm.s32 $0x4;
	v14 =	vld.idx.msk [tilespmem:v10+s17+$0x0], $0xffff  }
0x5b0: {  	v15 =	vadd.s32 s26, v1;
	v10 =	vld.idx.msk [tilespmem:v10+s9+$0x0], $0xffff  }
0x5b1: {  	s26 =	simm.s32 $0x5;
	v17 =	vld.idx.msk [tilespmem:v9+s17+$0x0], $0xffff  }
0x5b2: {  	v16 =	vadd.s32 s26, v1;
	v9 =	vld.idx.msk [tilespmem:v9+s9+$0x0], $0xffff  }
0x5b3: {  	s26 =	simm.s32 $0x6;
	v18 =	vld.idx.msk [tilespmem:v13+s17+$0x0], $0xffff  }
0x5b4: {  	v19 =	vadd.s32 s26, v1;
	v20 =	vld.idx.msk [tilespmem:v13+s9+$0x0], $0xffff;
	v11 =	vmul.f32 v11, v12  }
0x5b5: {  	s26 =	simm.s32 $0x7;
	v12 =	vld.idx.msk [tilespmem:v15+s17+$0x0], $0xffff  }
0x5b6: {  	v21 =	vadd.s32 s26, v1;
	v22 =	vld.idx.msk [tilespmem:v15+s9+$0x0], $0xffff;
	v15 =	vadd.f32 v11, v8;
	v10 =	vmul.f32 v10, v14  }
0x5b7: {  	s26 =	simm.s32 $0x8;
	v11 =	vld.idx.msk [tilespmem:v16+s17+$0x0], $0xffff  }
0x5b8: {  	v13 =	vadd.s32 s26, v1;
	v16 =	vld.idx.msk [tilespmem:v16+s9+$0x0], $0xffff;
	v15 =	vadd.f32 v10, v15;
	v9 =	vmul.f32 v9, v17  }
0x5b9: {  	s26 =	simm.s32 $0x9;
	v14 =	vld.idx.msk [tilespmem:v19+s9+$0x0], $0xffff  }
0x5ba: {  	v10 =	vld.idx.msk [tilespmem:v19+s17+$0x0], $0xffff;
	v20 =	vmul.f32 v20, v18;
	v18 =	vadd.s32 s26, v1;
	v19 =	vadd.f32 v9, v15  }
0x5bb: {  	s25 =	simm.s32 $0xA;
	v9 =	vld.idx.msk [tilespmem:v21+s17+$0x0], $0xffff  }
0x5bc: {  	v17 =	vadd.s32 s25, v1;
	v15 =	vld.idx.msk [tilespmem:v21+s9+$0x0], $0xffff;
	v19 =	vadd.f32 v20, v19;
	v20 =	vmul.f32 v22, v12  }
0x5bd: {  	s29 =	simm.s32 $0xB;
	s26 =	simm.s32 $0xF;
	v12 =	vld.idx.msk [tilespmem:v13+s17+$0x0], $0xffff  }
.LBB2_52:
0x5be: {  	p1 =	slt.u32 s26, $0x5F;
	v21 =	vadd.s32 s29, v1;
	v11 =	vmul.f32 v16, v11;
	v22 =	vld.idx.msk [tilespmem:v13+s9+$0x0], $0xffff;
	v13 =	vadd.f32 v20, v19  }
0x5bf: {  	s29 =	sadd.s32 $0x2, s25;
	v20 =	vld.idx.msk [tilespmem:v18+s17+$0x0], $0xffff  }
0x5c0: {  	v19 =	vadd.s32 s29, v1;
	v10 =	vmul.f32 v14, v10;
	v23 =	vadd.f32 v11, v13;
	v24 =	vld.idx.msk [tilespmem:v18+s9+$0x0], $0xffff  }
0x5c1: {  	s29 =	sadd.s32 $0x3, s25;
	v11 =	vld.idx.msk [tilespmem:v17+s17+$0x0], $0xffff  }
0x5c2: {  	v13 =	vadd.s32 s29, v1;
	v9 =	vmul.f32 v15, v9;
	v16 =	vld.idx.msk [tilespmem:v17+s9+$0x0], $0xffff;
	v17 =	vadd.f32 v10, v23  }
.Ltmp25:
0x5c3: {  	s29 =	sadd.s32 $0x4, s25;
	s25 =	smov.u32 s26;
	v10 =	vld.idx.msk [tilespmem:v21+s17+$0x0], $0xffff;
	(pc) =	sbr.rel @p1 .LBB2_52-.Ltmp25, $4  }
0x5c4: {  	v18 =	vadd.s32 s29, v1;
	v12 =	vmul.f32 v22, v12;
	v14 =	vld.idx.msk [tilespmem:v21+s9+$0x0], $0xffff;
	v21 =	vadd.f32 v9, v17  }
0x5c5: {  	v9 =	vld.idx.msk [tilespmem:v19+s17+$0x0], $0xffff  }
0x5c6: {  	v17 =	vadd.s32 s26, v1;
	v20 =	vmul.f32 v24, v20;
	v15 =	vld.idx.msk [tilespmem:v19+s9+$0x0], $0xffff;
	v19 =	vadd.f32 v12, v21  }
0x5c7: {  	s29 =	sadd.s32 $0x1, s25;
	s26 =	sadd.s32 $0x5, s26;
	v12 =	vld.idx.msk [tilespmem:v13+s17+$0x0], $0xffff  }
0x5c8: {  	_ =	sdelay $0x2  }
0x5c9: {  	v11 =	vmul.f32 v16, v11;
	v16 =	vadd.f32 v20, v19  }
0x5ca: {  	v19 =	vadd.s32 s29, v1;
	v13 =	vld.idx.msk [tilespmem:v13+s9+$0x0], $0xffff  }
0x5cb: {  	s26 =	sadd.s32 $0x2, s25;
	v20 =	vld.idx.msk [tilespmem:v18+s17+$0x0], $0xffff;
	v10 =	vmul.f32 v14, v10;
	v11 =	vadd.f32 v11, v16  }
0x5cc: {  	v14 =	vadd.s32 s26, v1;
	v16 =	vld.idx.msk [tilespmem:v18+s9+$0x0], $0xffff  }
0x5cd: {  	s26 =	sadd.s32 $0x3, s25;
	v18 =	vld.idx.msk [tilespmem:v17+s17+$0x0], $0xffff;
	v9 =	vmul.f32 v15, v9;
	v10 =	vadd.f32 v10, v11  }
0x5ce: {  	v15 =	vadd.s32 s26, v1;
	v11 =	vld.idx.msk [tilespmem:v17+s9+$0x0], $0xffff  }
0x5cf: {  	s26 =	sadd.s32 $0x4, s25;
	v17 =	vld.idx.msk [tilespmem:v19+s17+$0x0], $0xffff;
	v9 =	vadd.f32 v9, v10;
	v10 =	vmul.f32 v13, v12  }
0x5d0: {  	v12 =	vld.idx.msk [tilespmem:v19+s9+$0x0], $0xffff;
	v13 =	vadd.s32 s26, v1  }
0x5d1: {  	v19 =	vld.idx.msk [tilespmem:v14+s17+$0x0], $0xffff;
	v9 =	vadd.f32 v10, v9;
	v10 =	vmul.f32 v16, v20  }
0x5d2: {  	v14 =	vld.idx.msk [tilespmem:v14+s9+$0x0], $0xffff  }
0x5d3: {  	v16 =	vld.idx.msk [tilespmem:v15+s17+$0x0], $0xffff;
	v11 =	vmul.f32 v11, v18;
	v9 =	vadd.f32 v10, v9  }
0x5d4: {  	v10 =	vld.idx.msk [tilespmem:v15+s9+$0x0], $0xffff  }
0x5d5: {  	v15 =	vld.idx.msk [tilespmem:v13+s17+$0x0], $0xffff;
	v9 =	vadd.f32 v11, v9;
	v11 =	vmul.f32 v12, v17  }
0x5d6: {  	v12 =	vld.idx.msk [tilespmem:v13+s9+$0x0], $0xffff  }
0x5d7: {  	v9 =	vadd.f32 v11, v9;
	v11 =	vmul.f32 v14, v19;
	_ =	sdelay $0x1  }
0x5d8: {  	v10 =	vmul.f32 v10, v16;
	v9 =	vadd.f32 v11, v9  }
0x5d9: {  	s26 =	simm.s32 $0x0  }
0x5da: {  	v11 =	vadd.s32 s26, v2;
	v9 =	vadd.f32 v10, v9;
	v10 =	vmul.f32 v12, v15  }
0x5db: {  	s26 =	simm.s32 $0x1  }
0x5dc: {  	v9 =	vadd.f32 v10, v9;
	v10 =	vadd.s32 s26, v2  }
0x5dd: {  	s26 =	simm.s32 $0x2  }
0x5de: {  	[tilespmem:$0x1CAB8] =	vst v9;
	v9 =	vadd.s32 s26, v2  }
0x5df: {  	s26 =	simm.s32 $0x3;
	v12 =	vld.idx.msk [tilespmem:v11+s17+$0x0], $0xffff  }
0x5e0: {  	v11 =	vld.idx.msk [tilespmem:v11+s9+$0x0], $0xffff;
	v13 =	vadd.s32 s26, v2  }
0x5e1: {  	s26 =	simm.s32 $0x4;
	v14 =	vld.idx.msk [tilespmem:v10+s17+$0x0], $0xffff  }
0x5e2: {  	v15 =	vadd.s32 s26, v2;
	v10 =	vld.idx.msk [tilespmem:v10+s9+$0x0], $0xffff  }
0x5e3: {  	s26 =	simm.s32 $0x5;
	v17 =	vld.idx.msk [tilespmem:v9+s17+$0x0], $0xffff  }
0x5e4: {  	v16 =	vadd.s32 s26, v2;
	v9 =	vld.idx.msk [tilespmem:v9+s9+$0x0], $0xffff  }
0x5e5: {  	s26 =	simm.s32 $0x6;
	v18 =	vld.idx.msk [tilespmem:v13+s17+$0x0], $0xffff  }
0x5e6: {  	v19 =	vadd.s32 s26, v2;
	v20 =	vld.idx.msk [tilespmem:v13+s9+$0x0], $0xffff;
	v11 =	vmul.f32 v11, v12  }
0x5e7: {  	s26 =	simm.s32 $0x7;
	v12 =	vld.idx.msk [tilespmem:v15+s17+$0x0], $0xffff  }
0x5e8: {  	v21 =	vadd.s32 s26, v2;
	v22 =	vld.idx.msk [tilespmem:v15+s9+$0x0], $0xffff;
	v15 =	vadd.f32 v11, v8;
	v10 =	vmul.f32 v10, v14  }
0x5e9: {  	s26 =	simm.s32 $0x8;
	v11 =	vld.idx.msk [tilespmem:v16+s17+$0x0], $0xffff  }
0x5ea: {  	v13 =	vadd.s32 s26, v2;
	v16 =	vld.idx.msk [tilespmem:v16+s9+$0x0], $0xffff;
	v15 =	vadd.f32 v10, v15;
	v9 =	vmul.f32 v9, v17  }
0x5eb: {  	s26 =	simm.s32 $0x9;
	v14 =	vld.idx.msk [tilespmem:v19+s9+$0x0], $0xffff  }
0x5ec: {  	v10 =	vld.idx.msk [tilespmem:v19+s17+$0x0], $0xffff;
	v20 =	vmul.f32 v20, v18;
	v18 =	vadd.s32 s26, v2;
	v19 =	vadd.f32 v9, v15  }
0x5ed: {  	s25 =	simm.s32 $0xA;
	v9 =	vld.idx.msk [tilespmem:v21+s17+$0x0], $0xffff  }
0x5ee: {  	v17 =	vadd.s32 s25, v2;
	v15 =	vld.idx.msk [tilespmem:v21+s9+$0x0], $0xffff;
	v19 =	vadd.f32 v20, v19;
	v20 =	vmul.f32 v22, v12  }
0x5ef: {  	s29 =	simm.s32 $0xB;
	s26 =	simm.s32 $0xF;
	v12 =	vld.idx.msk [tilespmem:v13+s17+$0x0], $0xffff  }
.LBB2_54:
0x5f0: {  	p1 =	slt.u32 s26, $0x5F;
	v21 =	vadd.s32 s29, v2;
	v11 =	vmul.f32 v16, v11;
	v22 =	vld.idx.msk [tilespmem:v13+s9+$0x0], $0xffff;
	v13 =	vadd.f32 v20, v19  }
0x5f1: {  	s29 =	sadd.s32 $0x2, s25;
	v20 =	vld.idx.msk [tilespmem:v18+s17+$0x0], $0xffff  }
0x5f2: {  	v19 =	vadd.s32 s29, v2;
	v10 =	vmul.f32 v14, v10;
	v23 =	vadd.f32 v11, v13;
	v24 =	vld.idx.msk [tilespmem:v18+s9+$0x0], $0xffff  }
0x5f3: {  	s29 =	sadd.s32 $0x3, s25;
	v11 =	vld.idx.msk [tilespmem:v17+s17+$0x0], $0xffff  }
0x5f4: {  	v13 =	vadd.s32 s29, v2;
	v9 =	vmul.f32 v15, v9;
	v16 =	vld.idx.msk [tilespmem:v17+s9+$0x0], $0xffff;
	v17 =	vadd.f32 v10, v23  }
.Ltmp26:
0x5f5: {  	s29 =	sadd.s32 $0x4, s25;
	s25 =	smov.u32 s26;
	v10 =	vld.idx.msk [tilespmem:v21+s17+$0x0], $0xffff;
	(pc) =	sbr.rel @p1 .LBB2_54-.Ltmp26, $4  }
0x5f6: {  	v18 =	vadd.s32 s29, v2;
	v12 =	vmul.f32 v22, v12;
	v14 =	vld.idx.msk [tilespmem:v21+s9+$0x0], $0xffff;
	v21 =	vadd.f32 v9, v17  }
0x5f7: {  	v9 =	vld.idx.msk [tilespmem:v19+s17+$0x0], $0xffff  }
0x5f8: {  	v17 =	vadd.s32 s26, v2;
	v20 =	vmul.f32 v24, v20;
	v15 =	vld.idx.msk [tilespmem:v19+s9+$0x0], $0xffff;
	v19 =	vadd.f32 v12, v21  }
0x5f9: {  	s29 =	sadd.s32 $0x1, s25;
	s26 =	sadd.s32 $0x5, s26;
	v12 =	vld.idx.msk [tilespmem:v13+s17+$0x0], $0xffff  }
0x5fa: {  	_ =	sdelay $0x2  }
0x5fb: {  	v11 =	vmul.f32 v16, v11;
	v16 =	vadd.f32 v20, v19  }
0x5fc: {  	v19 =	vadd.s32 s29, v2;
	v13 =	vld.idx.msk [tilespmem:v13+s9+$0x0], $0xffff  }
0x5fd: {  	s26 =	sadd.s32 $0x2, s25;
	v20 =	vld.idx.msk [tilespmem:v18+s17+$0x0], $0xffff;
	v10 =	vmul.f32 v14, v10;
	v11 =	vadd.f32 v11, v16  }
0x5fe: {  	v14 =	vadd.s32 s26, v2;
	v16 =	vld.idx.msk [tilespmem:v18+s9+$0x0], $0xffff  }
0x5ff: {  	s26 =	sadd.s32 $0x3, s25;
	v18 =	vld.idx.msk [tilespmem:v17+s17+$0x0], $0xffff;
	v9 =	vmul.f32 v15, v9;
	v10 =	vadd.f32 v10, v11  }
0x600: {  	v15 =	vadd.s32 s26, v2;
	v11 =	vld.idx.msk [tilespmem:v17+s9+$0x0], $0xffff  }
0x601: {  	s26 =	sadd.s32 $0x4, s25;
	v17 =	vld.idx.msk [tilespmem:v19+s17+$0x0], $0xffff;
	v9 =	vadd.f32 v9, v10;
	v10 =	vmul.f32 v13, v12  }
0x602: {  	v12 =	vld.idx.msk [tilespmem:v19+s9+$0x0], $0xffff;
	v13 =	vadd.s32 s26, v2  }
0x603: {  	v19 =	vld.idx.msk [tilespmem:v14+s17+$0x0], $0xffff;
	v9 =	vadd.f32 v10, v9;
	v10 =	vmul.f32 v16, v20  }
0x604: {  	v14 =	vld.idx.msk [tilespmem:v14+s9+$0x0], $0xffff  }
0x605: {  	v16 =	vld.idx.msk [tilespmem:v15+s17+$0x0], $0xffff;
	v11 =	vmul.f32 v11, v18;
	v9 =	vadd.f32 v10, v9  }
0x606: {  	v10 =	vld.idx.msk [tilespmem:v15+s9+$0x0], $0xffff  }
0x607: {  	v15 =	vld.idx.msk [tilespmem:v13+s17+$0x0], $0xffff;
	v9 =	vadd.f32 v11, v9;
	v11 =	vmul.f32 v12, v17  }
0x608: {  	v12 =	vld.idx.msk [tilespmem:v13+s9+$0x0], $0xffff  }
0x609: {  	v9 =	vadd.f32 v11, v9;
	v11 =	vmul.f32 v14, v19;
	_ =	sdelay $0x1  }
0x60a: {  	v10 =	vmul.f32 v10, v16;
	v9 =	vadd.f32 v11, v9  }
0x60b: {  	s26 =	simm.s32 $0x0  }
0x60c: {  	v11 =	vadd.s32 s26, v3;
	v9 =	vadd.f32 v10, v9;
	v10 =	vmul.f32 v12, v15  }
0x60d: {  	s26 =	simm.s32 $0x1  }
0x60e: {  	v9 =	vadd.f32 v10, v9;
	v10 =	vadd.s32 s26, v3  }
0x60f: {  	s26 =	simm.s32 $0x2  }
0x610: {  	[tilespmem:$0x1CAC8] =	vst v9;
	v9 =	vadd.s32 s26, v3  }
0x611: {  	s26 =	simm.s32 $0x3;
	v12 =	vld.idx.msk [tilespmem:v11+s17+$0x0], $0xffff  }
0x612: {  	v11 =	vld.idx.msk [tilespmem:v11+s9+$0x0], $0xffff;
	v13 =	vadd.s32 s26, v3  }
0x613: {  	s26 =	simm.s32 $0x4;
	v14 =	vld.idx.msk [tilespmem:v10+s17+$0x0], $0xffff  }
0x614: {  	v15 =	vadd.s32 s26, v3;
	v10 =	vld.idx.msk [tilespmem:v10+s9+$0x0], $0xffff  }
0x615: {  	s26 =	simm.s32 $0x5;
	v17 =	vld.idx.msk [tilespmem:v9+s17+$0x0], $0xffff  }
0x616: {  	v16 =	vadd.s32 s26, v3;
	v9 =	vld.idx.msk [tilespmem:v9+s9+$0x0], $0xffff  }
0x617: {  	s26 =	simm.s32 $0x6;
	v18 =	vld.idx.msk [tilespmem:v13+s17+$0x0], $0xffff  }
0x618: {  	v19 =	vadd.s32 s26, v3;
	v20 =	vld.idx.msk [tilespmem:v13+s9+$0x0], $0xffff;
	v11 =	vmul.f32 v11, v12  }
0x619: {  	s26 =	simm.s32 $0x7;
	v12 =	vld.idx.msk [tilespmem:v15+s17+$0x0], $0xffff  }
0x61a: {  	v21 =	vadd.s32 s26, v3;
	v22 =	vld.idx.msk [tilespmem:v15+s9+$0x0], $0xffff;
	v15 =	vadd.f32 v11, v8;
	v10 =	vmul.f32 v10, v14  }
0x61b: {  	s26 =	simm.s32 $0x8;
	v11 =	vld.idx.msk [tilespmem:v16+s17+$0x0], $0xffff  }
0x61c: {  	v13 =	vadd.s32 s26, v3;
	v16 =	vld.idx.msk [tilespmem:v16+s9+$0x0], $0xffff;
	v15 =	vadd.f32 v10, v15;
	v9 =	vmul.f32 v9, v17  }
0x61d: {  	s26 =	simm.s32 $0x9;
	v14 =	vld.idx.msk [tilespmem:v19+s9+$0x0], $0xffff  }
0x61e: {  	v10 =	vld.idx.msk [tilespmem:v19+s17+$0x0], $0xffff;
	v20 =	vmul.f32 v20, v18;
	v18 =	vadd.s32 s26, v3;
	v19 =	vadd.f32 v9, v15  }
0x61f: {  	s25 =	simm.s32 $0xA;
	v9 =	vld.idx.msk [tilespmem:v21+s17+$0x0], $0xffff  }
0x620: {  	v17 =	vadd.s32 s25, v3;
	v15 =	vld.idx.msk [tilespmem:v21+s9+$0x0], $0xffff;
	v19 =	vadd.f32 v20, v19;
	v20 =	vmul.f32 v22, v12  }
0x621: {  	s29 =	simm.s32 $0xB;
	s26 =	simm.s32 $0xF;
	v12 =	vld.idx.msk [tilespmem:v13+s17+$0x0], $0xffff  }
.LBB2_56:
0x622: {  	p1 =	slt.u32 s26, $0x5F;
	v21 =	vadd.s32 s29, v3;
	v11 =	vmul.f32 v16, v11;
	v22 =	vld.idx.msk [tilespmem:v13+s9+$0x0], $0xffff;
	v13 =	vadd.f32 v20, v19  }
0x623: {  	s29 =	sadd.s32 $0x2, s25;
	v20 =	vld.idx.msk [tilespmem:v18+s17+$0x0], $0xffff  }
0x624: {  	v19 =	vadd.s32 s29, v3;
	v10 =	vmul.f32 v14, v10;
	v23 =	vadd.f32 v11, v13;
	v24 =	vld.idx.msk [tilespmem:v18+s9+$0x0], $0xffff  }
0x625: {  	s29 =	sadd.s32 $0x3, s25;
	v11 =	vld.idx.msk [tilespmem:v17+s17+$0x0], $0xffff  }
0x626: {  	v13 =	vadd.s32 s29, v3;
	v9 =	vmul.f32 v15, v9;
	v16 =	vld.idx.msk [tilespmem:v17+s9+$0x0], $0xffff;
	v17 =	vadd.f32 v10, v23  }
.Ltmp27:
0x627: {  	s29 =	sadd.s32 $0x4, s25;
	s25 =	smov.u32 s26;
	v10 =	vld.idx.msk [tilespmem:v21+s17+$0x0], $0xffff;
	(pc) =	sbr.rel @p1 .LBB2_56-.Ltmp27, $4  }
0x628: {  	v18 =	vadd.s32 s29, v3;
	v12 =	vmul.f32 v22, v12;
	v14 =	vld.idx.msk [tilespmem:v21+s9+$0x0], $0xffff;
	v21 =	vadd.f32 v9, v17  }
0x629: {  	v9 =	vld.idx.msk [tilespmem:v19+s17+$0x0], $0xffff  }
0x62a: {  	v17 =	vadd.s32 s26, v3;
	v20 =	vmul.f32 v24, v20;
	v15 =	vld.idx.msk [tilespmem:v19+s9+$0x0], $0xffff;
	v19 =	vadd.f32 v12, v21  }
0x62b: {  	s29 =	sadd.s32 $0x1, s25;
	s26 =	sadd.s32 $0x5, s26;
	v12 =	vld.idx.msk [tilespmem:v13+s17+$0x0], $0xffff  }
0x62c: {  	_ =	sdelay $0x2  }
0x62d: {  	v11 =	vmul.f32 v16, v11;
	v16 =	vadd.f32 v20, v19  }
0x62e: {  	v19 =	vadd.s32 s29, v3;
	v13 =	vld.idx.msk [tilespmem:v13+s9+$0x0], $0xffff  }
0x62f: {  	s26 =	sadd.s32 $0x2, s25;
	v20 =	vld.idx.msk [tilespmem:v18+s17+$0x0], $0xffff;
	v10 =	vmul.f32 v14, v10;
	v11 =	vadd.f32 v11, v16  }
0x630: {  	v14 =	vadd.s32 s26, v3;
	v16 =	vld.idx.msk [tilespmem:v18+s9+$0x0], $0xffff  }
0x631: {  	s26 =	sadd.s32 $0x3, s25;
	v18 =	vld.idx.msk [tilespmem:v17+s17+$0x0], $0xffff;
	v9 =	vmul.f32 v15, v9;
	v10 =	vadd.f32 v10, v11  }
0x632: {  	v15 =	vadd.s32 s26, v3;
	v11 =	vld.idx.msk [tilespmem:v17+s9+$0x0], $0xffff  }
0x633: {  	s26 =	sadd.s32 $0x4, s25;
	v17 =	vld.idx.msk [tilespmem:v19+s17+$0x0], $0xffff;
	v9 =	vadd.f32 v9, v10;
	v10 =	vmul.f32 v13, v12  }
0x634: {  	v12 =	vld.idx.msk [tilespmem:v19+s9+$0x0], $0xffff;
	v13 =	vadd.s32 s26, v3  }
0x635: {  	v19 =	vld.idx.msk [tilespmem:v14+s17+$0x0], $0xffff;
	v9 =	vadd.f32 v10, v9;
	v10 =	vmul.f32 v16, v20  }
0x636: {  	v14 =	vld.idx.msk [tilespmem:v14+s9+$0x0], $0xffff  }
0x637: {  	v16 =	vld.idx.msk [tilespmem:v15+s17+$0x0], $0xffff;
	v11 =	vmul.f32 v11, v18;
	v9 =	vadd.f32 v10, v9  }
0x638: {  	v10 =	vld.idx.msk [tilespmem:v15+s9+$0x0], $0xffff  }
0x639: {  	v15 =	vld.idx.msk [tilespmem:v13+s17+$0x0], $0xffff;
	v9 =	vadd.f32 v11, v9;
	v11 =	vmul.f32 v12, v17  }
0x63a: {  	v12 =	vld.idx.msk [tilespmem:v13+s9+$0x0], $0xffff  }
0x63b: {  	v9 =	vadd.f32 v11, v9;
	v11 =	vmul.f32 v14, v19;
	_ =	sdelay $0x1  }
0x63c: {  	v10 =	vmul.f32 v10, v16;
	v9 =	vadd.f32 v11, v9;
	_ =	sdelay $0x1  }
0x63d: {  	v9 =	vadd.f32 v10, v9;
	v10 =	vmul.f32 v12, v15;
	_ =	sdelay $0x1  }
0x63e: {  	s26 =	simm.s32 $0x0;
	v9 =	vadd.f32 v10, v9  }
0x63f: {  	v10 =	vadd.s32 s26, v4  }
0x640: {  	s26 =	simm.s32 $0x1;
	[tilespmem:$0x1CAD8] =	vst v9  }
0x641: {  	v9 =	vadd.s32 s26, v4;
	_ =	swait.ge [sflag:s22], $0x1900  }
0x642: {  	s26 =	simm.s32 $0x2;
	[sflag:s22] =	ssyncset.done $0x0  }
0x643: {  	v11 =	vadd.s32 s26, v4;
	[sflag:s22] =	ssyncadd.s32 $0xFFFFE700  }
0x644: {  	s26 =	simm.s32 $0x3;
	v12 =	vld.idx.msk [tilespmem:v10+s17+$0x0], $0xffff  }
0x645: {  	v13 =	vadd.s32 s26, v4;
	v10 =	vld.idx.msk [tilespmem:v10+s9+$0x0], $0xffff  }
0x646: {  	s26 =	simm.s32 $0x4;
	v14 =	vld.idx.msk [tilespmem:v9+s17+$0x0], $0xffff  }
0x647: {  	v15 =	vadd.s32 s26, v4;
	v9 =	vld.idx.msk [tilespmem:v9+s9+$0x0], $0xffff  }
0x648: {  	s26 =	simm.s32 $0x5;
	v17 =	vld.idx.msk [tilespmem:v11+s17+$0x0], $0xffff  }
0x649: {  	v16 =	vadd.s32 s26, v4;
	v18 =	vld.idx.msk [tilespmem:v11+s9+$0x0], $0xffff  }
0x64a: {  	s26 =	simm.s32 $0x6;
	v19 =	vld.idx.msk [tilespmem:v13+s17+$0x0], $0xffff  }
0x64b: {  	v20 =	vadd.s32 s26, v4;
	v21 =	vld.idx.msk [tilespmem:v13+s9+$0x0], $0xffff;
	v10 =	vmul.f32 v10, v12  }
0x64c: {  	s26 =	simm.s32 $0x7;
	v23 =	vld.idx.msk [tilespmem:v15+s9+$0x0], $0xffff  }
0x64d: {  	v22 =	vadd.s32 s26, v4;
	v12 =	vld.idx.msk [tilespmem:v15+s17+$0x0], $0xffff;
	v9 =	vmul.f32 v9, v14;
	v10 =	vadd.f32 v10, v8  }
0x64e: {  	s26 =	simm.s32 $0x8;
	v11 =	vld.idx.msk [tilespmem:v16+s17+$0x0], $0xffff  }
0x64f: {  	v13 =	vadd.s32 s26, v4;
	v16 =	vld.idx.msk [tilespmem:v16+s9+$0x0], $0xffff;
	v15 =	vmul.f32 v18, v17;
	v9 =	vadd.f32 v9, v10  }
0x650: {  	s26 =	simm.s32 $0x9;
	v14 =	vld.idx.msk [tilespmem:v20+s9+$0x0], $0xffff  }
0x651: {  	v18 =	vadd.s32 s26, v4;
	v19 =	vmul.f32 v21, v19;
	v10 =	vld.idx.msk [tilespmem:v20+s17+$0x0], $0xffff;
	v20 =	vadd.f32 v15, v9  }
0x652: {  	s25 =	simm.s32 $0xA;
	v9 =	vld.idx.msk [tilespmem:v22+s17+$0x0], $0xffff  }
0x653: {  	v17 =	vadd.s32 s25, v4;
	v15 =	vld.idx.msk [tilespmem:v22+s9+$0x0], $0xffff;
	v19 =	vadd.f32 v19, v20;
	v20 =	vmul.f32 v23, v12  }
0x654: {  	s29 =	simm.s32 $0xB;
	s26 =	simm.s32 $0xF;
	v12 =	vld.idx.msk [tilespmem:v13+s17+$0x0], $0xffff  }
.LBB2_58:
0x655: {  	p1 =	slt.u32 s26, $0x5F;
	v21 =	vadd.s32 s29, v4;
	v11 =	vmul.f32 v16, v11;
	v22 =	vld.idx.msk [tilespmem:v13+s9+$0x0], $0xffff;
	v13 =	vadd.f32 v20, v19  }
0x656: {  	s29 =	sadd.s32 $0x2, s25;
	v20 =	vld.idx.msk [tilespmem:v18+s17+$0x0], $0xffff  }
0x657: {  	v19 =	vadd.s32 s29, v4;
	v10 =	vmul.f32 v14, v10;
	v23 =	vadd.f32 v11, v13;
	v24 =	vld.idx.msk [tilespmem:v18+s9+$0x0], $0xffff  }
0x658: {  	s29 =	sadd.s32 $0x3, s25;
	v11 =	vld.idx.msk [tilespmem:v17+s17+$0x0], $0xffff  }
0x659: {  	v13 =	vadd.s32 s29, v4;
	v9 =	vmul.f32 v15, v9;
	v16 =	vld.idx.msk [tilespmem:v17+s9+$0x0], $0xffff;
	v17 =	vadd.f32 v10, v23  }
.Ltmp28:
0x65a: {  	s29 =	sadd.s32 $0x4, s25;
	s25 =	smov.u32 s26;
	v10 =	vld.idx.msk [tilespmem:v21+s17+$0x0], $0xffff;
	(pc) =	sbr.rel @p1 .LBB2_58-.Ltmp28, $4  }
0x65b: {  	v18 =	vadd.s32 s29, v4;
	v12 =	vmul.f32 v22, v12;
	v14 =	vld.idx.msk [tilespmem:v21+s9+$0x0], $0xffff;
	v21 =	vadd.f32 v9, v17  }
0x65c: {  	v9 =	vld.idx.msk [tilespmem:v19+s17+$0x0], $0xffff  }
0x65d: {  	v17 =	vadd.s32 s26, v4;
	v20 =	vmul.f32 v24, v20;
	v15 =	vld.idx.msk [tilespmem:v19+s9+$0x0], $0xffff;
	v19 =	vadd.f32 v12, v21  }
0x65e: {  	s29 =	sadd.s32 $0x1, s25;
	s26 =	sadd.s32 $0x5, s26;
	v12 =	vld.idx.msk [tilespmem:v13+s17+$0x0], $0xffff  }
0x65f: {  	_ =	sdelay $0x2  }
0x660: {  	v11 =	vmul.f32 v16, v11;
	v16 =	vadd.f32 v20, v19  }
0x661: {  	v19 =	vadd.s32 s29, v4;
	v13 =	vld.idx.msk [tilespmem:v13+s9+$0x0], $0xffff  }
0x662: {  	s26 =	sadd.s32 $0x2, s25;
	v20 =	vld.idx.msk [tilespmem:v18+s17+$0x0], $0xffff;
	v10 =	vmul.f32 v14, v10;
	v11 =	vadd.f32 v11, v16  }
0x663: {  	v14 =	vadd.s32 s26, v4;
	v16 =	vld.idx.msk [tilespmem:v18+s9+$0x0], $0xffff  }
0x664: {  	s26 =	sadd.s32 $0x3, s25;
	v18 =	vld.idx.msk [tilespmem:v17+s17+$0x0], $0xffff;
	v9 =	vmul.f32 v15, v9;
	v10 =	vadd.f32 v10, v11  }
0x665: {  	v15 =	vadd.s32 s26, v4;
	v11 =	vld.idx.msk [tilespmem:v17+s9+$0x0], $0xffff  }
0x666: {  	s26 =	sadd.s32 $0x4, s25;
	v17 =	vld.idx.msk [tilespmem:v19+s17+$0x0], $0xffff;
	v9 =	vadd.f32 v9, v10;
	v10 =	vmul.f32 v13, v12  }
0x667: {  	v12 =	vld.idx.msk [tilespmem:v19+s9+$0x0], $0xffff;
	v13 =	vadd.s32 s26, v4  }
0x668: {  	v19 =	vld.idx.msk [tilespmem:v14+s17+$0x0], $0xffff;
	v9 =	vadd.f32 v10, v9;
	v10 =	vmul.f32 v16, v20  }
0x669: {  	v14 =	vld.idx.msk [tilespmem:v14+s9+$0x0], $0xffff  }
0x66a: {  	v16 =	vld.idx.msk [tilespmem:v15+s17+$0x0], $0xffff;
	v11 =	vmul.f32 v11, v18;
	v9 =	vadd.f32 v10, v9  }
0x66b: {  	v10 =	vld.idx.msk [tilespmem:v15+s9+$0x0], $0xffff  }
0x66c: {  	v15 =	vld.idx.msk [tilespmem:v13+s17+$0x0], $0xffff;
	v9 =	vadd.f32 v11, v9;
	v11 =	vmul.f32 v12, v17  }
0x66d: {  	v12 =	vld.idx.msk [tilespmem:v13+s9+$0x0], $0xffff  }
0x66e: {  	v9 =	vadd.f32 v11, v9;
	v11 =	vmul.f32 v14, v19;
	_ =	sdelay $0x1  }
0x66f: {  	v10 =	vmul.f32 v10, v16;
	v9 =	vadd.f32 v11, v9  }
0x670: {  	s26 =	simm.s32 $0x0  }
0x671: {  	v11 =	vadd.s32 s26, v5;
	v9 =	vadd.f32 v10, v9;
	v10 =	vmul.f32 v12, v15  }
0x672: {  	s26 =	simm.s32 $0x1  }
0x673: {  	v9 =	vadd.f32 v10, v9;
	v10 =	vadd.s32 s26, v5  }
0x674: {  	s26 =	simm.s32 $0x2  }
0x675: {  	[tilespmem:$0x1CAE8] =	vst v9;
	v9 =	vadd.s32 s26, v5  }
0x676: {  	s26 =	simm.s32 $0x3;
	v12 =	vld.idx.msk [tilespmem:v11+s17+$0x0], $0xffff  }
0x677: {  	v11 =	vld.idx.msk [tilespmem:v11+s9+$0x0], $0xffff;
	v13 =	vadd.s32 s26, v5  }
0x678: {  	s26 =	simm.s32 $0x4;
	v14 =	vld.idx.msk [tilespmem:v10+s17+$0x0], $0xffff  }
0x679: {  	v15 =	vadd.s32 s26, v5;
	v10 =	vld.idx.msk [tilespmem:v10+s9+$0x0], $0xffff  }
0x67a: {  	s26 =	simm.s32 $0x5;
	v17 =	vld.idx.msk [tilespmem:v9+s17+$0x0], $0xffff  }
0x67b: {  	v16 =	vadd.s32 s26, v5;
	v9 =	vld.idx.msk [tilespmem:v9+s9+$0x0], $0xffff  }
0x67c: {  	s26 =	simm.s32 $0x6;
	v18 =	vld.idx.msk [tilespmem:v13+s17+$0x0], $0xffff  }
0x67d: {  	v19 =	vadd.s32 s26, v5;
	v20 =	vld.idx.msk [tilespmem:v13+s9+$0x0], $0xffff;
	v11 =	vmul.f32 v11, v12  }
0x67e: {  	s26 =	simm.s32 $0x7;
	v12 =	vld.idx.msk [tilespmem:v15+s17+$0x0], $0xffff  }
0x67f: {  	v21 =	vadd.s32 s26, v5;
	v22 =	vld.idx.msk [tilespmem:v15+s9+$0x0], $0xffff;
	v15 =	vadd.f32 v11, v8;
	v10 =	vmul.f32 v10, v14  }
0x680: {  	s26 =	simm.s32 $0x8;
	v11 =	vld.idx.msk [tilespmem:v16+s17+$0x0], $0xffff  }
0x681: {  	v13 =	vadd.s32 s26, v5;
	v16 =	vld.idx.msk [tilespmem:v16+s9+$0x0], $0xffff;
	v15 =	vadd.f32 v10, v15;
	v9 =	vmul.f32 v9, v17  }
0x682: {  	s26 =	simm.s32 $0x9;
	v14 =	vld.idx.msk [tilespmem:v19+s9+$0x0], $0xffff  }
0x683: {  	v10 =	vld.idx.msk [tilespmem:v19+s17+$0x0], $0xffff;
	v20 =	vmul.f32 v20, v18;
	v18 =	vadd.s32 s26, v5;
	v19 =	vadd.f32 v9, v15  }
0x684: {  	s25 =	simm.s32 $0xA;
	v9 =	vld.idx.msk [tilespmem:v21+s17+$0x0], $0xffff  }
0x685: {  	v17 =	vadd.s32 s25, v5;
	v15 =	vld.idx.msk [tilespmem:v21+s9+$0x0], $0xffff;
	v19 =	vadd.f32 v20, v19;
	v20 =	vmul.f32 v22, v12  }
0x686: {  	s29 =	simm.s32 $0xB;
	s26 =	simm.s32 $0xF;
	v12 =	vld.idx.msk [tilespmem:v13+s17+$0x0], $0xffff  }
.LBB2_60:
0x687: {  	p1 =	slt.u32 s26, $0x5F;
	v21 =	vadd.s32 s29, v5;
	v11 =	vmul.f32 v16, v11;
	v22 =	vld.idx.msk [tilespmem:v13+s9+$0x0], $0xffff;
	v13 =	vadd.f32 v20, v19  }
0x688: {  	s29 =	sadd.s32 $0x2, s25;
	v20 =	vld.idx.msk [tilespmem:v18+s17+$0x0], $0xffff  }
0x689: {  	v19 =	vadd.s32 s29, v5;
	v10 =	vmul.f32 v14, v10;
	v23 =	vadd.f32 v11, v13;
	v24 =	vld.idx.msk [tilespmem:v18+s9+$0x0], $0xffff  }
0x68a: {  	s29 =	sadd.s32 $0x3, s25;
	v11 =	vld.idx.msk [tilespmem:v17+s17+$0x0], $0xffff  }
0x68b: {  	v13 =	vadd.s32 s29, v5;
	v9 =	vmul.f32 v15, v9;
	v16 =	vld.idx.msk [tilespmem:v17+s9+$0x0], $0xffff;
	v17 =	vadd.f32 v10, v23  }
.Ltmp29:
0x68c: {  	s29 =	sadd.s32 $0x4, s25;
	s25 =	smov.u32 s26;
	v10 =	vld.idx.msk [tilespmem:v21+s17+$0x0], $0xffff;
	(pc) =	sbr.rel @p1 .LBB2_60-.Ltmp29, $4  }
0x68d: {  	v18 =	vadd.s32 s29, v5;
	v12 =	vmul.f32 v22, v12;
	v14 =	vld.idx.msk [tilespmem:v21+s9+$0x0], $0xffff;
	v21 =	vadd.f32 v9, v17  }
0x68e: {  	v9 =	vld.idx.msk [tilespmem:v19+s17+$0x0], $0xffff  }
0x68f: {  	v17 =	vadd.s32 s26, v5;
	v20 =	vmul.f32 v24, v20;
	v15 =	vld.idx.msk [tilespmem:v19+s9+$0x0], $0xffff;
	v19 =	vadd.f32 v12, v21  }
0x690: {  	s29 =	sadd.s32 $0x1, s25;
	s26 =	sadd.s32 $0x5, s26;
	v12 =	vld.idx.msk [tilespmem:v13+s17+$0x0], $0xffff  }
0x691: {  	_ =	sdelay $0x2  }
0x692: {  	v11 =	vmul.f32 v16, v11;
	v16 =	vadd.f32 v20, v19  }
0x693: {  	v19 =	vadd.s32 s29, v5;
	v13 =	vld.idx.msk [tilespmem:v13+s9+$0x0], $0xffff  }
0x694: {  	s26 =	sadd.s32 $0x2, s25;
	v20 =	vld.idx.msk [tilespmem:v18+s17+$0x0], $0xffff;
	v10 =	vmul.f32 v14, v10;
	v11 =	vadd.f32 v11, v16  }
0x695: {  	v14 =	vadd.s32 s26, v5;
	v16 =	vld.idx.msk [tilespmem:v18+s9+$0x0], $0xffff  }
0x696: {  	s26 =	sadd.s32 $0x3, s25;
	v18 =	vld.idx.msk [tilespmem:v17+s17+$0x0], $0xffff;
	v9 =	vmul.f32 v15, v9;
	v10 =	vadd.f32 v10, v11  }
0x697: {  	v15 =	vadd.s32 s26, v5;
	v11 =	vld.idx.msk [tilespmem:v17+s9+$0x0], $0xffff  }
0x698: {  	s26 =	sadd.s32 $0x4, s25;
	v17 =	vld.idx.msk [tilespmem:v19+s17+$0x0], $0xffff;
	v9 =	vadd.f32 v9, v10;
	v10 =	vmul.f32 v13, v12  }
0x699: {  	v12 =	vld.idx.msk [tilespmem:v19+s9+$0x0], $0xffff;
	v13 =	vadd.s32 s26, v5  }
0x69a: {  	v19 =	vld.idx.msk [tilespmem:v14+s17+$0x0], $0xffff;
	v9 =	vadd.f32 v10, v9;
	v10 =	vmul.f32 v16, v20  }
0x69b: {  	v14 =	vld.idx.msk [tilespmem:v14+s9+$0x0], $0xffff  }
0x69c: {  	v16 =	vld.idx.msk [tilespmem:v15+s17+$0x0], $0xffff;
	v11 =	vmul.f32 v11, v18;
	v9 =	vadd.f32 v10, v9  }
0x69d: {  	v10 =	vld.idx.msk [tilespmem:v15+s9+$0x0], $0xffff  }
0x69e: {  	v15 =	vld.idx.msk [tilespmem:v13+s17+$0x0], $0xffff;
	v9 =	vadd.f32 v11, v9;
	v11 =	vmul.f32 v12, v17  }
0x69f: {  	v12 =	vld.idx.msk [tilespmem:v13+s9+$0x0], $0xffff  }
0x6a0: {  	v9 =	vadd.f32 v11, v9;
	v11 =	vmul.f32 v14, v19;
	_ =	sdelay $0x1  }
0x6a1: {  	v10 =	vmul.f32 v10, v16;
	v9 =	vadd.f32 v11, v9  }
0x6a2: {  	s26 =	simm.s32 $0x0  }
0x6a3: {  	v11 =	vadd.s32 s26, v6;
	v9 =	vadd.f32 v10, v9;
	v10 =	vmul.f32 v12, v15  }
0x6a4: {  	s26 =	simm.s32 $0x1  }
0x6a5: {  	v9 =	vadd.f32 v10, v9;
	v10 =	vadd.s32 s26, v6  }
0x6a6: {  	s26 =	simm.s32 $0x2  }
0x6a7: {  	[tilespmem:$0x1CAF8] =	vst v9;
	v9 =	vadd.s32 s26, v6  }
0x6a8: {  	s26 =	simm.s32 $0x3;
	v12 =	vld.idx.msk [tilespmem:v11+s17+$0x0], $0xffff  }
0x6a9: {  	v11 =	vld.idx.msk [tilespmem:v11+s9+$0x0], $0xffff;
	v13 =	vadd.s32 s26, v6  }
0x6aa: {  	s26 =	simm.s32 $0x4;
	v14 =	vld.idx.msk [tilespmem:v10+s17+$0x0], $0xffff  }
0x6ab: {  	v15 =	vadd.s32 s26, v6;
	v10 =	vld.idx.msk [tilespmem:v10+s9+$0x0], $0xffff  }
0x6ac: {  	s26 =	simm.s32 $0x5;
	v17 =	vld.idx.msk [tilespmem:v9+s17+$0x0], $0xffff  }
0x6ad: {  	v16 =	vadd.s32 s26, v6;
	v9 =	vld.idx.msk [tilespmem:v9+s9+$0x0], $0xffff  }
0x6ae: {  	s26 =	simm.s32 $0x6;
	v18 =	vld.idx.msk [tilespmem:v13+s17+$0x0], $0xffff  }
0x6af: {  	v19 =	vadd.s32 s26, v6;
	v20 =	vld.idx.msk [tilespmem:v13+s9+$0x0], $0xffff;
	v11 =	vmul.f32 v11, v12  }
0x6b0: {  	s26 =	simm.s32 $0x7;
	v12 =	vld.idx.msk [tilespmem:v15+s17+$0x0], $0xffff  }
0x6b1: {  	v21 =	vadd.s32 s26, v6;
	v22 =	vld.idx.msk [tilespmem:v15+s9+$0x0], $0xffff;
	v15 =	vadd.f32 v11, v8;
	v10 =	vmul.f32 v10, v14  }
0x6b2: {  	s26 =	simm.s32 $0x8;
	v11 =	vld.idx.msk [tilespmem:v16+s17+$0x0], $0xffff  }
0x6b3: {  	v13 =	vadd.s32 s26, v6;
	v16 =	vld.idx.msk [tilespmem:v16+s9+$0x0], $0xffff;
	v15 =	vadd.f32 v10, v15;
	v9 =	vmul.f32 v9, v17  }
0x6b4: {  	s26 =	simm.s32 $0x9;
	v14 =	vld.idx.msk [tilespmem:v19+s9+$0x0], $0xffff  }
0x6b5: {  	v10 =	vld.idx.msk [tilespmem:v19+s17+$0x0], $0xffff;
	v20 =	vmul.f32 v20, v18;
	v18 =	vadd.s32 s26, v6;
	v19 =	vadd.f32 v9, v15  }
0x6b6: {  	s25 =	simm.s32 $0xA;
	v9 =	vld.idx.msk [tilespmem:v21+s17+$0x0], $0xffff  }
0x6b7: {  	v17 =	vadd.s32 s25, v6;
	v15 =	vld.idx.msk [tilespmem:v21+s9+$0x0], $0xffff;
	v19 =	vadd.f32 v20, v19;
	v20 =	vmul.f32 v22, v12  }
0x6b8: {  	s29 =	simm.s32 $0xB;
	s26 =	simm.s32 $0xF;
	v12 =	vld.idx.msk [tilespmem:v13+s17+$0x0], $0xffff  }
.LBB2_62:
0x6b9: {  	p1 =	slt.u32 s26, $0x5F;
	v21 =	vadd.s32 s29, v6;
	v11 =	vmul.f32 v16, v11;
	v22 =	vld.idx.msk [tilespmem:v13+s9+$0x0], $0xffff;
	v13 =	vadd.f32 v20, v19  }
0x6ba: {  	s29 =	sadd.s32 $0x2, s25;
	v20 =	vld.idx.msk [tilespmem:v18+s17+$0x0], $0xffff  }
0x6bb: {  	v19 =	vadd.s32 s29, v6;
	v10 =	vmul.f32 v14, v10;
	v23 =	vadd.f32 v11, v13;
	v24 =	vld.idx.msk [tilespmem:v18+s9+$0x0], $0xffff  }
0x6bc: {  	s29 =	sadd.s32 $0x3, s25;
	v11 =	vld.idx.msk [tilespmem:v17+s17+$0x0], $0xffff  }
0x6bd: {  	v13 =	vadd.s32 s29, v6;
	v9 =	vmul.f32 v15, v9;
	v16 =	vld.idx.msk [tilespmem:v17+s9+$0x0], $0xffff;
	v17 =	vadd.f32 v10, v23  }
.Ltmp30:
0x6be: {  	s29 =	sadd.s32 $0x4, s25;
	s25 =	smov.u32 s26;
	v10 =	vld.idx.msk [tilespmem:v21+s17+$0x0], $0xffff;
	(pc) =	sbr.rel @p1 .LBB2_62-.Ltmp30, $4  }
0x6bf: {  	v18 =	vadd.s32 s29, v6;
	v12 =	vmul.f32 v22, v12;
	v14 =	vld.idx.msk [tilespmem:v21+s9+$0x0], $0xffff;
	v21 =	vadd.f32 v9, v17  }
0x6c0: {  	v9 =	vld.idx.msk [tilespmem:v19+s17+$0x0], $0xffff  }
0x6c1: {  	v17 =	vadd.s32 s26, v6;
	v20 =	vmul.f32 v24, v20;
	v15 =	vld.idx.msk [tilespmem:v19+s9+$0x0], $0xffff;
	v19 =	vadd.f32 v12, v21  }
0x6c2: {  	s29 =	sadd.s32 $0x1, s25;
	s26 =	sadd.s32 $0x5, s26;
	v12 =	vld.idx.msk [tilespmem:v13+s17+$0x0], $0xffff  }
0x6c3: {  	_ =	sdelay $0x2  }
0x6c4: {  	v11 =	vmul.f32 v16, v11;
	v16 =	vadd.f32 v20, v19  }
0x6c5: {  	v19 =	vadd.s32 s29, v6;
	v13 =	vld.idx.msk [tilespmem:v13+s9+$0x0], $0xffff  }
0x6c6: {  	s26 =	sadd.s32 $0x2, s25;
	v20 =	vld.idx.msk [tilespmem:v18+s17+$0x0], $0xffff;
	v10 =	vmul.f32 v14, v10;
	v11 =	vadd.f32 v11, v16  }
0x6c7: {  	v14 =	vadd.s32 s26, v6;
	v16 =	vld.idx.msk [tilespmem:v18+s9+$0x0], $0xffff  }
0x6c8: {  	s26 =	sadd.s32 $0x3, s25;
	v18 =	vld.idx.msk [tilespmem:v17+s17+$0x0], $0xffff;
	v9 =	vmul.f32 v15, v9;
	v10 =	vadd.f32 v10, v11  }
0x6c9: {  	v15 =	vadd.s32 s26, v6;
	v11 =	vld.idx.msk [tilespmem:v17+s9+$0x0], $0xffff  }
0x6ca: {  	s26 =	sadd.s32 $0x4, s25;
	v17 =	vld.idx.msk [tilespmem:v19+s17+$0x0], $0xffff;
	v9 =	vadd.f32 v9, v10;
	v10 =	vmul.f32 v13, v12  }
0x6cb: {  	v12 =	vld.idx.msk [tilespmem:v19+s9+$0x0], $0xffff;
	v13 =	vadd.s32 s26, v6  }
0x6cc: {  	v19 =	vld.idx.msk [tilespmem:v14+s17+$0x0], $0xffff;
	v9 =	vadd.f32 v10, v9;
	v10 =	vmul.f32 v16, v20  }
0x6cd: {  	v14 =	vld.idx.msk [tilespmem:v14+s9+$0x0], $0xffff  }
0x6ce: {  	v16 =	vld.idx.msk [tilespmem:v15+s17+$0x0], $0xffff;
	v11 =	vmul.f32 v11, v18;
	v9 =	vadd.f32 v10, v9  }
0x6cf: {  	v10 =	vld.idx.msk [tilespmem:v15+s9+$0x0], $0xffff  }
0x6d0: {  	v15 =	vld.idx.msk [tilespmem:v13+s17+$0x0], $0xffff;
	v9 =	vadd.f32 v11, v9;
	v11 =	vmul.f32 v12, v17  }
0x6d1: {  	v12 =	vld.idx.msk [tilespmem:v13+s9+$0x0], $0xffff  }
0x6d2: {  	v9 =	vadd.f32 v11, v9;
	v11 =	vmul.f32 v14, v19;
	_ =	sdelay $0x1  }
0x6d3: {  	v10 =	vmul.f32 v10, v16;
	v9 =	vadd.f32 v11, v9  }
0x6d4: {  	s26 =	simm.s32 $0x0  }
0x6d5: {  	v11 =	vadd.s32 s26, v7;
	v9 =	vadd.f32 v10, v9;
	v10 =	vmul.f32 v12, v15  }
0x6d6: {  	s26 =	simm.s32 $0x1  }
0x6d7: {  	v9 =	vadd.f32 v10, v9;
	v10 =	vadd.s32 s26, v7  }
0x6d8: {  	s26 =	simm.s32 $0x2  }
0x6d9: {  	[tilespmem:$0x1CB08] =	vst v9;
	v9 =	vadd.s32 s26, v7  }
0x6da: {  	s26 =	simm.s32 $0x3;
	v12 =	vld.idx.msk [tilespmem:v11+s17+$0x0], $0xffff  }
0x6db: {  	v11 =	vld.idx.msk [tilespmem:v11+s9+$0x0], $0xffff;
	v13 =	vadd.s32 s26, v7  }
0x6dc: {  	s26 =	simm.s32 $0x4;
	v14 =	vld.idx.msk [tilespmem:v10+s17+$0x0], $0xffff  }
0x6dd: {  	v15 =	vadd.s32 s26, v7;
	v10 =	vld.idx.msk [tilespmem:v10+s9+$0x0], $0xffff  }
0x6de: {  	s26 =	simm.s32 $0x5;
	v16 =	vld.idx.msk [tilespmem:v9+s17+$0x0], $0xffff  }
0x6df: {  	v17 =	vadd.s32 s26, v7;
	v9 =	vld.idx.msk [tilespmem:v9+s9+$0x0], $0xffff  }
0x6e0: {  	s26 =	simm.s32 $0x6;
	v18 =	vld.idx.msk [tilespmem:v13+s17+$0x0], $0xffff  }
0x6e1: {  	v19 =	vadd.s32 s26, v7;
	v20 =	vld.idx.msk [tilespmem:v13+s9+$0x0], $0xffff;
	v11 =	vmul.f32 v11, v12  }
0x6e2: {  	s26 =	simm.s32 $0x7;
	v21 =	vld.idx.msk [tilespmem:v15+s17+$0x0], $0xffff  }
0x6e3: {  	v22 =	vadd.s32 s26, v7;
	v23 =	vld.idx.msk [tilespmem:v15+s9+$0x0], $0xffff;
	v8 =	vadd.f32 v11, v8;
	v11 =	vmul.f32 v10, v14  }
0x6e4: {  	s26 =	simm.s32 $0x8;
	v10 =	vld.idx.msk [tilespmem:v17+s17+$0x0], $0xffff  }
0x6e5: {  	v12 =	vadd.s32 s26, v7;
	v15 =	vld.idx.msk [tilespmem:v17+s9+$0x0], $0xffff;
	v8 =	vadd.f32 v11, v8;
	v11 =	vmul.f32 v9, v16  }
0x6e6: {  	s26 =	simm.s32 $0x9;
	v13 =	vld.idx.msk [tilespmem:v19+s9+$0x0], $0xffff  }
0x6e7: {  	v17 =	vadd.s32 s26, v7;
	v9 =	vld.idx.msk [tilespmem:v19+s17+$0x0], $0xffff;
	v18 =	vmul.f32 v20, v18;
	v11 =	vadd.f32 v11, v8  }
0x6e8: {  	s25 =	simm.s32 $0xA;
	v14 =	vld.idx.msk [tilespmem:v22+s9+$0x0], $0xffff  }
0x6e9: {  	v16 =	vadd.s32 s25, v7;
	v8 =	vld.idx.msk [tilespmem:v22+s17+$0x0], $0xffff;
	v19 =	vmul.f32 v23, v21;
	v18 =	vadd.f32 v18, v11  }
0x6ea: {  	s29 =	simm.s32 $0xB;
	s26 =	simm.s32 $0xF;
	v11 =	vld.idx.msk [tilespmem:v12+s17+$0x0], $0xffff  }
.LBB2_64:
0x6eb: {  	p1 =	slt.u32 s26, $0x5F;
	v20 =	vadd.s32 s29, v7;
	v10 =	vmul.f32 v15, v10;
	v21 =	vld.idx.msk [tilespmem:v12+s9+$0x0], $0xffff;
	v12 =	vadd.f32 v19, v18  }
0x6ec: {  	s29 =	sadd.s32 $0x2, s25;
	v19 =	vld.idx.msk [tilespmem:v17+s17+$0x0], $0xffff  }
0x6ed: {  	v18 =	vadd.s32 s29, v7;
	v9 =	vmul.f32 v13, v9;
	v22 =	vadd.f32 v10, v12;
	v23 =	vld.idx.msk [tilespmem:v17+s9+$0x0], $0xffff  }
0x6ee: {  	s29 =	sadd.s32 $0x3, s25;
	v10 =	vld.idx.msk [tilespmem:v16+s17+$0x0], $0xffff  }
0x6ef: {  	v12 =	vadd.s32 s29, v7;
	v8 =	vmul.f32 v14, v8;
	v15 =	vld.idx.msk [tilespmem:v16+s9+$0x0], $0xffff;
	v16 =	vadd.f32 v9, v22  }
.Ltmp31:
0x6f0: {  	s29 =	sadd.s32 $0x4, s25;
	s25 =	smov.u32 s26;
	v9 =	vld.idx.msk [tilespmem:v20+s17+$0x0], $0xffff;
	(pc) =	sbr.rel @p1 .LBB2_64-.Ltmp31, $4  }
0x6f1: {  	v17 =	vadd.s32 s29, v7;
	v11 =	vmul.f32 v21, v11;
	v13 =	vld.idx.msk [tilespmem:v20+s9+$0x0], $0xffff;
	v20 =	vadd.f32 v8, v16  }
0x6f2: {  	v8 =	vld.idx.msk [tilespmem:v18+s17+$0x0], $0xffff  }
0x6f3: {  	v16 =	vadd.s32 s26, v7;
	v19 =	vmul.f32 v23, v19;
	v14 =	vld.idx.msk [tilespmem:v18+s9+$0x0], $0xffff;
	v18 =	vadd.f32 v11, v20  }
0x6f4: {  	s29 =	sadd.s32 $0x1, s25;
	s26 =	sadd.s32 $0x5, s26;
	v11 =	vld.idx.msk [tilespmem:v12+s17+$0x0], $0xffff  }
0x6f5: {  	_ =	sdelay $0x2  }
0x6f6: {  	v10 =	vmul.f32 v15, v10;
	v43 =	vadd.f32 v19, v18  }
0x6f7: {  	v44 =	vadd.s32 s29, v7;
	v12 =	vld.idx.msk [tilespmem:v12+s9+$0x0], $0xffff  }
0x6f8: {  	s26 =	sadd.s32 $0x2, s25;
	v45 =	vld.idx.msk [tilespmem:v17+s17+$0x0], $0xffff;
	v9 =	vmul.f32 v13, v9;
	v10 =	vadd.f32 v10, v43  }
0x6f9: {  	v47 =	vld.idx.msk [tilespmem:v17+s9+$0x0], $0xffff;
	v46 =	vadd.s32 s26, v7  }
0x6fa: {  	v48 =	vld.idx.msk [tilespmem:v16+s17+$0x0], $0xffff;
	s29 =	sadd.s32 $0x3, s25;
	v8 =	vmul.f32 v14, v8;
	v9 =	vadd.f32 v9, v10  }
0x6fb: {  	v49 =	vld.idx.msk [tilespmem:v16+s9+$0x0], $0xffff;
	v50 =	vadd.s32 s29, v7  }
0x6fc: {  	s29 =	sadd.s32 $0x4, s25;
	v51 =	vld.idx.msk [tilespmem:v44+s17+$0x0], $0xffff;
	v52 =	vmul.f32 v12, v11;
	v8 =	vadd.f32 v8, v9  }
0x6fd: {  	v54 =	vadd.s32 s29, v7;
	v53 =	vld.idx.msk [tilespmem:v44+s9+$0x0], $0xffff  }
0x6fe: {  	v56 =	vmul.f32 v47, v45;
	v55 =	vld.idx.msk [tilespmem:v46+s17+$0x0], $0xffff;
	v8 =	vadd.f32 v52, v8  }
0x6ff: {  	v13 =	vld.idx.msk [tilespmem:v46+s9+$0x0], $0xffff  }
0x700: {  	v10 =	vmul.f32 v49, v48;
	v57 =	vld.idx.msk [tilespmem:v50+s17+$0x0], $0xffff;
	v8 =	vadd.f32 v56, v8  }
0x701: {  	v58 =	vld.idx.msk [tilespmem:v50+s9+$0x0], $0xffff  }
0x702: {  	v59 =	vld.idx.msk [tilespmem:v54+s17+$0x0], $0xffff;
	v60 =	vmul.f32 v53, v51;
	v8 =	vadd.f32 v10, v8  }
0x703: {  	v61 =	vld.idx.msk [tilespmem:v54+s9+$0x0], $0xffff  }
0x704: {  	v62 =	vmul.f32 v13, v55;
	v8 =	vadd.f32 v60, v8;
	_ =	sdelay $0x1  }
0x705: {  	v9 =	vmul.f32 v58, v57;
	v8 =	vadd.f32 v62, v8;
	_ =	sdelay $0x1  }
0x706: {  	v63 =	vmul.f32 v61, v59;
	v8 =	vadd.f32 v9, v8;
	_ =	sdelay $0x1  }
0x707: {  	s23 =	sadd.s32 $0x1, s23;
	v8 =	vadd.f32 v63, v8  }
0x708: {  	p1 =	sne.s32 s23, s7  }
.Ltmp32:
0x709: {  	s26 =	rddreg [dreg:$0x1c];
	s29 =	simm.s32 $0x1C928;
	[tilespmem:$0x1CB18] =	vst v8;
	(pc) =	sbr.rel @p1 .LBB2_1-.Ltmp32, $4  }
0x70a: {  	[hbm4b:s26+s1] =	stream.linear.scatter [tilespmem:s29], [sflag:$0x6], $0x200, $0x38;
	[tilespmem:$0x1CB28] =	vst v63  }
0x70b: {  	_ =	swait.ge [sflag:s13], $0x200  }
0x70c: {  	[sflag:s13] =	ssyncset.done $0x0  }
0x70d: {  	[sflag:s13] =	ssyncadd.s32 $0xFFFFFE00  }
0x70e: {  	_ =	sfence.sel $0x180000  }
0x70f: {  	[bflag:$0x0] =	sbarrier.arrive $0xFFFF  }
0x710: {  	_ =	strace $0x90000047  }
0x711: {  	s0 =	stileid.u32;
	[bflag:$0x2] =	sbarrier.arrive $0xFFFF  }
0x712: {  	p0 =	sne.s32 s0, $0x0;
	s0 =	rddreg [dreg:$0x3]  }
0x713: {  	s0 =	sadd.s32 @!p0 $0x100000, s0  }
0x714: {  	[sflag:s0] =	ssyncadd.tile.s32 @!p0 $0x1;
	_ =	shalt  }
.Lfunc_end2:
_tile_overlayer_lowered:
.L_overlay_start_2:
0x715: {  	(tag) =	ssettag $0x2  }
0x716: {  	s0 =	rddreg [dreg:$0x0];
	s2 =	stileid.u32  }
0x717: {  	s1 =	rddreg [dreg:$0x1];
	p0 =	sne.s32 s2, $0x0  }
0x718: {  	s3 =	rddreg [dreg:$0x2];
	[bflag:$0x3] =	sbarrier.arrive $0xFFFF;
	s2 =	simm.s32 @!p0 $0x1C06  }
0x719: {  	[timem:s3], [sflag:s2] =	dma.local @!p0 [hbm:s0], s1  }
0x71a: {  	s0 =	simm.s32 @!p0 $0x6  }
0x71b: {  	_ =	swait.ge @!p0 [sflag:s0], s1  }
0x71c: {  	s1 =	ssub.s32 @!p0 $0x0, s1;
	[sflag:s0] =	ssyncset.done @!p0 $0x0  }
0x71d: {  	[sflag:s0] =	ssyncadd.s32 @!p0 s1  }
0x71e: {  	[bflag:$0x3] =	sbarrier.arrive $0xFFFF  }
0x71f: {  	_ =	shalt  }

</sc_bundles>
